<compile_context>
chip_gen: v7x
topology: tpu7x:2x2x1
jax: 0.10.2.dev20260603
libtpu: 0.0.44.dev20260713+nightly
codegen_flags: <defaults>
</compile_context>

<pallas_src>
import jax
import jax.numpy as jnp
from jax import lax
from jax.experimental import pallas as pl
from jax.experimental.pallas import tpu as pltpu
from jax.experimental.pallas import tpu_sc as plsc

NUM_LEVELS = 16
LEVEL_DIM = 2
TABLE_SIZE = 65536
D = NUM_LEVELS * LEVEL_DIM
PRIMES = (1.0, 2654435761.0, 805459861.0, 3674653429.0)

NW = 32
CP = 512
GROUPS = CP // 16
IDXN = CP * NUM_LEVELS
GSUB = IDXN // 128
L = 16
NTILES = NUM_LEVELS * (TABLE_SIZE // 128)
TB = 8
NBATCH = NTILES // TB // 16
XT = 16


def _hash_level(c0, c1, c2, c3, f):
    t0 = c0 * f
    h = t0.astype(jnp.int32)
    for c, p in ((c1, PRIMES[1]), (c2, PRIMES[2]), (c3, PRIMES[3])):
        v = (c * f) * p
        k = (v * (2.0 ** -16)).astype(jnp.int32)
        r = v - k.astype(jnp.float32) * 65536.0
        h = h ^ r.astype(jnp.int32)
    return h


def _sc_body(cf_hbm, tf_hbm, xf_hbm, freq_hbm, out_hbm, tblp_hbm,
             freq_v, coords_v, idx_v, rows_v, out_v, tbuf_v, slab_v,
             sem_g, sem_x):
    cidx = lax.axis_index("c")
    sid = lax.axis_index("s")
    wid = sid * 2 + cidx
    pltpu.sync_copy(freq_hbm, freq_v)

    lanes = lax.iota(jnp.int32, L)
    rowpat = lanes // 2
    colpat = lanes % 2
    xaddpat = colpat * 128 + rowpat

    core_rows = cidx * (NUM_LEVELS * TABLE_SIZE)

    def relay_body(kb, _):
        t0 = (sid * NBATCH + kb) * TB
        pltpu.sync_copy(tf_hbm.at[pl.ds(t0 * 256, TB * 256)], tbuf_v)
        for kt in range(TB):
            for g in range(8):
                v0 = tbuf_v[pl.ds(kt * 256 + g * 16, 16)]
                v1 = tbuf_v[pl.ds(kt * 256 + 128 + g * 16, 16)]
                rows = kt * 128 + g * 16 + lanes
                plsc.store_scatter(slab_v, [rows, lanes * 0], v0)
                plsc.store_scatter(slab_v, [rows, lanes * 0 + 1], v1)
        pltpu.sync_copy(slab_v,
                        tblp_hbm.at[pl.ds(core_rows + t0 * 128, TB * 128), :])
        return 0

    lax.fori_loop(0, NBATCH, relay_body, 0, unroll=False)
    plsc.subcore_barrier()

    freq_vec = freq_v[...]
    fs = [freq_vec.at[jnp.full_like(lanes, i)].get(mode="promise_in_bounds")
          for i in range(NUM_LEVELS)]
    core_base = jnp.full_like(lanes, core_rows)

    nchunks = (8 * 65536) // (NW * CP)

    def chunk_body(c, _):
        g = wid * nchunks + c
        b = g // 128
        nt4 = (g % 128) * 4
        pltpu.sync_copy(cf_hbm.at[pl.ds(g * (CP * 4), CP * 4)], coords_v)

        def xoff(k):
            dt, ntc = k // 4, k % 4
            return (b * 2097152 + dt * 524288 + (nt4 + ntc) * 1024,
                    dt * 4096 + ntc * 1024)

        def xfire(k, _):
            src, dst = xoff(k)
            pltpu.async_copy(xf_hbm.at[pl.ds(src, 1024)],
                             out_v.at[pl.ds(dst, 1024)], sem_x)
            return 0

        lax.fori_loop(0, XT, xfire, 0, unroll=False)

        def group_body(q, _):
            cb = (q // 8) * 512 + (q % 8) * 16
            cs = [coords_v[pl.ds(cb + j * 128, 16)] for j in range(4)]
            cs = [jnp.minimum(jnp.maximum(cj, 0.0), 1.0) for cj in cs]
            for i in range(NUM_LEVELS):
                h = _hash_level(*cs, fs[i])
                idx_v[pl.ds(i * CP + q * 16, 16)] = (
                    h + i * TABLE_SIZE) + core_base
            return 0

        lax.fori_loop(0, GROUPS, group_body, 0, unroll=False)

        def fire(s, _):
            pltpu.async_copy(tblp_hbm.at[idx_v.at[pl.ds(s * 128, 128)]],
                             rows_v.at[pl.ds(s * 128, 128)], sem_g)
            return 0

        lax.fori_loop(0, GSUB, fire, 0, unroll=False)

        def drain(s, _):
            pltpu.make_async_copy(
                tblp_hbm.at[idx_v.at[pl.ds(s * 128, 128)]],
                rows_v.at[pl.ds(s * 128, 128)], sem_g).wait()
            return 0

        lax.fori_loop(0, GSUB, drain, 0, unroll=False)

        def xdrain(k, _):
            src, dst = xoff(k)
            pltpu.make_async_copy(xf_hbm.at[pl.ds(src, 1024)],
                                  out_v.at[pl.ds(dst, 1024)], sem_x).wait()
            return 0

        lax.fori_loop(0, XT, xdrain, 0, unroll=False)

        def scat_body(g8, _):
            nbase = (g8 // 16) * 1024 + (g8 % 16) * 8
            for i in range(NUM_LEVELS):
                val = plsc.load_gather(
                    rows_v, [i * CP + g8 * 8 + rowpat, colpat])
                dbase = (i // 4) * 4096 + ((2 * i) % 8) * 128
                plsc.addupdate_scatter(
                    out_v, [nbase + dbase + xaddpat], val)
            return 0

        lax.fori_loop(0, CP // 8, scat_body, 0, unroll=False)

        def ofire(k, _):
            src, dst = xoff(k)
            pltpu.async_copy(out_v.at[pl.ds(dst, 1024)],
                             out_hbm.at[pl.ds(src, 1024)], sem_x)
            return 0

        lax.fori_loop(0, XT, ofire, 0, unroll=False)

        def odrain(k, _):
            src, dst = xoff(k)
            pltpu.make_async_copy(out_v.at[pl.ds(dst, 1024)],
                                  out_hbm.at[pl.ds(src, 1024)], sem_x).wait()
            return 0

        lax.fori_loop(0, XT, odrain, 0, unroll=False)
        return 0

    lax.fori_loop(0, nchunks, chunk_body, 0, unroll=False)


def kernel(x, coords, tables, freq_bands):
    B, N, Dm = x.shape
    P = B * N
    ct = jnp.transpose(coords, (0, 2, 1))
    cf = ct.reshape(B, 4, N // 128, 128).transpose(0, 2, 1, 3).reshape(P * 4)
    tt = jnp.transpose(tables, (0, 2, 1))
    tf = (tt.reshape(NUM_LEVELS, LEVEL_DIM, TABLE_SIZE // 128, 128)
          .transpose(0, 2, 1, 3).reshape(NUM_LEVELS * TABLE_SIZE * LEVEL_DIM))
    xt = jnp.transpose(x, (0, 2, 1))
    xf = (xt.reshape(B, 4, 8, N // 128, 128)
          .transpose(0, 1, 3, 2, 4).reshape(P * D))

    mesh = plsc.VectorSubcoreMesh(core_axis_name="c", subcore_axis_name="s")
    sc_run = pl.kernel(
        _sc_body,
        mesh=mesh,
        compiler_params=pltpu.CompilerParams(needs_layout_passes=False,
                                             use_tc_tiling_on_sc=False),
        out_type=(
            jax.ShapeDtypeStruct((P * D,), jnp.float32),
            jax.ShapeDtypeStruct((2 * NUM_LEVELS * TABLE_SIZE, 8),
                                 jnp.float32),
        ),
        scratch_types=[
            pltpu.VMEM((NUM_LEVELS,), jnp.float32),
            pltpu.VMEM((CP * 4,), jnp.float32),
            pltpu.VMEM((IDXN,), jnp.int32),
            pltpu.VMEM((IDXN, 8), jnp.float32),
            pltpu.VMEM((CP * D,), jnp.float32),
            pltpu.VMEM((TB * 256,), jnp.float32),
            pltpu.VMEM((TB * 128, 8), jnp.float32),
            pltpu.SemaphoreType.DMA,
            pltpu.SemaphoreType.DMA,
        ],
    )
    of, _ = sc_run(cf, tf, xf, freq_bands)

    ot = (of.reshape(B, 4, N // 128, 8, 128).transpose(0, 1, 3, 2, 4)
          .reshape(B, D, N))
    return jnp.transpose(ot, (0, 2, 1))

# --- scband reference (transcript-rebuilt; emitter-appended) ---
"""Pipeline reference for scband-hash-grid-positional-encoding4-d-18356690223509 (READ-ONLY COPY).

The authoritative reference and input builder live on the scoring server;
editing this copy changes nothing except your own understanding.
"""

import jax, jax.numpy as jnp
import numpy as np

NUM_LEVELS = 16
LEVEL_DIM = 2
TABLE_SIZE = 16 ** 4  # base_resolution ** 4 = 65536
D_MODEL = NUM_LEVELS * LEVEL_DIM
PRIMES = np.array([1, 2654435761, 805459861, 3674653429], dtype=np.float64)


def setup_inputs(seed: int = 0) -> dict:
    key = jax.random.key(seed)
    k1, k2, k3 = jax.random.split(key, 3)
    B, N = 8, 65536
    x = jax.random.normal(k1, (B, N, D_MODEL), dtype=jnp.float32)
    coords = jax.random.uniform(k2, (B, N, 4), dtype=jnp.float32)
    tables = jax.random.normal(k3, (NUM_LEVELS, TABLE_SIZE, LEVEL_DIM), dtype=jnp.float32) * 0.1
    freq_bands = jnp.exp(jnp.linspace(0.0, jnp.log(128.0), NUM_LEVELS)).astype(jnp.float32)
    return {"x": x, "coords": coords, "tables": tables, "freq_bands": freq_bands}


def _hash_fn(coords, freq, primes):
    # coords: [..., 4] float in [0,1]; faithful to torch: scale, mod 2^32, xor-fold
    v = (coords.astype(jnp.float32) * freq * primes) % (2.0 ** 32)
    h = v.astype(jnp.uint32)
    hashed = h[..., 0] ^ h[..., 1] ^ h[..., 2] ^ h[..., 3]
    return (hashed % jnp.uint32(TABLE_SIZE)).astype(jnp.int32)


def reference(x, coords, tables, freq_bands):
    coords = jnp.clip(coords, 0.0, 1.0)
    primes = jnp.asarray(PRIMES, dtype=jnp.float32)
    feats = []
    for i in range(NUM_LEVELS):
        idx = _hash_fn(coords, freq_bands[i], primes)
        feats.append(jnp.take(tables[i], idx, axis=0))
    encoding = jnp.concatenate(feats, axis=-1)
    return x + encoding

if __name__ == "__main__":
    import jax
    _d = setup_inputs()
    print(jax.jit(kernel)(*tuple(_d.values())))

</pallas_src>

<mosaic_0001>
#map = affine_map<(d0, d1) -> (0)>
#map1 = affine_map<(d0, d1) -> (0, 0)>
module attributes {stable_mosaic.version = 14 : i64} {
  func.func @_sc_body(%arg0: i32, %arg1: i32, %arg2: memref<2097152xf32, #tpu.memory_space<hbm>>, %arg3: memref<2097152xf32, #tpu.memory_space<hbm>>, %arg4: memref<16777216xf32, #tpu.memory_space<hbm>>, %arg5: memref<16xf32, #tpu.memory_space<hbm>>, %arg6: memref<16777216xf32, #tpu.memory_space<hbm>>, %arg7: memref<2097152x8xf32, #tpu.memory_space<hbm>>, %arg8: memref<16xf32, #tpu.memory_space<vmem>>, %arg9: memref<2048xf32, #tpu.memory_space<vmem>>, %arg10: memref<8192xi32, #tpu.memory_space<vmem>>, %arg11: memref<8192x8xf32, #tpu.memory_space<vmem>>, %arg12: memref<16384xf32, #tpu.memory_space<vmem>>, %arg13: memref<2048xf32, #tpu.memory_space<vmem>>, %arg14: memref<1024x8xf32, #tpu.memory_space<vmem>>, %arg15: memref<!tpu.dma_semaphore, #tpu.memory_space<semaphore_mem>>, %arg16: memref<!tpu.dma_semaphore, #tpu.memory_space<semaphore_mem>>) attributes {dimension_semantics = [#tpu.dimension_semantics<core_parallel>, #tpu.dimension_semantics<subcore_parallel>], iteration_bounds = array<i64: 2, 16>, scalar_prefetch = 0 : i64, scratch_operands = 9 : i64, tpu.core_type = #tpu.core_type<sc_vector_subcore>, window_params = [{transform_indices = #map}, {transform_indices = #map}, {transform_indices = #map}, {transform_indices = #map}, {transform_indices = #map}, {transform_indices = #map1}]} {
    %mul3A = arith.constant 2 : i32
    %mul3A_0 = arith.muli %arg1, %mul3A : i32
    %add3A = arith.addi %mul3A_0, %arg0 : i32
    "tpu.region"() ({
      %run_scoped3A = tpu.sem_alloc : memref<!tpu.dma_semaphore, #tpu.memory_space<semaphore_mem>>
      tpu.enqueue_dma source(%arg5 : memref<16xf32, #tpu.memory_space<hbm>>) target(%arg8 : memref<16xf32, #tpu.memory_space<vmem>>) target_semaphore(%run_scoped3A : memref<!tpu.dma_semaphore, #tpu.memory_space<semaphore_mem>>)
      tpu.wait_dma2 semaphore(%run_scoped3A : memref<!tpu.dma_semaphore, #tpu.memory_space<semaphore_mem>>) src(%arg5 : memref<16xf32, #tpu.memory_space<hbm>>) dst(%arg8 : memref<16xf32, #tpu.memory_space<vmem>>)
      tpu.yield
    }) : () -> ()
    %iota3A = tpu.iota {dimensions = array<i32: 0>} : vector<16xi32>
    %jit3A = arith.constant 2 : i32
    %div3A = vector.broadcast %jit3A : i32 to vector<16xi32>
    %div3A_1 = arith.divsi %iota3A, %div3A : vector<16xi32>
    %sign3A = arith.constant 0 : i32
    %sign3A_2 = vector.broadcast %sign3A : i32 to vector<16xi32>
    %sign3A_3 = arith.cmpi sgt, %iota3A, %sign3A_2 : vector<16xi32>
    %sign3A_4 = arith.extui %sign3A_3 : vector<16xi1> to vector<16xi32>
    %sign3A_5 = arith.constant 0 : i32
    %sign3A_6 = vector.broadcast %sign3A_5 : i32 to vector<16xi32>
    %sign3A_7 = arith.cmpi slt, %iota3A, %sign3A_6 : vector<16xi32>
    %sign3A_8 = arith.extui %sign3A_7 : vector<16xi1> to vector<16xi32>
    %sign3A_9 = arith.subi %sign3A_4, %sign3A_8 : vector<16xi32>
    %sign3A_10 = arith.constant 0 : i32
    %sign3A_11 = arith.cmpi sgt, %jit3A, %sign3A_10 : i32
    %sign3A_12 = arith.extui %sign3A_11 : i1 to i32
    %sign3A_13 = arith.constant 0 : i32
    %sign3A_14 = arith.cmpi slt, %jit3A, %sign3A_13 : i32
    %sign3A_15 = arith.extui %sign3A_14 : i1 to i32
    %sign3A_16 = arith.subi %sign3A_12, %sign3A_15 : i32
    %ne3A = vector.broadcast %sign3A_16 : i32 to vector<16xi32>
    %ne3A_17 = arith.cmpi ne, %sign3A_9, %ne3A : vector<16xi32>
    %rem3A = vector.broadcast %jit3A : i32 to vector<16xi32>
    %rem3A_18 = arith.remsi %iota3A, %rem3A : vector<16xi32>
    %ne3A_19 = arith.constant 0 : i32
    %ne3A_20 = vector.broadcast %ne3A_19 : i32 to vector<16xi32>
    %ne3A_21 = arith.cmpi ne, %rem3A_18, %ne3A_20 : vector<16xi32>
    %and3A = arith.andi %ne3A_17, %ne3A_21 : vector<16xi1>
    %sub3A = arith.constant 1 : i32
    %sub3A_22 = vector.broadcast %sub3A : i32 to vector<16xi32>
    %sub3A_23 = arith.subi %div3A_1, %sub3A_22 : vector<16xi32>
    %select_n3A = arith.select %and3A, %sub3A_23, %div3A_1 : vector<16xi1>, vector<16xi32>
    %jit3A_24 = arith.constant 2 : i32
    %eq3A = arith.constant 0 : i32
    %eq3A_25 = arith.cmpi eq, %jit3A_24, %eq3A : i32
    %jit3A_26 = arith.constant 1 : i32
    %select_n3A_27 = arith.select %eq3A_25, %jit3A_26, %jit3A_24 : i32
    %rem3A_28 = vector.broadcast %select_n3A_27 : i32 to vector<16xi32>
    %rem3A_29 = arith.remsi %iota3A, %rem3A_28 : vector<16xi32>
    %ne3A_30 = arith.constant 0 : i32
    %ne3A_31 = vector.broadcast %ne3A_30 : i32 to vector<16xi32>
    %ne3A_32 = arith.cmpi ne, %rem3A_29, %ne3A_31 : vector<16xi32>
    %lt3A = arith.constant 0 : i32
    %lt3A_33 = vector.broadcast %lt3A : i32 to vector<16xi32>
    %lt3A_34 = arith.cmpi slt, %rem3A_29, %lt3A_33 : vector<16xi32>
    %lt3A_35 = arith.constant 0 : i32
    %lt3A_36 = arith.cmpi slt, %select_n3A_27, %lt3A_35 : i32
    %ne3A_37 = vector.broadcast %lt3A_36 : i1 to vector<16xi1>
    %ne3A_38 = vector.broadcast %ne3A_37 : vector<16xi1> to vector<16xi1>
    %ne3A_39 = arith.xori %lt3A_34, %ne3A_38 : vector<16xi1>
    %and3A_40 = arith.andi %ne3A_39, %ne3A_32 : vector<16xi1>
    %add3A_41 = vector.broadcast %select_n3A_27 : i32 to vector<16xi32>
    %add3A_42 = arith.addi %rem3A_29, %add3A_41 : vector<16xi32>
    %select_n3A_43 = arith.select %and3A_40, %add3A_42, %rem3A_29 : vector<16xi1>, vector<16xi32>
    %mul3A_44 = arith.constant 128 : i32
    %mul3A_45 = vector.broadcast %mul3A_44 : i32 to vector<16xi32>
    %mul3A_46 = arith.muli %select_n3A_43, %mul3A_45 : vector<16xi32>
    %add3A_47 = arith.addi %mul3A_46, %select_n3A : vector<16xi32>
    %mul3A_48 = arith.constant 1048576 : i32
    %mul3A_49 = arith.muli %arg0, %mul3A_48 : i32
    %scan3A = arith.constant 0 : i32
    %scan3A_50 = arith.constant 0 : i32
    %scan3A_51 = arith.constant 64 : i32
    %scan3A_52 = arith.addi %scan3A_50, %scan3A_51 : i32
    %scan3A_53 = arith.constant 1 : i32
    %scan3A_54 = scf.for %scan3A_255 = %scan3A_50 to %scan3A_52 step %scan3A_53 iter_args(%scan3A_256 = %scan3A) -> (i32)  : i32 {
      %mul3A_257 = arith.constant 64 : i32
      %mul3A_258 = arith.muli %arg1, %mul3A_257 : i32
      %add3A_259 = arith.addi %mul3A_258, %scan3A_255 : i32
      %mul3A_260 = arith.constant 8 : i32
      %mul3A_261 = arith.muli %add3A_259, %mul3A_260 : i32
      %mul3A_262 = arith.constant 256 : i32
      %mul3A_263 = arith.muli %mul3A_261, %mul3A_262 : i32
      "tpu.region"() ({
        %run_scoped3A = tpu.sem_alloc : memref<!tpu.dma_semaphore, #tpu.memory_space<semaphore_mem>>
        %dma_start3A = tpu.memref_slice %arg3[%mul3A_263] : memref<2097152xf32, #tpu.memory_space<hbm>> -> memref<2048xf32, #tpu.memory_space<hbm>>
        %dma_start3A_1292 = tpu.memref_slice %arg3[%mul3A_263] : memref<2097152xf32, #tpu.memory_space<hbm>> -> memref<2048xf32, #tpu.memory_space<hbm>>
        tpu.enqueue_dma source(%dma_start3A_1292 : memref<2048xf32, #tpu.memory_space<hbm>>) target(%arg13 : memref<2048xf32, #tpu.memory_space<vmem>>) target_semaphore(%run_scoped3A : memref<!tpu.dma_semaphore, #tpu.memory_space<semaphore_mem>>)
        %dma_wait3A = tpu.memref_slice %arg3[%mul3A_263] : memref<2097152xf32, #tpu.memory_space<hbm>> -> memref<2048xf32, #tpu.memory_space<hbm>>
        %dma_wait3A_1293 = tpu.memref_slice %arg3[%mul3A_263] : memref<2097152xf32, #tpu.memory_space<hbm>> -> memref<2048xf32, #tpu.memory_space<hbm>>
        tpu.wait_dma2 semaphore(%run_scoped3A : memref<!tpu.dma_semaphore, #tpu.memory_space<semaphore_mem>>) src(%dma_wait3A_1293 : memref<2048xf32, #tpu.memory_space<hbm>>) dst(%arg13 : memref<2048xf32, #tpu.memory_space<vmem>>)
        tpu.yield
      }) : () -> ()
      %get3A_264 = arith.constant 0 : index
      %get3A_265 = tpu.vector_load %arg13[%get3A_264] {strides = array<i32>} : memref<2048xf32, #tpu.memory_space<vmem>>, vector<16xf32>,
      %get3A_266 = arith.constant 128 : index
      %get3A_267 = tpu.vector_load %arg13[%get3A_266] {strides = array<i32>} : memref<2048xf32, #tpu.memory_space<vmem>>, vector<16xf32>,
      %add3A_268 = arith.constant 0 : i32
      %add3A_269 = vector.broadcast %add3A_268 : i32 to vector<16xi32>
      %add3A_270 = arith.addi %add3A_269, %iota3A : vector<16xi32>
      %mul3A_271 = arith.constant 0 : i32
      %mul3A_272 = vector.broadcast %mul3A_271 : i32 to vector<16xi32>
      %mul3A_273 = arith.muli %iota3A, %mul3A_272 : vector<16xi32>
      tpu.vector_store_idx %arg14[%add3A_270, %mul3A_273], %get3A_265 : memref<1024x8xf32, #tpu.memory_space<vmem>>[vector<16xi32>, vector<16xi32>], vector<16xf32>,
      %mul3A_274 = arith.constant 0 : i32
      %mul3A_275 = vector.broadcast %mul3A_274 : i32 to vector<16xi32>
      %mul3A_276 = arith.muli %iota3A, %mul3A_275 : vector<16xi32>
      %add3A_277 = arith.constant 1 : i32
      %add3A_278 = vector.broadcast %add3A_277 : i32 to vector<16xi32>
      %add3A_279 = arith.addi %mul3A_276, %add3A_278 : vector<16xi32>
      tpu.vector_store_idx %arg14[%add3A_270, %add3A_279], %get3A_267 : memref<1024x8xf32, #tpu.memory_space<vmem>>[vector<16xi32>, vector<16xi32>], vector<16xf32>,
      %get3A_280 = arith.constant 16 : index
      %get3A_281 = tpu.vector_load %arg13[%get3A_280] {strides = array<i32>} : memref<2048xf32, #tpu.memory_space<vmem>>, vector<16xf32>,
      %get3A_282 = arith.constant 144 : index
      %get3A_283 = tpu.vector_load %arg13[%get3A_282] {strides = array<i32>} : memref<2048xf32, #tpu.memory_space<vmem>>, vector<16xf32>,
      %add3A_284 = arith.constant 16 : i32
      %add3A_285 = vector.broadcast %add3A_284 : i32 to vector<16xi32>
      %add3A_286 = arith.addi %add3A_285, %iota3A : vector<16xi32>
      %mul3A_287 = arith.constant 0 : i32
      %mul3A_288 = vector.broadcast %mul3A_287 : i32 to vector<16xi32>
      %mul3A_289 = arith.muli %iota3A, %mul3A_288 : vector<16xi32>
      tpu.vector_store_idx %arg14[%add3A_286, %mul3A_289], %get3A_281 : memref<1024x8xf32, #tpu.memory_space<vmem>>[vector<16xi32>, vector<16xi32>], vector<16xf32>,
      %mul3A_290 = arith.constant 0 : i32
      %mul3A_291 = vector.broadcast %mul3A_290 : i32 to vector<16xi32>
      %mul3A_292 = arith.muli %iota3A, %mul3A_291 : vector<16xi32>
      %add3A_293 = arith.constant 1 : i32
      %add3A_294 = vector.broadcast %add3A_293 : i32 to vector<16xi32>
      %add3A_295 = arith.addi %mul3A_292, %add3A_294 : vector<16xi32>
      tpu.vector_store_idx %arg14[%add3A_286, %add3A_295], %get3A_283 : memref<1024x8xf32, #tpu.memory_space<vmem>>[vector<16xi32>, vector<16xi32>], vector<16xf32>,
      %get3A_296 = arith.constant 32 : index
      %get3A_297 = tpu.vector_load %arg13[%get3A_296] {strides = array<i32>} : memref<2048xf32, #tpu.memory_space<vmem>>, vector<16xf32>,
      %get3A_298 = arith.constant 160 : index
      %get3A_299 = tpu.vector_load %arg13[%get3A_298] {strides = array<i32>} : memref<2048xf32, #tpu.memory_space<vmem>>, vector<16xf32>,
      %add3A_300 = arith.constant 32 : i32
      %add3A_301 = vector.broadcast %add3A_300 : i32 to vector<16xi32>
      %add3A_302 = arith.addi %add3A_301, %iota3A : vector<16xi32>
      %mul3A_303 = arith.constant 0 : i32
      %mul3A_304 = vector.broadcast %mul3A_303 : i32 to vector<16xi32>
      %mul3A_305 = arith.muli %iota3A, %mul3A_304 : vector<16xi32>
      tpu.vector_store_idx %arg14[%add3A_302, %mul3A_305], %get3A_297 : memref<1024x8xf32, #tpu.memory_space<vmem>>[vector<16xi32>, vector<16xi32>], vector<16xf32>,
      %mul3A_306 = arith.constant 0 : i32
      %mul3A_307 = vector.broadcast %mul3A_306 : i32 to vector<16xi32>
      %mul3A_308 = arith.muli %iota3A, %mul3A_307 : vector<16xi32>
      %add3A_309 = arith.constant 1 : i32
      %add3A_310 = vector.broadcast %add3A_309 : i32 to vector<16xi32>
      %add3A_311 = arith.addi %mul3A_308, %add3A_310 : vector<16xi32>
      tpu.vector_store_idx %arg14[%add3A_302, %add3A_311], %get3A_299 : memref<1024x8xf32, #tpu.memory_space<vmem>>[vector<16xi32>, vector<16xi32>], vector<16xf32>,
      %get3A_312 = arith.constant 48 : index
      %get3A_313 = tpu.vector_load %arg13[%get3A_312] {strides = array<i32>} : memref<2048xf32, #tpu.memory_space<vmem>>, vector<16xf32>,
      %get3A_314 = arith.constant 176 : index
      %get3A_315 = tpu.vector_load %arg13[%get3A_314] {strides = array<i32>} : memref<2048xf32, #tpu.memory_space<vmem>>, vector<16xf32>,
      %add3A_316 = arith.constant 48 : i32
      %add3A_317 = vector.broadcast %add3A_316 : i32 to vector<16xi32>
      %add3A_318 = arith.addi %add3A_317, %iota3A : vector<16xi32>
      %mul3A_319 = arith.constant 0 : i32
      %mul3A_320 = vector.broadcast %mul3A_319 : i32 to vector<16xi32>
      %mul3A_321 = arith.muli %iota3A, %mul3A_320 : vector<16xi32>
      tpu.vector_store_idx %arg14[%add3A_318, %mul3A_321], %get3A_313 : memref<1024x8xf32, #tpu.memory_space<vmem>>[vector<16xi32>, vector<16xi32>], vector<16xf32>,
      %mul3A_322 = arith.constant 0 : i32
      %mul3A_323 = vector.broadcast %mul3A_322 : i32 to vector<16xi32>
      %mul3A_324 = arith.muli %iota3A, %mul3A_323 : vector<16xi32>
      %add3A_325 = arith.constant 1 : i32
      %add3A_326 = vector.broadcast %add3A_325 : i32 to vector<16xi32>
      %add3A_327 = arith.addi %mul3A_324, %add3A_326 : vector<16xi32>
      tpu.vector_store_idx %arg14[%add3A_318, %add3A_327], %get3A_315 : memref<1024x8xf32, #tpu.memory_space<vmem>>[vector<16xi32>, vector<16xi32>], vector<16xf32>,
      %get3A_328 = arith.constant 64 : index
      %get3A_329 = tpu.vector_load %arg13[%get3A_328] {strides = array<i32>} : memref<2048xf32, #tpu.memory_space<vmem>>, vector<16xf32>,
      %get3A_330 = arith.constant 192 : index
      %get3A_331 = tpu.vector_load %arg13[%get3A_330] {strides = array<i32>} : memref<2048xf32, #tpu.memory_space<vmem>>, vector<16xf32>,
      %add3A_332 = arith.constant 64 : i32
      %add3A_333 = vector.broadcast %add3A_332 : i32 to vector<16xi32>
      %add3A_334 = arith.addi %add3A_333, %iota3A : vector<16xi32>
      %mul3A_335 = arith.constant 0 : i32
      %mul3A_336 = vector.broadcast %mul3A_335 : i32 to vector<16xi32>
      %mul3A_337 = arith.muli %iota3A, %mul3A_336 : vector<16xi32>
      tpu.vector_store_idx %arg14[%add3A_334, %mul3A_337], %get3A_329 : memref<1024x8xf32, #tpu.memory_space<vmem>>[vector<16xi32>, vector<16xi32>], vector<16xf32>,
      %mul3A_338 = arith.constant 0 : i32
      %mul3A_339 = vector.broadcast %mul3A_338 : i32 to vector<16xi32>
      %mul3A_340 = arith.muli %iota3A, %mul3A_339 : vector<16xi32>
      %add3A_341 = arith.constant 1 : i32
      %add3A_342 = vector.broadcast %add3A_341 : i32 to vector<16xi32>
      %add3A_343 = arith.addi %mul3A_340, %add3A_342 : vector<16xi32>
      tpu.vector_store_idx %arg14[%add3A_334, %add3A_343], %get3A_331 : memref<1024x8xf32, #tpu.memory_space<vmem>>[vector<16xi32>, vector<16xi32>], vector<16xf32>,
      %get3A_344 = arith.constant 80 : index
      %get3A_345 = tpu.vector_load %arg13[%get3A_344] {strides = array<i32>} : memref<2048xf32, #tpu.memory_space<vmem>>, vector<16xf32>,
      %get3A_346 = arith.constant 208 : index
      %get3A_347 = tpu.vector_load %arg13[%get3A_346] {strides = array<i32>} : memref<2048xf32, #tpu.memory_space<vmem>>, vector<16xf32>,
      %add3A_348 = arith.constant 80 : i32
      %add3A_349 = vector.broadcast %add3A_348 : i32 to vector<16xi32>
      %add3A_350 = arith.addi %add3A_349, %iota3A : vector<16xi32>
      %mul3A_351 = arith.constant 0 : i32
      %mul3A_352 = vector.broadcast %mul3A_351 : i32 to vector<16xi32>
      %mul3A_353 = arith.muli %iota3A, %mul3A_352 : vector<16xi32>
      tpu.vector_store_idx %arg14[%add3A_350, %mul3A_353], %get3A_345 : memref<1024x8xf32, #tpu.memory_space<vmem>>[vector<16xi32>, vector<16xi32>], vector<16xf32>,
      %mul3A_354 = arith.constant 0 : i32
      %mul3A_355 = vector.broadcast %mul3A_354 : i32 to vector<16xi32>
      %mul3A_356 = arith.muli %iota3A, %mul3A_355 : vector<16xi32>
      %add3A_357 = arith.constant 1 : i32
      %add3A_358 = vector.broadcast %add3A_357 : i32 to vector<16xi32>
      %add3A_359 = arith.addi %mul3A_356, %add3A_358 : vector<16xi32>
      tpu.vector_store_idx %arg14[%add3A_350, %add3A_359], %get3A_347 : memref<1024x8xf32, #tpu.memory_space<vmem>>[vector<16xi32>, vector<16xi32>], vector<16xf32>,
      %get3A_360 = arith.constant 96 : index
      %get3A_361 = tpu.vector_load %arg13[%get3A_360] {strides = array<i32>} : memref<2048xf32, #tpu.memory_space<vmem>>, vector<16xf32>,
      %get3A_362 = arith.constant 224 : index
      %get3A_363 = tpu.vector_load %arg13[%get3A_362] {strides = array<i32>} : memref<2048xf32, #tpu.memory_space<vmem>>, vector<16xf32>,
      %add3A_364 = arith.constant 96 : i32
      %add3A_365 = vector.broadcast %add3A_364 : i32 to vector<16xi32>
      %add3A_366 = arith.addi %add3A_365, %iota3A : vector<16xi32>
      %mul3A_367 = arith.constant 0 : i32
      %mul3A_368 = vector.broadcast %mul3A_367 : i32 to vector<16xi32>
      %mul3A_369 = arith.muli %iota3A, %mul3A_368 : vector<16xi32>
      tpu.vector_store_idx %arg14[%add3A_366, %mul3A_369], %get3A_361 : memref<1024x8xf32, #tpu.memory_space<vmem>>[vector<16xi32>, vector<16xi32>], vector<16xf32>,
      %mul3A_370 = arith.constant 0 : i32
      %mul3A_371 = vector.broadcast %mul3A_370 : i32 to vector<16xi32>
      %mul3A_372 = arith.muli %iota3A, %mul3A_371 : vector<16xi32>
      %add3A_373 = arith.constant 1 : i32
      %add3A_374 = vector.broadcast %add3A_373 : i32 to vector<16xi32>
      %add3A_375 = arith.addi %mul3A_372, %add3A_374 : vector<16xi32>
      tpu.vector_store_idx %arg14[%add3A_366, %add3A_375], %get3A_363 : memref<1024x8xf32, #tpu.memory_space<vmem>>[vector<16xi32>, vector<16xi32>], vector<16xf32>,
      %get3A_376 = arith.constant 112 : index
      %get3A_377 = tpu.vector_load %arg13[%get3A_376] {strides = array<i32>} : memref<2048xf32, #tpu.memory_space<vmem>>, vector<16xf32>,
      %get3A_378 = arith.constant 240 : index
      %get3A_379 = tpu.vector_load %arg13[%get3A_378] {strides = array<i32>} : memref<2048xf32, #tpu.memory_space<vmem>>, vector<16xf32>,
      %add3A_380 = arith.constant 112 : i32
      %add3A_381 = vector.broadcast %add3A_380 : i32 to vector<16xi32>
      %add3A_382 = arith.addi %add3A_381, %iota3A : vector<16xi32>
      %mul3A_383 = arith.constant 0 : i32
      %mul3A_384 = vector.broadcast %mul3A_383 : i32 to vector<16xi32>
      %mul3A_385 = arith.muli %iota3A, %mul3A_384 : vector<16xi32>
      tpu.vector_store_idx %arg14[%add3A_382, %mul3A_385], %get3A_377 : memref<1024x8xf32, #tpu.memory_space<vmem>>[vector<16xi32>, vector<16xi32>], vector<16xf32>,
      %mul3A_386 = arith.constant 0 : i32
      %mul3A_387 = vector.broadcast %mul3A_386 : i32 to vector<16xi32>
      %mul3A_388 = arith.muli %iota3A, %mul3A_387 : vector<16xi32>
      %add3A_389 = arith.constant 1 : i32
      %add3A_390 = vector.broadcast %add3A_389 : i32 to vector<16xi32>
      %add3A_391 = arith.addi %mul3A_388, %add3A_390 : vector<16xi32>
      tpu.vector_store_idx %arg14[%add3A_382, %add3A_391], %get3A_379 : memref<1024x8xf32, #tpu.memory_space<vmem>>[vector<16xi32>, vector<16xi32>], vector<16xf32>,
      %get3A_392 = arith.constant 256 : index
      %get3A_393 = tpu.vector_load %arg13[%get3A_392] {strides = array<i32>} : memref<2048xf32, #tpu.memory_space<vmem>>, vector<16xf32>,
      %get3A_394 = arith.constant 384 : index
      %get3A_395 = tpu.vector_load %arg13[%get3A_394] {strides = array<i32>} : memref<2048xf32, #tpu.memory_space<vmem>>, vector<16xf32>,
      %add3A_396 = arith.constant 128 : i32
      %add3A_397 = vector.broadcast %add3A_396 : i32 to vector<16xi32>
      %add3A_398 = arith.addi %add3A_397, %iota3A : vector<16xi32>
      %mul3A_399 = arith.constant 0 : i32
      %mul3A_400 = vector.broadcast %mul3A_399 : i32 to vector<16xi32>
      %mul3A_401 = arith.muli %iota3A, %mul3A_400 : vector<16xi32>
      tpu.vector_store_idx %arg14[%add3A_398, %mul3A_401], %get3A_393 : memref<1024x8xf32, #tpu.memory_space<vmem>>[vector<16xi32>, vector<16xi32>], vector<16xf32>,
      %mul3A_402 = arith.constant 0 : i32
      %mul3A_403 = vector.broadcast %mul3A_402 : i32 to vector<16xi32>
      %mul3A_404 = arith.muli %iota3A, %mul3A_403 : vector<16xi32>
      %add3A_405 = arith.constant 1 : i32
      %add3A_406 = vector.broadcast %add3A_405 : i32 to vector<16xi32>
      %add3A_407 = arith.addi %mul3A_404, %add3A_406 : vector<16xi32>
      tpu.vector_store_idx %arg14[%add3A_398, %add3A_407], %get3A_395 : memref<1024x8xf32, #tpu.memory_space<vmem>>[vector<16xi32>, vector<16xi32>], vector<16xf32>,
      %get3A_408 = arith.constant 272 : index
      %get3A_409 = tpu.vector_load %arg13[%get3A_408] {strides = array<i32>} : memref<2048xf32, #tpu.memory_space<vmem>>, vector<16xf32>,
      %get3A_410 = arith.constant 400 : index
      %get3A_411 = tpu.vector_load %arg13[%get3A_410] {strides = array<i32>} : memref<2048xf32, #tpu.memory_space<vmem>>, vector<16xf32>,
      %add3A_412 = arith.constant 144 : i32
      %add3A_413 = vector.broadcast %add3A_412 : i32 to vector<16xi32>
      %add3A_414 = arith.addi %add3A_413, %iota3A : vector<16xi32>
      %mul3A_415 = arith.constant 0 : i32
      %mul3A_416 = vector.broadcast %mul3A_415 : i32 to vector<16xi32>
      %mul3A_417 = arith.muli %iota3A, %mul3A_416 : vector<16xi32>
      tpu.vector_store_idx %arg14[%add3A_414, %mul3A_417], %get3A_409 : memref<1024x8xf32, #tpu.memory_space<vmem>>[vector<16xi32>, vector<16xi32>], vector<16xf32>,
      %mul3A_418 = arith.constant 0 : i32
      %mul3A_419 = vector.broadcast %mul3A_418 : i32 to vector<16xi32>
      %mul3A_420 = arith.muli %iota3A, %mul3A_419 : vector<16xi32>
      %add3A_421 = arith.constant 1 : i32
      %add3A_422 = vector.broadcast %add3A_421 : i32 to vector<16xi32>
      %add3A_423 = arith.addi %mul3A_420, %add3A_422 : vector<16xi32>
      tpu.vector_store_idx %arg14[%add3A_414, %add3A_423], %get3A_411 : memref<1024x8xf32, #tpu.memory_space<vmem>>[vector<16xi32>, vector<16xi32>], vector<16xf32>,
      %get3A_424 = arith.constant 288 : index
      %get3A_425 = tpu.vector_load %arg13[%get3A_424] {strides = array<i32>} : memref<2048xf32, #tpu.memory_space<vmem>>, vector<16xf32>,
      %get3A_426 = arith.constant 416 : index
      %get3A_427 = tpu.vector_load %arg13[%get3A_426] {strides = array<i32>} : memref<2048xf32, #tpu.memory_space<vmem>>, vector<16xf32>,
      %add3A_428 = arith.constant 160 : i32
      %add3A_429 = vector.broadcast %add3A_428 : i32 to vector<16xi32>
      %add3A_430 = arith.addi %add3A_429, %iota3A : vector<16xi32>
      %mul3A_431 = arith.constant 0 : i32
      %mul3A_432 = vector.broadcast %mul3A_431 : i32 to vector<16xi32>
      %mul3A_433 = arith.muli %iota3A, %mul3A_432 : vector<16xi32>
      tpu.vector_store_idx %arg14[%add3A_430, %mul3A_433], %get3A_425 : memref<1024x8xf32, #tpu.memory_space<vmem>>[vector<16xi32>, vector<16xi32>], vector<16xf32>,
      %mul3A_434 = arith.constant 0 : i32
      %mul3A_435 = vector.broadcast %mul3A_434 : i32 to vector<16xi32>
      %mul3A_436 = arith.muli %iota3A, %mul3A_435 : vector<16xi32>
      %add3A_437 = arith.constant 1 : i32
      %add3A_438 = vector.broadcast %add3A_437 : i32 to vector<16xi32>
      %add3A_439 = arith.addi %mul3A_436, %add3A_438 : vector<16xi32>
      tpu.vector_store_idx %arg14[%add3A_430, %add3A_439], %get3A_427 : memref<1024x8xf32, #tpu.memory_space<vmem>>[vector<16xi32>, vector<16xi32>], vector<16xf32>,
      %get3A_440 = arith.constant 304 : index
      %get3A_441 = tpu.vector_load %arg13[%get3A_440] {strides = array<i32>} : memref<2048xf32, #tpu.memory_space<vmem>>, vector<16xf32>,
      %get3A_442 = arith.constant 432 : index
      %get3A_443 = tpu.vector_load %arg13[%get3A_442] {strides = array<i32>} : memref<2048xf32, #tpu.memory_space<vmem>>, vector<16xf32>,
      %add3A_444 = arith.constant 176 : i32
      %add3A_445 = vector.broadcast %add3A_444 : i32 to vector<16xi32>
      %add3A_446 = arith.addi %add3A_445, %iota3A : vector<16xi32>
      %mul3A_447 = arith.constant 0 : i32
      %mul3A_448 = vector.broadcast %mul3A_447 : i32 to vector<16xi32>
      %mul3A_449 = arith.muli %iota3A, %mul3A_448 : vector<16xi32>
      tpu.vector_store_idx %arg14[%add3A_446, %mul3A_449], %get3A_441 : memref<1024x8xf32, #tpu.memory_space<vmem>>[vector<16xi32>, vector<16xi32>], vector<16xf32>,
      %mul3A_450 = arith.constant 0 : i32
      %mul3A_451 = vector.broadcast %mul3A_450 : i32 to vector<16xi32>
      %mul3A_452 = arith.muli %iota3A, %mul3A_451 : vector<16xi32>
      %add3A_453 = arith.constant 1 : i32
      %add3A_454 = vector.broadcast %add3A_453 : i32 to vector<16xi32>
      %add3A_455 = arith.addi %mul3A_452, %add3A_454 : vector<16xi32>
      tpu.vector_store_idx %arg14[%add3A_446, %add3A_455], %get3A_443 : memref<1024x8xf32, #tpu.memory_space<vmem>>[vector<16xi32>, vector<16xi32>], vector<16xf32>,
      %get3A_456 = arith.constant 320 : index
      %get3A_457 = tpu.vector_load %arg13[%get3A_456] {strides = array<i32>} : memref<2048xf32, #tpu.memory_space<vmem>>, vector<16xf32>,
      %get3A_458 = arith.constant 448 : index
      %get3A_459 = tpu.vector_load %arg13[%get3A_458] {strides = array<i32>} : memref<2048xf32, #tpu.memory_space<vmem>>, vector<16xf32>,
      %add3A_460 = arith.constant 192 : i32
      %add3A_461 = vector.broadcast %add3A_460 : i32 to vector<16xi32>
      %add3A_462 = arith.addi %add3A_461, %iota3A : vector<16xi32>
      %mul3A_463 = arith.constant 0 : i32
      %mul3A_464 = vector.broadcast %mul3A_463 : i32 to vector<16xi32>
      %mul3A_465 = arith.muli %iota3A, %mul3A_464 : vector<16xi32>
      tpu.vector_store_idx %arg14[%add3A_462, %mul3A_465], %get3A_457 : memref<1024x8xf32, #tpu.memory_space<vmem>>[vector<16xi32>, vector<16xi32>], vector<16xf32>,
      %mul3A_466 = arith.constant 0 : i32
      %mul3A_467 = vector.broadcast %mul3A_466 : i32 to vector<16xi32>
      %mul3A_468 = arith.muli %iota3A, %mul3A_467 : vector<16xi32>
      %add3A_469 = arith.constant 1 : i32
      %add3A_470 = vector.broadcast %add3A_469 : i32 to vector<16xi32>
      %add3A_471 = arith.addi %mul3A_468, %add3A_470 : vector<16xi32>
      tpu.vector_store_idx %arg14[%add3A_462, %add3A_471], %get3A_459 : memref<1024x8xf32, #tpu.memory_space<vmem>>[vector<16xi32>, vector<16xi32>], vector<16xf32>,
      %get3A_472 = arith.constant 336 : index
      %get3A_473 = tpu.vector_load %arg13[%get3A_472] {strides = array<i32>} : memref<2048xf32, #tpu.memory_space<vmem>>, vector<16xf32>,
      %get3A_474 = arith.constant 464 : index
      %get3A_475 = tpu.vector_load %arg13[%get3A_474] {strides = array<i32>} : memref<2048xf32, #tpu.memory_space<vmem>>, vector<16xf32>,
      %add3A_476 = arith.constant 208 : i32
      %add3A_477 = vector.broadcast %add3A_476 : i32 to vector<16xi32>
      %add3A_478 = arith.addi %add3A_477, %iota3A : vector<16xi32>
      %mul3A_479 = arith.constant 0 : i32
      %mul3A_480 = vector.broadcast %mul3A_479 : i32 to vector<16xi32>
      %mul3A_481 = arith.muli %iota3A, %mul3A_480 : vector<16xi32>
      tpu.vector_store_idx %arg14[%add3A_478, %mul3A_481], %get3A_473 : memref<1024x8xf32, #tpu.memory_space<vmem>>[vector<16xi32>, vector<16xi32>], vector<16xf32>,
      %mul3A_482 = arith.constant 0 : i32
      %mul3A_483 = vector.broadcast %mul3A_482 : i32 to vector<16xi32>
      %mul3A_484 = arith.muli %iota3A, %mul3A_483 : vector<16xi32>
      %add3A_485 = arith.constant 1 : i32
      %add3A_486 = vector.broadcast %add3A_485 : i32 to vector<16xi32>
      %add3A_487 = arith.addi %mul3A_484, %add3A_486 : vector<16xi32>
      tpu.vector_store_idx %arg14[%add3A_478, %add3A_487], %get3A_475 : memref<1024x8xf32, #tpu.memory_space<vmem>>[vector<16xi32>, vector<16xi32>], vector<16xf32>,
      %get3A_488 = arith.constant 352 : index
      %get3A_489 = tpu.vector_load %arg13[%get3A_488] {strides = array<i32>} : memref<2048xf32, #tpu.memory_space<vmem>>, vector<16xf32>,
      %get3A_490 = arith.constant 480 : index
      %get3A_491 = tpu.vector_load %arg13[%get3A_490] {strides = array<i32>} : memref<2048xf32, #tpu.memory_space<vmem>>, vector<16xf32>,
      %add3A_492 = arith.constant 224 : i32
      %add3A_493 = vector.broadcast %add3A_492 : i32 to vector<16xi32>
      %add3A_494 = arith.addi %add3A_493, %iota3A : vector<16xi32>
      %mul3A_495 = arith.constant 0 : i32
      %mul3A_496 = vector.broadcast %mul3A_495 : i32 to vector<16xi32>
      %mul3A_497 = arith.muli %iota3A, %mul3A_496 : vector<16xi32>
      tpu.vector_store_idx %arg14[%add3A_494, %mul3A_497], %get3A_489 : memref<1024x8xf32, #tpu.memory_space<vmem>>[vector<16xi32>, vector<16xi32>], vector<16xf32>,
      %mul3A_498 = arith.constant 0 : i32
      %mul3A_499 = vector.broadcast %mul3A_498 : i32 to vector<16xi32>
      %mul3A_500 = arith.muli %iota3A, %mul3A_499 : vector<16xi32>
      %add3A_501 = arith.constant 1 : i32
      %add3A_502 = vector.broadcast %add3A_501 : i32 to vector<16xi32>
      %add3A_503 = arith.addi %mul3A_500, %add3A_502 : vector<16xi32>
      tpu.vector_store_idx %arg14[%add3A_494, %add3A_503], %get3A_491 : memref<1024x8xf32, #tpu.memory_space<vmem>>[vector<16xi32>, vector<16xi32>], vector<16xf32>,
      %get3A_504 = arith.constant 368 : index
      %get3A_505 = tpu.vector_load %arg13[%get3A_504] {strides = array<i32>} : memref<2048xf32, #tpu.memory_space<vmem>>, vector<16xf32>,
      %get3A_506 = arith.constant 496 : index
      %get3A_507 = tpu.vector_load %arg13[%get3A_506] {strides = array<i32>} : memref<2048xf32, #tpu.memory_space<vmem>>, vector<16xf32>,
      %add3A_508 = arith.constant 240 : i32
      %add3A_509 = vector.broadcast %add3A_508 : i32 to vector<16xi32>
      %add3A_510 = arith.addi %add3A_509, %iota3A : vector<16xi32>
      %mul3A_511 = arith.constant 0 : i32
      %mul3A_512 = vector.broadcast %mul3A_511 : i32 to vector<16xi32>
      %mul3A_513 = arith.muli %iota3A, %mul3A_512 : vector<16xi32>
      tpu.vector_store_idx %arg14[%add3A_510, %mul3A_513], %get3A_505 : memref<1024x8xf32, #tpu.memory_space<vmem>>[vector<16xi32>, vector<16xi32>], vector<16xf32>,
      %mul3A_514 = arith.constant 0 : i32
      %mul3A_515 = vector.broadcast %mul3A_514 : i32 to vector<16xi32>
      %mul3A_516 = arith.muli %iota3A, %mul3A_515 : vector<16xi32>
      %add3A_517 = arith.constant 1 : i32
      %add3A_518 = vector.broadcast %add3A_517 : i32 to vector<16xi32>
      %add3A_519 = arith.addi %mul3A_516, %add3A_518 : vector<16xi32>
      tpu.vector_store_idx %arg14[%add3A_510, %add3A_519], %get3A_507 : memref<1024x8xf32, #tpu.memory_space<vmem>>[vector<16xi32>, vector<16xi32>], vector<16xf32>,
      %get3A_520 = arith.constant 512 : index
      %get3A_521 = tpu.vector_load %arg13[%get3A_520] {strides = array<i32>} : memref<2048xf32, #tpu.memory_space<vmem>>, vector<16xf32>,
      %get3A_522 = arith.constant 640 : index
      %get3A_523 = tpu.vector_load %arg13[%get3A_522] {strides = array<i32>} : memref<2048xf32, #tpu.memory_space<vmem>>, vector<16xf32>,
      %add3A_524 = arith.constant 256 : i32
      %add3A_525 = vector.broadcast %add3A_524 : i32 to vector<16xi32>
      %add3A_526 = arith.addi %add3A_525, %iota3A : vector<16xi32>
      %mul3A_527 = arith.constant 0 : i32
      %mul3A_528 = vector.broadcast %mul3A_527 : i32 to vector<16xi32>
      %mul3A_529 = arith.muli %iota3A, %mul3A_528 : vector<16xi32>
      tpu.vector_store_idx %arg14[%add3A_526, %mul3A_529], %get3A_521 : memref<1024x8xf32, #tpu.memory_space<vmem>>[vector<16xi32>, vector<16xi32>], vector<16xf32>,
      %mul3A_530 = arith.constant 0 : i32
      %mul3A_531 = vector.broadcast %mul3A_530 : i32 to vector<16xi32>
      %mul3A_532 = arith.muli %iota3A, %mul3A_531 : vector<16xi32>
      %add3A_533 = arith.constant 1 : i32
      %add3A_534 = vector.broadcast %add3A_533 : i32 to vector<16xi32>
      %add3A_535 = arith.addi %mul3A_532, %add3A_534 : vector<16xi32>
      tpu.vector_store_idx %arg14[%add3A_526, %add3A_535], %get3A_523 : memref<1024x8xf32, #tpu.memory_space<vmem>>[vector<16xi32>, vector<16xi32>], vector<16xf32>,
      %get3A_536 = arith.constant 528 : index
      %get3A_537 = tpu.vector_load %arg13[%get3A_536] {strides = array<i32>} : memref<2048xf32, #tpu.memory_space<vmem>>, vector<16xf32>,
      %get3A_538 = arith.constant 656 : index
      %get3A_539 = tpu.vector_load %arg13[%get3A_538] {strides = array<i32>} : memref<2048xf32, #tpu.memory_space<vmem>>, vector<16xf32>,
      %add3A_540 = arith.constant 272 : i32
      %add3A_541 = vector.broadcast %add3A_540 : i32 to vector<16xi32>
      %add3A_542 = arith.addi %add3A_541, %iota3A : vector<16xi32>
      %mul3A_543 = arith.constant 0 : i32
      %mul3A_544 = vector.broadcast %mul3A_543 : i32 to vector<16xi32>
      %mul3A_545 = arith.muli %iota3A, %mul3A_544 : vector<16xi32>
      tpu.vector_store_idx %arg14[%add3A_542, %mul3A_545], %get3A_537 : memref<1024x8xf32, #tpu.memory_space<vmem>>[vector<16xi32>, vector<16xi32>], vector<16xf32>,
      %mul3A_546 = arith.constant 0 : i32
      %mul3A_547 = vector.broadcast %mul3A_546 : i32 to vector<16xi32>
      %mul3A_548 = arith.muli %iota3A, %mul3A_547 : vector<16xi32>
      %add3A_549 = arith.constant 1 : i32
      %add3A_550 = vector.broadcast %add3A_549 : i32 to vector<16xi32>
      %add3A_551 = arith.addi %mul3A_548, %add3A_550 : vector<16xi32>
      tpu.vector_store_idx %arg14[%add3A_542, %add3A_551], %get3A_539 : memref<1024x8xf32, #tpu.memory_space<vmem>>[vector<16xi32>, vector<16xi32>], vector<16xf32>,
      %get3A_552 = arith.constant 544 : index
      %get3A_553 = tpu.vector_load %arg13[%get3A_552] {strides = array<i32>} : memref<2048xf32, #tpu.memory_space<vmem>>, vector<16xf32>,
      %get3A_554 = arith.constant 672 : index
      %get3A_555 = tpu.vector_load %arg13[%get3A_554] {strides = array<i32>} : memref<2048xf32, #tpu.memory_space<vmem>>, vector<16xf32>,
      %add3A_556 = arith.constant 288 : i32
      %add3A_557 = vector.broadcast %add3A_556 : i32 to vector<16xi32>
      %add3A_558 = arith.addi %add3A_557, %iota3A : vector<16xi32>
      %mul3A_559 = arith.constant 0 : i32
      %mul3A_560 = vector.broadcast %mul3A_559 : i32 to vector<16xi32>
      %mul3A_561 = arith.muli %iota3A, %mul3A_560 : vector<16xi32>
      tpu.vector_store_idx %arg14[%add3A_558, %mul3A_561], %get3A_553 : memref<1024x8xf32, #tpu.memory_space<vmem>>[vector<16xi32>, vector<16xi32>], vector<16xf32>,
      %mul3A_562 = arith.constant 0 : i32
      %mul3A_563 = vector.broadcast %mul3A_562 : i32 to vector<16xi32>
      %mul3A_564 = arith.muli %iota3A, %mul3A_563 : vector<16xi32>
      %add3A_565 = arith.constant 1 : i32
      %add3A_566 = vector.broadcast %add3A_565 : i32 to vector<16xi32>
      %add3A_567 = arith.addi %mul3A_564, %add3A_566 : vector<16xi32>
      tpu.vector_store_idx %arg14[%add3A_558, %add3A_567], %get3A_555 : memref<1024x8xf32, #tpu.memory_space<vmem>>[vector<16xi32>, vector<16xi32>], vector<16xf32>,
      %get3A_568 = arith.constant 560 : index
      %get3A_569 = tpu.vector_load %arg13[%get3A_568] {strides = array<i32>} : memref<2048xf32, #tpu.memory_space<vmem>>, vector<16xf32>,
      %get3A_570 = arith.constant 688 : index
      %get3A_571 = tpu.vector_load %arg13[%get3A_570] {strides = array<i32>} : memref<2048xf32, #tpu.memory_space<vmem>>, vector<16xf32>,
      %add3A_572 = arith.constant 304 : i32
      %add3A_573 = vector.broadcast %add3A_572 : i32 to vector<16xi32>
      %add3A_574 = arith.addi %add3A_573, %iota3A : vector<16xi32>
      %mul3A_575 = arith.constant 0 : i32
      %mul3A_576 = vector.broadcast %mul3A_575 : i32 to vector<16xi32>
      %mul3A_577 = arith.muli %iota3A, %mul3A_576 : vector<16xi32>
      tpu.vector_store_idx %arg14[%add3A_574, %mul3A_577], %get3A_569 : memref<1024x8xf32, #tpu.memory_space<vmem>>[vector<16xi32>, vector<16xi32>], vector<16xf32>,
      %mul3A_578 = arith.constant 0 : i32
      %mul3A_579 = vector.broadcast %mul3A_578 : i32 to vector<16xi32>
      %mul3A_580 = arith.muli %iota3A, %mul3A_579 : vector<16xi32>
      %add3A_581 = arith.constant 1 : i32
      %add3A_582 = vector.broadcast %add3A_581 : i32 to vector<16xi32>
      %add3A_583 = arith.addi %mul3A_580, %add3A_582 : vector<16xi32>
      tpu.vector_store_idx %arg14[%add3A_574, %add3A_583], %get3A_571 : memref<1024x8xf32, #tpu.memory_space<vmem>>[vector<16xi32>, vector<16xi32>], vector<16xf32>,
      %get3A_584 = arith.constant 576 : index
      %get3A_585 = tpu.vector_load %arg13[%get3A_584] {strides = array<i32>} : memref<2048xf32, #tpu.memory_space<vmem>>, vector<16xf32>,
      %get3A_586 = arith.constant 704 : index
      %get3A_587 = tpu.vector_load %arg13[%get3A_586] {strides = array<i32>} : memref<2048xf32, #tpu.memory_space<vmem>>, vector<16xf32>,
      %add3A_588 = arith.constant 320 : i32
      %add3A_589 = vector.broadcast %add3A_588 : i32 to vector<16xi32>
      %add3A_590 = arith.addi %add3A_589, %iota3A : vector<16xi32>
      %mul3A_591 = arith.constant 0 : i32
      %mul3A_592 = vector.broadcast %mul3A_591 : i32 to vector<16xi32>
      %mul3A_593 = arith.muli %iota3A, %mul3A_592 : vector<16xi32>
      tpu.vector_store_idx %arg14[%add3A_590, %mul3A_593], %get3A_585 : memref<1024x8xf32, #tpu.memory_space<vmem>>[vector<16xi32>, vector<16xi32>], vector<16xf32>,
      %mul3A_594 = arith.constant 0 : i32
      %mul3A_595 = vector.broadcast %mul3A_594 : i32 to vector<16xi32>
      %mul3A_596 = arith.muli %iota3A, %mul3A_595 : vector<16xi32>
      %add3A_597 = arith.constant 1 : i32
      %add3A_598 = vector.broadcast %add3A_597 : i32 to vector<16xi32>
      %add3A_599 = arith.addi %mul3A_596, %add3A_598 : vector<16xi32>
      tpu.vector_store_idx %arg14[%add3A_590, %add3A_599], %get3A_587 : memref<1024x8xf32, #tpu.memory_space<vmem>>[vector<16xi32>, vector<16xi32>], vector<16xf32>,
      %get3A_600 = arith.constant 592 : index
      %get3A_601 = tpu.vector_load %arg13[%get3A_600] {strides = array<i32>} : memref<2048xf32, #tpu.memory_space<vmem>>, vector<16xf32>,
      %get3A_602 = arith.constant 720 : index
      %get3A_603 = tpu.vector_load %arg13[%get3A_602] {strides = array<i32>} : memref<2048xf32, #tpu.memory_space<vmem>>, vector<16xf32>,
      %add3A_604 = arith.constant 336 : i32
      %add3A_605 = vector.broadcast %add3A_604 : i32 to vector<16xi32>
      %add3A_606 = arith.addi %add3A_605, %iota3A : vector<16xi32>
      %mul3A_607 = arith.constant 0 : i32
      %mul3A_608 = vector.broadcast %mul3A_607 : i32 to vector<16xi32>
      %mul3A_609 = arith.muli %iota3A, %mul3A_608 : vector<16xi32>
      tpu.vector_store_idx %arg14[%add3A_606, %mul3A_609], %get3A_601 : memref<1024x8xf32, #tpu.memory_space<vmem>>[vector<16xi32>, vector<16xi32>], vector<16xf32>,
      %mul3A_610 = arith.constant 0 : i32
      %mul3A_611 = vector.broadcast %mul3A_610 : i32 to vector<16xi32>
      %mul3A_612 = arith.muli %iota3A, %mul3A_611 : vector<16xi32>
      %add3A_613 = arith.constant 1 : i32
      %add3A_614 = vector.broadcast %add3A_613 : i32 to vector<16xi32>
      %add3A_615 = arith.addi %mul3A_612, %add3A_614 : vector<16xi32>
      tpu.vector_store_idx %arg14[%add3A_606, %add3A_615], %get3A_603 : memref<1024x8xf32, #tpu.memory_space<vmem>>[vector<16xi32>, vector<16xi32>], vector<16xf32>,
      %get3A_616 = arith.constant 608 : index
      %get3A_617 = tpu.vector_load %arg13[%get3A_616] {strides = array<i32>} : memref<2048xf32, #tpu.memory_space<vmem>>, vector<16xf32>,
      %get3A_618 = arith.constant 736 : index
      %get3A_619 = tpu.vector_load %arg13[%get3A_618] {strides = array<i32>} : memref<2048xf32, #tpu.memory_space<vmem>>, vector<16xf32>,
      %add3A_620 = arith.constant 352 : i32
      %add3A_621 = vector.broadcast %add3A_620 : i32 to vector<16xi32>
      %add3A_622 = arith.addi %add3A_621, %iota3A : vector<16xi32>
      %mul3A_623 = arith.constant 0 : i32
      %mul3A_624 = vector.broadcast %mul3A_623 : i32 to vector<16xi32>
      %mul3A_625 = arith.muli %iota3A, %mul3A_624 : vector<16xi32>
      tpu.vector_store_idx %arg14[%add3A_622, %mul3A_625], %get3A_617 : memref<1024x8xf32, #tpu.memory_space<vmem>>[vector<16xi32>, vector<16xi32>], vector<16xf32>,
      %mul3A_626 = arith.constant 0 : i32
      %mul3A_627 = vector.broadcast %mul3A_626 : i32 to vector<16xi32>
      %mul3A_628 = arith.muli %iota3A, %mul3A_627 : vector<16xi32>
      %add3A_629 = arith.constant 1 : i32
      %add3A_630 = vector.broadcast %add3A_629 : i32 to vector<16xi32>
      %add3A_631 = arith.addi %mul3A_628, %add3A_630 : vector<16xi32>
      tpu.vector_store_idx %arg14[%add3A_622, %add3A_631], %get3A_619 : memref<1024x8xf32, #tpu.memory_space<vmem>>[vector<16xi32>, vector<16xi32>], vector<16xf32>,
      %get3A_632 = arith.constant 624 : index
      %get3A_633 = tpu.vector_load %arg13[%get3A_632] {strides = array<i32>} : memref<2048xf32, #tpu.memory_space<vmem>>, vector<16xf32>,
      %get3A_634 = arith.constant 752 : index
      %get3A_635 = tpu.vector_load %arg13[%get3A_634] {strides = array<i32>} : memref<2048xf32, #tpu.memory_space<vmem>>, vector<16xf32>,
      %add3A_636 = arith.constant 368 : i32
      %add3A_637 = vector.broadcast %add3A_636 : i32 to vector<16xi32>
      %add3A_638 = arith.addi %add3A_637, %iota3A : vector<16xi32>
      %mul3A_639 = arith.constant 0 : i32
      %mul3A_640 = vector.broadcast %mul3A_639 : i32 to vector<16xi32>
      %mul3A_641 = arith.muli %iota3A, %mul3A_640 : vector<16xi32>
      tpu.vector_store_idx %arg14[%add3A_638, %mul3A_641], %get3A_633 : memref<1024x8xf32, #tpu.memory_space<vmem>>[vector<16xi32>, vector<16xi32>], vector<16xf32>,
      %mul3A_642 = arith.constant 0 : i32
      %mul3A_643 = vector.broadcast %mul3A_642 : i32 to vector<16xi32>
      %mul3A_644 = arith.muli %iota3A, %mul3A_643 : vector<16xi32>
      %add3A_645 = arith.constant 1 : i32
      %add3A_646 = vector.broadcast %add3A_645 : i32 to vector<16xi32>
      %add3A_647 = arith.addi %mul3A_644, %add3A_646 : vector<16xi32>
      tpu.vector_store_idx %arg14[%add3A_638, %add3A_647], %get3A_635 : memref<1024x8xf32, #tpu.memory_space<vmem>>[vector<16xi32>, vector<16xi32>], vector<16xf32>,
      %get3A_648 = arith.constant 768 : index
      %get3A_649 = tpu.vector_load %arg13[%get3A_648] {strides = array<i32>} : memref<2048xf32, #tpu.memory_space<vmem>>, vector<16xf32>,
      %get3A_650 = arith.constant 896 : index
      %get3A_651 = tpu.vector_load %arg13[%get3A_650] {strides = array<i32>} : memref<2048xf32, #tpu.memory_space<vmem>>, vector<16xf32>,
      %add3A_652 = arith.constant 384 : i32
      %add3A_653 = vector.broadcast %add3A_652 : i32 to vector<16xi32>
      %add3A_654 = arith.addi %add3A_653, %iota3A : vector<16xi32>
      %mul3A_655 = arith.constant 0 : i32
      %mul3A_656 = vector.broadcast %mul3A_655 : i32 to vector<16xi32>
      %mul3A_657 = arith.muli %iota3A, %mul3A_656 : vector<16xi32>
      tpu.vector_store_idx %arg14[%add3A_654, %mul3A_657], %get3A_649 : memref<1024x8xf32, #tpu.memory_space<vmem>>[vector<16xi32>, vector<16xi32>], vector<16xf32>,
      %mul3A_658 = arith.constant 0 : i32
      %mul3A_659 = vector.broadcast %mul3A_658 : i32 to vector<16xi32>
      %mul3A_660 = arith.muli %iota3A, %mul3A_659 : vector<16xi32>
      %add3A_661 = arith.constant 1 : i32
      %add3A_662 = vector.broadcast %add3A_661 : i32 to vector<16xi32>
      %add3A_663 = arith.addi %mul3A_660, %add3A_662 : vector<16xi32>
      tpu.vector_store_idx %arg14[%add3A_654, %add3A_663], %get3A_651 : memref<1024x8xf32, #tpu.memory_space<vmem>>[vector<16xi32>, vector<16xi32>], vector<16xf32>,
      %get3A_664 = arith.constant 784 : index
      %get3A_665 = tpu.vector_load %arg13[%get3A_664] {strides = array<i32>} : memref<2048xf32, #tpu.memory_space<vmem>>, vector<16xf32>,
      %get3A_666 = arith.constant 912 : index
      %get3A_667 = tpu.vector_load %arg13[%get3A_666] {strides = array<i32>} : memref<2048xf32, #tpu.memory_space<vmem>>, vector<16xf32>,
      %add3A_668 = arith.constant 400 : i32
      %add3A_669 = vector.broadcast %add3A_668 : i32 to vector<16xi32>
      %add3A_670 = arith.addi %add3A_669, %iota3A : vector<16xi32>
      %mul3A_671 = arith.constant 0 : i32
      %mul3A_672 = vector.broadcast %mul3A_671 : i32 to vector<16xi32>
      %mul3A_673 = arith.muli %iota3A, %mul3A_672 : vector<16xi32>
      tpu.vector_store_idx %arg14[%add3A_670, %mul3A_673], %get3A_665 : memref<1024x8xf32, #tpu.memory_space<vmem>>[vector<16xi32>, vector<16xi32>], vector<16xf32>,
      %mul3A_674 = arith.constant 0 : i32
      %mul3A_675 = vector.broadcast %mul3A_674 : i32 to vector<16xi32>
      %mul3A_676 = arith.muli %iota3A, %mul3A_675 : vector<16xi32>
      %add3A_677 = arith.constant 1 : i32
      %add3A_678 = vector.broadcast %add3A_677 : i32 to vector<16xi32>
      %add3A_679 = arith.addi %mul3A_676, %add3A_678 : vector<16xi32>
      tpu.vector_store_idx %arg14[%add3A_670, %add3A_679], %get3A_667 : memref<1024x8xf32, #tpu.memory_space<vmem>>[vector<16xi32>, vector<16xi32>], vector<16xf32>,
      %get3A_680 = arith.constant 800 : index
      %get3A_681 = tpu.vector_load %arg13[%get3A_680] {strides = array<i32>} : memref<2048xf32, #tpu.memory_space<vmem>>, vector<16xf32>,
      %get3A_682 = arith.constant 928 : index
      %get3A_683 = tpu.vector_load %arg13[%get3A_682] {strides = array<i32>} : memref<2048xf32, #tpu.memory_space<vmem>>, vector<16xf32>,
      %add3A_684 = arith.constant 416 : i32
      %add3A_685 = vector.broadcast %add3A_684 : i32 to vector<16xi32>
      %add3A_686 = arith.addi %add3A_685, %iota3A : vector<16xi32>
      %mul3A_687 = arith.constant 0 : i32
      %mul3A_688 = vector.broadcast %mul3A_687 : i32 to vector<16xi32>
      %mul3A_689 = arith.muli %iota3A, %mul3A_688 : vector<16xi32>
      tpu.vector_store_idx %arg14[%add3A_686, %mul3A_689], %get3A_681 : memref<1024x8xf32, #tpu.memory_space<vmem>>[vector<16xi32>, vector<16xi32>], vector<16xf32>,
      %mul3A_690 = arith.constant 0 : i32
      %mul3A_691 = vector.broadcast %mul3A_690 : i32 to vector<16xi32>
      %mul3A_692 = arith.muli %iota3A, %mul3A_691 : vector<16xi32>
      %add3A_693 = arith.constant 1 : i32
      %add3A_694 = vector.broadcast %add3A_693 : i32 to vector<16xi32>
      %add3A_695 = arith.addi %mul3A_692, %add3A_694 : vector<16xi32>
      tpu.vector_store_idx %arg14[%add3A_686, %add3A_695], %get3A_683 : memref<1024x8xf32, #tpu.memory_space<vmem>>[vector<16xi32>, vector<16xi32>], vector<16xf32>,
      %get3A_696 = arith.constant 816 : index
      %get3A_697 = tpu.vector_load %arg13[%get3A_696] {strides = array<i32>} : memref<2048xf32, #tpu.memory_space<vmem>>, vector<16xf32>,
      %get3A_698 = arith.constant 944 : index
      %get3A_699 = tpu.vector_load %arg13[%get3A_698] {strides = array<i32>} : memref<2048xf32, #tpu.memory_space<vmem>>, vector<16xf32>,
      %add3A_700 = arith.constant 432 : i32
      %add3A_701 = vector.broadcast %add3A_700 : i32 to vector<16xi32>
      %add3A_702 = arith.addi %add3A_701, %iota3A : vector<16xi32>
      %mul3A_703 = arith.constant 0 : i32
      %mul3A_704 = vector.broadcast %mul3A_703 : i32 to vector<16xi32>
      %mul3A_705 = arith.muli %iota3A, %mul3A_704 : vector<16xi32>
      tpu.vector_store_idx %arg14[%add3A_702, %mul3A_705], %get3A_697 : memref<1024x8xf32, #tpu.memory_space<vmem>>[vector<16xi32>, vector<16xi32>], vector<16xf32>,
      %mul3A_706 = arith.constant 0 : i32
      %mul3A_707 = vector.broadcast %mul3A_706 : i32 to vector<16xi32>
      %mul3A_708 = arith.muli %iota3A, %mul3A_707 : vector<16xi32>
      %add3A_709 = arith.constant 1 : i32
      %add3A_710 = vector.broadcast %add3A_709 : i32 to vector<16xi32>
      %add3A_711 = arith.addi %mul3A_708, %add3A_710 : vector<16xi32>
      tpu.vector_store_idx %arg14[%add3A_702, %add3A_711], %get3A_699 : memref<1024x8xf32, #tpu.memory_space<vmem>>[vector<16xi32>, vector<16xi32>], vector<16xf32>,
      %get3A_712 = arith.constant 832 : index
      %get3A_713 = tpu.vector_load %arg13[%get3A_712] {strides = array<i32>} : memref<2048xf32, #tpu.memory_space<vmem>>, vector<16xf32>,
      %get3A_714 = arith.constant 960 : index
      %get3A_715 = tpu.vector_load %arg13[%get3A_714] {strides = array<i32>} : memref<2048xf32, #tpu.memory_space<vmem>>, vector<16xf32>,
      %add3A_716 = arith.constant 448 : i32
      %add3A_717 = vector.broadcast %add3A_716 : i32 to vector<16xi32>
      %add3A_718 = arith.addi %add3A_717, %iota3A : vector<16xi32>
      %mul3A_719 = arith.constant 0 : i32
      %mul3A_720 = vector.broadcast %mul3A_719 : i32 to vector<16xi32>
      %mul3A_721 = arith.muli %iota3A, %mul3A_720 : vector<16xi32>
      tpu.vector_store_idx %arg14[%add3A_718, %mul3A_721], %get3A_713 : memref<1024x8xf32, #tpu.memory_space<vmem>>[vector<16xi32>, vector<16xi32>], vector<16xf32>,
      %mul3A_722 = arith.constant 0 : i32
      %mul3A_723 = vector.broadcast %mul3A_722 : i32 to vector<16xi32>
      %mul3A_724 = arith.muli %iota3A, %mul3A_723 : vector<16xi32>
      %add3A_725 = arith.constant 1 : i32
      %add3A_726 = vector.broadcast %add3A_725 : i32 to vector<16xi32>
      %add3A_727 = arith.addi %mul3A_724, %add3A_726 : vector<16xi32>
      tpu.vector_store_idx %arg14[%add3A_718, %add3A_727], %get3A_715 : memref<1024x8xf32, #tpu.memory_space<vmem>>[vector<16xi32>, vector<16xi32>], vector<16xf32>,
      %get3A_728 = arith.constant 848 : index
      %get3A_729 = tpu.vector_load %arg13[%get3A_728] {strides = array<i32>} : memref<2048xf32, #tpu.memory_space<vmem>>, vector<16xf32>,
      %get3A_730 = arith.constant 976 : index
      %get3A_731 = tpu.vector_load %arg13[%get3A_730] {strides = array<i32>} : memref<2048xf32, #tpu.memory_space<vmem>>, vector<16xf32>,
      %add3A_732 = arith.constant 464 : i32
      %add3A_733 = vector.broadcast %add3A_732 : i32 to vector<16xi32>
      %add3A_734 = arith.addi %add3A_733, %iota3A : vector<16xi32>
      %mul3A_735 = arith.constant 0 : i32
      %mul3A_736 = vector.broadcast %mul3A_735 : i32 to vector<16xi32>
      %mul3A_737 = arith.muli %iota3A, %mul3A_736 : vector<16xi32>
      tpu.vector_store_idx %arg14[%add3A_734, %mul3A_737], %get3A_729 : memref<1024x8xf32, #tpu.memory_space<vmem>>[vector<16xi32>, vector<16xi32>], vector<16xf32>,
      %mul3A_738 = arith.constant 0 : i32
      %mul3A_739 = vector.broadcast %mul3A_738 : i32 to vector<16xi32>
      %mul3A_740 = arith.muli %iota3A, %mul3A_739 : vector<16xi32>
      %add3A_741 = arith.constant 1 : i32
      %add3A_742 = vector.broadcast %add3A_741 : i32 to vector<16xi32>
      %add3A_743 = arith.addi %mul3A_740, %add3A_742 : vector<16xi32>
      tpu.vector_store_idx %arg14[%add3A_734, %add3A_743], %get3A_731 : memref<1024x8xf32, #tpu.memory_space<vmem>>[vector<16xi32>, vector<16xi32>], vector<16xf32>,
      %get3A_744 = arith.constant 864 : index
      %get3A_745 = tpu.vector_load %arg13[%get3A_744] {strides = array<i32>} : memref<2048xf32, #tpu.memory_space<vmem>>, vector<16xf32>,
      %get3A_746 = arith.constant 992 : index
      %get3A_747 = tpu.vector_load %arg13[%get3A_746] {strides = array<i32>} : memref<2048xf32, #tpu.memory_space<vmem>>, vector<16xf32>,
      %add3A_748 = arith.constant 480 : i32
      %add3A_749 = vector.broadcast %add3A_748 : i32 to vector<16xi32>
      %add3A_750 = arith.addi %add3A_749, %iota3A : vector<16xi32>
      %mul3A_751 = arith.constant 0 : i32
      %mul3A_752 = vector.broadcast %mul3A_751 : i32 to vector<16xi32>
      %mul3A_753 = arith.muli %iota3A, %mul3A_752 : vector<16xi32>
      tpu.vector_store_idx %arg14[%add3A_750, %mul3A_753], %get3A_745 : memref<1024x8xf32, #tpu.memory_space<vmem>>[vector<16xi32>, vector<16xi32>], vector<16xf32>,
      %mul3A_754 = arith.constant 0 : i32
      %mul3A_755 = vector.broadcast %mul3A_754 : i32 to vector<16xi32>
      %mul3A_756 = arith.muli %iota3A, %mul3A_755 : vector<16xi32>
      %add3A_757 = arith.constant 1 : i32
      %add3A_758 = vector.broadcast %add3A_757 : i32 to vector<16xi32>
      %add3A_759 = arith.addi %mul3A_756, %add3A_758 : vector<16xi32>
      tpu.vector_store_idx %arg14[%add3A_750, %add3A_759], %get3A_747 : memref<1024x8xf32, #tpu.memory_space<vmem>>[vector<16xi32>, vector<16xi32>], vector<16xf32>,
      %get3A_760 = arith.constant 880 : index
      %get3A_761 = tpu.vector_load %arg13[%get3A_760] {strides = array<i32>} : memref<2048xf32, #tpu.memory_space<vmem>>, vector<16xf32>,
      %get3A_762 = arith.constant 1008 : index
      %get3A_763 = tpu.vector_load %arg13[%get3A_762] {strides = array<i32>} : memref<2048xf32, #tpu.memory_space<vmem>>, vector<16xf32>,
      %add3A_764 = arith.constant 496 : i32
      %add3A_765 = vector.broadcast %add3A_764 : i32 to vector<16xi32>
      %add3A_766 = arith.addi %add3A_765, %iota3A : vector<16xi32>
      %mul3A_767 = arith.constant 0 : i32
      %mul3A_768 = vector.broadcast %mul3A_767 : i32 to vector<16xi32>
      %mul3A_769 = arith.muli %iota3A, %mul3A_768 : vector<16xi32>
      tpu.vector_store_idx %arg14[%add3A_766, %mul3A_769], %get3A_761 : memref<1024x8xf32, #tpu.memory_space<vmem>>[vector<16xi32>, vector<16xi32>], vector<16xf32>,
      %mul3A_770 = arith.constant 0 : i32
      %mul3A_771 = vector.broadcast %mul3A_770 : i32 to vector<16xi32>
      %mul3A_772 = arith.muli %iota3A, %mul3A_771 : vector<16xi32>
      %add3A_773 = arith.constant 1 : i32
      %add3A_774 = vector.broadcast %add3A_773 : i32 to vector<16xi32>
      %add3A_775 = arith.addi %mul3A_772, %add3A_774 : vector<16xi32>
      tpu.vector_store_idx %arg14[%add3A_766, %add3A_775], %get3A_763 : memref<1024x8xf32, #tpu.memory_space<vmem>>[vector<16xi32>, vector<16xi32>], vector<16xf32>,
      %get3A_776 = arith.constant 1024 : index
      %get3A_777 = tpu.vector_load %arg13[%get3A_776] {strides = array<i32>} : memref<2048xf32, #tpu.memory_space<vmem>>, vector<16xf32>,
      %get3A_778 = arith.constant 1152 : index
      %get3A_779 = tpu.vector_load %arg13[%get3A_778] {strides = array<i32>} : memref<2048xf32, #tpu.memory_space<vmem>>, vector<16xf32>,
      %add3A_780 = arith.constant 512 : i32
      %add3A_781 = vector.broadcast %add3A_780 : i32 to vector<16xi32>
      %add3A_782 = arith.addi %add3A_781, %iota3A : vector<16xi32>
      %mul3A_783 = arith.constant 0 : i32
      %mul3A_784 = vector.broadcast %mul3A_783 : i32 to vector<16xi32>
      %mul3A_785 = arith.muli %iota3A, %mul3A_784 : vector<16xi32>
      tpu.vector_store_idx %arg14[%add3A_782, %mul3A_785], %get3A_777 : memref<1024x8xf32, #tpu.memory_space<vmem>>[vector<16xi32>, vector<16xi32>], vector<16xf32>,
      %mul3A_786 = arith.constant 0 : i32
      %mul3A_787 = vector.broadcast %mul3A_786 : i32 to vector<16xi32>
      %mul3A_788 = arith.muli %iota3A, %mul3A_787 : vector<16xi32>
      %add3A_789 = arith.constant 1 : i32
      %add3A_790 = vector.broadcast %add3A_789 : i32 to vector<16xi32>
      %add3A_791 = arith.addi %mul3A_788, %add3A_790 : vector<16xi32>
      tpu.vector_store_idx %arg14[%add3A_782, %add3A_791], %get3A_779 : memref<1024x8xf32, #tpu.memory_space<vmem>>[vector<16xi32>, vector<16xi32>], vector<16xf32>,
      %get3A_792 = arith.constant 1040 : index
      %get3A_793 = tpu.vector_load %arg13[%get3A_792] {strides = array<i32>} : memref<2048xf32, #tpu.memory_space<vmem>>, vector<16xf32>,
      %get3A_794 = arith.constant 1168 : index
      %get3A_795 = tpu.vector_load %arg13[%get3A_794] {strides = array<i32>} : memref<2048xf32, #tpu.memory_space<vmem>>, vector<16xf32>,
      %add3A_796 = arith.constant 528 : i32
      %add3A_797 = vector.broadcast %add3A_796 : i32 to vector<16xi32>
      %add3A_798 = arith.addi %add3A_797, %iota3A : vector<16xi32>
      %mul3A_799 = arith.constant 0 : i32
      %mul3A_800 = vector.broadcast %mul3A_799 : i32 to vector<16xi32>
      %mul3A_801 = arith.muli %iota3A, %mul3A_800 : vector<16xi32>
      tpu.vector_store_idx %arg14[%add3A_798, %mul3A_801], %get3A_793 : memref<1024x8xf32, #tpu.memory_space<vmem>>[vector<16xi32>, vector<16xi32>], vector<16xf32>,
      %mul3A_802 = arith.constant 0 : i32
      %mul3A_803 = vector.broadcast %mul3A_802 : i32 to vector<16xi32>
      %mul3A_804 = arith.muli %iota3A, %mul3A_803 : vector<16xi32>
      %add3A_805 = arith.constant 1 : i32
      %add3A_806 = vector.broadcast %add3A_805 : i32 to vector<16xi32>
      %add3A_807 = arith.addi %mul3A_804, %add3A_806 : vector<16xi32>
      tpu.vector_store_idx %arg14[%add3A_798, %add3A_807], %get3A_795 : memref<1024x8xf32, #tpu.memory_space<vmem>>[vector<16xi32>, vector<16xi32>], vector<16xf32>,
      %get3A_808 = arith.constant 1056 : index
      %get3A_809 = tpu.vector_load %arg13[%get3A_808] {strides = array<i32>} : memref<2048xf32, #tpu.memory_space<vmem>>, vector<16xf32>,
      %get3A_810 = arith.constant 1184 : index
      %get3A_811 = tpu.vector_load %arg13[%get3A_810] {strides = array<i32>} : memref<2048xf32, #tpu.memory_space<vmem>>, vector<16xf32>,
      %add3A_812 = arith.constant 544 : i32
      %add3A_813 = vector.broadcast %add3A_812 : i32 to vector<16xi32>
      %add3A_814 = arith.addi %add3A_813, %iota3A : vector<16xi32>
      %mul3A_815 = arith.constant 0 : i32
      %mul3A_816 = vector.broadcast %mul3A_815 : i32 to vector<16xi32>
      %mul3A_817 = arith.muli %iota3A, %mul3A_816 : vector<16xi32>
      tpu.vector_store_idx %arg14[%add3A_814, %mul3A_817], %get3A_809 : memref<1024x8xf32, #tpu.memory_space<vmem>>[vector<16xi32>, vector<16xi32>], vector<16xf32>,
      %mul3A_818 = arith.constant 0 : i32
      %mul3A_819 = vector.broadcast %mul3A_818 : i32 to vector<16xi32>
      %mul3A_820 = arith.muli %iota3A, %mul3A_819 : vector<16xi32>
      %add3A_821 = arith.constant 1 : i32
      %add3A_822 = vector.broadcast %add3A_821 : i32 to vector<16xi32>
      %add3A_823 = arith.addi %mul3A_820, %add3A_822 : vector<16xi32>
      tpu.vector_store_idx %arg14[%add3A_814, %add3A_823], %get3A_811 : memref<1024x8xf32, #tpu.memory_space<vmem>>[vector<16xi32>, vector<16xi32>], vector<16xf32>,
      %get3A_824 = arith.constant 1072 : index
      %get3A_825 = tpu.vector_load %arg13[%get3A_824] {strides = array<i32>} : memref<2048xf32, #tpu.memory_space<vmem>>, vector<16xf32>,
      %get3A_826 = arith.constant 1200 : index
      %get3A_827 = tpu.vector_load %arg13[%get3A_826] {strides = array<i32>} : memref<2048xf32, #tpu.memory_space<vmem>>, vector<16xf32>,
      %add3A_828 = arith.constant 560 : i32
      %add3A_829 = vector.broadcast %add3A_828 : i32 to vector<16xi32>
      %add3A_830 = arith.addi %add3A_829, %iota3A : vector<16xi32>
      %mul3A_831 = arith.constant 0 : i32
      %mul3A_832 = vector.broadcast %mul3A_831 : i32 to vector<16xi32>
      %mul3A_833 = arith.muli %iota3A, %mul3A_832 : vector<16xi32>
      tpu.vector_store_idx %arg14[%add3A_830, %mul3A_833], %get3A_825 : memref<1024x8xf32, #tpu.memory_space<vmem>>[vector<16xi32>, vector<16xi32>], vector<16xf32>,
      %mul3A_834 = arith.constant 0 : i32
      %mul3A_835 = vector.broadcast %mul3A_834 : i32 to vector<16xi32>
      %mul3A_836 = arith.muli %iota3A, %mul3A_835 : vector<16xi32>
      %add3A_837 = arith.constant 1 : i32
      %add3A_838 = vector.broadcast %add3A_837 : i32 to vector<16xi32>
      %add3A_839 = arith.addi %mul3A_836, %add3A_838 : vector<16xi32>
      tpu.vector_store_idx %arg14[%add3A_830, %add3A_839], %get3A_827 : memref<1024x8xf32, #tpu.memory_space<vmem>>[vector<16xi32>, vector<16xi32>], vector<16xf32>,
      %get3A_840 = arith.constant 1088 : index
      %get3A_841 = tpu.vector_load %arg13[%get3A_840] {strides = array<i32>} : memref<2048xf32, #tpu.memory_space<vmem>>, vector<16xf32>,
      %get3A_842 = arith.constant 1216 : index
      %get3A_843 = tpu.vector_load %arg13[%get3A_842] {strides = array<i32>} : memref<2048xf32, #tpu.memory_space<vmem>>, vector<16xf32>,
      %add3A_844 = arith.constant 576 : i32
      %add3A_845 = vector.broadcast %add3A_844 : i32 to vector<16xi32>
      %add3A_846 = arith.addi %add3A_845, %iota3A : vector<16xi32>
      %mul3A_847 = arith.constant 0 : i32
      %mul3A_848 = vector.broadcast %mul3A_847 : i32 to vector<16xi32>
      %mul3A_849 = arith.muli %iota3A, %mul3A_848 : vector<16xi32>
      tpu.vector_store_idx %arg14[%add3A_846, %mul3A_849], %get3A_841 : memref<1024x8xf32, #tpu.memory_space<vmem>>[vector<16xi32>, vector<16xi32>], vector<16xf32>,
      %mul3A_850 = arith.constant 0 : i32
      %mul3A_851 = vector.broadcast %mul3A_850 : i32 to vector<16xi32>
      %mul3A_852 = arith.muli %iota3A, %mul3A_851 : vector<16xi32>
      %add3A_853 = arith.constant 1 : i32
      %add3A_854 = vector.broadcast %add3A_853 : i32 to vector<16xi32>
      %add3A_855 = arith.addi %mul3A_852, %add3A_854 : vector<16xi32>
      tpu.vector_store_idx %arg14[%add3A_846, %add3A_855], %get3A_843 : memref<1024x8xf32, #tpu.memory_space<vmem>>[vector<16xi32>, vector<16xi32>], vector<16xf32>,
      %get3A_856 = arith.constant 1104 : index
      %get3A_857 = tpu.vector_load %arg13[%get3A_856] {strides = array<i32>} : memref<2048xf32, #tpu.memory_space<vmem>>, vector<16xf32>,
      %get3A_858 = arith.constant 1232 : index
      %get3A_859 = tpu.vector_load %arg13[%get3A_858] {strides = array<i32>} : memref<2048xf32, #tpu.memory_space<vmem>>, vector<16xf32>,
      %add3A_860 = arith.constant 592 : i32
      %add3A_861 = vector.broadcast %add3A_860 : i32 to vector<16xi32>
      %add3A_862 = arith.addi %add3A_861, %iota3A : vector<16xi32>
      %mul3A_863 = arith.constant 0 : i32
      %mul3A_864 = vector.broadcast %mul3A_863 : i32 to vector<16xi32>
      %mul3A_865 = arith.muli %iota3A, %mul3A_864 : vector<16xi32>
      tpu.vector_store_idx %arg14[%add3A_862, %mul3A_865], %get3A_857 : memref<1024x8xf32, #tpu.memory_space<vmem>>[vector<16xi32>, vector<16xi32>], vector<16xf32>,
      %mul3A_866 = arith.constant 0 : i32
      %mul3A_867 = vector.broadcast %mul3A_866 : i32 to vector<16xi32>
      %mul3A_868 = arith.muli %iota3A, %mul3A_867 : vector<16xi32>
      %add3A_869 = arith.constant 1 : i32
      %add3A_870 = vector.broadcast %add3A_869 : i32 to vector<16xi32>
      %add3A_871 = arith.addi %mul3A_868, %add3A_870 : vector<16xi32>
      tpu.vector_store_idx %arg14[%add3A_862, %add3A_871], %get3A_859 : memref<1024x8xf32, #tpu.memory_space<vmem>>[vector<16xi32>, vector<16xi32>], vector<16xf32>,
      %get3A_872 = arith.constant 1120 : index
      %get3A_873 = tpu.vector_load %arg13[%get3A_872] {strides = array<i32>} : memref<2048xf32, #tpu.memory_space<vmem>>, vector<16xf32>,
      %get3A_874 = arith.constant 1248 : index
      %get3A_875 = tpu.vector_load %arg13[%get3A_874] {strides = array<i32>} : memref<2048xf32, #tpu.memory_space<vmem>>, vector<16xf32>,
      %add3A_876 = arith.constant 608 : i32
      %add3A_877 = vector.broadcast %add3A_876 : i32 to vector<16xi32>
      %add3A_878 = arith.addi %add3A_877, %iota3A : vector<16xi32>
      %mul3A_879 = arith.constant 0 : i32
      %mul3A_880 = vector.broadcast %mul3A_879 : i32 to vector<16xi32>
      %mul3A_881 = arith.muli %iota3A, %mul3A_880 : vector<16xi32>
      tpu.vector_store_idx %arg14[%add3A_878, %mul3A_881], %get3A_873 : memref<1024x8xf32, #tpu.memory_space<vmem>>[vector<16xi32>, vector<16xi32>], vector<16xf32>,
      %mul3A_882 = arith.constant 0 : i32
      %mul3A_883 = vector.broadcast %mul3A_882 : i32 to vector<16xi32>
      %mul3A_884 = arith.muli %iota3A, %mul3A_883 : vector<16xi32>
      %add3A_885 = arith.constant 1 : i32
      %add3A_886 = vector.broadcast %add3A_885 : i32 to vector<16xi32>
      %add3A_887 = arith.addi %mul3A_884, %add3A_886 : vector<16xi32>
      tpu.vector_store_idx %arg14[%add3A_878, %add3A_887], %get3A_875 : memref<1024x8xf32, #tpu.memory_space<vmem>>[vector<16xi32>, vector<16xi32>], vector<16xf32>,
      %get3A_888 = arith.constant 1136 : index
      %get3A_889 = tpu.vector_load %arg13[%get3A_888] {strides = array<i32>} : memref<2048xf32, #tpu.memory_space<vmem>>, vector<16xf32>,
      %get3A_890 = arith.constant 1264 : index
      %get3A_891 = tpu.vector_load %arg13[%get3A_890] {strides = array<i32>} : memref<2048xf32, #tpu.memory_space<vmem>>, vector<16xf32>,
      %add3A_892 = arith.constant 624 : i32
      %add3A_893 = vector.broadcast %add3A_892 : i32 to vector<16xi32>
      %add3A_894 = arith.addi %add3A_893, %iota3A : vector<16xi32>
      %mul3A_895 = arith.constant 0 : i32
      %mul3A_896 = vector.broadcast %mul3A_895 : i32 to vector<16xi32>
      %mul3A_897 = arith.muli %iota3A, %mul3A_896 : vector<16xi32>
      tpu.vector_store_idx %arg14[%add3A_894, %mul3A_897], %get3A_889 : memref<1024x8xf32, #tpu.memory_space<vmem>>[vector<16xi32>, vector<16xi32>], vector<16xf32>,
      %mul3A_898 = arith.constant 0 : i32
      %mul3A_899 = vector.broadcast %mul3A_898 : i32 to vector<16xi32>
      %mul3A_900 = arith.muli %iota3A, %mul3A_899 : vector<16xi32>
      %add3A_901 = arith.constant 1 : i32
      %add3A_902 = vector.broadcast %add3A_901 : i32 to vector<16xi32>
      %add3A_903 = arith.addi %mul3A_900, %add3A_902 : vector<16xi32>
      tpu.vector_store_idx %arg14[%add3A_894, %add3A_903], %get3A_891 : memref<1024x8xf32, #tpu.memory_space<vmem>>[vector<16xi32>, vector<16xi32>], vector<16xf32>,
      %get3A_904 = arith.constant 1280 : index
      %get3A_905 = tpu.vector_load %arg13[%get3A_904] {strides = array<i32>} : memref<2048xf32, #tpu.memory_space<vmem>>, vector<16xf32>,
      %get3A_906 = arith.constant 1408 : index
      %get3A_907 = tpu.vector_load %arg13[%get3A_906] {strides = array<i32>} : memref<2048xf32, #tpu.memory_space<vmem>>, vector<16xf32>,
      %add3A_908 = arith.constant 640 : i32
      %add3A_909 = vector.broadcast %add3A_908 : i32 to vector<16xi32>
      %add3A_910 = arith.addi %add3A_909, %iota3A : vector<16xi32>
      %mul3A_911 = arith.constant 0 : i32
      %mul3A_912 = vector.broadcast %mul3A_911 : i32 to vector<16xi32>
      %mul3A_913 = arith.muli %iota3A, %mul3A_912 : vector<16xi32>
      tpu.vector_store_idx %arg14[%add3A_910, %mul3A_913], %get3A_905 : memref<1024x8xf32, #tpu.memory_space<vmem>>[vector<16xi32>, vector<16xi32>], vector<16xf32>,
      %mul3A_914 = arith.constant 0 : i32
      %mul3A_915 = vector.broadcast %mul3A_914 : i32 to vector<16xi32>
      %mul3A_916 = arith.muli %iota3A, %mul3A_915 : vector<16xi32>
      %add3A_917 = arith.constant 1 : i32
      %add3A_918 = vector.broadcast %add3A_917 : i32 to vector<16xi32>
      %add3A_919 = arith.addi %mul3A_916, %add3A_918 : vector<16xi32>
      tpu.vector_store_idx %arg14[%add3A_910, %add3A_919], %get3A_907 : memref<1024x8xf32, #tpu.memory_space<vmem>>[vector<16xi32>, vector<16xi32>], vector<16xf32>,
      %get3A_920 = arith.constant 1296 : index
      %get3A_921 = tpu.vector_load %arg13[%get3A_920] {strides = array<i32>} : memref<2048xf32, #tpu.memory_space<vmem>>, vector<16xf32>,
      %get3A_922 = arith.constant 1424 : index
      %get3A_923 = tpu.vector_load %arg13[%get3A_922] {strides = array<i32>} : memref<2048xf32, #tpu.memory_space<vmem>>, vector<16xf32>,
      %add3A_924 = arith.constant 656 : i32
      %add3A_925 = vector.broadcast %add3A_924 : i32 to vector<16xi32>
      %add3A_926 = arith.addi %add3A_925, %iota3A : vector<16xi32>
      %mul3A_927 = arith.constant 0 : i32
      %mul3A_928 = vector.broadcast %mul3A_927 : i32 to vector<16xi32>
      %mul3A_929 = arith.muli %iota3A, %mul3A_928 : vector<16xi32>
      tpu.vector_store_idx %arg14[%add3A_926, %mul3A_929], %get3A_921 : memref<1024x8xf32, #tpu.memory_space<vmem>>[vector<16xi32>, vector<16xi32>], vector<16xf32>,
      %mul3A_930 = arith.constant 0 : i32
      %mul3A_931 = vector.broadcast %mul3A_930 : i32 to vector<16xi32>
      %mul3A_932 = arith.muli %iota3A, %mul3A_931 : vector<16xi32>
      %add3A_933 = arith.constant 1 : i32
      %add3A_934 = vector.broadcast %add3A_933 : i32 to vector<16xi32>
      %add3A_935 = arith.addi %mul3A_932, %add3A_934 : vector<16xi32>
      tpu.vector_store_idx %arg14[%add3A_926, %add3A_935], %get3A_923 : memref<1024x8xf32, #tpu.memory_space<vmem>>[vector<16xi32>, vector<16xi32>], vector<16xf32>,
      %get3A_936 = arith.constant 1312 : index
      %get3A_937 = tpu.vector_load %arg13[%get3A_936] {strides = array<i32>} : memref<2048xf32, #tpu.memory_space<vmem>>, vector<16xf32>,
      %get3A_938 = arith.constant 1440 : index
      %get3A_939 = tpu.vector_load %arg13[%get3A_938] {strides = array<i32>} : memref<2048xf32, #tpu.memory_space<vmem>>, vector<16xf32>,
      %add3A_940 = arith.constant 672 : i32
      %add3A_941 = vector.broadcast %add3A_940 : i32 to vector<16xi32>
      %add3A_942 = arith.addi %add3A_941, %iota3A : vector<16xi32>
      %mul3A_943 = arith.constant 0 : i32
      %mul3A_944 = vector.broadcast %mul3A_943 : i32 to vector<16xi32>
      %mul3A_945 = arith.muli %iota3A, %mul3A_944 : vector<16xi32>
      tpu.vector_store_idx %arg14[%add3A_942, %mul3A_945], %get3A_937 : memref<1024x8xf32, #tpu.memory_space<vmem>>[vector<16xi32>, vector<16xi32>], vector<16xf32>,
      %mul3A_946 = arith.constant 0 : i32
      %mul3A_947 = vector.broadcast %mul3A_946 : i32 to vector<16xi32>
      %mul3A_948 = arith.muli %iota3A, %mul3A_947 : vector<16xi32>
      %add3A_949 = arith.constant 1 : i32
      %add3A_950 = vector.broadcast %add3A_949 : i32 to vector<16xi32>
      %add3A_951 = arith.addi %mul3A_948, %add3A_950 : vector<16xi32>
      tpu.vector_store_idx %arg14[%add3A_942, %add3A_951], %get3A_939 : memref<1024x8xf32, #tpu.memory_space<vmem>>[vector<16xi32>, vector<16xi32>], vector<16xf32>,
      %get3A_952 = arith.constant 1328 : index
      %get3A_953 = tpu.vector_load %arg13[%get3A_952] {strides = array<i32>} : memref<2048xf32, #tpu.memory_space<vmem>>, vector<16xf32>,
      %get3A_954 = arith.constant 1456 : index
      %get3A_955 = tpu.vector_load %arg13[%get3A_954] {strides = array<i32>} : memref<2048xf32, #tpu.memory_space<vmem>>, vector<16xf32>,
      %add3A_956 = arith.constant 688 : i32
      %add3A_957 = vector.broadcast %add3A_956 : i32 to vector<16xi32>
      %add3A_958 = arith.addi %add3A_957, %iota3A : vector<16xi32>
      %mul3A_959 = arith.constant 0 : i32
      %mul3A_960 = vector.broadcast %mul3A_959 : i32 to vector<16xi32>
      %mul3A_961 = arith.muli %iota3A, %mul3A_960 : vector<16xi32>
      tpu.vector_store_idx %arg14[%add3A_958, %mul3A_961], %get3A_953 : memref<1024x8xf32, #tpu.memory_space<vmem>>[vector<16xi32>, vector<16xi32>], vector<16xf32>,
      %mul3A_962 = arith.constant 0 : i32
      %mul3A_963 = vector.broadcast %mul3A_962 : i32 to vector<16xi32>
      %mul3A_964 = arith.muli %iota3A, %mul3A_963 : vector<16xi32>
      %add3A_965 = arith.constant 1 : i32
      %add3A_966 = vector.broadcast %add3A_965 : i32 to vector<16xi32>
      %add3A_967 = arith.addi %mul3A_964, %add3A_966 : vector<16xi32>
      tpu.vector_store_idx %arg14[%add3A_958, %add3A_967], %get3A_955 : memref<1024x8xf32, #tpu.memory_space<vmem>>[vector<16xi32>, vector<16xi32>], vector<16xf32>,
      %get3A_968 = arith.constant 1344 : index
      %get3A_969 = tpu.vector_load %arg13[%get3A_968] {strides = array<i32>} : memref<2048xf32, #tpu.memory_space<vmem>>, vector<16xf32>,
      %get3A_970 = arith.constant 1472 : index
      %get3A_971 = tpu.vector_load %arg13[%get3A_970] {strides = array<i32>} : memref<2048xf32, #tpu.memory_space<vmem>>, vector<16xf32>,
      %add3A_972 = arith.constant 704 : i32
      %add3A_973 = vector.broadcast %add3A_972 : i32 to vector<16xi32>
      %add3A_974 = arith.addi %add3A_973, %iota3A : vector<16xi32>
      %mul3A_975 = arith.constant 0 : i32
      %mul3A_976 = vector.broadcast %mul3A_975 : i32 to vector<16xi32>
      %mul3A_977 = arith.muli %iota3A, %mul3A_976 : vector<16xi32>
      tpu.vector_store_idx %arg14[%add3A_974, %mul3A_977], %get3A_969 : memref<1024x8xf32, #tpu.memory_space<vmem>>[vector<16xi32>, vector<16xi32>], vector<16xf32>,
      %mul3A_978 = arith.constant 0 : i32
      %mul3A_979 = vector.broadcast %mul3A_978 : i32 to vector<16xi32>
      %mul3A_980 = arith.muli %iota3A, %mul3A_979 : vector<16xi32>
      %add3A_981 = arith.constant 1 : i32
      %add3A_982 = vector.broadcast %add3A_981 : i32 to vector<16xi32>
      %add3A_983 = arith.addi %mul3A_980, %add3A_982 : vector<16xi32>
      tpu.vector_store_idx %arg14[%add3A_974, %add3A_983], %get3A_971 : memref<1024x8xf32, #tpu.memory_space<vmem>>[vector<16xi32>, vector<16xi32>], vector<16xf32>,
      %get3A_984 = arith.constant 1360 : index
      %get3A_985 = tpu.vector_load %arg13[%get3A_984] {strides = array<i32>} : memref<2048xf32, #tpu.memory_space<vmem>>, vector<16xf32>,
      %get3A_986 = arith.constant 1488 : index
      %get3A_987 = tpu.vector_load %arg13[%get3A_986] {strides = array<i32>} : memref<2048xf32, #tpu.memory_space<vmem>>, vector<16xf32>,
      %add3A_988 = arith.constant 720 : i32
      %add3A_989 = vector.broadcast %add3A_988 : i32 to vector<16xi32>
      %add3A_990 = arith.addi %add3A_989, %iota3A : vector<16xi32>
      %mul3A_991 = arith.constant 0 : i32
      %mul3A_992 = vector.broadcast %mul3A_991 : i32 to vector<16xi32>
      %mul3A_993 = arith.muli %iota3A, %mul3A_992 : vector<16xi32>
      tpu.vector_store_idx %arg14[%add3A_990, %mul3A_993], %get3A_985 : memref<1024x8xf32, #tpu.memory_space<vmem>>[vector<16xi32>, vector<16xi32>], vector<16xf32>,
      %mul3A_994 = arith.constant 0 : i32
      %mul3A_995 = vector.broadcast %mul3A_994 : i32 to vector<16xi32>
      %mul3A_996 = arith.muli %iota3A, %mul3A_995 : vector<16xi32>
      %add3A_997 = arith.constant 1 : i32
      %add3A_998 = vector.broadcast %add3A_997 : i32 to vector<16xi32>
      %add3A_999 = arith.addi %mul3A_996, %add3A_998 : vector<16xi32>
      tpu.vector_store_idx %arg14[%add3A_990, %add3A_999], %get3A_987 : memref<1024x8xf32, #tpu.memory_space<vmem>>[vector<16xi32>, vector<16xi32>], vector<16xf32>,
      %get3A_1000 = arith.constant 1376 : index
      %get3A_1001 = tpu.vector_load %arg13[%get3A_1000] {strides = array<i32>} : memref<2048xf32, #tpu.memory_space<vmem>>, vector<16xf32>,
      %get3A_1002 = arith.constant 1504 : index
      %get3A_1003 = tpu.vector_load %arg13[%get3A_1002] {strides = array<i32>} : memref<2048xf32, #tpu.memory_space<vmem>>, vector<16xf32>,
      %add3A_1004 = arith.constant 736 : i32
      %add3A_1005 = vector.broadcast %add3A_1004 : i32 to vector<16xi32>
      %add3A_1006 = arith.addi %add3A_1005, %iota3A : vector<16xi32>
      %mul3A_1007 = arith.constant 0 : i32
      %mul3A_1008 = vector.broadcast %mul3A_1007 : i32 to vector<16xi32>
      %mul3A_1009 = arith.muli %iota3A, %mul3A_1008 : vector<16xi32>
      tpu.vector_store_idx %arg14[%add3A_1006, %mul3A_1009], %get3A_1001 : memref<1024x8xf32, #tpu.memory_space<vmem>>[vector<16xi32>, vector<16xi32>], vector<16xf32>,
      %mul3A_1010 = arith.constant 0 : i32
      %mul3A_1011 = vector.broadcast %mul3A_1010 : i32 to vector<16xi32>
      %mul3A_1012 = arith.muli %iota3A, %mul3A_1011 : vector<16xi32>
      %add3A_1013 = arith.constant 1 : i32
      %add3A_1014 = vector.broadcast %add3A_1013 : i32 to vector<16xi32>
      %add3A_1015 = arith.addi %mul3A_1012, %add3A_1014 : vector<16xi32>
      tpu.vector_store_idx %arg14[%add3A_1006, %add3A_1015], %get3A_1003 : memref<1024x8xf32, #tpu.memory_space<vmem>>[vector<16xi32>, vector<16xi32>], vector<16xf32>,
      %get3A_1016 = arith.constant 1392 : index
      %get3A_1017 = tpu.vector_load %arg13[%get3A_1016] {strides = array<i32>} : memref<2048xf32, #tpu.memory_space<vmem>>, vector<16xf32>,
      %get3A_1018 = arith.constant 1520 : index
      %get3A_1019 = tpu.vector_load %arg13[%get3A_1018] {strides = array<i32>} : memref<2048xf32, #tpu.memory_space<vmem>>, vector<16xf32>,
      %add3A_1020 = arith.constant 752 : i32
      %add3A_1021 = vector.broadcast %add3A_1020 : i32 to vector<16xi32>
      %add3A_1022 = arith.addi %add3A_1021, %iota3A : vector<16xi32>
      %mul3A_1023 = arith.constant 0 : i32
      %mul3A_1024 = vector.broadcast %mul3A_1023 : i32 to vector<16xi32>
      %mul3A_1025 = arith.muli %iota3A, %mul3A_1024 : vector<16xi32>
      tpu.vector_store_idx %arg14[%add3A_1022, %mul3A_1025], %get3A_1017 : memref<1024x8xf32, #tpu.memory_space<vmem>>[vector<16xi32>, vector<16xi32>], vector<16xf32>,
      %mul3A_1026 = arith.constant 0 : i32
      %mul3A_1027 = vector.broadcast %mul3A_1026 : i32 to vector<16xi32>
      %mul3A_1028 = arith.muli %iota3A, %mul3A_1027 : vector<16xi32>
      %add3A_1029 = arith.constant 1 : i32
      %add3A_1030 = vector.broadcast %add3A_1029 : i32 to vector<16xi32>
      %add3A_1031 = arith.addi %mul3A_1028, %add3A_1030 : vector<16xi32>
      tpu.vector_store_idx %arg14[%add3A_1022, %add3A_1031], %get3A_1019 : memref<1024x8xf32, #tpu.memory_space<vmem>>[vector<16xi32>, vector<16xi32>], vector<16xf32>,
      %get3A_1032 = arith.constant 1536 : index
      %get3A_1033 = tpu.vector_load %arg13[%get3A_1032] {strides = array<i32>} : memref<2048xf32, #tpu.memory_space<vmem>>, vector<16xf32>,
      %get3A_1034 = arith.constant 1664 : index
      %get3A_1035 = tpu.vector_load %arg13[%get3A_1034] {strides = array<i32>} : memref<2048xf32, #tpu.memory_space<vmem>>, vector<16xf32>,
      %add3A_1036 = arith.constant 768 : i32
      %add3A_1037 = vector.broadcast %add3A_1036 : i32 to vector<16xi32>
      %add3A_1038 = arith.addi %add3A_1037, %iota3A : vector<16xi32>
      %mul3A_1039 = arith.constant 0 : i32
      %mul3A_1040 = vector.broadcast %mul3A_1039 : i32 to vector<16xi32>
      %mul3A_1041 = arith.muli %iota3A, %mul3A_1040 : vector<16xi32>
      tpu.vector_store_idx %arg14[%add3A_1038, %mul3A_1041], %get3A_1033 : memref<1024x8xf32, #tpu.memory_space<vmem>>[vector<16xi32>, vector<16xi32>], vector<16xf32>,
      %mul3A_1042 = arith.constant 0 : i32
      %mul3A_1043 = vector.broadcast %mul3A_1042 : i32 to vector<16xi32>
      %mul3A_1044 = arith.muli %iota3A, %mul3A_1043 : vector<16xi32>
      %add3A_1045 = arith.constant 1 : i32
      %add3A_1046 = vector.broadcast %add3A_1045 : i32 to vector<16xi32>
      %add3A_1047 = arith.addi %mul3A_1044, %add3A_1046 : vector<16xi32>
      tpu.vector_store_idx %arg14[%add3A_1038, %add3A_1047], %get3A_1035 : memref<1024x8xf32, #tpu.memory_space<vmem>>[vector<16xi32>, vector<16xi32>], vector<16xf32>,
      %get3A_1048 = arith.constant 1552 : index
      %get3A_1049 = tpu.vector_load %arg13[%get3A_1048] {strides = array<i32>} : memref<2048xf32, #tpu.memory_space<vmem>>, vector<16xf32>,
      %get3A_1050 = arith.constant 1680 : index
      %get3A_1051 = tpu.vector_load %arg13[%get3A_1050] {strides = array<i32>} : memref<2048xf32, #tpu.memory_space<vmem>>, vector<16xf32>,
      %add3A_1052 = arith.constant 784 : i32
      %add3A_1053 = vector.broadcast %add3A_1052 : i32 to vector<16xi32>
      %add3A_1054 = arith.addi %add3A_1053, %iota3A : vector<16xi32>
      %mul3A_1055 = arith.constant 0 : i32
      %mul3A_1056 = vector.broadcast %mul3A_1055 : i32 to vector<16xi32>
      %mul3A_1057 = arith.muli %iota3A, %mul3A_1056 : vector<16xi32>
      tpu.vector_store_idx %arg14[%add3A_1054, %mul3A_1057], %get3A_1049 : memref<1024x8xf32, #tpu.memory_space<vmem>>[vector<16xi32>, vector<16xi32>], vector<16xf32>,
      %mul3A_1058 = arith.constant 0 : i32
      %mul3A_1059 = vector.broadcast %mul3A_1058 : i32 to vector<16xi32>
      %mul3A_1060 = arith.muli %iota3A, %mul3A_1059 : vector<16xi32>
      %add3A_1061 = arith.constant 1 : i32
      %add3A_1062 = vector.broadcast %add3A_1061 : i32 to vector<16xi32>
      %add3A_1063 = arith.addi %mul3A_1060, %add3A_1062 : vector<16xi32>
      tpu.vector_store_idx %arg14[%add3A_1054, %add3A_1063], %get3A_1051 : memref<1024x8xf32, #tpu.memory_space<vmem>>[vector<16xi32>, vector<16xi32>], vector<16xf32>,
      %get3A_1064 = arith.constant 1568 : index
      %get3A_1065 = tpu.vector_load %arg13[%get3A_1064] {strides = array<i32>} : memref<2048xf32, #tpu.memory_space<vmem>>, vector<16xf32>,
      %get3A_1066 = arith.constant 1696 : index
      %get3A_1067 = tpu.vector_load %arg13[%get3A_1066] {strides = array<i32>} : memref<2048xf32, #tpu.memory_space<vmem>>, vector<16xf32>,
      %add3A_1068 = arith.constant 800 : i32
      %add3A_1069 = vector.broadcast %add3A_1068 : i32 to vector<16xi32>
      %add3A_1070 = arith.addi %add3A_1069, %iota3A : vector<16xi32>
      %mul3A_1071 = arith.constant 0 : i32
      %mul3A_1072 = vector.broadcast %mul3A_1071 : i32 to vector<16xi32>
      %mul3A_1073 = arith.muli %iota3A, %mul3A_1072 : vector<16xi32>
      tpu.vector_store_idx %arg14[%add3A_1070, %mul3A_1073], %get3A_1065 : memref<1024x8xf32, #tpu.memory_space<vmem>>[vector<16xi32>, vector<16xi32>], vector<16xf32>,
      %mul3A_1074 = arith.constant 0 : i32
      %mul3A_1075 = vector.broadcast %mul3A_1074 : i32 to vector<16xi32>
      %mul3A_1076 = arith.muli %iota3A, %mul3A_1075 : vector<16xi32>
      %add3A_1077 = arith.constant 1 : i32
      %add3A_1078 = vector.broadcast %add3A_1077 : i32 to vector<16xi32>
      %add3A_1079 = arith.addi %mul3A_1076, %add3A_1078 : vector<16xi32>
      tpu.vector_store_idx %arg14[%add3A_1070, %add3A_1079], %get3A_1067 : memref<1024x8xf32, #tpu.memory_space<vmem>>[vector<16xi32>, vector<16xi32>], vector<16xf32>,
      %get3A_1080 = arith.constant 1584 : index
      %get3A_1081 = tpu.vector_load %arg13[%get3A_1080] {strides = array<i32>} : memref<2048xf32, #tpu.memory_space<vmem>>, vector<16xf32>,
      %get3A_1082 = arith.constant 1712 : index
      %get3A_1083 = tpu.vector_load %arg13[%get3A_1082] {strides = array<i32>} : memref<2048xf32, #tpu.memory_space<vmem>>, vector<16xf32>,
      %add3A_1084 = arith.constant 816 : i32
      %add3A_1085 = vector.broadcast %add3A_1084 : i32 to vector<16xi32>
      %add3A_1086 = arith.addi %add3A_1085, %iota3A : vector<16xi32>
      %mul3A_1087 = arith.constant 0 : i32
      %mul3A_1088 = vector.broadcast %mul3A_1087 : i32 to vector<16xi32>
      %mul3A_1089 = arith.muli %iota3A, %mul3A_1088 : vector<16xi32>
      tpu.vector_store_idx %arg14[%add3A_1086, %mul3A_1089], %get3A_1081 : memref<1024x8xf32, #tpu.memory_space<vmem>>[vector<16xi32>, vector<16xi32>], vector<16xf32>,
      %mul3A_1090 = arith.constant 0 : i32
      %mul3A_1091 = vector.broadcast %mul3A_1090 : i32 to vector<16xi32>
      %mul3A_1092 = arith.muli %iota3A, %mul3A_1091 : vector<16xi32>
      %add3A_1093 = arith.constant 1 : i32
      %add3A_1094 = vector.broadcast %add3A_1093 : i32 to vector<16xi32>
      %add3A_1095 = arith.addi %mul3A_1092, %add3A_1094 : vector<16xi32>
      tpu.vector_store_idx %arg14[%add3A_1086, %add3A_1095], %get3A_1083 : memref<1024x8xf32, #tpu.memory_space<vmem>>[vector<16xi32>, vector<16xi32>], vector<16xf32>,
      %get3A_1096 = arith.constant 1600 : index
      %get3A_1097 = tpu.vector_load %arg13[%get3A_1096] {strides = array<i32>} : memref<2048xf32, #tpu.memory_space<vmem>>, vector<16xf32>,
      %get3A_1098 = arith.constant 1728 : index
      %get3A_1099 = tpu.vector_load %arg13[%get3A_1098] {strides = array<i32>} : memref<2048xf32, #tpu.memory_space<vmem>>, vector<16xf32>,
      %add3A_1100 = arith.constant 832 : i32
      %add3A_1101 = vector.broadcast %add3A_1100 : i32 to vector<16xi32>
      %add3A_1102 = arith.addi %add3A_1101, %iota3A : vector<16xi32>
      %mul3A_1103 = arith.constant 0 : i32
      %mul3A_1104 = vector.broadcast %mul3A_1103 : i32 to vector<16xi32>
      %mul3A_1105 = arith.muli %iota3A, %mul3A_1104 : vector<16xi32>
      tpu.vector_store_idx %arg14[%add3A_1102, %mul3A_1105], %get3A_1097 : memref<1024x8xf32, #tpu.memory_space<vmem>>[vector<16xi32>, vector<16xi32>], vector<16xf32>,
      %mul3A_1106 = arith.constant 0 : i32
      %mul3A_1107 = vector.broadcast %mul3A_1106 : i32 to vector<16xi32>
      %mul3A_1108 = arith.muli %iota3A, %mul3A_1107 : vector<16xi32>
      %add3A_1109 = arith.constant 1 : i32
      %add3A_1110 = vector.broadcast %add3A_1109 : i32 to vector<16xi32>
      %add3A_1111 = arith.addi %mul3A_1108, %add3A_1110 : vector<16xi32>
      tpu.vector_store_idx %arg14[%add3A_1102, %add3A_1111], %get3A_1099 : memref<1024x8xf32, #tpu.memory_space<vmem>>[vector<16xi32>, vector<16xi32>], vector<16xf32>,
      %get3A_1112 = arith.constant 1616 : index
      %get3A_1113 = tpu.vector_load %arg13[%get3A_1112] {strides = array<i32>} : memref<2048xf32, #tpu.memory_space<vmem>>, vector<16xf32>,
      %get3A_1114 = arith.constant 1744 : index
      %get3A_1115 = tpu.vector_load %arg13[%get3A_1114] {strides = array<i32>} : memref<2048xf32, #tpu.memory_space<vmem>>, vector<16xf32>,
      %add3A_1116 = arith.constant 848 : i32
      %add3A_1117 = vector.broadcast %add3A_1116 : i32 to vector<16xi32>
      %add3A_1118 = arith.addi %add3A_1117, %iota3A : vector<16xi32>
      %mul3A_1119 = arith.constant 0 : i32
      %mul3A_1120 = vector.broadcast %mul3A_1119 : i32 to vector<16xi32>
      %mul3A_1121 = arith.muli %iota3A, %mul3A_1120 : vector<16xi32>
      tpu.vector_store_idx %arg14[%add3A_1118, %mul3A_1121], %get3A_1113 : memref<1024x8xf32, #tpu.memory_space<vmem>>[vector<16xi32>, vector<16xi32>], vector<16xf32>,
      %mul3A_1122 = arith.constant 0 : i32
      %mul3A_1123 = vector.broadcast %mul3A_1122 : i32 to vector<16xi32>
      %mul3A_1124 = arith.muli %iota3A, %mul3A_1123 : vector<16xi32>
      %add3A_1125 = arith.constant 1 : i32
      %add3A_1126 = vector.broadcast %add3A_1125 : i32 to vector<16xi32>
      %add3A_1127 = arith.addi %mul3A_1124, %add3A_1126 : vector<16xi32>
      tpu.vector_store_idx %arg14[%add3A_1118, %add3A_1127], %get3A_1115 : memref<1024x8xf32, #tpu.memory_space<vmem>>[vector<16xi32>, vector<16xi32>], vector<16xf32>,
      %get3A_1128 = arith.constant 1632 : index
      %get3A_1129 = tpu.vector_load %arg13[%get3A_1128] {strides = array<i32>} : memref<2048xf32, #tpu.memory_space<vmem>>, vector<16xf32>,
      %get3A_1130 = arith.constant 1760 : index
      %get3A_1131 = tpu.vector_load %arg13[%get3A_1130] {strides = array<i32>} : memref<2048xf32, #tpu.memory_space<vmem>>, vector<16xf32>,
      %add3A_1132 = arith.constant 864 : i32
      %add3A_1133 = vector.broadcast %add3A_1132 : i32 to vector<16xi32>
      %add3A_1134 = arith.addi %add3A_1133, %iota3A : vector<16xi32>
      %mul3A_1135 = arith.constant 0 : i32
      %mul3A_1136 = vector.broadcast %mul3A_1135 : i32 to vector<16xi32>
      %mul3A_1137 = arith.muli %iota3A, %mul3A_1136 : vector<16xi32>
      tpu.vector_store_idx %arg14[%add3A_1134, %mul3A_1137], %get3A_1129 : memref<1024x8xf32, #tpu.memory_space<vmem>>[vector<16xi32>, vector<16xi32>], vector<16xf32>,
      %mul3A_1138 = arith.constant 0 : i32
      %mul3A_1139 = vector.broadcast %mul3A_1138 : i32 to vector<16xi32>
      %mul3A_1140 = arith.muli %iota3A, %mul3A_1139 : vector<16xi32>
      %add3A_1141 = arith.constant 1 : i32
      %add3A_1142 = vector.broadcast %add3A_1141 : i32 to vector<16xi32>
      %add3A_1143 = arith.addi %mul3A_1140, %add3A_1142 : vector<16xi32>
      tpu.vector_store_idx %arg14[%add3A_1134, %add3A_1143], %get3A_1131 : memref<1024x8xf32, #tpu.memory_space<vmem>>[vector<16xi32>, vector<16xi32>], vector<16xf32>,
      %get3A_1144 = arith.constant 1648 : index
      %get3A_1145 = tpu.vector_load %arg13[%get3A_1144] {strides = array<i32>} : memref<2048xf32, #tpu.memory_space<vmem>>, vector<16xf32>,
      %get3A_1146 = arith.constant 1776 : index
      %get3A_1147 = tpu.vector_load %arg13[%get3A_1146] {strides = array<i32>} : memref<2048xf32, #tpu.memory_space<vmem>>, vector<16xf32>,
      %add3A_1148 = arith.constant 880 : i32
      %add3A_1149 = vector.broadcast %add3A_1148 : i32 to vector<16xi32>
      %add3A_1150 = arith.addi %add3A_1149, %iota3A : vector<16xi32>
      %mul3A_1151 = arith.constant 0 : i32
      %mul3A_1152 = vector.broadcast %mul3A_1151 : i32 to vector<16xi32>
      %mul3A_1153 = arith.muli %iota3A, %mul3A_1152 : vector<16xi32>
      tpu.vector_store_idx %arg14[%add3A_1150, %mul3A_1153], %get3A_1145 : memref<1024x8xf32, #tpu.memory_space<vmem>>[vector<16xi32>, vector<16xi32>], vector<16xf32>,
      %mul3A_1154 = arith.constant 0 : i32
      %mul3A_1155 = vector.broadcast %mul3A_1154 : i32 to vector<16xi32>
      %mul3A_1156 = arith.muli %iota3A, %mul3A_1155 : vector<16xi32>
      %add3A_1157 = arith.constant 1 : i32
      %add3A_1158 = vector.broadcast %add3A_1157 : i32 to vector<16xi32>
      %add3A_1159 = arith.addi %mul3A_1156, %add3A_1158 : vector<16xi32>
      tpu.vector_store_idx %arg14[%add3A_1150, %add3A_1159], %get3A_1147 : memref<1024x8xf32, #tpu.memory_space<vmem>>[vector<16xi32>, vector<16xi32>], vector<16xf32>,
      %get3A_1160 = arith.constant 1792 : index
      %get3A_1161 = tpu.vector_load %arg13[%get3A_1160] {strides = array<i32>} : memref<2048xf32, #tpu.memory_space<vmem>>, vector<16xf32>,
      %get3A_1162 = arith.constant 1920 : index
      %get3A_1163 = tpu.vector_load %arg13[%get3A_1162] {strides = array<i32>} : memref<2048xf32, #tpu.memory_space<vmem>>, vector<16xf32>,
      %add3A_1164 = arith.constant 896 : i32
      %add3A_1165 = vector.broadcast %add3A_1164 : i32 to vector<16xi32>
      %add3A_1166 = arith.addi %add3A_1165, %iota3A : vector<16xi32>
      %mul3A_1167 = arith.constant 0 : i32
      %mul3A_1168 = vector.broadcast %mul3A_1167 : i32 to vector<16xi32>
      %mul3A_1169 = arith.muli %iota3A, %mul3A_1168 : vector<16xi32>
      tpu.vector_store_idx %arg14[%add3A_1166, %mul3A_1169], %get3A_1161 : memref<1024x8xf32, #tpu.memory_space<vmem>>[vector<16xi32>, vector<16xi32>], vector<16xf32>,
      %mul3A_1170 = arith.constant 0 : i32
      %mul3A_1171 = vector.broadcast %mul3A_1170 : i32 to vector<16xi32>
      %mul3A_1172 = arith.muli %iota3A, %mul3A_1171 : vector<16xi32>
      %add3A_1173 = arith.constant 1 : i32
      %add3A_1174 = vector.broadcast %add3A_1173 : i32 to vector<16xi32>
      %add3A_1175 = arith.addi %mul3A_1172, %add3A_1174 : vector<16xi32>
      tpu.vector_store_idx %arg14[%add3A_1166, %add3A_1175], %get3A_1163 : memref<1024x8xf32, #tpu.memory_space<vmem>>[vector<16xi32>, vector<16xi32>], vector<16xf32>,
      %get3A_1176 = arith.constant 1808 : index
      %get3A_1177 = tpu.vector_load %arg13[%get3A_1176] {strides = array<i32>} : memref<2048xf32, #tpu.memory_space<vmem>>, vector<16xf32>,
      %get3A_1178 = arith.constant 1936 : index
      %get3A_1179 = tpu.vector_load %arg13[%get3A_1178] {strides = array<i32>} : memref<2048xf32, #tpu.memory_space<vmem>>, vector<16xf32>,
      %add3A_1180 = arith.constant 912 : i32
      %add3A_1181 = vector.broadcast %add3A_1180 : i32 to vector<16xi32>
      %add3A_1182 = arith.addi %add3A_1181, %iota3A : vector<16xi32>
      %mul3A_1183 = arith.constant 0 : i32
      %mul3A_1184 = vector.broadcast %mul3A_1183 : i32 to vector<16xi32>
      %mul3A_1185 = arith.muli %iota3A, %mul3A_1184 : vector<16xi32>
      tpu.vector_store_idx %arg14[%add3A_1182, %mul3A_1185], %get3A_1177 : memref<1024x8xf32, #tpu.memory_space<vmem>>[vector<16xi32>, vector<16xi32>], vector<16xf32>,
      %mul3A_1186 = arith.constant 0 : i32
      %mul3A_1187 = vector.broadcast %mul3A_1186 : i32 to vector<16xi32>
      %mul3A_1188 = arith.muli %iota3A, %mul3A_1187 : vector<16xi32>
      %add3A_1189 = arith.constant 1 : i32
      %add3A_1190 = vector.broadcast %add3A_1189 : i32 to vector<16xi32>
      %add3A_1191 = arith.addi %mul3A_1188, %add3A_1190 : vector<16xi32>
      tpu.vector_store_idx %arg14[%add3A_1182, %add3A_1191], %get3A_1179 : memref<1024x8xf32, #tpu.memory_space<vmem>>[vector<16xi32>, vector<16xi32>], vector<16xf32>,
      %get3A_1192 = arith.constant 1824 : index
      %get3A_1193 = tpu.vector_load %arg13[%get3A_1192] {strides = array<i32>} : memref<2048xf32, #tpu.memory_space<vmem>>, vector<16xf32>,
      %get3A_1194 = arith.constant 1952 : index
      %get3A_1195 = tpu.vector_load %arg13[%get3A_1194] {strides = array<i32>} : memref<2048xf32, #tpu.memory_space<vmem>>, vector<16xf32>,
      %add3A_1196 = arith.constant 928 : i32
      %add3A_1197 = vector.broadcast %add3A_1196 : i32 to vector<16xi32>
      %add3A_1198 = arith.addi %add3A_1197, %iota3A : vector<16xi32>
      %mul3A_1199 = arith.constant 0 : i32
      %mul3A_1200 = vector.broadcast %mul3A_1199 : i32 to vector<16xi32>
      %mul3A_1201 = arith.muli %iota3A, %mul3A_1200 : vector<16xi32>
      tpu.vector_store_idx %arg14[%add3A_1198, %mul3A_1201], %get3A_1193 : memref<1024x8xf32, #tpu.memory_space<vmem>>[vector<16xi32>, vector<16xi32>], vector<16xf32>,
      %mul3A_1202 = arith.constant 0 : i32
      %mul3A_1203 = vector.broadcast %mul3A_1202 : i32 to vector<16xi32>
      %mul3A_1204 = arith.muli %iota3A, %mul3A_1203 : vector<16xi32>
      %add3A_1205 = arith.constant 1 : i32
      %add3A_1206 = vector.broadcast %add3A_1205 : i32 to vector<16xi32>
      %add3A_1207 = arith.addi %mul3A_1204, %add3A_1206 : vector<16xi32>
      tpu.vector_store_idx %arg14[%add3A_1198, %add3A_1207], %get3A_1195 : memref<1024x8xf32, #tpu.memory_space<vmem>>[vector<16xi32>, vector<16xi32>], vector<16xf32>,
      %get3A_1208 = arith.constant 1840 : index
      %get3A_1209 = tpu.vector_load %arg13[%get3A_1208] {strides = array<i32>} : memref<2048xf32, #tpu.memory_space<vmem>>, vector<16xf32>,
      %get3A_1210 = arith.constant 1968 : index
      %get3A_1211 = tpu.vector_load %arg13[%get3A_1210] {strides = array<i32>} : memref<2048xf32, #tpu.memory_space<vmem>>, vector<16xf32>,
      %add3A_1212 = arith.constant 944 : i32
      %add3A_1213 = vector.broadcast %add3A_1212 : i32 to vector<16xi32>
      %add3A_1214 = arith.addi %add3A_1213, %iota3A : vector<16xi32>
      %mul3A_1215 = arith.constant 0 : i32
      %mul3A_1216 = vector.broadcast %mul3A_1215 : i32 to vector<16xi32>
      %mul3A_1217 = arith.muli %iota3A, %mul3A_1216 : vector<16xi32>
      tpu.vector_store_idx %arg14[%add3A_1214, %mul3A_1217], %get3A_1209 : memref<1024x8xf32, #tpu.memory_space<vmem>>[vector<16xi32>, vector<16xi32>], vector<16xf32>,
      %mul3A_1218 = arith.constant 0 : i32
      %mul3A_1219 = vector.broadcast %mul3A_1218 : i32 to vector<16xi32>
      %mul3A_1220 = arith.muli %iota3A, %mul3A_1219 : vector<16xi32>
      %add3A_1221 = arith.constant 1 : i32
      %add3A_1222 = vector.broadcast %add3A_1221 : i32 to vector<16xi32>
      %add3A_1223 = arith.addi %mul3A_1220, %add3A_1222 : vector<16xi32>
      tpu.vector_store_idx %arg14[%add3A_1214, %add3A_1223], %get3A_1211 : memref<1024x8xf32, #tpu.memory_space<vmem>>[vector<16xi32>, vector<16xi32>], vector<16xf32>,
      %get3A_1224 = arith.constant 1856 : index
      %get3A_1225 = tpu.vector_load %arg13[%get3A_1224] {strides = array<i32>} : memref<2048xf32, #tpu.memory_space<vmem>>, vector<16xf32>,
      %get3A_1226 = arith.constant 1984 : index
      %get3A_1227 = tpu.vector_load %arg13[%get3A_1226] {strides = array<i32>} : memref<2048xf32, #tpu.memory_space<vmem>>, vector<16xf32>,
      %add3A_1228 = arith.constant 960 : i32
      %add3A_1229 = vector.broadcast %add3A_1228 : i32 to vector<16xi32>
      %add3A_1230 = arith.addi %add3A_1229, %iota3A : vector<16xi32>
      %mul3A_1231 = arith.constant 0 : i32
      %mul3A_1232 = vector.broadcast %mul3A_1231 : i32 to vector<16xi32>
      %mul3A_1233 = arith.muli %iota3A, %mul3A_1232 : vector<16xi32>
      tpu.vector_store_idx %arg14[%add3A_1230, %mul3A_1233], %get3A_1225 : memref<1024x8xf32, #tpu.memory_space<vmem>>[vector<16xi32>, vector<16xi32>], vector<16xf32>,
      %mul3A_1234 = arith.constant 0 : i32
      %mul3A_1235 = vector.broadcast %mul3A_1234 : i32 to vector<16xi32>
      %mul3A_1236 = arith.muli %iota3A, %mul3A_1235 : vector<16xi32>
      %add3A_1237 = arith.constant 1 : i32
      %add3A_1238 = vector.broadcast %add3A_1237 : i32 to vector<16xi32>
      %add3A_1239 = arith.addi %mul3A_1236, %add3A_1238 : vector<16xi32>
      tpu.vector_store_idx %arg14[%add3A_1230, %add3A_1239], %get3A_1227 : memref<1024x8xf32, #tpu.memory_space<vmem>>[vector<16xi32>, vector<16xi32>], vector<16xf32>,
      %get3A_1240 = arith.constant 1872 : index
      %get3A_1241 = tpu.vector_load %arg13[%get3A_1240] {strides = array<i32>} : memref<2048xf32, #tpu.memory_space<vmem>>, vector<16xf32>,
      %get3A_1242 = arith.constant 2000 : index
      %get3A_1243 = tpu.vector_load %arg13[%get3A_1242] {strides = array<i32>} : memref<2048xf32, #tpu.memory_space<vmem>>, vector<16xf32>,
      %add3A_1244 = arith.constant 976 : i32
      %add3A_1245 = vector.broadcast %add3A_1244 : i32 to vector<16xi32>
      %add3A_1246 = arith.addi %add3A_1245, %iota3A : vector<16xi32>
      %mul3A_1247 = arith.constant 0 : i32
      %mul3A_1248 = vector.broadcast %mul3A_1247 : i32 to vector<16xi32>
      %mul3A_1249 = arith.muli %iota3A, %mul3A_1248 : vector<16xi32>
      tpu.vector_store_idx %arg14[%add3A_1246, %mul3A_1249], %get3A_1241 : memref<1024x8xf32, #tpu.memory_space<vmem>>[vector<16xi32>, vector<16xi32>], vector<16xf32>,
      %mul3A_1250 = arith.constant 0 : i32
      %mul3A_1251 = vector.broadcast %mul3A_1250 : i32 to vector<16xi32>
      %mul3A_1252 = arith.muli %iota3A, %mul3A_1251 : vector<16xi32>
      %add3A_1253 = arith.constant 1 : i32
      %add3A_1254 = vector.broadcast %add3A_1253 : i32 to vector<16xi32>
      %add3A_1255 = arith.addi %mul3A_1252, %add3A_1254 : vector<16xi32>
      tpu.vector_store_idx %arg14[%add3A_1246, %add3A_1255], %get3A_1243 : memref<1024x8xf32, #tpu.memory_space<vmem>>[vector<16xi32>, vector<16xi32>], vector<16xf32>,
      %get3A_1256 = arith.constant 1888 : index
      %get3A_1257 = tpu.vector_load %arg13[%get3A_1256] {strides = array<i32>} : memref<2048xf32, #tpu.memory_space<vmem>>, vector<16xf32>,
      %get3A_1258 = arith.constant 2016 : index
      %get3A_1259 = tpu.vector_load %arg13[%get3A_1258] {strides = array<i32>} : memref<2048xf32, #tpu.memory_space<vmem>>, vector<16xf32>,
      %add3A_1260 = arith.constant 992 : i32
      %add3A_1261 = vector.broadcast %add3A_1260 : i32 to vector<16xi32>
      %add3A_1262 = arith.addi %add3A_1261, %iota3A : vector<16xi32>
      %mul3A_1263 = arith.constant 0 : i32
      %mul3A_1264 = vector.broadcast %mul3A_1263 : i32 to vector<16xi32>
      %mul3A_1265 = arith.muli %iota3A, %mul3A_1264 : vector<16xi32>
      tpu.vector_store_idx %arg14[%add3A_1262, %mul3A_1265], %get3A_1257 : memref<1024x8xf32, #tpu.memory_space<vmem>>[vector<16xi32>, vector<16xi32>], vector<16xf32>,
      %mul3A_1266 = arith.constant 0 : i32
      %mul3A_1267 = vector.broadcast %mul3A_1266 : i32 to vector<16xi32>
      %mul3A_1268 = arith.muli %iota3A, %mul3A_1267 : vector<16xi32>
      %add3A_1269 = arith.constant 1 : i32
      %add3A_1270 = vector.broadcast %add3A_1269 : i32 to vector<16xi32>
      %add3A_1271 = arith.addi %mul3A_1268, %add3A_1270 : vector<16xi32>
      tpu.vector_store_idx %arg14[%add3A_1262, %add3A_1271], %get3A_1259 : memref<1024x8xf32, #tpu.memory_space<vmem>>[vector<16xi32>, vector<16xi32>], vector<16xf32>,
      %get3A_1272 = arith.constant 1904 : index
      %get3A_1273 = tpu.vector_load %arg13[%get3A_1272] {strides = array<i32>} : memref<2048xf32, #tpu.memory_space<vmem>>, vector<16xf32>,
      %get3A_1274 = arith.constant 2032 : index
      %get3A_1275 = tpu.vector_load %arg13[%get3A_1274] {strides = array<i32>} : memref<2048xf32, #tpu.memory_space<vmem>>, vector<16xf32>,
      %add3A_1276 = arith.constant 1008 : i32
      %add3A_1277 = vector.broadcast %add3A_1276 : i32 to vector<16xi32>
      %add3A_1278 = arith.addi %add3A_1277, %iota3A : vector<16xi32>
      %mul3A_1279 = arith.constant 0 : i32
      %mul3A_1280 = vector.broadcast %mul3A_1279 : i32 to vector<16xi32>
      %mul3A_1281 = arith.muli %iota3A, %mul3A_1280 : vector<16xi32>
      tpu.vector_store_idx %arg14[%add3A_1278, %mul3A_1281], %get3A_1273 : memref<1024x8xf32, #tpu.memory_space<vmem>>[vector<16xi32>, vector<16xi32>], vector<16xf32>,
      %mul3A_1282 = arith.constant 0 : i32
      %mul3A_1283 = vector.broadcast %mul3A_1282 : i32 to vector<16xi32>
      %mul3A_1284 = arith.muli %iota3A, %mul3A_1283 : vector<16xi32>
      %add3A_1285 = arith.constant 1 : i32
      %add3A_1286 = vector.broadcast %add3A_1285 : i32 to vector<16xi32>
      %add3A_1287 = arith.addi %mul3A_1284, %add3A_1286 : vector<16xi32>
      tpu.vector_store_idx %arg14[%add3A_1278, %add3A_1287], %get3A_1275 : memref<1024x8xf32, #tpu.memory_space<vmem>>[vector<16xi32>, vector<16xi32>], vector<16xf32>,
      %mul3A_1288 = arith.constant 128 : i32
      %mul3A_1289 = arith.muli %mul3A_261, %mul3A_1288 : i32
      %add3A_1290 = arith.addi %mul3A_49, %mul3A_1289 : i32
      "tpu.region"() ({
        %run_scoped3A = tpu.sem_alloc : memref<!tpu.dma_semaphore, #tpu.memory_space<semaphore_mem>>
        %dma_start3A = arith.constant 0 : i32
        %dma_start3A_1292 = tpu.memref_slice %arg7[%add3A_1290, %dma_start3A] : memref<2097152x8xf32, #tpu.memory_space<hbm>> -> memref<1024x8xf32, #tpu.memory_space<hbm>>
        %dma_start3A_1293 = arith.constant 0 : i32
        %dma_start3A_1294 = tpu.memref_slice %arg7[%add3A_1290, %dma_start3A_1293] : memref<2097152x8xf32, #tpu.memory_space<hbm>> -> memref<1024x8xf32, #tpu.memory_space<hbm>>
        tpu.enqueue_dma source(%arg14 : memref<1024x8xf32, #tpu.memory_space<vmem>>) target(%dma_start3A_1294 : memref<1024x8xf32, #tpu.memory_space<hbm>>) target_semaphore(%run_scoped3A : memref<!tpu.dma_semaphore, #tpu.memory_space<semaphore_mem>>)
        %dma_wait3A = arith.constant 0 : i32
        %dma_wait3A_1295 = tpu.memref_slice %arg7[%add3A_1290, %dma_wait3A] : memref<2097152x8xf32, #tpu.memory_space<hbm>> -> memref<1024x8xf32, #tpu.memory_space<hbm>>
        %dma_wait3A_1296 = arith.constant 0 : i32
        %dma_wait3A_1297 = tpu.memref_slice %arg7[%add3A_1290, %dma_wait3A_1296] : memref<2097152x8xf32, #tpu.memory_space<hbm>> -> memref<1024x8xf32, #tpu.memory_space<hbm>>
        tpu.wait_dma2 semaphore(%run_scoped3A : memref<!tpu.dma_semaphore, #tpu.memory_space<semaphore_mem>>) src(%arg14 : memref<1024x8xf32, #tpu.memory_space<vmem>>) dst(%dma_wait3A_1297 : memref<1024x8xf32, #tpu.memory_space<hbm>>)
        tpu.yield
      }) : () -> ()
      %scan3A_1291 = arith.constant 0 : i32
      scf.yield %scan3A_1291 : i32
    }
    %scan3A_55 = arith.constant 64 : i32
    %barrier3A = arith.constant 0 : index
    tpu.barrier barrier_id(%barrier3A)
    %get3A = arith.constant 0 : index
    %get3A_56 = tpu.vector_load %arg8[%get3A] {strides = array<i32>} : memref<16xf32, #tpu.memory_space<vmem>>, vector<16xf32>,
    %broadcast_in_dim3A = arith.constant 0 : i32
    %broadcast_in_dim3A_57 = vector.broadcast %broadcast_in_dim3A : i32 to vector<16xi32>
    %lt3A_58 = arith.constant 0 : i32
    %lt3A_59 = vector.broadcast %lt3A_58 : i32 to vector<16xi32>
    %lt3A_60 = arith.cmpi slt, %broadcast_in_dim3A_57, %lt3A_59 : vector<16xi32>
    %add3A_61 = arith.constant 16 : i32
    %add3A_62 = vector.broadcast %add3A_61 : i32 to vector<16xi32>
    %add3A_63 = arith.addi %broadcast_in_dim3A_57, %add3A_62 : vector<16xi32>
    %select_n3A_64 = arith.select %lt3A_60, %add3A_63, %broadcast_in_dim3A_57 : vector<16xi1>, vector<16xi32>
    %broadcast_in_dim3A_65 = vector.shape_cast %select_n3A_64 : vector<16xi32> to vector<16x1xi32>
    %gather3A = vector.shape_cast %broadcast_in_dim3A_65 : vector<16x1xi32> to vector<16xi32>
    %gather3A_66 = tpu.dynamic_gather %get3A_56[%gather3A] in [0] : vector<16xf32>, vector<16xi32> -> vector<16xf32>
    %broadcast_in_dim3A_67 = arith.constant 1 : i32
    %broadcast_in_dim3A_68 = vector.broadcast %broadcast_in_dim3A_67 : i32 to vector<16xi32>
    %lt3A_69 = arith.constant 0 : i32
    %lt3A_70 = vector.broadcast %lt3A_69 : i32 to vector<16xi32>
    %lt3A_71 = arith.cmpi slt, %broadcast_in_dim3A_68, %lt3A_70 : vector<16xi32>
    %add3A_72 = arith.constant 16 : i32
    %add3A_73 = vector.broadcast %add3A_72 : i32 to vector<16xi32>
    %add3A_74 = arith.addi %broadcast_in_dim3A_68, %add3A_73 : vector<16xi32>
    %select_n3A_75 = arith.select %lt3A_71, %add3A_74, %broadcast_in_dim3A_68 : vector<16xi1>, vector<16xi32>
    %broadcast_in_dim3A_76 = vector.shape_cast %select_n3A_75 : vector<16xi32> to vector<16x1xi32>
    %gather3A_77 = vector.shape_cast %broadcast_in_dim3A_76 : vector<16x1xi32> to vector<16xi32>
    %gather3A_78 = tpu.dynamic_gather %get3A_56[%gather3A_77] in [0] : vector<16xf32>, vector<16xi32> -> vector<16xf32>
    %broadcast_in_dim3A_79 = arith.constant 2 : i32
    %broadcast_in_dim3A_80 = vector.broadcast %broadcast_in_dim3A_79 : i32 to vector<16xi32>
    %lt3A_81 = arith.constant 0 : i32
    %lt3A_82 = vector.broadcast %lt3A_81 : i32 to vector<16xi32>
    %lt3A_83 = arith.cmpi slt, %broadcast_in_dim3A_80, %lt3A_82 : vector<16xi32>
    %add3A_84 = arith.constant 16 : i32
    %add3A_85 = vector.broadcast %add3A_84 : i32 to vector<16xi32>
    %add3A_86 = arith.addi %broadcast_in_dim3A_80, %add3A_85 : vector<16xi32>
    %select_n3A_87 = arith.select %lt3A_83, %add3A_86, %broadcast_in_dim3A_80 : vector<16xi1>, vector<16xi32>
    %broadcast_in_dim3A_88 = vector.shape_cast %select_n3A_87 : vector<16xi32> to vector<16x1xi32>
    %gather3A_89 = vector.shape_cast %broadcast_in_dim3A_88 : vector<16x1xi32> to vector<16xi32>
    %gather3A_90 = tpu.dynamic_gather %get3A_56[%gather3A_89] in [0] : vector<16xf32>, vector<16xi32> -> vector<16xf32>
    %broadcast_in_dim3A_91 = arith.constant 3 : i32
    %broadcast_in_dim3A_92 = vector.broadcast %broadcast_in_dim3A_91 : i32 to vector<16xi32>
    %lt3A_93 = arith.constant 0 : i32
    %lt3A_94 = vector.broadcast %lt3A_93 : i32 to vector<16xi32>
    %lt3A_95 = arith.cmpi slt, %broadcast_in_dim3A_92, %lt3A_94 : vector<16xi32>
    %add3A_96 = arith.constant 16 : i32
    %add3A_97 = vector.broadcast %add3A_96 : i32 to vector<16xi32>
    %add3A_98 = arith.addi %broadcast_in_dim3A_92, %add3A_97 : vector<16xi32>
    %select_n3A_99 = arith.select %lt3A_95, %add3A_98, %broadcast_in_dim3A_92 : vector<16xi1>, vector<16xi32>
    %broadcast_in_dim3A_100 = vector.shape_cast %select_n3A_99 : vector<16xi32> to vector<16x1xi32>
    %gather3A_101 = vector.shape_cast %broadcast_in_dim3A_100 : vector<16x1xi32> to vector<16xi32>
    %gather3A_102 = tpu.dynamic_gather %get3A_56[%gather3A_101] in [0] : vector<16xf32>, vector<16xi32> -> vector<16xf32>
    %broadcast_in_dim3A_103 = arith.constant 4 : i32
    %broadcast_in_dim3A_104 = vector.broadcast %broadcast_in_dim3A_103 : i32 to vector<16xi32>
    %lt3A_105 = arith.constant 0 : i32
    %lt3A_106 = vector.broadcast %lt3A_105 : i32 to vector<16xi32>
    %lt3A_107 = arith.cmpi slt, %broadcast_in_dim3A_104, %lt3A_106 : vector<16xi32>
    %add3A_108 = arith.constant 16 : i32
    %add3A_109 = vector.broadcast %add3A_108 : i32 to vector<16xi32>
    %add3A_110 = arith.addi %broadcast_in_dim3A_104, %add3A_109 : vector<16xi32>
    %select_n3A_111 = arith.select %lt3A_107, %add3A_110, %broadcast_in_dim3A_104 : vector<16xi1>, vector<16xi32>
    %broadcast_in_dim3A_112 = vector.shape_cast %select_n3A_111 : vector<16xi32> to vector<16x1xi32>
    %gather3A_113 = vector.shape_cast %broadcast_in_dim3A_112 : vector<16x1xi32> to vector<16xi32>
    %gather3A_114 = tpu.dynamic_gather %get3A_56[%gather3A_113] in [0] : vector<16xf32>, vector<16xi32> -> vector<16xf32>
    %broadcast_in_dim3A_115 = arith.constant 5 : i32
    %broadcast_in_dim3A_116 = vector.broadcast %broadcast_in_dim3A_115 : i32 to vector<16xi32>
    %lt3A_117 = arith.constant 0 : i32
    %lt3A_118 = vector.broadcast %lt3A_117 : i32 to vector<16xi32>
    %lt3A_119 = arith.cmpi slt, %broadcast_in_dim3A_116, %lt3A_118 : vector<16xi32>
    %add3A_120 = arith.constant 16 : i32
    %add3A_121 = vector.broadcast %add3A_120 : i32 to vector<16xi32>
    %add3A_122 = arith.addi %broadcast_in_dim3A_116, %add3A_121 : vector<16xi32>
    %select_n3A_123 = arith.select %lt3A_119, %add3A_122, %broadcast_in_dim3A_116 : vector<16xi1>, vector<16xi32>
    %broadcast_in_dim3A_124 = vector.shape_cast %select_n3A_123 : vector<16xi32> to vector<16x1xi32>
    %gather3A_125 = vector.shape_cast %broadcast_in_dim3A_124 : vector<16x1xi32> to vector<16xi32>
    %gather3A_126 = tpu.dynamic_gather %get3A_56[%gather3A_125] in [0] : vector<16xf32>, vector<16xi32> -> vector<16xf32>
    %broadcast_in_dim3A_127 = arith.constant 6 : i32
    %broadcast_in_dim3A_128 = vector.broadcast %broadcast_in_dim3A_127 : i32 to vector<16xi32>
    %lt3A_129 = arith.constant 0 : i32
    %lt3A_130 = vector.broadcast %lt3A_129 : i32 to vector<16xi32>
    %lt3A_131 = arith.cmpi slt, %broadcast_in_dim3A_128, %lt3A_130 : vector<16xi32>
    %add3A_132 = arith.constant 16 : i32
    %add3A_133 = vector.broadcast %add3A_132 : i32 to vector<16xi32>
    %add3A_134 = arith.addi %broadcast_in_dim3A_128, %add3A_133 : vector<16xi32>
    %select_n3A_135 = arith.select %lt3A_131, %add3A_134, %broadcast_in_dim3A_128 : vector<16xi1>, vector<16xi32>
    %broadcast_in_dim3A_136 = vector.shape_cast %select_n3A_135 : vector<16xi32> to vector<16x1xi32>
    %gather3A_137 = vector.shape_cast %broadcast_in_dim3A_136 : vector<16x1xi32> to vector<16xi32>
    %gather3A_138 = tpu.dynamic_gather %get3A_56[%gather3A_137] in [0] : vector<16xf32>, vector<16xi32> -> vector<16xf32>
    %broadcast_in_dim3A_139 = arith.constant 7 : i32
    %broadcast_in_dim3A_140 = vector.broadcast %broadcast_in_dim3A_139 : i32 to vector<16xi32>
    %lt3A_141 = arith.constant 0 : i32
    %lt3A_142 = vector.broadcast %lt3A_141 : i32 to vector<16xi32>
    %lt3A_143 = arith.cmpi slt, %broadcast_in_dim3A_140, %lt3A_142 : vector<16xi32>
    %add3A_144 = arith.constant 16 : i32
    %add3A_145 = vector.broadcast %add3A_144 : i32 to vector<16xi32>
    %add3A_146 = arith.addi %broadcast_in_dim3A_140, %add3A_145 : vector<16xi32>
    %select_n3A_147 = arith.select %lt3A_143, %add3A_146, %broadcast_in_dim3A_140 : vector<16xi1>, vector<16xi32>
    %broadcast_in_dim3A_148 = vector.shape_cast %select_n3A_147 : vector<16xi32> to vector<16x1xi32>
    %gather3A_149 = vector.shape_cast %broadcast_in_dim3A_148 : vector<16x1xi32> to vector<16xi32>
    %gather3A_150 = tpu.dynamic_gather %get3A_56[%gather3A_149] in [0] : vector<16xf32>, vector<16xi32> -> vector<16xf32>
    %broadcast_in_dim3A_151 = arith.constant 8 : i32
    %broadcast_in_dim3A_152 = vector.broadcast %broadcast_in_dim3A_151 : i32 to vector<16xi32>
    %lt3A_153 = arith.constant 0 : i32
    %lt3A_154 = vector.broadcast %lt3A_153 : i32 to vector<16xi32>
    %lt3A_155 = arith.cmpi slt, %broadcast_in_dim3A_152, %lt3A_154 : vector<16xi32>
    %add3A_156 = arith.constant 16 : i32
    %add3A_157 = vector.broadcast %add3A_156 : i32 to vector<16xi32>
    %add3A_158 = arith.addi %broadcast_in_dim3A_152, %add3A_157 : vector<16xi32>
    %select_n3A_159 = arith.select %lt3A_155, %add3A_158, %broadcast_in_dim3A_152 : vector<16xi1>, vector<16xi32>
    %broadcast_in_dim3A_160 = vector.shape_cast %select_n3A_159 : vector<16xi32> to vector<16x1xi32>
    %gather3A_161 = vector.shape_cast %broadcast_in_dim3A_160 : vector<16x1xi32> to vector<16xi32>
    %gather3A_162 = tpu.dynamic_gather %get3A_56[%gather3A_161] in [0] : vector<16xf32>, vector<16xi32> -> vector<16xf32>
    %broadcast_in_dim3A_163 = arith.constant 9 : i32
    %broadcast_in_dim3A_164 = vector.broadcast %broadcast_in_dim3A_163 : i32 to vector<16xi32>
    %lt3A_165 = arith.constant 0 : i32
    %lt3A_166 = vector.broadcast %lt3A_165 : i32 to vector<16xi32>
    %lt3A_167 = arith.cmpi slt, %broadcast_in_dim3A_164, %lt3A_166 : vector<16xi32>
    %add3A_168 = arith.constant 16 : i32
    %add3A_169 = vector.broadcast %add3A_168 : i32 to vector<16xi32>
    %add3A_170 = arith.addi %broadcast_in_dim3A_164, %add3A_169 : vector<16xi32>
    %select_n3A_171 = arith.select %lt3A_167, %add3A_170, %broadcast_in_dim3A_164 : vector<16xi1>, vector<16xi32>
    %broadcast_in_dim3A_172 = vector.shape_cast %select_n3A_171 : vector<16xi32> to vector<16x1xi32>
    %gather3A_173 = vector.shape_cast %broadcast_in_dim3A_172 : vector<16x1xi32> to vector<16xi32>
    %gather3A_174 = tpu.dynamic_gather %get3A_56[%gather3A_173] in [0] : vector<16xf32>, vector<16xi32> -> vector<16xf32>
    %broadcast_in_dim3A_175 = arith.constant 10 : i32
    %broadcast_in_dim3A_176 = vector.broadcast %broadcast_in_dim3A_175 : i32 to vector<16xi32>
    %lt3A_177 = arith.constant 0 : i32
    %lt3A_178 = vector.broadcast %lt3A_177 : i32 to vector<16xi32>
    %lt3A_179 = arith.cmpi slt, %broadcast_in_dim3A_176, %lt3A_178 : vector<16xi32>
    %add3A_180 = arith.constant 16 : i32
    %add3A_181 = vector.broadcast %add3A_180 : i32 to vector<16xi32>
    %add3A_182 = arith.addi %broadcast_in_dim3A_176, %add3A_181 : vector<16xi32>
    %select_n3A_183 = arith.select %lt3A_179, %add3A_182, %broadcast_in_dim3A_176 : vector<16xi1>, vector<16xi32>
    %broadcast_in_dim3A_184 = vector.shape_cast %select_n3A_183 : vector<16xi32> to vector<16x1xi32>
    %gather3A_185 = vector.shape_cast %broadcast_in_dim3A_184 : vector<16x1xi32> to vector<16xi32>
    %gather3A_186 = tpu.dynamic_gather %get3A_56[%gather3A_185] in [0] : vector<16xf32>, vector<16xi32> -> vector<16xf32>
    %broadcast_in_dim3A_187 = arith.constant 11 : i32
    %broadcast_in_dim3A_188 = vector.broadcast %broadcast_in_dim3A_187 : i32 to vector<16xi32>
    %lt3A_189 = arith.constant 0 : i32
    %lt3A_190 = vector.broadcast %lt3A_189 : i32 to vector<16xi32>
    %lt3A_191 = arith.cmpi slt, %broadcast_in_dim3A_188, %lt3A_190 : vector<16xi32>
    %add3A_192 = arith.constant 16 : i32
    %add3A_193 = vector.broadcast %add3A_192 : i32 to vector<16xi32>
    %add3A_194 = arith.addi %broadcast_in_dim3A_188, %add3A_193 : vector<16xi32>
    %select_n3A_195 = arith.select %lt3A_191, %add3A_194, %broadcast_in_dim3A_188 : vector<16xi1>, vector<16xi32>
    %broadcast_in_dim3A_196 = vector.shape_cast %select_n3A_195 : vector<16xi32> to vector<16x1xi32>
    %gather3A_197 = vector.shape_cast %broadcast_in_dim3A_196 : vector<16x1xi32> to vector<16xi32>
    %gather3A_198 = tpu.dynamic_gather %get3A_56[%gather3A_197] in [0] : vector<16xf32>, vector<16xi32> -> vector<16xf32>
    %broadcast_in_dim3A_199 = arith.constant 12 : i32
    %broadcast_in_dim3A_200 = vector.broadcast %broadcast_in_dim3A_199 : i32 to vector<16xi32>
    %lt3A_201 = arith.constant 0 : i32
    %lt3A_202 = vector.broadcast %lt3A_201 : i32 to vector<16xi32>
    %lt3A_203 = arith.cmpi slt, %broadcast_in_dim3A_200, %lt3A_202 : vector<16xi32>
    %add3A_204 = arith.constant 16 : i32
    %add3A_205 = vector.broadcast %add3A_204 : i32 to vector<16xi32>
    %add3A_206 = arith.addi %broadcast_in_dim3A_200, %add3A_205 : vector<16xi32>
    %select_n3A_207 = arith.select %lt3A_203, %add3A_206, %broadcast_in_dim3A_200 : vector<16xi1>, vector<16xi32>
    %broadcast_in_dim3A_208 = vector.shape_cast %select_n3A_207 : vector<16xi32> to vector<16x1xi32>
    %gather3A_209 = vector.shape_cast %broadcast_in_dim3A_208 : vector<16x1xi32> to vector<16xi32>
    %gather3A_210 = tpu.dynamic_gather %get3A_56[%gather3A_209] in [0] : vector<16xf32>, vector<16xi32> -> vector<16xf32>
    %broadcast_in_dim3A_211 = arith.constant 13 : i32
    %broadcast_in_dim3A_212 = vector.broadcast %broadcast_in_dim3A_211 : i32 to vector<16xi32>
    %lt3A_213 = arith.constant 0 : i32
    %lt3A_214 = vector.broadcast %lt3A_213 : i32 to vector<16xi32>
    %lt3A_215 = arith.cmpi slt, %broadcast_in_dim3A_212, %lt3A_214 : vector<16xi32>
    %add3A_216 = arith.constant 16 : i32
    %add3A_217 = vector.broadcast %add3A_216 : i32 to vector<16xi32>
    %add3A_218 = arith.addi %broadcast_in_dim3A_212, %add3A_217 : vector<16xi32>
    %select_n3A_219 = arith.select %lt3A_215, %add3A_218, %broadcast_in_dim3A_212 : vector<16xi1>, vector<16xi32>
    %broadcast_in_dim3A_220 = vector.shape_cast %select_n3A_219 : vector<16xi32> to vector<16x1xi32>
    %gather3A_221 = vector.shape_cast %broadcast_in_dim3A_220 : vector<16x1xi32> to vector<16xi32>
    %gather3A_222 = tpu.dynamic_gather %get3A_56[%gather3A_221] in [0] : vector<16xf32>, vector<16xi32> -> vector<16xf32>
    %broadcast_in_dim3A_223 = arith.constant 14 : i32
    %broadcast_in_dim3A_224 = vector.broadcast %broadcast_in_dim3A_223 : i32 to vector<16xi32>
    %lt3A_225 = arith.constant 0 : i32
    %lt3A_226 = vector.broadcast %lt3A_225 : i32 to vector<16xi32>
    %lt3A_227 = arith.cmpi slt, %broadcast_in_dim3A_224, %lt3A_226 : vector<16xi32>
    %add3A_228 = arith.constant 16 : i32
    %add3A_229 = vector.broadcast %add3A_228 : i32 to vector<16xi32>
    %add3A_230 = arith.addi %broadcast_in_dim3A_224, %add3A_229 : vector<16xi32>
    %select_n3A_231 = arith.select %lt3A_227, %add3A_230, %broadcast_in_dim3A_224 : vector<16xi1>, vector<16xi32>
    %broadcast_in_dim3A_232 = vector.shape_cast %select_n3A_231 : vector<16xi32> to vector<16x1xi32>
    %gather3A_233 = vector.shape_cast %broadcast_in_dim3A_232 : vector<16x1xi32> to vector<16xi32>
    %gather3A_234 = tpu.dynamic_gather %get3A_56[%gather3A_233] in [0] : vector<16xf32>, vector<16xi32> -> vector<16xf32>
    %broadcast_in_dim3A_235 = arith.constant 15 : i32
    %broadcast_in_dim3A_236 = vector.broadcast %broadcast_in_dim3A_235 : i32 to vector<16xi32>
    %lt3A_237 = arith.constant 0 : i32
    %lt3A_238 = vector.broadcast %lt3A_237 : i32 to vector<16xi32>
    %lt3A_239 = arith.cmpi slt, %broadcast_in_dim3A_236, %lt3A_238 : vector<16xi32>
    %add3A_240 = arith.constant 16 : i32
    %add3A_241 = vector.broadcast %add3A_240 : i32 to vector<16xi32>
    %add3A_242 = arith.addi %broadcast_in_dim3A_236, %add3A_241 : vector<16xi32>
    %select_n3A_243 = arith.select %lt3A_239, %add3A_242, %broadcast_in_dim3A_236 : vector<16xi1>, vector<16xi32>
    %broadcast_in_dim3A_244 = vector.shape_cast %select_n3A_243 : vector<16xi32> to vector<16x1xi32>
    %gather3A_245 = vector.shape_cast %broadcast_in_dim3A_244 : vector<16x1xi32> to vector<16xi32>
    %gather3A_246 = tpu.dynamic_gather %get3A_56[%gather3A_245] in [0] : vector<16xf32>, vector<16xi32> -> vector<16xf32>
    %broadcast_in_dim3A_247 = vector.broadcast %mul3A_49 : i32 to vector<16xi32>
    %scan3A_248 = arith.constant 0 : i32
    %scan3A_249 = arith.constant 0 : i32
    %scan3A_250 = arith.constant 32 : i32
    %scan3A_251 = arith.addi %scan3A_249, %scan3A_250 : i32
    %scan3A_252 = arith.constant 1 : i32
    %scan3A_253 = scf.for %scan3A_255 = %scan3A_249 to %scan3A_251 step %scan3A_252 iter_args(%scan3A_256 = %scan3A_248) -> (i32)  : i32 {
      %mul3A_257 = arith.constant 32 : i32
      %mul3A_258 = arith.muli %add3A, %mul3A_257 : i32
      %add3A_259 = arith.addi %mul3A_258, %scan3A_255 : i32
      %jit3A_260 = arith.constant 128 : i32
      %div3A_261 = arith.divsi %add3A_259, %jit3A_260 : i32
      %sign3A_262 = arith.constant 0 : i32
      %sign3A_263 = arith.cmpi sgt, %add3A_259, %sign3A_262 : i32
      %sign3A_264 = arith.extui %sign3A_263 : i1 to i32
      %sign3A_265 = arith.constant 0 : i32
      %sign3A_266 = arith.cmpi slt, %add3A_259, %sign3A_265 : i32
      %sign3A_267 = arith.extui %sign3A_266 : i1 to i32
      %sign3A_268 = arith.subi %sign3A_264, %sign3A_267 : i32
      %sign3A_269 = arith.constant 0 : i32
      %sign3A_270 = arith.cmpi sgt, %jit3A_260, %sign3A_269 : i32
      %sign3A_271 = arith.extui %sign3A_270 : i1 to i32
      %sign3A_272 = arith.constant 0 : i32
      %sign3A_273 = arith.cmpi slt, %jit3A_260, %sign3A_272 : i32
      %sign3A_274 = arith.extui %sign3A_273 : i1 to i32
      %sign3A_275 = arith.subi %sign3A_271, %sign3A_274 : i32
      %ne3A_276 = arith.cmpi ne, %sign3A_268, %sign3A_275 : i32
      %rem3A_277 = arith.remsi %add3A_259, %jit3A_260 : i32
      %ne3A_278 = arith.constant 0 : i32
      %ne3A_279 = arith.cmpi ne, %rem3A_277, %ne3A_278 : i32
      %and3A_280 = arith.andi %ne3A_276, %ne3A_279 : i1
      %sub3A_281 = arith.constant 1 : i32
      %sub3A_282 = arith.subi %div3A_261, %sub3A_281 : i32
      %select_n3A_283 = arith.select %and3A_280, %sub3A_282, %div3A_261 : i32
      %jit3A_284 = arith.constant 128 : i32
      %eq3A_285 = arith.constant 0 : i32
      %eq3A_286 = arith.cmpi eq, %jit3A_284, %eq3A_285 : i32
      %jit3A_287 = arith.constant 1 : i32
      %select_n3A_288 = arith.select %eq3A_286, %jit3A_287, %jit3A_284 : i32
      %rem3A_289 = arith.remsi %add3A_259, %select_n3A_288 : i32
      %ne3A_290 = arith.constant 0 : i32
      %ne3A_291 = arith.cmpi ne, %rem3A_289, %ne3A_290 : i32
      %lt3A_292 = arith.constant 0 : i32
      %lt3A_293 = arith.cmpi slt, %rem3A_289, %lt3A_292 : i32
      %lt3A_294 = arith.constant 0 : i32
      %lt3A_295 = arith.cmpi slt, %select_n3A_288, %lt3A_294 : i32
      %ne3A_296 = arith.xori %lt3A_293, %lt3A_295 : i1
      %and3A_297 = arith.andi %ne3A_296, %ne3A_291 : i1
      %add3A_298 = arith.addi %rem3A_289, %select_n3A_288 : i32
      %select_n3A_299 = arith.select %and3A_297, %add3A_298, %rem3A_289 : i32
      %mul3A_300 = arith.constant 4 : i32
      %mul3A_301 = arith.muli %select_n3A_299, %mul3A_300 : i32
      %mul3A_302 = arith.constant 2048 : i32
      %mul3A_303 = arith.muli %add3A_259, %mul3A_302 : i32
      "tpu.region"() ({
        %run_scoped3A = tpu.sem_alloc : memref<!tpu.dma_semaphore, #tpu.memory_space<semaphore_mem>>
        %dma_start3A = tpu.memref_slice %arg2[%mul3A_303] : memref<2097152xf32, #tpu.memory_space<hbm>> -> memref<2048xf32, #tpu.memory_space<hbm>>
        %dma_start3A_361 = tpu.memref_slice %arg2[%mul3A_303] : memref<2097152xf32, #tpu.memory_space<hbm>> -> memref<2048xf32, #tpu.memory_space<hbm>>
        tpu.enqueue_dma source(%dma_start3A_361 : memref<2048xf32, #tpu.memory_space<hbm>>) target(%arg9 : memref<2048xf32, #tpu.memory_space<vmem>>) target_semaphore(%run_scoped3A : memref<!tpu.dma_semaphore, #tpu.memory_space<semaphore_mem>>)
        %dma_wait3A = tpu.memref_slice %arg2[%mul3A_303] : memref<2097152xf32, #tpu.memory_space<hbm>> -> memref<2048xf32, #tpu.memory_space<hbm>>
        %dma_wait3A_362 = tpu.memref_slice %arg2[%mul3A_303] : memref<2097152xf32, #tpu.memory_space<hbm>> -> memref<2048xf32, #tpu.memory_space<hbm>>
        tpu.wait_dma2 semaphore(%run_scoped3A : memref<!tpu.dma_semaphore, #tpu.memory_space<semaphore_mem>>) src(%dma_wait3A_362 : memref<2048xf32, #tpu.memory_space<hbm>>) dst(%arg9 : memref<2048xf32, #tpu.memory_space<vmem>>)
        tpu.yield
      }) : () -> ()
      %scan3A_304 = arith.constant 0 : i32
      %scan3A_305 = arith.constant 0 : i32
      %scan3A_306 = arith.constant 16 : i32
      %scan3A_307 = arith.addi %scan3A_305, %scan3A_306 : i32
      %scan3A_308 = arith.constant 1 : i32
      %scan3A_309 = scf.for %scan3A_361 = %scan3A_305 to %scan3A_307 step %scan3A_308 iter_args(%scan3A_362 = %scan3A_304) -> (i32)  : i32 {
        %jit3A_363 = arith.constant 4 : i32
        %div3A_364 = arith.divsi %scan3A_361, %jit3A_363 : i32
        %sign3A_365 = arith.constant 0 : i32
        %sign3A_366 = arith.cmpi sgt, %scan3A_361, %sign3A_365 : i32
        %sign3A_367 = arith.extui %sign3A_366 : i1 to i32
        %sign3A_368 = arith.constant 0 : i32
        %sign3A_369 = arith.cmpi slt, %scan3A_361, %sign3A_368 : i32
        %sign3A_370 = arith.extui %sign3A_369 : i1 to i32
        %sign3A_371 = arith.subi %sign3A_367, %sign3A_370 : i32
        %sign3A_372 = arith.constant 0 : i32
        %sign3A_373 = arith.cmpi sgt, %jit3A_363, %sign3A_372 : i32
        %sign3A_374 = arith.extui %sign3A_373 : i1 to i32
        %sign3A_375 = arith.constant 0 : i32
        %sign3A_376 = arith.cmpi slt, %jit3A_363, %sign3A_375 : i32
        %sign3A_377 = arith.extui %sign3A_376 : i1 to i32
        %sign3A_378 = arith.subi %sign3A_374, %sign3A_377 : i32
        %ne3A_379 = arith.cmpi ne, %sign3A_371, %sign3A_378 : i32
        %rem3A_380 = arith.remsi %scan3A_361, %jit3A_363 : i32
        %ne3A_381 = arith.constant 0 : i32
        %ne3A_382 = arith.cmpi ne, %rem3A_380, %ne3A_381 : i32
        %and3A_383 = arith.andi %ne3A_379, %ne3A_382 : i1
        %sub3A_384 = arith.constant 1 : i32
        %sub3A_385 = arith.subi %div3A_364, %sub3A_384 : i32
        %select_n3A_386 = arith.select %and3A_383, %sub3A_385, %div3A_364 : i32
        %jit3A_387 = arith.constant 4 : i32
        %eq3A_388 = arith.constant 0 : i32
        %eq3A_389 = arith.cmpi eq, %jit3A_387, %eq3A_388 : i32
        %jit3A_390 = arith.constant 1 : i32
        %select_n3A_391 = arith.select %eq3A_389, %jit3A_390, %jit3A_387 : i32
        %rem3A_392 = arith.remsi %scan3A_361, %select_n3A_391 : i32
        %ne3A_393 = arith.constant 0 : i32
        %ne3A_394 = arith.cmpi ne, %rem3A_392, %ne3A_393 : i32
        %lt3A_395 = arith.constant 0 : i32
        %lt3A_396 = arith.cmpi slt, %rem3A_392, %lt3A_395 : i32
        %lt3A_397 = arith.constant 0 : i32
        %lt3A_398 = arith.cmpi slt, %select_n3A_391, %lt3A_397 : i32
        %ne3A_399 = arith.xori %lt3A_396, %lt3A_398 : i1
        %and3A_400 = arith.andi %ne3A_399, %ne3A_394 : i1
        %add3A_401 = arith.addi %rem3A_392, %select_n3A_391 : i32
        %select_n3A_402 = arith.select %and3A_400, %add3A_401, %rem3A_392 : i32
        %mul3A_403 = arith.constant 2097152 : i32
        %mul3A_404 = arith.muli %select_n3A_283, %mul3A_403 : i32
        %mul3A_405 = arith.constant 524288 : i32
        %mul3A_406 = arith.muli %select_n3A_386, %mul3A_405 : i32
        %add3A_407 = arith.addi %mul3A_404, %mul3A_406 : i32
        %add3A_408 = arith.addi %mul3A_301, %select_n3A_402 : i32
        %mul3A_409 = arith.constant 1024 : i32
        %mul3A_410 = arith.muli %add3A_408, %mul3A_409 : i32
        %add3A_411 = arith.addi %add3A_407, %mul3A_410 : i32
        %mul3A_412 = arith.constant 4096 : i32
        %mul3A_413 = arith.muli %select_n3A_386, %mul3A_412 : i32
        %mul3A_414 = arith.constant 1024 : i32
        %mul3A_415 = arith.muli %select_n3A_402, %mul3A_414 : i32
        %add3A_416 = arith.addi %mul3A_413, %mul3A_415 : i32
        %dma_start3A = tpu.memref_slice %arg12[%add3A_416] : memref<16384xf32, #tpu.memory_space<vmem>> -> memref<1024xf32, #tpu.memory_space<vmem>>
        %dma_start3A_417 = tpu.memref_slice %arg4[%add3A_411] : memref<16777216xf32, #tpu.memory_space<hbm>> -> memref<1024xf32, #tpu.memory_space<hbm>>
        %dma_start3A_418 = tpu.memref_slice %arg12[%add3A_416] : memref<16384xf32, #tpu.memory_space<vmem>> -> memref<1024xf32, #tpu.memory_space<vmem>>
        %dma_start3A_419 = tpu.memref_slice %arg4[%add3A_411] : memref<16777216xf32, #tpu.memory_space<hbm>> -> memref<1024xf32, #tpu.memory_space<hbm>>
        tpu.enqueue_dma source(%dma_start3A_419 : memref<1024xf32, #tpu.memory_space<hbm>>) target(%dma_start3A_418 : memref<1024xf32, #tpu.memory_space<vmem>>) target_semaphore(%arg16 : memref<!tpu.dma_semaphore, #tpu.memory_space<semaphore_mem>>)
        %scan3A_420 = arith.constant 0 : i32
        scf.yield %scan3A_420 : i32
      }
      %scan3A_310 = arith.constant 16 : i32
      %scan3A_311 = arith.constant 0 : i32
      %scan3A_312 = arith.constant 0 : i32
      %scan3A_313 = arith.constant 32 : i32
      %scan3A_314 = arith.addi %scan3A_312, %scan3A_313 : i32
      %scan3A_315 = arith.constant 1 : i32
      %scan3A_316 = scf.for %scan3A_361 = %scan3A_312 to %scan3A_314 step %scan3A_315 iter_args(%scan3A_362 = %scan3A_311) -> (i32)  : i32 {
        %jit3A_363 = arith.constant 8 : i32
        %div3A_364 = arith.divsi %scan3A_361, %jit3A_363 : i32
        %sign3A_365 = arith.constant 0 : i32
        %sign3A_366 = arith.cmpi sgt, %scan3A_361, %sign3A_365 : i32
        %sign3A_367 = arith.extui %sign3A_366 : i1 to i32
        %sign3A_368 = arith.constant 0 : i32
        %sign3A_369 = arith.cmpi slt, %scan3A_361, %sign3A_368 : i32
        %sign3A_370 = arith.extui %sign3A_369 : i1 to i32
        %sign3A_371 = arith.subi %sign3A_367, %sign3A_370 : i32
        %sign3A_372 = arith.constant 0 : i32
        %sign3A_373 = arith.cmpi sgt, %jit3A_363, %sign3A_372 : i32
        %sign3A_374 = arith.extui %sign3A_373 : i1 to i32
        %sign3A_375 = arith.constant 0 : i32
        %sign3A_376 = arith.cmpi slt, %jit3A_363, %sign3A_375 : i32
        %sign3A_377 = arith.extui %sign3A_376 : i1 to i32
        %sign3A_378 = arith.subi %sign3A_374, %sign3A_377 : i32
        %ne3A_379 = arith.cmpi ne, %sign3A_371, %sign3A_378 : i32
        %rem3A_380 = arith.remsi %scan3A_361, %jit3A_363 : i32
        %ne3A_381 = arith.constant 0 : i32
        %ne3A_382 = arith.cmpi ne, %rem3A_380, %ne3A_381 : i32
        %and3A_383 = arith.andi %ne3A_379, %ne3A_382 : i1
        %sub3A_384 = arith.constant 1 : i32
        %sub3A_385 = arith.subi %div3A_364, %sub3A_384 : i32
        %select_n3A_386 = arith.select %and3A_383, %sub3A_385, %div3A_364 : i32
        %mul3A_387 = arith.constant 512 : i32
        %mul3A_388 = arith.muli %select_n3A_386, %mul3A_387 : i32
        %jit3A_389 = arith.constant 8 : i32
        %eq3A_390 = arith.constant 0 : i32
        %eq3A_391 = arith.cmpi eq, %jit3A_389, %eq3A_390 : i32
        %jit3A_392 = arith.constant 1 : i32
        %select_n3A_393 = arith.select %eq3A_391, %jit3A_392, %jit3A_389 : i32
        %rem3A_394 = arith.remsi %scan3A_361, %select_n3A_393 : i32
        %ne3A_395 = arith.constant 0 : i32
        %ne3A_396 = arith.cmpi ne, %rem3A_394, %ne3A_395 : i32
        %lt3A_397 = arith.constant 0 : i32
        %lt3A_398 = arith.cmpi slt, %rem3A_394, %lt3A_397 : i32
        %lt3A_399 = arith.constant 0 : i32
        %lt3A_400 = arith.cmpi slt, %select_n3A_393, %lt3A_399 : i32
        %ne3A_401 = arith.xori %lt3A_398, %lt3A_400 : i1
        %and3A_402 = arith.andi %ne3A_401, %ne3A_396 : i1
        %add3A_403 = arith.addi %rem3A_394, %select_n3A_393 : i32
        %select_n3A_404 = arith.select %and3A_402, %add3A_403, %rem3A_394 : i32
        %mul3A_405 = arith.constant 16 : i32
        %mul3A_406 = arith.muli %select_n3A_404, %mul3A_405 : i32
        %add3A_407 = arith.addi %mul3A_388, %mul3A_406 : i32
        %add3A_408 = arith.constant 0 : i32
        %add3A_409 = arith.addi %add3A_407, %add3A_408 : i32
        %get3A_410 = arith.index_cast %add3A_409 : i32 to index
        %get3A_411 = tpu.vector_load %arg9[%get3A_410] {strides = array<i32>} : memref<2048xf32, #tpu.memory_space<vmem>>, vector<16xf32>,
        %add3A_412 = arith.constant 128 : i32
        %add3A_413 = arith.addi %add3A_407, %add3A_412 : i32
        %get3A_414 = arith.index_cast %add3A_413 : i32 to index
        %get3A_415 = tpu.vector_load %arg9[%get3A_414] {strides = array<i32>} : memref<2048xf32, #tpu.memory_space<vmem>>, vector<16xf32>,
        %add3A_416 = arith.constant 256 : i32
        %add3A_417 = arith.addi %add3A_407, %add3A_416 : i32
        %get3A_418 = arith.index_cast %add3A_417 : i32 to index
        %get3A_419 = tpu.vector_load %arg9[%get3A_418] {strides = array<i32>} : memref<2048xf32, #tpu.memory_space<vmem>>, vector<16xf32>,
        %add3A_420 = arith.constant 384 : i32
        %add3A_421 = arith.addi %add3A_407, %add3A_420 : i32
        %get3A_422 = arith.index_cast %add3A_421 : i32 to index
        %get3A_423 = tpu.vector_load %arg9[%get3A_422] {strides = array<i32>} : memref<2048xf32, #tpu.memory_space<vmem>>, vector<16xf32>,
        %max3A = arith.constant 0.000000e+00 : f32
        %max3A_424 = vector.broadcast %max3A : f32 to vector<16xf32>
        %max3A_425 = arith.maximumf %get3A_411, %max3A_424 : vector<16xf32>
        %min3A = arith.constant 1.000000e+00 : f32
        %min3A_426 = vector.broadcast %min3A : f32 to vector<16xf32>
        %min3A_427 = arith.minimumf %max3A_425, %min3A_426 : vector<16xf32>
        %max3A_428 = arith.constant 0.000000e+00 : f32
        %max3A_429 = vector.broadcast %max3A_428 : f32 to vector<16xf32>
        %max3A_430 = arith.maximumf %get3A_415, %max3A_429 : vector<16xf32>
        %min3A_431 = arith.constant 1.000000e+00 : f32
        %min3A_432 = vector.broadcast %min3A_431 : f32 to vector<16xf32>
        %min3A_433 = arith.minimumf %max3A_430, %min3A_432 : vector<16xf32>
        %max3A_434 = arith.constant 0.000000e+00 : f32
        %max3A_435 = vector.broadcast %max3A_434 : f32 to vector<16xf32>
        %max3A_436 = arith.maximumf %get3A_419, %max3A_435 : vector<16xf32>
        %min3A_437 = arith.constant 1.000000e+00 : f32
        %min3A_438 = vector.broadcast %min3A_437 : f32 to vector<16xf32>
        %min3A_439 = arith.minimumf %max3A_436, %min3A_438 : vector<16xf32>
        %max3A_440 = arith.constant 0.000000e+00 : f32
        %max3A_441 = vector.broadcast %max3A_440 : f32 to vector<16xf32>
        %max3A_442 = arith.maximumf %get3A_423, %max3A_441 : vector<16xf32>
        %min3A_443 = arith.constant 1.000000e+00 : f32
        %min3A_444 = vector.broadcast %min3A_443 : f32 to vector<16xf32>
        %min3A_445 = arith.minimumf %max3A_442, %min3A_444 : vector<16xf32>
        %mul3A_446 = arith.mulf %min3A_427, %gather3A_66 : vector<16xf32>
        %convert_element_type3A = arith.fptosi %mul3A_446 : vector<16xf32> to vector<16xi32>
        %mul3A_447 = arith.mulf %min3A_433, %gather3A_66 : vector<16xf32>
        %mul3A_448 = arith.constant 2.65443584E+9 : f32
        %mul3A_449 = vector.broadcast %mul3A_448 : f32 to vector<16xf32>
        %mul3A_450 = arith.mulf %mul3A_447, %mul3A_449 : vector<16xf32>
        %mul3A_451 = arith.constant 1.52587891E-5 : f32
        %mul3A_452 = vector.broadcast %mul3A_451 : f32 to vector<16xf32>
        %mul3A_453 = arith.mulf %mul3A_450, %mul3A_452 : vector<16xf32>
        %convert_element_type3A_454 = arith.fptosi %mul3A_453 : vector<16xf32> to vector<16xi32>
        %convert_element_type3A_455 = arith.sitofp %convert_element_type3A_454 : vector<16xi32> to vector<16xf32>
        %mul3A_456 = arith.constant 6.553600e+04 : f32
        %mul3A_457 = vector.broadcast %mul3A_456 : f32 to vector<16xf32>
        %mul3A_458 = arith.mulf %convert_element_type3A_455, %mul3A_457 : vector<16xf32>
        %sub3A_459 = arith.subf %mul3A_450, %mul3A_458 : vector<16xf32>
        %convert_element_type3A_460 = arith.fptosi %sub3A_459 : vector<16xf32> to vector<16xi32>
        %xor3A = arith.xori %convert_element_type3A, %convert_element_type3A_460 : vector<16xi32>
        %mul3A_461 = arith.mulf %min3A_439, %gather3A_66 : vector<16xf32>
        %mul3A_462 = arith.constant 0x4E40095E : f32
        %mul3A_463 = vector.broadcast %mul3A_462 : f32 to vector<16xf32>
        %mul3A_464 = arith.mulf %mul3A_461, %mul3A_463 : vector<16xf32>
        %mul3A_465 = arith.constant 1.52587891E-5 : f32
        %mul3A_466 = vector.broadcast %mul3A_465 : f32 to vector<16xf32>
        %mul3A_467 = arith.mulf %mul3A_464, %mul3A_466 : vector<16xf32>
        %convert_element_type3A_468 = arith.fptosi %mul3A_467 : vector<16xf32> to vector<16xi32>
        %convert_element_type3A_469 = arith.sitofp %convert_element_type3A_468 : vector<16xi32> to vector<16xf32>
        %mul3A_470 = arith.constant 6.553600e+04 : f32
        %mul3A_471 = vector.broadcast %mul3A_470 : f32 to vector<16xf32>
        %mul3A_472 = arith.mulf %convert_element_type3A_469, %mul3A_471 : vector<16xf32>
        %sub3A_473 = arith.subf %mul3A_464, %mul3A_472 : vector<16xf32>
        %convert_element_type3A_474 = arith.fptosi %sub3A_473 : vector<16xf32> to vector<16xi32>
        %xor3A_475 = arith.xori %xor3A, %convert_element_type3A_474 : vector<16xi32>
        %mul3A_476 = arith.mulf %min3A_445, %gather3A_66 : vector<16xf32>
        %mul3A_477 = arith.constant 3.67465344E+9 : f32
        %mul3A_478 = vector.broadcast %mul3A_477 : f32 to vector<16xf32>
        %mul3A_479 = arith.mulf %mul3A_476, %mul3A_478 : vector<16xf32>
        %mul3A_480 = arith.constant 1.52587891E-5 : f32
        %mul3A_481 = vector.broadcast %mul3A_480 : f32 to vector<16xf32>
        %mul3A_482 = arith.mulf %mul3A_479, %mul3A_481 : vector<16xf32>
        %convert_element_type3A_483 = arith.fptosi %mul3A_482 : vector<16xf32> to vector<16xi32>
        %convert_element_type3A_484 = arith.sitofp %convert_element_type3A_483 : vector<16xi32> to vector<16xf32>
        %mul3A_485 = arith.constant 6.553600e+04 : f32
        %mul3A_486 = vector.broadcast %mul3A_485 : f32 to vector<16xf32>
        %mul3A_487 = arith.mulf %convert_element_type3A_484, %mul3A_486 : vector<16xf32>
        %sub3A_488 = arith.subf %mul3A_479, %mul3A_487 : vector<16xf32>
        %convert_element_type3A_489 = arith.fptosi %sub3A_488 : vector<16xf32> to vector<16xi32>
        %xor3A_490 = arith.xori %xor3A_475, %convert_element_type3A_489 : vector<16xi32>
        %add3A_491 = arith.constant 0 : i32
        %add3A_492 = vector.broadcast %add3A_491 : i32 to vector<16xi32>
        %add3A_493 = arith.addi %xor3A_490, %add3A_492 : vector<16xi32>
        %add3A_494 = arith.addi %add3A_493, %broadcast_in_dim3A_247 : vector<16xi32>
        %mul3A_495 = arith.constant 16 : i32
        %mul3A_496 = arith.muli %scan3A_361, %mul3A_495 : i32
        %add3A_497 = arith.constant 0 : i32
        %add3A_498 = arith.addi %add3A_497, %mul3A_496 : i32
        %swap3A = arith.index_cast %add3A_498 : i32 to index
        %swap3A_499 = tpu.vector_load %arg10[%swap3A] {strides = array<i32>} : memref<8192xi32, #tpu.memory_space<vmem>>, vector<16xi32>,
        tpu.vector_store %arg10[%swap3A], %add3A_494 {strides = array<i32>} : memref<8192xi32, #tpu.memory_space<vmem>>, vector<16xi32>,
        %mul3A_500 = arith.mulf %min3A_427, %gather3A_78 : vector<16xf32>
        %convert_element_type3A_501 = arith.fptosi %mul3A_500 : vector<16xf32> to vector<16xi32>
        %mul3A_502 = arith.mulf %min3A_433, %gather3A_78 : vector<16xf32>
        %mul3A_503 = arith.constant 2.65443584E+9 : f32
        %mul3A_504 = vector.broadcast %mul3A_503 : f32 to vector<16xf32>
        %mul3A_505 = arith.mulf %mul3A_502, %mul3A_504 : vector<16xf32>
        %mul3A_506 = arith.constant 1.52587891E-5 : f32
        %mul3A_507 = vector.broadcast %mul3A_506 : f32 to vector<16xf32>
        %mul3A_508 = arith.mulf %mul3A_505, %mul3A_507 : vector<16xf32>
        %convert_element_type3A_509 = arith.fptosi %mul3A_508 : vector<16xf32> to vector<16xi32>
        %convert_element_type3A_510 = arith.sitofp %convert_element_type3A_509 : vector<16xi32> to vector<16xf32>
        %mul3A_511 = arith.constant 6.553600e+04 : f32
        %mul3A_512 = vector.broadcast %mul3A_511 : f32 to vector<16xf32>
        %mul3A_513 = arith.mulf %convert_element_type3A_510, %mul3A_512 : vector<16xf32>
        %sub3A_514 = arith.subf %mul3A_505, %mul3A_513 : vector<16xf32>
        %convert_element_type3A_515 = arith.fptosi %sub3A_514 : vector<16xf32> to vector<16xi32>
        %xor3A_516 = arith.xori %convert_element_type3A_501, %convert_element_type3A_515 : vector<16xi32>
        %mul3A_517 = arith.mulf %min3A_439, %gather3A_78 : vector<16xf32>
        %mul3A_518 = arith.constant 0x4E40095E : f32
        %mul3A_519 = vector.broadcast %mul3A_518 : f32 to vector<16xf32>
        %mul3A_520 = arith.mulf %mul3A_517, %mul3A_519 : vector<16xf32>
        %mul3A_521 = arith.constant 1.52587891E-5 : f32
        %mul3A_522 = vector.broadcast %mul3A_521 : f32 to vector<16xf32>
        %mul3A_523 = arith.mulf %mul3A_520, %mul3A_522 : vector<16xf32>
        %convert_element_type3A_524 = arith.fptosi %mul3A_523 : vector<16xf32> to vector<16xi32>
        %convert_element_type3A_525 = arith.sitofp %convert_element_type3A_524 : vector<16xi32> to vector<16xf32>
        %mul3A_526 = arith.constant 6.553600e+04 : f32
        %mul3A_527 = vector.broadcast %mul3A_526 : f32 to vector<16xf32>
        %mul3A_528 = arith.mulf %convert_element_type3A_525, %mul3A_527 : vector<16xf32>
        %sub3A_529 = arith.subf %mul3A_520, %mul3A_528 : vector<16xf32>
        %convert_element_type3A_530 = arith.fptosi %sub3A_529 : vector<16xf32> to vector<16xi32>
        %xor3A_531 = arith.xori %xor3A_516, %convert_element_type3A_530 : vector<16xi32>
        %mul3A_532 = arith.mulf %min3A_445, %gather3A_78 : vector<16xf32>
        %mul3A_533 = arith.constant 3.67465344E+9 : f32
        %mul3A_534 = vector.broadcast %mul3A_533 : f32 to vector<16xf32>
        %mul3A_535 = arith.mulf %mul3A_532, %mul3A_534 : vector<16xf32>
        %mul3A_536 = arith.constant 1.52587891E-5 : f32
        %mul3A_537 = vector.broadcast %mul3A_536 : f32 to vector<16xf32>
        %mul3A_538 = arith.mulf %mul3A_535, %mul3A_537 : vector<16xf32>
        %convert_element_type3A_539 = arith.fptosi %mul3A_538 : vector<16xf32> to vector<16xi32>
        %convert_element_type3A_540 = arith.sitofp %convert_element_type3A_539 : vector<16xi32> to vector<16xf32>
        %mul3A_541 = arith.constant 6.553600e+04 : f32
        %mul3A_542 = vector.broadcast %mul3A_541 : f32 to vector<16xf32>
        %mul3A_543 = arith.mulf %convert_element_type3A_540, %mul3A_542 : vector<16xf32>
        %sub3A_544 = arith.subf %mul3A_535, %mul3A_543 : vector<16xf32>
        %convert_element_type3A_545 = arith.fptosi %sub3A_544 : vector<16xf32> to vector<16xi32>
        %xor3A_546 = arith.xori %xor3A_531, %convert_element_type3A_545 : vector<16xi32>
        %add3A_547 = arith.constant 65536 : i32
        %add3A_548 = vector.broadcast %add3A_547 : i32 to vector<16xi32>
        %add3A_549 = arith.addi %xor3A_546, %add3A_548 : vector<16xi32>
        %add3A_550 = arith.addi %add3A_549, %broadcast_in_dim3A_247 : vector<16xi32>
        %mul3A_551 = arith.constant 16 : i32
        %mul3A_552 = arith.muli %scan3A_361, %mul3A_551 : i32
        %add3A_553 = arith.constant 512 : i32
        %add3A_554 = arith.addi %add3A_553, %mul3A_552 : i32
        %swap3A_555 = arith.index_cast %add3A_554 : i32 to index
        %swap3A_556 = tpu.vector_load %arg10[%swap3A_555] {strides = array<i32>} : memref<8192xi32, #tpu.memory_space<vmem>>, vector<16xi32>,
        tpu.vector_store %arg10[%swap3A_555], %add3A_550 {strides = array<i32>} : memref<8192xi32, #tpu.memory_space<vmem>>, vector<16xi32>,
        %mul3A_557 = arith.mulf %min3A_427, %gather3A_90 : vector<16xf32>
        %convert_element_type3A_558 = arith.fptosi %mul3A_557 : vector<16xf32> to vector<16xi32>
        %mul3A_559 = arith.mulf %min3A_433, %gather3A_90 : vector<16xf32>
        %mul3A_560 = arith.constant 2.65443584E+9 : f32
        %mul3A_561 = vector.broadcast %mul3A_560 : f32 to vector<16xf32>
        %mul3A_562 = arith.mulf %mul3A_559, %mul3A_561 : vector<16xf32>
        %mul3A_563 = arith.constant 1.52587891E-5 : f32
        %mul3A_564 = vector.broadcast %mul3A_563 : f32 to vector<16xf32>
        %mul3A_565 = arith.mulf %mul3A_562, %mul3A_564 : vector<16xf32>
        %convert_element_type3A_566 = arith.fptosi %mul3A_565 : vector<16xf32> to vector<16xi32>
        %convert_element_type3A_567 = arith.sitofp %convert_element_type3A_566 : vector<16xi32> to vector<16xf32>
        %mul3A_568 = arith.constant 6.553600e+04 : f32
        %mul3A_569 = vector.broadcast %mul3A_568 : f32 to vector<16xf32>
        %mul3A_570 = arith.mulf %convert_element_type3A_567, %mul3A_569 : vector<16xf32>
        %sub3A_571 = arith.subf %mul3A_562, %mul3A_570 : vector<16xf32>
        %convert_element_type3A_572 = arith.fptosi %sub3A_571 : vector<16xf32> to vector<16xi32>
        %xor3A_573 = arith.xori %convert_element_type3A_558, %convert_element_type3A_572 : vector<16xi32>
        %mul3A_574 = arith.mulf %min3A_439, %gather3A_90 : vector<16xf32>
        %mul3A_575 = arith.constant 0x4E40095E : f32
        %mul3A_576 = vector.broadcast %mul3A_575 : f32 to vector<16xf32>
        %mul3A_577 = arith.mulf %mul3A_574, %mul3A_576 : vector<16xf32>
        %mul3A_578 = arith.constant 1.52587891E-5 : f32
        %mul3A_579 = vector.broadcast %mul3A_578 : f32 to vector<16xf32>
        %mul3A_580 = arith.mulf %mul3A_577, %mul3A_579 : vector<16xf32>
        %convert_element_type3A_581 = arith.fptosi %mul3A_580 : vector<16xf32> to vector<16xi32>
        %convert_element_type3A_582 = arith.sitofp %convert_element_type3A_581 : vector<16xi32> to vector<16xf32>
        %mul3A_583 = arith.constant 6.553600e+04 : f32
        %mul3A_584 = vector.broadcast %mul3A_583 : f32 to vector<16xf32>
        %mul3A_585 = arith.mulf %convert_element_type3A_582, %mul3A_584 : vector<16xf32>
        %sub3A_586 = arith.subf %mul3A_577, %mul3A_585 : vector<16xf32>
        %convert_element_type3A_587 = arith.fptosi %sub3A_586 : vector<16xf32> to vector<16xi32>
        %xor3A_588 = arith.xori %xor3A_573, %convert_element_type3A_587 : vector<16xi32>
        %mul3A_589 = arith.mulf %min3A_445, %gather3A_90 : vector<16xf32>
        %mul3A_590 = arith.constant 3.67465344E+9 : f32
        %mul3A_591 = vector.broadcast %mul3A_590 : f32 to vector<16xf32>
        %mul3A_592 = arith.mulf %mul3A_589, %mul3A_591 : vector<16xf32>
        %mul3A_593 = arith.constant 1.52587891E-5 : f32
        %mul3A_594 = vector.broadcast %mul3A_593 : f32 to vector<16xf32>
        %mul3A_595 = arith.mulf %mul3A_592, %mul3A_594 : vector<16xf32>
        %convert_element_type3A_596 = arith.fptosi %mul3A_595 : vector<16xf32> to vector<16xi32>
        %convert_element_type3A_597 = arith.sitofp %convert_element_type3A_596 : vector<16xi32> to vector<16xf32>
        %mul3A_598 = arith.constant 6.553600e+04 : f32
        %mul3A_599 = vector.broadcast %mul3A_598 : f32 to vector<16xf32>
        %mul3A_600 = arith.mulf %convert_element_type3A_597, %mul3A_599 : vector<16xf32>
        %sub3A_601 = arith.subf %mul3A_592, %mul3A_600 : vector<16xf32>
        %convert_element_type3A_602 = arith.fptosi %sub3A_601 : vector<16xf32> to vector<16xi32>
        %xor3A_603 = arith.xori %xor3A_588, %convert_element_type3A_602 : vector<16xi32>
        %add3A_604 = arith.constant 131072 : i32
        %add3A_605 = vector.broadcast %add3A_604 : i32 to vector<16xi32>
        %add3A_606 = arith.addi %xor3A_603, %add3A_605 : vector<16xi32>
        %add3A_607 = arith.addi %add3A_606, %broadcast_in_dim3A_247 : vector<16xi32>
        %mul3A_608 = arith.constant 16 : i32
        %mul3A_609 = arith.muli %scan3A_361, %mul3A_608 : i32
        %add3A_610 = arith.constant 1024 : i32
        %add3A_611 = arith.addi %add3A_610, %mul3A_609 : i32
        %swap3A_612 = arith.index_cast %add3A_611 : i32 to index
        %swap3A_613 = tpu.vector_load %arg10[%swap3A_612] {strides = array<i32>} : memref<8192xi32, #tpu.memory_space<vmem>>, vector<16xi32>,
        tpu.vector_store %arg10[%swap3A_612], %add3A_607 {strides = array<i32>} : memref<8192xi32, #tpu.memory_space<vmem>>, vector<16xi32>,
        %mul3A_614 = arith.mulf %min3A_427, %gather3A_102 : vector<16xf32>
        %convert_element_type3A_615 = arith.fptosi %mul3A_614 : vector<16xf32> to vector<16xi32>
        %mul3A_616 = arith.mulf %min3A_433, %gather3A_102 : vector<16xf32>
        %mul3A_617 = arith.constant 2.65443584E+9 : f32
        %mul3A_618 = vector.broadcast %mul3A_617 : f32 to vector<16xf32>
        %mul3A_619 = arith.mulf %mul3A_616, %mul3A_618 : vector<16xf32>
        %mul3A_620 = arith.constant 1.52587891E-5 : f32
        %mul3A_621 = vector.broadcast %mul3A_620 : f32 to vector<16xf32>
        %mul3A_622 = arith.mulf %mul3A_619, %mul3A_621 : vector<16xf32>
        %convert_element_type3A_623 = arith.fptosi %mul3A_622 : vector<16xf32> to vector<16xi32>
        %convert_element_type3A_624 = arith.sitofp %convert_element_type3A_623 : vector<16xi32> to vector<16xf32>
        %mul3A_625 = arith.constant 6.553600e+04 : f32
        %mul3A_626 = vector.broadcast %mul3A_625 : f32 to vector<16xf32>
        %mul3A_627 = arith.mulf %convert_element_type3A_624, %mul3A_626 : vector<16xf32>
        %sub3A_628 = arith.subf %mul3A_619, %mul3A_627 : vector<16xf32>
        %convert_element_type3A_629 = arith.fptosi %sub3A_628 : vector<16xf32> to vector<16xi32>
        %xor3A_630 = arith.xori %convert_element_type3A_615, %convert_element_type3A_629 : vector<16xi32>
        %mul3A_631 = arith.mulf %min3A_439, %gather3A_102 : vector<16xf32>
        %mul3A_632 = arith.constant 0x4E40095E : f32
        %mul3A_633 = vector.broadcast %mul3A_632 : f32 to vector<16xf32>
        %mul3A_634 = arith.mulf %mul3A_631, %mul3A_633 : vector<16xf32>
        %mul3A_635 = arith.constant 1.52587891E-5 : f32
        %mul3A_636 = vector.broadcast %mul3A_635 : f32 to vector<16xf32>
        %mul3A_637 = arith.mulf %mul3A_634, %mul3A_636 : vector<16xf32>
        %convert_element_type3A_638 = arith.fptosi %mul3A_637 : vector<16xf32> to vector<16xi32>
        %convert_element_type3A_639 = arith.sitofp %convert_element_type3A_638 : vector<16xi32> to vector<16xf32>
        %mul3A_640 = arith.constant 6.553600e+04 : f32
        %mul3A_641 = vector.broadcast %mul3A_640 : f32 to vector<16xf32>
        %mul3A_642 = arith.mulf %convert_element_type3A_639, %mul3A_641 : vector<16xf32>
        %sub3A_643 = arith.subf %mul3A_634, %mul3A_642 : vector<16xf32>
        %convert_element_type3A_644 = arith.fptosi %sub3A_643 : vector<16xf32> to vector<16xi32>
        %xor3A_645 = arith.xori %xor3A_630, %convert_element_type3A_644 : vector<16xi32>
        %mul3A_646 = arith.mulf %min3A_445, %gather3A_102 : vector<16xf32>
        %mul3A_647 = arith.constant 3.67465344E+9 : f32
        %mul3A_648 = vector.broadcast %mul3A_647 : f32 to vector<16xf32>
        %mul3A_649 = arith.mulf %mul3A_646, %mul3A_648 : vector<16xf32>
        %mul3A_650 = arith.constant 1.52587891E-5 : f32
        %mul3A_651 = vector.broadcast %mul3A_650 : f32 to vector<16xf32>
        %mul3A_652 = arith.mulf %mul3A_649, %mul3A_651 : vector<16xf32>
        %convert_element_type3A_653 = arith.fptosi %mul3A_652 : vector<16xf32> to vector<16xi32>
        %convert_element_type3A_654 = arith.sitofp %convert_element_type3A_653 : vector<16xi32> to vector<16xf32>
        %mul3A_655 = arith.constant 6.553600e+04 : f32
        %mul3A_656 = vector.broadcast %mul3A_655 : f32 to vector<16xf32>
        %mul3A_657 = arith.mulf %convert_element_type3A_654, %mul3A_656 : vector<16xf32>
        %sub3A_658 = arith.subf %mul3A_649, %mul3A_657 : vector<16xf32>
        %convert_element_type3A_659 = arith.fptosi %sub3A_658 : vector<16xf32> to vector<16xi32>
        %xor3A_660 = arith.xori %xor3A_645, %convert_element_type3A_659 : vector<16xi32>
        %add3A_661 = arith.constant 196608 : i32
        %add3A_662 = vector.broadcast %add3A_661 : i32 to vector<16xi32>
        %add3A_663 = arith.addi %xor3A_660, %add3A_662 : vector<16xi32>
        %add3A_664 = arith.addi %add3A_663, %broadcast_in_dim3A_247 : vector<16xi32>
        %mul3A_665 = arith.constant 16 : i32
        %mul3A_666 = arith.muli %scan3A_361, %mul3A_665 : i32
        %add3A_667 = arith.constant 1536 : i32
        %add3A_668 = arith.addi %add3A_667, %mul3A_666 : i32
        %swap3A_669 = arith.index_cast %add3A_668 : i32 to index
        %swap3A_670 = tpu.vector_load %arg10[%swap3A_669] {strides = array<i32>} : memref<8192xi32, #tpu.memory_space<vmem>>, vector<16xi32>,
        tpu.vector_store %arg10[%swap3A_669], %add3A_664 {strides = array<i32>} : memref<8192xi32, #tpu.memory_space<vmem>>, vector<16xi32>,
        %mul3A_671 = arith.mulf %min3A_427, %gather3A_114 : vector<16xf32>
        %convert_element_type3A_672 = arith.fptosi %mul3A_671 : vector<16xf32> to vector<16xi32>
        %mul3A_673 = arith.mulf %min3A_433, %gather3A_114 : vector<16xf32>
        %mul3A_674 = arith.constant 2.65443584E+9 : f32
        %mul3A_675 = vector.broadcast %mul3A_674 : f32 to vector<16xf32>
        %mul3A_676 = arith.mulf %mul3A_673, %mul3A_675 : vector<16xf32>
        %mul3A_677 = arith.constant 1.52587891E-5 : f32
        %mul3A_678 = vector.broadcast %mul3A_677 : f32 to vector<16xf32>
        %mul3A_679 = arith.mulf %mul3A_676, %mul3A_678 : vector<16xf32>
        %convert_element_type3A_680 = arith.fptosi %mul3A_679 : vector<16xf32> to vector<16xi32>
        %convert_element_type3A_681 = arith.sitofp %convert_element_type3A_680 : vector<16xi32> to vector<16xf32>
        %mul3A_682 = arith.constant 6.553600e+04 : f32
        %mul3A_683 = vector.broadcast %mul3A_682 : f32 to vector<16xf32>
        %mul3A_684 = arith.mulf %convert_element_type3A_681, %mul3A_683 : vector<16xf32>
        %sub3A_685 = arith.subf %mul3A_676, %mul3A_684 : vector<16xf32>
        %convert_element_type3A_686 = arith.fptosi %sub3A_685 : vector<16xf32> to vector<16xi32>
        %xor3A_687 = arith.xori %convert_element_type3A_672, %convert_element_type3A_686 : vector<16xi32>
        %mul3A_688 = arith.mulf %min3A_439, %gather3A_114 : vector<16xf32>
        %mul3A_689 = arith.constant 0x4E40095E : f32
        %mul3A_690 = vector.broadcast %mul3A_689 : f32 to vector<16xf32>
        %mul3A_691 = arith.mulf %mul3A_688, %mul3A_690 : vector<16xf32>
        %mul3A_692 = arith.constant 1.52587891E-5 : f32
        %mul3A_693 = vector.broadcast %mul3A_692 : f32 to vector<16xf32>
        %mul3A_694 = arith.mulf %mul3A_691, %mul3A_693 : vector<16xf32>
        %convert_element_type3A_695 = arith.fptosi %mul3A_694 : vector<16xf32> to vector<16xi32>
        %convert_element_type3A_696 = arith.sitofp %convert_element_type3A_695 : vector<16xi32> to vector<16xf32>
        %mul3A_697 = arith.constant 6.553600e+04 : f32
        %mul3A_698 = vector.broadcast %mul3A_697 : f32 to vector<16xf32>
        %mul3A_699 = arith.mulf %convert_element_type3A_696, %mul3A_698 : vector<16xf32>
        %sub3A_700 = arith.subf %mul3A_691, %mul3A_699 : vector<16xf32>
        %convert_element_type3A_701 = arith.fptosi %sub3A_700 : vector<16xf32> to vector<16xi32>
        %xor3A_702 = arith.xori %xor3A_687, %convert_element_type3A_701 : vector<16xi32>
        %mul3A_703 = arith.mulf %min3A_445, %gather3A_114 : vector<16xf32>
        %mul3A_704 = arith.constant 3.67465344E+9 : f32
        %mul3A_705 = vector.broadcast %mul3A_704 : f32 to vector<16xf32>
        %mul3A_706 = arith.mulf %mul3A_703, %mul3A_705 : vector<16xf32>
        %mul3A_707 = arith.constant 1.52587891E-5 : f32
        %mul3A_708 = vector.broadcast %mul3A_707 : f32 to vector<16xf32>
        %mul3A_709 = arith.mulf %mul3A_706, %mul3A_708 : vector<16xf32>
        %convert_element_type3A_710 = arith.fptosi %mul3A_709 : vector<16xf32> to vector<16xi32>
        %convert_element_type3A_711 = arith.sitofp %convert_element_type3A_710 : vector<16xi32> to vector<16xf32>
        %mul3A_712 = arith.constant 6.553600e+04 : f32
        %mul3A_713 = vector.broadcast %mul3A_712 : f32 to vector<16xf32>
        %mul3A_714 = arith.mulf %convert_element_type3A_711, %mul3A_713 : vector<16xf32>
        %sub3A_715 = arith.subf %mul3A_706, %mul3A_714 : vector<16xf32>
        %convert_element_type3A_716 = arith.fptosi %sub3A_715 : vector<16xf32> to vector<16xi32>
        %xor3A_717 = arith.xori %xor3A_702, %convert_element_type3A_716 : vector<16xi32>
        %add3A_718 = arith.constant 262144 : i32
        %add3A_719 = vector.broadcast %add3A_718 : i32 to vector<16xi32>
        %add3A_720 = arith.addi %xor3A_717, %add3A_719 : vector<16xi32>
        %add3A_721 = arith.addi %add3A_720, %broadcast_in_dim3A_247 : vector<16xi32>
        %mul3A_722 = arith.constant 16 : i32
        %mul3A_723 = arith.muli %scan3A_361, %mul3A_722 : i32
        %add3A_724 = arith.constant 2048 : i32
        %add3A_725 = arith.addi %add3A_724, %mul3A_723 : i32
        %swap3A_726 = arith.index_cast %add3A_725 : i32 to index
        %swap3A_727 = tpu.vector_load %arg10[%swap3A_726] {strides = array<i32>} : memref<8192xi32, #tpu.memory_space<vmem>>, vector<16xi32>,
        tpu.vector_store %arg10[%swap3A_726], %add3A_721 {strides = array<i32>} : memref<8192xi32, #tpu.memory_space<vmem>>, vector<16xi32>,
        %mul3A_728 = arith.mulf %min3A_427, %gather3A_126 : vector<16xf32>
        %convert_element_type3A_729 = arith.fptosi %mul3A_728 : vector<16xf32> to vector<16xi32>
        %mul3A_730 = arith.mulf %min3A_433, %gather3A_126 : vector<16xf32>
        %mul3A_731 = arith.constant 2.65443584E+9 : f32
        %mul3A_732 = vector.broadcast %mul3A_731 : f32 to vector<16xf32>
        %mul3A_733 = arith.mulf %mul3A_730, %mul3A_732 : vector<16xf32>
        %mul3A_734 = arith.constant 1.52587891E-5 : f32
        %mul3A_735 = vector.broadcast %mul3A_734 : f32 to vector<16xf32>
        %mul3A_736 = arith.mulf %mul3A_733, %mul3A_735 : vector<16xf32>
        %convert_element_type3A_737 = arith.fptosi %mul3A_736 : vector<16xf32> to vector<16xi32>
        %convert_element_type3A_738 = arith.sitofp %convert_element_type3A_737 : vector<16xi32> to vector<16xf32>
        %mul3A_739 = arith.constant 6.553600e+04 : f32
        %mul3A_740 = vector.broadcast %mul3A_739 : f32 to vector<16xf32>
        %mul3A_741 = arith.mulf %convert_element_type3A_738, %mul3A_740 : vector<16xf32>
        %sub3A_742 = arith.subf %mul3A_733, %mul3A_741 : vector<16xf32>
        %convert_element_type3A_743 = arith.fptosi %sub3A_742 : vector<16xf32> to vector<16xi32>
        %xor3A_744 = arith.xori %convert_element_type3A_729, %convert_element_type3A_743 : vector<16xi32>
        %mul3A_745 = arith.mulf %min3A_439, %gather3A_126 : vector<16xf32>
        %mul3A_746 = arith.constant 0x4E40095E : f32
        %mul3A_747 = vector.broadcast %mul3A_746 : f32 to vector<16xf32>
        %mul3A_748 = arith.mulf %mul3A_745, %mul3A_747 : vector<16xf32>
        %mul3A_749 = arith.constant 1.52587891E-5 : f32
        %mul3A_750 = vector.broadcast %mul3A_749 : f32 to vector<16xf32>
        %mul3A_751 = arith.mulf %mul3A_748, %mul3A_750 : vector<16xf32>
        %convert_element_type3A_752 = arith.fptosi %mul3A_751 : vector<16xf32> to vector<16xi32>
        %convert_element_type3A_753 = arith.sitofp %convert_element_type3A_752 : vector<16xi32> to vector<16xf32>
        %mul3A_754 = arith.constant 6.553600e+04 : f32
        %mul3A_755 = vector.broadcast %mul3A_754 : f32 to vector<16xf32>
        %mul3A_756 = arith.mulf %convert_element_type3A_753, %mul3A_755 : vector<16xf32>
        %sub3A_757 = arith.subf %mul3A_748, %mul3A_756 : vector<16xf32>
        %convert_element_type3A_758 = arith.fptosi %sub3A_757 : vector<16xf32> to vector<16xi32>
        %xor3A_759 = arith.xori %xor3A_744, %convert_element_type3A_758 : vector<16xi32>
        %mul3A_760 = arith.mulf %min3A_445, %gather3A_126 : vector<16xf32>
        %mul3A_761 = arith.constant 3.67465344E+9 : f32
        %mul3A_762 = vector.broadcast %mul3A_761 : f32 to vector<16xf32>
        %mul3A_763 = arith.mulf %mul3A_760, %mul3A_762 : vector<16xf32>
        %mul3A_764 = arith.constant 1.52587891E-5 : f32
        %mul3A_765 = vector.broadcast %mul3A_764 : f32 to vector<16xf32>
        %mul3A_766 = arith.mulf %mul3A_763, %mul3A_765 : vector<16xf32>
        %convert_element_type3A_767 = arith.fptosi %mul3A_766 : vector<16xf32> to vector<16xi32>
        %convert_element_type3A_768 = arith.sitofp %convert_element_type3A_767 : vector<16xi32> to vector<16xf32>
        %mul3A_769 = arith.constant 6.553600e+04 : f32
        %mul3A_770 = vector.broadcast %mul3A_769 : f32 to vector<16xf32>
        %mul3A_771 = arith.mulf %convert_element_type3A_768, %mul3A_770 : vector<16xf32>
        %sub3A_772 = arith.subf %mul3A_763, %mul3A_771 : vector<16xf32>
        %convert_element_type3A_773 = arith.fptosi %sub3A_772 : vector<16xf32> to vector<16xi32>
        %xor3A_774 = arith.xori %xor3A_759, %convert_element_type3A_773 : vector<16xi32>
        %add3A_775 = arith.constant 327680 : i32
        %add3A_776 = vector.broadcast %add3A_775 : i32 to vector<16xi32>
        %add3A_777 = arith.addi %xor3A_774, %add3A_776 : vector<16xi32>
        %add3A_778 = arith.addi %add3A_777, %broadcast_in_dim3A_247 : vector<16xi32>
        %mul3A_779 = arith.constant 16 : i32
        %mul3A_780 = arith.muli %scan3A_361, %mul3A_779 : i32
        %add3A_781 = arith.constant 2560 : i32
        %add3A_782 = arith.addi %add3A_781, %mul3A_780 : i32
        %swap3A_783 = arith.index_cast %add3A_782 : i32 to index
        %swap3A_784 = tpu.vector_load %arg10[%swap3A_783] {strides = array<i32>} : memref<8192xi32, #tpu.memory_space<vmem>>, vector<16xi32>,
        tpu.vector_store %arg10[%swap3A_783], %add3A_778 {strides = array<i32>} : memref<8192xi32, #tpu.memory_space<vmem>>, vector<16xi32>,
        %mul3A_785 = arith.mulf %min3A_427, %gather3A_138 : vector<16xf32>
        %convert_element_type3A_786 = arith.fptosi %mul3A_785 : vector<16xf32> to vector<16xi32>
        %mul3A_787 = arith.mulf %min3A_433, %gather3A_138 : vector<16xf32>
        %mul3A_788 = arith.constant 2.65443584E+9 : f32
        %mul3A_789 = vector.broadcast %mul3A_788 : f32 to vector<16xf32>
        %mul3A_790 = arith.mulf %mul3A_787, %mul3A_789 : vector<16xf32>
        %mul3A_791 = arith.constant 1.52587891E-5 : f32
        %mul3A_792 = vector.broadcast %mul3A_791 : f32 to vector<16xf32>
        %mul3A_793 = arith.mulf %mul3A_790, %mul3A_792 : vector<16xf32>
        %convert_element_type3A_794 = arith.fptosi %mul3A_793 : vector<16xf32> to vector<16xi32>
        %convert_element_type3A_795 = arith.sitofp %convert_element_type3A_794 : vector<16xi32> to vector<16xf32>
        %mul3A_796 = arith.constant 6.553600e+04 : f32
        %mul3A_797 = vector.broadcast %mul3A_796 : f32 to vector<16xf32>
        %mul3A_798 = arith.mulf %convert_element_type3A_795, %mul3A_797 : vector<16xf32>
        %sub3A_799 = arith.subf %mul3A_790, %mul3A_798 : vector<16xf32>
        %convert_element_type3A_800 = arith.fptosi %sub3A_799 : vector<16xf32> to vector<16xi32>
        %xor3A_801 = arith.xori %convert_element_type3A_786, %convert_element_type3A_800 : vector<16xi32>
        %mul3A_802 = arith.mulf %min3A_439, %gather3A_138 : vector<16xf32>
        %mul3A_803 = arith.constant 0x4E40095E : f32
        %mul3A_804 = vector.broadcast %mul3A_803 : f32 to vector<16xf32>
        %mul3A_805 = arith.mulf %mul3A_802, %mul3A_804 : vector<16xf32>
        %mul3A_806 = arith.constant 1.52587891E-5 : f32
        %mul3A_807 = vector.broadcast %mul3A_806 : f32 to vector<16xf32>
        %mul3A_808 = arith.mulf %mul3A_805, %mul3A_807 : vector<16xf32>
        %convert_element_type3A_809 = arith.fptosi %mul3A_808 : vector<16xf32> to vector<16xi32>
        %convert_element_type3A_810 = arith.sitofp %convert_element_type3A_809 : vector<16xi32> to vector<16xf32>
        %mul3A_811 = arith.constant 6.553600e+04 : f32
        %mul3A_812 = vector.broadcast %mul3A_811 : f32 to vector<16xf32>
        %mul3A_813 = arith.mulf %convert_element_type3A_810, %mul3A_812 : vector<16xf32>
        %sub3A_814 = arith.subf %mul3A_805, %mul3A_813 : vector<16xf32>
        %convert_element_type3A_815 = arith.fptosi %sub3A_814 : vector<16xf32> to vector<16xi32>
        %xor3A_816 = arith.xori %xor3A_801, %convert_element_type3A_815 : vector<16xi32>
        %mul3A_817 = arith.mulf %min3A_445, %gather3A_138 : vector<16xf32>
        %mul3A_818 = arith.constant 3.67465344E+9 : f32
        %mul3A_819 = vector.broadcast %mul3A_818 : f32 to vector<16xf32>
        %mul3A_820 = arith.mulf %mul3A_817, %mul3A_819 : vector<16xf32>
        %mul3A_821 = arith.constant 1.52587891E-5 : f32
        %mul3A_822 = vector.broadcast %mul3A_821 : f32 to vector<16xf32>
        %mul3A_823 = arith.mulf %mul3A_820, %mul3A_822 : vector<16xf32>
        %convert_element_type3A_824 = arith.fptosi %mul3A_823 : vector<16xf32> to vector<16xi32>
        %convert_element_type3A_825 = arith.sitofp %convert_element_type3A_824 : vector<16xi32> to vector<16xf32>
        %mul3A_826 = arith.constant 6.553600e+04 : f32
        %mul3A_827 = vector.broadcast %mul3A_826 : f32 to vector<16xf32>
        %mul3A_828 = arith.mulf %convert_element_type3A_825, %mul3A_827 : vector<16xf32>
        %sub3A_829 = arith.subf %mul3A_820, %mul3A_828 : vector<16xf32>
        %convert_element_type3A_830 = arith.fptosi %sub3A_829 : vector<16xf32> to vector<16xi32>
        %xor3A_831 = arith.xori %xor3A_816, %convert_element_type3A_830 : vector<16xi32>
        %add3A_832 = arith.constant 393216 : i32
        %add3A_833 = vector.broadcast %add3A_832 : i32 to vector<16xi32>
        %add3A_834 = arith.addi %xor3A_831, %add3A_833 : vector<16xi32>
        %add3A_835 = arith.addi %add3A_834, %broadcast_in_dim3A_247 : vector<16xi32>
        %mul3A_836 = arith.constant 16 : i32
        %mul3A_837 = arith.muli %scan3A_361, %mul3A_836 : i32
        %add3A_838 = arith.constant 3072 : i32
        %add3A_839 = arith.addi %add3A_838, %mul3A_837 : i32
        %swap3A_840 = arith.index_cast %add3A_839 : i32 to index
        %swap3A_841 = tpu.vector_load %arg10[%swap3A_840] {strides = array<i32>} : memref<8192xi32, #tpu.memory_space<vmem>>, vector<16xi32>,
        tpu.vector_store %arg10[%swap3A_840], %add3A_835 {strides = array<i32>} : memref<8192xi32, #tpu.memory_space<vmem>>, vector<16xi32>,
        %mul3A_842 = arith.mulf %min3A_427, %gather3A_150 : vector<16xf32>
        %convert_element_type3A_843 = arith.fptosi %mul3A_842 : vector<16xf32> to vector<16xi32>
        %mul3A_844 = arith.mulf %min3A_433, %gather3A_150 : vector<16xf32>
        %mul3A_845 = arith.constant 2.65443584E+9 : f32
        %mul3A_846 = vector.broadcast %mul3A_845 : f32 to vector<16xf32>
        %mul3A_847 = arith.mulf %mul3A_844, %mul3A_846 : vector<16xf32>
        %mul3A_848 = arith.constant 1.52587891E-5 : f32
        %mul3A_849 = vector.broadcast %mul3A_848 : f32 to vector<16xf32>
        %mul3A_850 = arith.mulf %mul3A_847, %mul3A_849 : vector<16xf32>
        %convert_element_type3A_851 = arith.fptosi %mul3A_850 : vector<16xf32> to vector<16xi32>
        %convert_element_type3A_852 = arith.sitofp %convert_element_type3A_851 : vector<16xi32> to vector<16xf32>
        %mul3A_853 = arith.constant 6.553600e+04 : f32
        %mul3A_854 = vector.broadcast %mul3A_853 : f32 to vector<16xf32>
        %mul3A_855 = arith.mulf %convert_element_type3A_852, %mul3A_854 : vector<16xf32>
        %sub3A_856 = arith.subf %mul3A_847, %mul3A_855 : vector<16xf32>
        %convert_element_type3A_857 = arith.fptosi %sub3A_856 : vector<16xf32> to vector<16xi32>
        %xor3A_858 = arith.xori %convert_element_type3A_843, %convert_element_type3A_857 : vector<16xi32>
        %mul3A_859 = arith.mulf %min3A_439, %gather3A_150 : vector<16xf32>
        %mul3A_860 = arith.constant 0x4E40095E : f32
        %mul3A_861 = vector.broadcast %mul3A_860 : f32 to vector<16xf32>
        %mul3A_862 = arith.mulf %mul3A_859, %mul3A_861 : vector<16xf32>
        %mul3A_863 = arith.constant 1.52587891E-5 : f32
        %mul3A_864 = vector.broadcast %mul3A_863 : f32 to vector<16xf32>
        %mul3A_865 = arith.mulf %mul3A_862, %mul3A_864 : vector<16xf32>
        %convert_element_type3A_866 = arith.fptosi %mul3A_865 : vector<16xf32> to vector<16xi32>
        %convert_element_type3A_867 = arith.sitofp %convert_element_type3A_866 : vector<16xi32> to vector<16xf32>
        %mul3A_868 = arith.constant 6.553600e+04 : f32
        %mul3A_869 = vector.broadcast %mul3A_868 : f32 to vector<16xf32>
        %mul3A_870 = arith.mulf %convert_element_type3A_867, %mul3A_869 : vector<16xf32>
        %sub3A_871 = arith.subf %mul3A_862, %mul3A_870 : vector<16xf32>
        %convert_element_type3A_872 = arith.fptosi %sub3A_871 : vector<16xf32> to vector<16xi32>
        %xor3A_873 = arith.xori %xor3A_858, %convert_element_type3A_872 : vector<16xi32>
        %mul3A_874 = arith.mulf %min3A_445, %gather3A_150 : vector<16xf32>
        %mul3A_875 = arith.constant 3.67465344E+9 : f32
        %mul3A_876 = vector.broadcast %mul3A_875 : f32 to vector<16xf32>
        %mul3A_877 = arith.mulf %mul3A_874, %mul3A_876 : vector<16xf32>
        %mul3A_878 = arith.constant 1.52587891E-5 : f32
        %mul3A_879 = vector.broadcast %mul3A_878 : f32 to vector<16xf32>
        %mul3A_880 = arith.mulf %mul3A_877, %mul3A_879 : vector<16xf32>
        %convert_element_type3A_881 = arith.fptosi %mul3A_880 : vector<16xf32> to vector<16xi32>
        %convert_element_type3A_882 = arith.sitofp %convert_element_type3A_881 : vector<16xi32> to vector<16xf32>
        %mul3A_883 = arith.constant 6.553600e+04 : f32
        %mul3A_884 = vector.broadcast %mul3A_883 : f32 to vector<16xf32>
        %mul3A_885 = arith.mulf %convert_element_type3A_882, %mul3A_884 : vector<16xf32>
        %sub3A_886 = arith.subf %mul3A_877, %mul3A_885 : vector<16xf32>
        %convert_element_type3A_887 = arith.fptosi %sub3A_886 : vector<16xf32> to vector<16xi32>
        %xor3A_888 = arith.xori %xor3A_873, %convert_element_type3A_887 : vector<16xi32>
        %add3A_889 = arith.constant 458752 : i32
        %add3A_890 = vector.broadcast %add3A_889 : i32 to vector<16xi32>
        %add3A_891 = arith.addi %xor3A_888, %add3A_890 : vector<16xi32>
        %add3A_892 = arith.addi %add3A_891, %broadcast_in_dim3A_247 : vector<16xi32>
        %mul3A_893 = arith.constant 16 : i32
        %mul3A_894 = arith.muli %scan3A_361, %mul3A_893 : i32
        %add3A_895 = arith.constant 3584 : i32
        %add3A_896 = arith.addi %add3A_895, %mul3A_894 : i32
        %swap3A_897 = arith.index_cast %add3A_896 : i32 to index
        %swap3A_898 = tpu.vector_load %arg10[%swap3A_897] {strides = array<i32>} : memref<8192xi32, #tpu.memory_space<vmem>>, vector<16xi32>,
        tpu.vector_store %arg10[%swap3A_897], %add3A_892 {strides = array<i32>} : memref<8192xi32, #tpu.memory_space<vmem>>, vector<16xi32>,
        %mul3A_899 = arith.mulf %min3A_427, %gather3A_162 : vector<16xf32>
        %convert_element_type3A_900 = arith.fptosi %mul3A_899 : vector<16xf32> to vector<16xi32>
        %mul3A_901 = arith.mulf %min3A_433, %gather3A_162 : vector<16xf32>
        %mul3A_902 = arith.constant 2.65443584E+9 : f32
        %mul3A_903 = vector.broadcast %mul3A_902 : f32 to vector<16xf32>
        %mul3A_904 = arith.mulf %mul3A_901, %mul3A_903 : vector<16xf32>
        %mul3A_905 = arith.constant 1.52587891E-5 : f32
        %mul3A_906 = vector.broadcast %mul3A_905 : f32 to vector<16xf32>
        %mul3A_907 = arith.mulf %mul3A_904, %mul3A_906 : vector<16xf32>
        %convert_element_type3A_908 = arith.fptosi %mul3A_907 : vector<16xf32> to vector<16xi32>
        %convert_element_type3A_909 = arith.sitofp %convert_element_type3A_908 : vector<16xi32> to vector<16xf32>
        %mul3A_910 = arith.constant 6.553600e+04 : f32
        %mul3A_911 = vector.broadcast %mul3A_910 : f32 to vector<16xf32>
        %mul3A_912 = arith.mulf %convert_element_type3A_909, %mul3A_911 : vector<16xf32>
        %sub3A_913 = arith.subf %mul3A_904, %mul3A_912 : vector<16xf32>
        %convert_element_type3A_914 = arith.fptosi %sub3A_913 : vector<16xf32> to vector<16xi32>
        %xor3A_915 = arith.xori %convert_element_type3A_900, %convert_element_type3A_914 : vector<16xi32>
        %mul3A_916 = arith.mulf %min3A_439, %gather3A_162 : vector<16xf32>
        %mul3A_917 = arith.constant 0x4E40095E : f32
        %mul3A_918 = vector.broadcast %mul3A_917 : f32 to vector<16xf32>
        %mul3A_919 = arith.mulf %mul3A_916, %mul3A_918 : vector<16xf32>
        %mul3A_920 = arith.constant 1.52587891E-5 : f32
        %mul3A_921 = vector.broadcast %mul3A_920 : f32 to vector<16xf32>
        %mul3A_922 = arith.mulf %mul3A_919, %mul3A_921 : vector<16xf32>
        %convert_element_type3A_923 = arith.fptosi %mul3A_922 : vector<16xf32> to vector<16xi32>
        %convert_element_type3A_924 = arith.sitofp %convert_element_type3A_923 : vector<16xi32> to vector<16xf32>
        %mul3A_925 = arith.constant 6.553600e+04 : f32
        %mul3A_926 = vector.broadcast %mul3A_925 : f32 to vector<16xf32>
        %mul3A_927 = arith.mulf %convert_element_type3A_924, %mul3A_926 : vector<16xf32>
        %sub3A_928 = arith.subf %mul3A_919, %mul3A_927 : vector<16xf32>
        %convert_element_type3A_929 = arith.fptosi %sub3A_928 : vector<16xf32> to vector<16xi32>
        %xor3A_930 = arith.xori %xor3A_915, %convert_element_type3A_929 : vector<16xi32>
        %mul3A_931 = arith.mulf %min3A_445, %gather3A_162 : vector<16xf32>
        %mul3A_932 = arith.constant 3.67465344E+9 : f32
        %mul3A_933 = vector.broadcast %mul3A_932 : f32 to vector<16xf32>
        %mul3A_934 = arith.mulf %mul3A_931, %mul3A_933 : vector<16xf32>
        %mul3A_935 = arith.constant 1.52587891E-5 : f32
        %mul3A_936 = vector.broadcast %mul3A_935 : f32 to vector<16xf32>
        %mul3A_937 = arith.mulf %mul3A_934, %mul3A_936 : vector<16xf32>
        %convert_element_type3A_938 = arith.fptosi %mul3A_937 : vector<16xf32> to vector<16xi32>
        %convert_element_type3A_939 = arith.sitofp %convert_element_type3A_938 : vector<16xi32> to vector<16xf32>
        %mul3A_940 = arith.constant 6.553600e+04 : f32
        %mul3A_941 = vector.broadcast %mul3A_940 : f32 to vector<16xf32>
        %mul3A_942 = arith.mulf %convert_element_type3A_939, %mul3A_941 : vector<16xf32>
        %sub3A_943 = arith.subf %mul3A_934, %mul3A_942 : vector<16xf32>
        %convert_element_type3A_944 = arith.fptosi %sub3A_943 : vector<16xf32> to vector<16xi32>
        %xor3A_945 = arith.xori %xor3A_930, %convert_element_type3A_944 : vector<16xi32>
        %add3A_946 = arith.constant 524288 : i32
        %add3A_947 = vector.broadcast %add3A_946 : i32 to vector<16xi32>
        %add3A_948 = arith.addi %xor3A_945, %add3A_947 : vector<16xi32>
        %add3A_949 = arith.addi %add3A_948, %broadcast_in_dim3A_247 : vector<16xi32>
        %mul3A_950 = arith.constant 16 : i32
        %mul3A_951 = arith.muli %scan3A_361, %mul3A_950 : i32
        %add3A_952 = arith.constant 4096 : i32
        %add3A_953 = arith.addi %add3A_952, %mul3A_951 : i32
        %swap3A_954 = arith.index_cast %add3A_953 : i32 to index
        %swap3A_955 = tpu.vector_load %arg10[%swap3A_954] {strides = array<i32>} : memref<8192xi32, #tpu.memory_space<vmem>>, vector<16xi32>,
        tpu.vector_store %arg10[%swap3A_954], %add3A_949 {strides = array<i32>} : memref<8192xi32, #tpu.memory_space<vmem>>, vector<16xi32>,
        %mul3A_956 = arith.mulf %min3A_427, %gather3A_174 : vector<16xf32>
        %convert_element_type3A_957 = arith.fptosi %mul3A_956 : vector<16xf32> to vector<16xi32>
        %mul3A_958 = arith.mulf %min3A_433, %gather3A_174 : vector<16xf32>
        %mul3A_959 = arith.constant 2.65443584E+9 : f32
        %mul3A_960 = vector.broadcast %mul3A_959 : f32 to vector<16xf32>
        %mul3A_961 = arith.mulf %mul3A_958, %mul3A_960 : vector<16xf32>
        %mul3A_962 = arith.constant 1.52587891E-5 : f32
        %mul3A_963 = vector.broadcast %mul3A_962 : f32 to vector<16xf32>
        %mul3A_964 = arith.mulf %mul3A_961, %mul3A_963 : vector<16xf32>
        %convert_element_type3A_965 = arith.fptosi %mul3A_964 : vector<16xf32> to vector<16xi32>
        %convert_element_type3A_966 = arith.sitofp %convert_element_type3A_965 : vector<16xi32> to vector<16xf32>
        %mul3A_967 = arith.constant 6.553600e+04 : f32
        %mul3A_968 = vector.broadcast %mul3A_967 : f32 to vector<16xf32>
        %mul3A_969 = arith.mulf %convert_element_type3A_966, %mul3A_968 : vector<16xf32>
        %sub3A_970 = arith.subf %mul3A_961, %mul3A_969 : vector<16xf32>
        %convert_element_type3A_971 = arith.fptosi %sub3A_970 : vector<16xf32> to vector<16xi32>
        %xor3A_972 = arith.xori %convert_element_type3A_957, %convert_element_type3A_971 : vector<16xi32>
        %mul3A_973 = arith.mulf %min3A_439, %gather3A_174 : vector<16xf32>
        %mul3A_974 = arith.constant 0x4E40095E : f32
        %mul3A_975 = vector.broadcast %mul3A_974 : f32 to vector<16xf32>
        %mul3A_976 = arith.mulf %mul3A_973, %mul3A_975 : vector<16xf32>
        %mul3A_977 = arith.constant 1.52587891E-5 : f32
        %mul3A_978 = vector.broadcast %mul3A_977 : f32 to vector<16xf32>
        %mul3A_979 = arith.mulf %mul3A_976, %mul3A_978 : vector<16xf32>
        %convert_element_type3A_980 = arith.fptosi %mul3A_979 : vector<16xf32> to vector<16xi32>
        %convert_element_type3A_981 = arith.sitofp %convert_element_type3A_980 : vector<16xi32> to vector<16xf32>
        %mul3A_982 = arith.constant 6.553600e+04 : f32
        %mul3A_983 = vector.broadcast %mul3A_982 : f32 to vector<16xf32>
        %mul3A_984 = arith.mulf %convert_element_type3A_981, %mul3A_983 : vector<16xf32>
        %sub3A_985 = arith.subf %mul3A_976, %mul3A_984 : vector<16xf32>
        %convert_element_type3A_986 = arith.fptosi %sub3A_985 : vector<16xf32> to vector<16xi32>
        %xor3A_987 = arith.xori %xor3A_972, %convert_element_type3A_986 : vector<16xi32>
        %mul3A_988 = arith.mulf %min3A_445, %gather3A_174 : vector<16xf32>
        %mul3A_989 = arith.constant 3.67465344E+9 : f32
        %mul3A_990 = vector.broadcast %mul3A_989 : f32 to vector<16xf32>
        %mul3A_991 = arith.mulf %mul3A_988, %mul3A_990 : vector<16xf32>
        %mul3A_992 = arith.constant 1.52587891E-5 : f32
        %mul3A_993 = vector.broadcast %mul3A_992 : f32 to vector<16xf32>
        %mul3A_994 = arith.mulf %mul3A_991, %mul3A_993 : vector<16xf32>
        %convert_element_type3A_995 = arith.fptosi %mul3A_994 : vector<16xf32> to vector<16xi32>
        %convert_element_type3A_996 = arith.sitofp %convert_element_type3A_995 : vector<16xi32> to vector<16xf32>
        %mul3A_997 = arith.constant 6.553600e+04 : f32
        %mul3A_998 = vector.broadcast %mul3A_997 : f32 to vector<16xf32>
        %mul3A_999 = arith.mulf %convert_element_type3A_996, %mul3A_998 : vector<16xf32>
        %sub3A_1000 = arith.subf %mul3A_991, %mul3A_999 : vector<16xf32>
        %convert_element_type3A_1001 = arith.fptosi %sub3A_1000 : vector<16xf32> to vector<16xi32>
        %xor3A_1002 = arith.xori %xor3A_987, %convert_element_type3A_1001 : vector<16xi32>
        %add3A_1003 = arith.constant 589824 : i32
        %add3A_1004 = vector.broadcast %add3A_1003 : i32 to vector<16xi32>
        %add3A_1005 = arith.addi %xor3A_1002, %add3A_1004 : vector<16xi32>
        %add3A_1006 = arith.addi %add3A_1005, %broadcast_in_dim3A_247 : vector<16xi32>
        %mul3A_1007 = arith.constant 16 : i32
        %mul3A_1008 = arith.muli %scan3A_361, %mul3A_1007 : i32
        %add3A_1009 = arith.constant 4608 : i32
        %add3A_1010 = arith.addi %add3A_1009, %mul3A_1008 : i32
        %swap3A_1011 = arith.index_cast %add3A_1010 : i32 to index
        %swap3A_1012 = tpu.vector_load %arg10[%swap3A_1011] {strides = array<i32>} : memref<8192xi32, #tpu.memory_space<vmem>>, vector<16xi32>,
        tpu.vector_store %arg10[%swap3A_1011], %add3A_1006 {strides = array<i32>} : memref<8192xi32, #tpu.memory_space<vmem>>, vector<16xi32>,
        %mul3A_1013 = arith.mulf %min3A_427, %gather3A_186 : vector<16xf32>
        %convert_element_type3A_1014 = arith.fptosi %mul3A_1013 : vector<16xf32> to vector<16xi32>
        %mul3A_1015 = arith.mulf %min3A_433, %gather3A_186 : vector<16xf32>
        %mul3A_1016 = arith.constant 2.65443584E+9 : f32
        %mul3A_1017 = vector.broadcast %mul3A_1016 : f32 to vector<16xf32>
        %mul3A_1018 = arith.mulf %mul3A_1015, %mul3A_1017 : vector<16xf32>
        %mul3A_1019 = arith.constant 1.52587891E-5 : f32
        %mul3A_1020 = vector.broadcast %mul3A_1019 : f32 to vector<16xf32>
        %mul3A_1021 = arith.mulf %mul3A_1018, %mul3A_1020 : vector<16xf32>
        %convert_element_type3A_1022 = arith.fptosi %mul3A_1021 : vector<16xf32> to vector<16xi32>
        %convert_element_type3A_1023 = arith.sitofp %convert_element_type3A_1022 : vector<16xi32> to vector<16xf32>
        %mul3A_1024 = arith.constant 6.553600e+04 : f32
        %mul3A_1025 = vector.broadcast %mul3A_1024 : f32 to vector<16xf32>
        %mul3A_1026 = arith.mulf %convert_element_type3A_1023, %mul3A_1025 : vector<16xf32>
        %sub3A_1027 = arith.subf %mul3A_1018, %mul3A_1026 : vector<16xf32>
        %convert_element_type3A_1028 = arith.fptosi %sub3A_1027 : vector<16xf32> to vector<16xi32>
        %xor3A_1029 = arith.xori %convert_element_type3A_1014, %convert_element_type3A_1028 : vector<16xi32>
        %mul3A_1030 = arith.mulf %min3A_439, %gather3A_186 : vector<16xf32>
        %mul3A_1031 = arith.constant 0x4E40095E : f32
        %mul3A_1032 = vector.broadcast %mul3A_1031 : f32 to vector<16xf32>
        %mul3A_1033 = arith.mulf %mul3A_1030, %mul3A_1032 : vector<16xf32>
        %mul3A_1034 = arith.constant 1.52587891E-5 : f32
        %mul3A_1035 = vector.broadcast %mul3A_1034 : f32 to vector<16xf32>
        %mul3A_1036 = arith.mulf %mul3A_1033, %mul3A_1035 : vector<16xf32>
        %convert_element_type3A_1037 = arith.fptosi %mul3A_1036 : vector<16xf32> to vector<16xi32>
        %convert_element_type3A_1038 = arith.sitofp %convert_element_type3A_1037 : vector<16xi32> to vector<16xf32>
        %mul3A_1039 = arith.constant 6.553600e+04 : f32
        %mul3A_1040 = vector.broadcast %mul3A_1039 : f32 to vector<16xf32>
        %mul3A_1041 = arith.mulf %convert_element_type3A_1038, %mul3A_1040 : vector<16xf32>
        %sub3A_1042 = arith.subf %mul3A_1033, %mul3A_1041 : vector<16xf32>
        %convert_element_type3A_1043 = arith.fptosi %sub3A_1042 : vector<16xf32> to vector<16xi32>
        %xor3A_1044 = arith.xori %xor3A_1029, %convert_element_type3A_1043 : vector<16xi32>
        %mul3A_1045 = arith.mulf %min3A_445, %gather3A_186 : vector<16xf32>
        %mul3A_1046 = arith.constant 3.67465344E+9 : f32
        %mul3A_1047 = vector.broadcast %mul3A_1046 : f32 to vector<16xf32>
        %mul3A_1048 = arith.mulf %mul3A_1045, %mul3A_1047 : vector<16xf32>
        %mul3A_1049 = arith.constant 1.52587891E-5 : f32
        %mul3A_1050 = vector.broadcast %mul3A_1049 : f32 to vector<16xf32>
        %mul3A_1051 = arith.mulf %mul3A_1048, %mul3A_1050 : vector<16xf32>
        %convert_element_type3A_1052 = arith.fptosi %mul3A_1051 : vector<16xf32> to vector<16xi32>
        %convert_element_type3A_1053 = arith.sitofp %convert_element_type3A_1052 : vector<16xi32> to vector<16xf32>
        %mul3A_1054 = arith.constant 6.553600e+04 : f32
        %mul3A_1055 = vector.broadcast %mul3A_1054 : f32 to vector<16xf32>
        %mul3A_1056 = arith.mulf %convert_element_type3A_1053, %mul3A_1055 : vector<16xf32>
        %sub3A_1057 = arith.subf %mul3A_1048, %mul3A_1056 : vector<16xf32>
        %convert_element_type3A_1058 = arith.fptosi %sub3A_1057 : vector<16xf32> to vector<16xi32>
        %xor3A_1059 = arith.xori %xor3A_1044, %convert_element_type3A_1058 : vector<16xi32>
        %add3A_1060 = arith.constant 655360 : i32
        %add3A_1061 = vector.broadcast %add3A_1060 : i32 to vector<16xi32>
        %add3A_1062 = arith.addi %xor3A_1059, %add3A_1061 : vector<16xi32>
        %add3A_1063 = arith.addi %add3A_1062, %broadcast_in_dim3A_247 : vector<16xi32>
        %mul3A_1064 = arith.constant 16 : i32
        %mul3A_1065 = arith.muli %scan3A_361, %mul3A_1064 : i32
        %add3A_1066 = arith.constant 5120 : i32
        %add3A_1067 = arith.addi %add3A_1066, %mul3A_1065 : i32
        %swap3A_1068 = arith.index_cast %add3A_1067 : i32 to index
        %swap3A_1069 = tpu.vector_load %arg10[%swap3A_1068] {strides = array<i32>} : memref<8192xi32, #tpu.memory_space<vmem>>, vector<16xi32>,
        tpu.vector_store %arg10[%swap3A_1068], %add3A_1063 {strides = array<i32>} : memref<8192xi32, #tpu.memory_space<vmem>>, vector<16xi32>,
        %mul3A_1070 = arith.mulf %min3A_427, %gather3A_198 : vector<16xf32>
        %convert_element_type3A_1071 = arith.fptosi %mul3A_1070 : vector<16xf32> to vector<16xi32>
        %mul3A_1072 = arith.mulf %min3A_433, %gather3A_198 : vector<16xf32>
        %mul3A_1073 = arith.constant 2.65443584E+9 : f32
        %mul3A_1074 = vector.broadcast %mul3A_1073 : f32 to vector<16xf32>
        %mul3A_1075 = arith.mulf %mul3A_1072, %mul3A_1074 : vector<16xf32>
        %mul3A_1076 = arith.constant 1.52587891E-5 : f32
        %mul3A_1077 = vector.broadcast %mul3A_1076 : f32 to vector<16xf32>
        %mul3A_1078 = arith.mulf %mul3A_1075, %mul3A_1077 : vector<16xf32>
        %convert_element_type3A_1079 = arith.fptosi %mul3A_1078 : vector<16xf32> to vector<16xi32>
        %convert_element_type3A_1080 = arith.sitofp %convert_element_type3A_1079 : vector<16xi32> to vector<16xf32>
        %mul3A_1081 = arith.constant 6.553600e+04 : f32
        %mul3A_1082 = vector.broadcast %mul3A_1081 : f32 to vector<16xf32>
        %mul3A_1083 = arith.mulf %convert_element_type3A_1080, %mul3A_1082 : vector<16xf32>
        %sub3A_1084 = arith.subf %mul3A_1075, %mul3A_1083 : vector<16xf32>
        %convert_element_type3A_1085 = arith.fptosi %sub3A_1084 : vector<16xf32> to vector<16xi32>
        %xor3A_1086 = arith.xori %convert_element_type3A_1071, %convert_element_type3A_1085 : vector<16xi32>
        %mul3A_1087 = arith.mulf %min3A_439, %gather3A_198 : vector<16xf32>
        %mul3A_1088 = arith.constant 0x4E40095E : f32
        %mul3A_1089 = vector.broadcast %mul3A_1088 : f32 to vector<16xf32>
        %mul3A_1090 = arith.mulf %mul3A_1087, %mul3A_1089 : vector<16xf32>
        %mul3A_1091 = arith.constant 1.52587891E-5 : f32
        %mul3A_1092 = vector.broadcast %mul3A_1091 : f32 to vector<16xf32>
        %mul3A_1093 = arith.mulf %mul3A_1090, %mul3A_1092 : vector<16xf32>
        %convert_element_type3A_1094 = arith.fptosi %mul3A_1093 : vector<16xf32> to vector<16xi32>
        %convert_element_type3A_1095 = arith.sitofp %convert_element_type3A_1094 : vector<16xi32> to vector<16xf32>
        %mul3A_1096 = arith.constant 6.553600e+04 : f32
        %mul3A_1097 = vector.broadcast %mul3A_1096 : f32 to vector<16xf32>
        %mul3A_1098 = arith.mulf %convert_element_type3A_1095, %mul3A_1097 : vector<16xf32>
        %sub3A_1099 = arith.subf %mul3A_1090, %mul3A_1098 : vector<16xf32>
        %convert_element_type3A_1100 = arith.fptosi %sub3A_1099 : vector<16xf32> to vector<16xi32>
        %xor3A_1101 = arith.xori %xor3A_1086, %convert_element_type3A_1100 : vector<16xi32>
        %mul3A_1102 = arith.mulf %min3A_445, %gather3A_198 : vector<16xf32>
        %mul3A_1103 = arith.constant 3.67465344E+9 : f32
        %mul3A_1104 = vector.broadcast %mul3A_1103 : f32 to vector<16xf32>
        %mul3A_1105 = arith.mulf %mul3A_1102, %mul3A_1104 : vector<16xf32>
        %mul3A_1106 = arith.constant 1.52587891E-5 : f32
        %mul3A_1107 = vector.broadcast %mul3A_1106 : f32 to vector<16xf32>
        %mul3A_1108 = arith.mulf %mul3A_1105, %mul3A_1107 : vector<16xf32>
        %convert_element_type3A_1109 = arith.fptosi %mul3A_1108 : vector<16xf32> to vector<16xi32>
        %convert_element_type3A_1110 = arith.sitofp %convert_element_type3A_1109 : vector<16xi32> to vector<16xf32>
        %mul3A_1111 = arith.constant 6.553600e+04 : f32
        %mul3A_1112 = vector.broadcast %mul3A_1111 : f32 to vector<16xf32>
        %mul3A_1113 = arith.mulf %convert_element_type3A_1110, %mul3A_1112 : vector<16xf32>
        %sub3A_1114 = arith.subf %mul3A_1105, %mul3A_1113 : vector<16xf32>
        %convert_element_type3A_1115 = arith.fptosi %sub3A_1114 : vector<16xf32> to vector<16xi32>
        %xor3A_1116 = arith.xori %xor3A_1101, %convert_element_type3A_1115 : vector<16xi32>
        %add3A_1117 = arith.constant 720896 : i32
        %add3A_1118 = vector.broadcast %add3A_1117 : i32 to vector<16xi32>
        %add3A_1119 = arith.addi %xor3A_1116, %add3A_1118 : vector<16xi32>
        %add3A_1120 = arith.addi %add3A_1119, %broadcast_in_dim3A_247 : vector<16xi32>
        %mul3A_1121 = arith.constant 16 : i32
        %mul3A_1122 = arith.muli %scan3A_361, %mul3A_1121 : i32
        %add3A_1123 = arith.constant 5632 : i32
        %add3A_1124 = arith.addi %add3A_1123, %mul3A_1122 : i32
        %swap3A_1125 = arith.index_cast %add3A_1124 : i32 to index
        %swap3A_1126 = tpu.vector_load %arg10[%swap3A_1125] {strides = array<i32>} : memref<8192xi32, #tpu.memory_space<vmem>>, vector<16xi32>,
        tpu.vector_store %arg10[%swap3A_1125], %add3A_1120 {strides = array<i32>} : memref<8192xi32, #tpu.memory_space<vmem>>, vector<16xi32>,
        %mul3A_1127 = arith.mulf %min3A_427, %gather3A_210 : vector<16xf32>
        %convert_element_type3A_1128 = arith.fptosi %mul3A_1127 : vector<16xf32> to vector<16xi32>
        %mul3A_1129 = arith.mulf %min3A_433, %gather3A_210 : vector<16xf32>
        %mul3A_1130 = arith.constant 2.65443584E+9 : f32
        %mul3A_1131 = vector.broadcast %mul3A_1130 : f32 to vector<16xf32>
        %mul3A_1132 = arith.mulf %mul3A_1129, %mul3A_1131 : vector<16xf32>
        %mul3A_1133 = arith.constant 1.52587891E-5 : f32
        %mul3A_1134 = vector.broadcast %mul3A_1133 : f32 to vector<16xf32>
        %mul3A_1135 = arith.mulf %mul3A_1132, %mul3A_1134 : vector<16xf32>
        %convert_element_type3A_1136 = arith.fptosi %mul3A_1135 : vector<16xf32> to vector<16xi32>
        %convert_element_type3A_1137 = arith.sitofp %convert_element_type3A_1136 : vector<16xi32> to vector<16xf32>
        %mul3A_1138 = arith.constant 6.553600e+04 : f32
        %mul3A_1139 = vector.broadcast %mul3A_1138 : f32 to vector<16xf32>
        %mul3A_1140 = arith.mulf %convert_element_type3A_1137, %mul3A_1139 : vector<16xf32>
        %sub3A_1141 = arith.subf %mul3A_1132, %mul3A_1140 : vector<16xf32>
        %convert_element_type3A_1142 = arith.fptosi %sub3A_1141 : vector<16xf32> to vector<16xi32>
        %xor3A_1143 = arith.xori %convert_element_type3A_1128, %convert_element_type3A_1142 : vector<16xi32>
        %mul3A_1144 = arith.mulf %min3A_439, %gather3A_210 : vector<16xf32>
        %mul3A_1145 = arith.constant 0x4E40095E : f32
        %mul3A_1146 = vector.broadcast %mul3A_1145 : f32 to vector<16xf32>
        %mul3A_1147 = arith.mulf %mul3A_1144, %mul3A_1146 : vector<16xf32>
        %mul3A_1148 = arith.constant 1.52587891E-5 : f32
        %mul3A_1149 = vector.broadcast %mul3A_1148 : f32 to vector<16xf32>
        %mul3A_1150 = arith.mulf %mul3A_1147, %mul3A_1149 : vector<16xf32>
        %convert_element_type3A_1151 = arith.fptosi %mul3A_1150 : vector<16xf32> to vector<16xi32>
        %convert_element_type3A_1152 = arith.sitofp %convert_element_type3A_1151 : vector<16xi32> to vector<16xf32>
        %mul3A_1153 = arith.constant 6.553600e+04 : f32
        %mul3A_1154 = vector.broadcast %mul3A_1153 : f32 to vector<16xf32>
        %mul3A_1155 = arith.mulf %convert_element_type3A_1152, %mul3A_1154 : vector<16xf32>
        %sub3A_1156 = arith.subf %mul3A_1147, %mul3A_1155 : vector<16xf32>
        %convert_element_type3A_1157 = arith.fptosi %sub3A_1156 : vector<16xf32> to vector<16xi32>
        %xor3A_1158 = arith.xori %xor3A_1143, %convert_element_type3A_1157 : vector<16xi32>
        %mul3A_1159 = arith.mulf %min3A_445, %gather3A_210 : vector<16xf32>
        %mul3A_1160 = arith.constant 3.67465344E+9 : f32
        %mul3A_1161 = vector.broadcast %mul3A_1160 : f32 to vector<16xf32>
        %mul3A_1162 = arith.mulf %mul3A_1159, %mul3A_1161 : vector<16xf32>
        %mul3A_1163 = arith.constant 1.52587891E-5 : f32
        %mul3A_1164 = vector.broadcast %mul3A_1163 : f32 to vector<16xf32>
        %mul3A_1165 = arith.mulf %mul3A_1162, %mul3A_1164 : vector<16xf32>
        %convert_element_type3A_1166 = arith.fptosi %mul3A_1165 : vector<16xf32> to vector<16xi32>
        %convert_element_type3A_1167 = arith.sitofp %convert_element_type3A_1166 : vector<16xi32> to vector<16xf32>
        %mul3A_1168 = arith.constant 6.553600e+04 : f32
        %mul3A_1169 = vector.broadcast %mul3A_1168 : f32 to vector<16xf32>
        %mul3A_1170 = arith.mulf %convert_element_type3A_1167, %mul3A_1169 : vector<16xf32>
        %sub3A_1171 = arith.subf %mul3A_1162, %mul3A_1170 : vector<16xf32>
        %convert_element_type3A_1172 = arith.fptosi %sub3A_1171 : vector<16xf32> to vector<16xi32>
        %xor3A_1173 = arith.xori %xor3A_1158, %convert_element_type3A_1172 : vector<16xi32>
        %add3A_1174 = arith.constant 786432 : i32
        %add3A_1175 = vector.broadcast %add3A_1174 : i32 to vector<16xi32>
        %add3A_1176 = arith.addi %xor3A_1173, %add3A_1175 : vector<16xi32>
        %add3A_1177 = arith.addi %add3A_1176, %broadcast_in_dim3A_247 : vector<16xi32>
        %mul3A_1178 = arith.constant 16 : i32
        %mul3A_1179 = arith.muli %scan3A_361, %mul3A_1178 : i32
        %add3A_1180 = arith.constant 6144 : i32
        %add3A_1181 = arith.addi %add3A_1180, %mul3A_1179 : i32
        %swap3A_1182 = arith.index_cast %add3A_1181 : i32 to index
        %swap3A_1183 = tpu.vector_load %arg10[%swap3A_1182] {strides = array<i32>} : memref<8192xi32, #tpu.memory_space<vmem>>, vector<16xi32>,
        tpu.vector_store %arg10[%swap3A_1182], %add3A_1177 {strides = array<i32>} : memref<8192xi32, #tpu.memory_space<vmem>>, vector<16xi32>,
        %mul3A_1184 = arith.mulf %min3A_427, %gather3A_222 : vector<16xf32>
        %convert_element_type3A_1185 = arith.fptosi %mul3A_1184 : vector<16xf32> to vector<16xi32>
        %mul3A_1186 = arith.mulf %min3A_433, %gather3A_222 : vector<16xf32>
        %mul3A_1187 = arith.constant 2.65443584E+9 : f32
        %mul3A_1188 = vector.broadcast %mul3A_1187 : f32 to vector<16xf32>
        %mul3A_1189 = arith.mulf %mul3A_1186, %mul3A_1188 : vector<16xf32>
        %mul3A_1190 = arith.constant 1.52587891E-5 : f32
        %mul3A_1191 = vector.broadcast %mul3A_1190 : f32 to vector<16xf32>
        %mul3A_1192 = arith.mulf %mul3A_1189, %mul3A_1191 : vector<16xf32>
        %convert_element_type3A_1193 = arith.fptosi %mul3A_1192 : vector<16xf32> to vector<16xi32>
        %convert_element_type3A_1194 = arith.sitofp %convert_element_type3A_1193 : vector<16xi32> to vector<16xf32>
        %mul3A_1195 = arith.constant 6.553600e+04 : f32
        %mul3A_1196 = vector.broadcast %mul3A_1195 : f32 to vector<16xf32>
        %mul3A_1197 = arith.mulf %convert_element_type3A_1194, %mul3A_1196 : vector<16xf32>
        %sub3A_1198 = arith.subf %mul3A_1189, %mul3A_1197 : vector<16xf32>
        %convert_element_type3A_1199 = arith.fptosi %sub3A_1198 : vector<16xf32> to vector<16xi32>
        %xor3A_1200 = arith.xori %convert_element_type3A_1185, %convert_element_type3A_1199 : vector<16xi32>
        %mul3A_1201 = arith.mulf %min3A_439, %gather3A_222 : vector<16xf32>
        %mul3A_1202 = arith.constant 0x4E40095E : f32
        %mul3A_1203 = vector.broadcast %mul3A_1202 : f32 to vector<16xf32>
        %mul3A_1204 = arith.mulf %mul3A_1201, %mul3A_1203 : vector<16xf32>
        %mul3A_1205 = arith.constant 1.52587891E-5 : f32
        %mul3A_1206 = vector.broadcast %mul3A_1205 : f32 to vector<16xf32>
        %mul3A_1207 = arith.mulf %mul3A_1204, %mul3A_1206 : vector<16xf32>
        %convert_element_type3A_1208 = arith.fptosi %mul3A_1207 : vector<16xf32> to vector<16xi32>
        %convert_element_type3A_1209 = arith.sitofp %convert_element_type3A_1208 : vector<16xi32> to vector<16xf32>
        %mul3A_1210 = arith.constant 6.553600e+04 : f32
        %mul3A_1211 = vector.broadcast %mul3A_1210 : f32 to vector<16xf32>
        %mul3A_1212 = arith.mulf %convert_element_type3A_1209, %mul3A_1211 : vector<16xf32>
        %sub3A_1213 = arith.subf %mul3A_1204, %mul3A_1212 : vector<16xf32>
        %convert_element_type3A_1214 = arith.fptosi %sub3A_1213 : vector<16xf32> to vector<16xi32>
        %xor3A_1215 = arith.xori %xor3A_1200, %convert_element_type3A_1214 : vector<16xi32>
        %mul3A_1216 = arith.mulf %min3A_445, %gather3A_222 : vector<16xf32>
        %mul3A_1217 = arith.constant 3.67465344E+9 : f32
        %mul3A_1218 = vector.broadcast %mul3A_1217 : f32 to vector<16xf32>
        %mul3A_1219 = arith.mulf %mul3A_1216, %mul3A_1218 : vector<16xf32>
        %mul3A_1220 = arith.constant 1.52587891E-5 : f32
        %mul3A_1221 = vector.broadcast %mul3A_1220 : f32 to vector<16xf32>
        %mul3A_1222 = arith.mulf %mul3A_1219, %mul3A_1221 : vector<16xf32>
        %convert_element_type3A_1223 = arith.fptosi %mul3A_1222 : vector<16xf32> to vector<16xi32>
        %convert_element_type3A_1224 = arith.sitofp %convert_element_type3A_1223 : vector<16xi32> to vector<16xf32>
        %mul3A_1225 = arith.constant 6.553600e+04 : f32
        %mul3A_1226 = vector.broadcast %mul3A_1225 : f32 to vector<16xf32>
        %mul3A_1227 = arith.mulf %convert_element_type3A_1224, %mul3A_1226 : vector<16xf32>
        %sub3A_1228 = arith.subf %mul3A_1219, %mul3A_1227 : vector<16xf32>
        %convert_element_type3A_1229 = arith.fptosi %sub3A_1228 : vector<16xf32> to vector<16xi32>
        %xor3A_1230 = arith.xori %xor3A_1215, %convert_element_type3A_1229 : vector<16xi32>
        %add3A_1231 = arith.constant 851968 : i32
        %add3A_1232 = vector.broadcast %add3A_1231 : i32 to vector<16xi32>
        %add3A_1233 = arith.addi %xor3A_1230, %add3A_1232 : vector<16xi32>
        %add3A_1234 = arith.addi %add3A_1233, %broadcast_in_dim3A_247 : vector<16xi32>
        %mul3A_1235 = arith.constant 16 : i32
        %mul3A_1236 = arith.muli %scan3A_361, %mul3A_1235 : i32
        %add3A_1237 = arith.constant 6656 : i32
        %add3A_1238 = arith.addi %add3A_1237, %mul3A_1236 : i32
        %swap3A_1239 = arith.index_cast %add3A_1238 : i32 to index
        %swap3A_1240 = tpu.vector_load %arg10[%swap3A_1239] {strides = array<i32>} : memref<8192xi32, #tpu.memory_space<vmem>>, vector<16xi32>,
        tpu.vector_store %arg10[%swap3A_1239], %add3A_1234 {strides = array<i32>} : memref<8192xi32, #tpu.memory_space<vmem>>, vector<16xi32>,
        %mul3A_1241 = arith.mulf %min3A_427, %gather3A_234 : vector<16xf32>
        %convert_element_type3A_1242 = arith.fptosi %mul3A_1241 : vector<16xf32> to vector<16xi32>
        %mul3A_1243 = arith.mulf %min3A_433, %gather3A_234 : vector<16xf32>
        %mul3A_1244 = arith.constant 2.65443584E+9 : f32
        %mul3A_1245 = vector.broadcast %mul3A_1244 : f32 to vector<16xf32>
        %mul3A_1246 = arith.mulf %mul3A_1243, %mul3A_1245 : vector<16xf32>
        %mul3A_1247 = arith.constant 1.52587891E-5 : f32
        %mul3A_1248 = vector.broadcast %mul3A_1247 : f32 to vector<16xf32>
        %mul3A_1249 = arith.mulf %mul3A_1246, %mul3A_1248 : vector<16xf32>
        %convert_element_type3A_1250 = arith.fptosi %mul3A_1249 : vector<16xf32> to vector<16xi32>
        %convert_element_type3A_1251 = arith.sitofp %convert_element_type3A_1250 : vector<16xi32> to vector<16xf32>
        %mul3A_1252 = arith.constant 6.553600e+04 : f32
        %mul3A_1253 = vector.broadcast %mul3A_1252 : f32 to vector<16xf32>
        %mul3A_1254 = arith.mulf %convert_element_type3A_1251, %mul3A_1253 : vector<16xf32>
        %sub3A_1255 = arith.subf %mul3A_1246, %mul3A_1254 : vector<16xf32>
        %convert_element_type3A_1256 = arith.fptosi %sub3A_1255 : vector<16xf32> to vector<16xi32>
        %xor3A_1257 = arith.xori %convert_element_type3A_1242, %convert_element_type3A_1256 : vector<16xi32>
        %mul3A_1258 = arith.mulf %min3A_439, %gather3A_234 : vector<16xf32>
        %mul3A_1259 = arith.constant 0x4E40095E : f32
        %mul3A_1260 = vector.broadcast %mul3A_1259 : f32 to vector<16xf32>
        %mul3A_1261 = arith.mulf %mul3A_1258, %mul3A_1260 : vector<16xf32>
        %mul3A_1262 = arith.constant 1.52587891E-5 : f32
        %mul3A_1263 = vector.broadcast %mul3A_1262 : f32 to vector<16xf32>
        %mul3A_1264 = arith.mulf %mul3A_1261, %mul3A_1263 : vector<16xf32>
        %convert_element_type3A_1265 = arith.fptosi %mul3A_1264 : vector<16xf32> to vector<16xi32>
        %convert_element_type3A_1266 = arith.sitofp %convert_element_type3A_1265 : vector<16xi32> to vector<16xf32>
        %mul3A_1267 = arith.constant 6.553600e+04 : f32
        %mul3A_1268 = vector.broadcast %mul3A_1267 : f32 to vector<16xf32>
        %mul3A_1269 = arith.mulf %convert_element_type3A_1266, %mul3A_1268 : vector<16xf32>
        %sub3A_1270 = arith.subf %mul3A_1261, %mul3A_1269 : vector<16xf32>
        %convert_element_type3A_1271 = arith.fptosi %sub3A_1270 : vector<16xf32> to vector<16xi32>
        %xor3A_1272 = arith.xori %xor3A_1257, %convert_element_type3A_1271 : vector<16xi32>
        %mul3A_1273 = arith.mulf %min3A_445, %gather3A_234 : vector<16xf32>
        %mul3A_1274 = arith.constant 3.67465344E+9 : f32
        %mul3A_1275 = vector.broadcast %mul3A_1274 : f32 to vector<16xf32>
        %mul3A_1276 = arith.mulf %mul3A_1273, %mul3A_1275 : vector<16xf32>
        %mul3A_1277 = arith.constant 1.52587891E-5 : f32
        %mul3A_1278 = vector.broadcast %mul3A_1277 : f32 to vector<16xf32>
        %mul3A_1279 = arith.mulf %mul3A_1276, %mul3A_1278 : vector<16xf32>
        %convert_element_type3A_1280 = arith.fptosi %mul3A_1279 : vector<16xf32> to vector<16xi32>
        %convert_element_type3A_1281 = arith.sitofp %convert_element_type3A_1280 : vector<16xi32> to vector<16xf32>
        %mul3A_1282 = arith.constant 6.553600e+04 : f32
        %mul3A_1283 = vector.broadcast %mul3A_1282 : f32 to vector<16xf32>
        %mul3A_1284 = arith.mulf %convert_element_type3A_1281, %mul3A_1283 : vector<16xf32>
        %sub3A_1285 = arith.subf %mul3A_1276, %mul3A_1284 : vector<16xf32>
        %convert_element_type3A_1286 = arith.fptosi %sub3A_1285 : vector<16xf32> to vector<16xi32>
        %xor3A_1287 = arith.xori %xor3A_1272, %convert_element_type3A_1286 : vector<16xi32>
        %add3A_1288 = arith.constant 917504 : i32
        %add3A_1289 = vector.broadcast %add3A_1288 : i32 to vector<16xi32>
        %add3A_1290 = arith.addi %xor3A_1287, %add3A_1289 : vector<16xi32>
        %add3A_1291 = arith.addi %add3A_1290, %broadcast_in_dim3A_247 : vector<16xi32>
        %mul3A_1292 = arith.constant 16 : i32
        %mul3A_1293 = arith.muli %scan3A_361, %mul3A_1292 : i32
        %add3A_1294 = arith.constant 7168 : i32
        %add3A_1295 = arith.addi %add3A_1294, %mul3A_1293 : i32
        %swap3A_1296 = arith.index_cast %add3A_1295 : i32 to index
        %swap3A_1297 = tpu.vector_load %arg10[%swap3A_1296] {strides = array<i32>} : memref<8192xi32, #tpu.memory_space<vmem>>, vector<16xi32>,
        tpu.vector_store %arg10[%swap3A_1296], %add3A_1291 {strides = array<i32>} : memref<8192xi32, #tpu.memory_space<vmem>>, vector<16xi32>,
        %mul3A_1298 = arith.mulf %min3A_427, %gather3A_246 : vector<16xf32>
        %convert_element_type3A_1299 = arith.fptosi %mul3A_1298 : vector<16xf32> to vector<16xi32>
        %mul3A_1300 = arith.mulf %min3A_433, %gather3A_246 : vector<16xf32>
        %mul3A_1301 = arith.constant 2.65443584E+9 : f32
        %mul3A_1302 = vector.broadcast %mul3A_1301 : f32 to vector<16xf32>
        %mul3A_1303 = arith.mulf %mul3A_1300, %mul3A_1302 : vector<16xf32>
        %mul3A_1304 = arith.constant 1.52587891E-5 : f32
        %mul3A_1305 = vector.broadcast %mul3A_1304 : f32 to vector<16xf32>
        %mul3A_1306 = arith.mulf %mul3A_1303, %mul3A_1305 : vector<16xf32>
        %convert_element_type3A_1307 = arith.fptosi %mul3A_1306 : vector<16xf32> to vector<16xi32>
        %convert_element_type3A_1308 = arith.sitofp %convert_element_type3A_1307 : vector<16xi32> to vector<16xf32>
        %mul3A_1309 = arith.constant 6.553600e+04 : f32
        %mul3A_1310 = vector.broadcast %mul3A_1309 : f32 to vector<16xf32>
        %mul3A_1311 = arith.mulf %convert_element_type3A_1308, %mul3A_1310 : vector<16xf32>
        %sub3A_1312 = arith.subf %mul3A_1303, %mul3A_1311 : vector<16xf32>
        %convert_element_type3A_1313 = arith.fptosi %sub3A_1312 : vector<16xf32> to vector<16xi32>
        %xor3A_1314 = arith.xori %convert_element_type3A_1299, %convert_element_type3A_1313 : vector<16xi32>
        %mul3A_1315 = arith.mulf %min3A_439, %gather3A_246 : vector<16xf32>
        %mul3A_1316 = arith.constant 0x4E40095E : f32
        %mul3A_1317 = vector.broadcast %mul3A_1316 : f32 to vector<16xf32>
        %mul3A_1318 = arith.mulf %mul3A_1315, %mul3A_1317 : vector<16xf32>
        %mul3A_1319 = arith.constant 1.52587891E-5 : f32
        %mul3A_1320 = vector.broadcast %mul3A_1319 : f32 to vector<16xf32>
        %mul3A_1321 = arith.mulf %mul3A_1318, %mul3A_1320 : vector<16xf32>
        %convert_element_type3A_1322 = arith.fptosi %mul3A_1321 : vector<16xf32> to vector<16xi32>
        %convert_element_type3A_1323 = arith.sitofp %convert_element_type3A_1322 : vector<16xi32> to vector<16xf32>
        %mul3A_1324 = arith.constant 6.553600e+04 : f32
        %mul3A_1325 = vector.broadcast %mul3A_1324 : f32 to vector<16xf32>
        %mul3A_1326 = arith.mulf %convert_element_type3A_1323, %mul3A_1325 : vector<16xf32>
        %sub3A_1327 = arith.subf %mul3A_1318, %mul3A_1326 : vector<16xf32>
        %convert_element_type3A_1328 = arith.fptosi %sub3A_1327 : vector<16xf32> to vector<16xi32>
        %xor3A_1329 = arith.xori %xor3A_1314, %convert_element_type3A_1328 : vector<16xi32>
        %mul3A_1330 = arith.mulf %min3A_445, %gather3A_246 : vector<16xf32>
        %mul3A_1331 = arith.constant 3.67465344E+9 : f32
        %mul3A_1332 = vector.broadcast %mul3A_1331 : f32 to vector<16xf32>
        %mul3A_1333 = arith.mulf %mul3A_1330, %mul3A_1332 : vector<16xf32>
        %mul3A_1334 = arith.constant 1.52587891E-5 : f32
        %mul3A_1335 = vector.broadcast %mul3A_1334 : f32 to vector<16xf32>
        %mul3A_1336 = arith.mulf %mul3A_1333, %mul3A_1335 : vector<16xf32>
        %convert_element_type3A_1337 = arith.fptosi %mul3A_1336 : vector<16xf32> to vector<16xi32>
        %convert_element_type3A_1338 = arith.sitofp %convert_element_type3A_1337 : vector<16xi32> to vector<16xf32>
        %mul3A_1339 = arith.constant 6.553600e+04 : f32
        %mul3A_1340 = vector.broadcast %mul3A_1339 : f32 to vector<16xf32>
        %mul3A_1341 = arith.mulf %convert_element_type3A_1338, %mul3A_1340 : vector<16xf32>
        %sub3A_1342 = arith.subf %mul3A_1333, %mul3A_1341 : vector<16xf32>
        %convert_element_type3A_1343 = arith.fptosi %sub3A_1342 : vector<16xf32> to vector<16xi32>
        %xor3A_1344 = arith.xori %xor3A_1329, %convert_element_type3A_1343 : vector<16xi32>
        %add3A_1345 = arith.constant 983040 : i32
        %add3A_1346 = vector.broadcast %add3A_1345 : i32 to vector<16xi32>
        %add3A_1347 = arith.addi %xor3A_1344, %add3A_1346 : vector<16xi32>
        %add3A_1348 = arith.addi %add3A_1347, %broadcast_in_dim3A_247 : vector<16xi32>
        %mul3A_1349 = arith.constant 16 : i32
        %mul3A_1350 = arith.muli %scan3A_361, %mul3A_1349 : i32
        %add3A_1351 = arith.constant 7680 : i32
        %add3A_1352 = arith.addi %add3A_1351, %mul3A_1350 : i32
        %swap3A_1353 = arith.index_cast %add3A_1352 : i32 to index
        %swap3A_1354 = tpu.vector_load %arg10[%swap3A_1353] {strides = array<i32>} : memref<8192xi32, #tpu.memory_space<vmem>>, vector<16xi32>,
        tpu.vector_store %arg10[%swap3A_1353], %add3A_1348 {strides = array<i32>} : memref<8192xi32, #tpu.memory_space<vmem>>, vector<16xi32>,
        %scan3A_1355 = arith.constant 0 : i32
        scf.yield %scan3A_1355 : i32
      }
      %scan3A_317 = arith.constant 32 : i32
      %scan3A_318 = arith.constant 0 : i32
      %scan3A_319 = arith.constant 0 : i32
      %scan3A_320 = arith.constant 64 : i32
      %scan3A_321 = arith.addi %scan3A_319, %scan3A_320 : i32
      %scan3A_322 = arith.constant 1 : i32
      %scan3A_323 = scf.for %scan3A_361 = %scan3A_319 to %scan3A_321 step %scan3A_322 iter_args(%scan3A_362 = %scan3A_318) -> (i32)  : i32 {
        %mul3A_363 = arith.constant 128 : i32
        %mul3A_364 = arith.muli %scan3A_361, %mul3A_363 : i32
        %mul3A_365 = arith.constant 128 : i32
        %mul3A_366 = arith.muli %scan3A_361, %mul3A_365 : i32
        %dma_start3A = arith.constant 0 : i32
        %dma_start3A_367 = tpu.memref_slice %arg11[%mul3A_366, %dma_start3A] : memref<8192x8xf32, #tpu.memory_space<vmem>> -> memref<128x8xf32, #tpu.memory_space<vmem>>
        %dma_start3A_368 = tpu.memref_slice %arg10[%mul3A_364] : memref<8192xi32, #tpu.memory_space<vmem>> -> memref<128xi32, #tpu.memory_space<vmem>>
        %dma_start3A_369 = arith.constant 0 : i32
        %dma_start3A_370 = arith.constant 0 : i32
        %dma_start3A_371 = tpu.memref_slice %arg7[%dma_start3A_369, %dma_start3A_370] : memref<2097152x8xf32, #tpu.memory_space<hbm>> -> memref<2097152x8xf32, #tpu.memory_space<hbm>>
        tpu.enqueue_indirect_dma source(%dma_start3A_371 : memref<2097152x8xf32, #tpu.memory_space<hbm>>) target(%dma_start3A_367 : memref<128x8xf32, #tpu.memory_space<vmem>>) offsets(%dma_start3A_368 : memref<128xi32, #tpu.memory_space<vmem>>) semaphore(%arg15 : memref<!tpu.dma_semaphore, #tpu.memory_space<semaphore_mem>>)
        %scan3A_372 = arith.constant 0 : i32
        scf.yield %scan3A_372 : i32
      }
      %scan3A_324 = arith.constant 64 : i32
      %scan3A_325 = arith.constant 0 : i32
      %scan3A_326 = arith.constant 0 : i32
      %scan3A_327 = arith.constant 64 : i32
      %scan3A_328 = arith.addi %scan3A_326, %scan3A_327 : i32
      %scan3A_329 = arith.constant 1 : i32
      %scan3A_330 = scf.for %scan3A_361 = %scan3A_326 to %scan3A_328 step %scan3A_329 iter_args(%scan3A_362 = %scan3A_325) -> (i32)  : i32 {
        %mul3A_363 = arith.constant 128 : i32
        %mul3A_364 = arith.muli %scan3A_361, %mul3A_363 : i32
        %mul3A_365 = arith.constant 128 : i32
        %mul3A_366 = arith.muli %scan3A_361, %mul3A_365 : i32
        %dma_wait3A = arith.constant 0 : i32
        %dma_wait3A_367 = tpu.memref_slice %arg11[%mul3A_366, %dma_wait3A] : memref<8192x8xf32, #tpu.memory_space<vmem>> -> memref<128x8xf32, #tpu.memory_space<vmem>>
        %dma_wait3A_368 = tpu.memref_slice %arg10[%mul3A_364] : memref<8192xi32, #tpu.memory_space<vmem>> -> memref<128xi32, #tpu.memory_space<vmem>>
        %dma_wait3A_369 = arith.constant 0 : i32
        %dma_wait3A_370 = arith.constant 0 : i32
        %dma_wait3A_371 = tpu.memref_slice %arg7[%dma_wait3A_369, %dma_wait3A_370] : memref<2097152x8xf32, #tpu.memory_space<hbm>> -> memref<2097152x8xf32, #tpu.memory_space<hbm>>
        tpu.wait_indirect_dma semaphore(%arg15 : memref<!tpu.dma_semaphore, #tpu.memory_space<semaphore_mem>>) src(%dma_wait3A_371 : memref<2097152x8xf32, #tpu.memory_space<hbm>>) dst(%dma_wait3A_367 : memref<128x8xf32, #tpu.memory_space<vmem>>)
        %scan3A_372 = arith.constant 0 : i32
        scf.yield %scan3A_372 : i32
      }
      %scan3A_331 = arith.constant 64 : i32
      %scan3A_332 = arith.constant 0 : i32
      %scan3A_333 = arith.constant 0 : i32
      %scan3A_334 = arith.constant 16 : i32
      %scan3A_335 = arith.addi %scan3A_333, %scan3A_334 : i32
      %scan3A_336 = arith.constant 1 : i32
      %scan3A_337 = scf.for %scan3A_361 = %scan3A_333 to %scan3A_335 step %scan3A_336 iter_args(%scan3A_362 = %scan3A_332) -> (i32)  : i32 {
        %jit3A_363 = arith.constant 4 : i32
        %div3A_364 = arith.divsi %scan3A_361, %jit3A_363 : i32
        %sign3A_365 = arith.constant 0 : i32
        %sign3A_366 = arith.cmpi sgt, %scan3A_361, %sign3A_365 : i32
        %sign3A_367 = arith.extui %sign3A_366 : i1 to i32
        %sign3A_368 = arith.constant 0 : i32
        %sign3A_369 = arith.cmpi slt, %scan3A_361, %sign3A_368 : i32
        %sign3A_370 = arith.extui %sign3A_369 : i1 to i32
        %sign3A_371 = arith.subi %sign3A_367, %sign3A_370 : i32
        %sign3A_372 = arith.constant 0 : i32
        %sign3A_373 = arith.cmpi sgt, %jit3A_363, %sign3A_372 : i32
        %sign3A_374 = arith.extui %sign3A_373 : i1 to i32
        %sign3A_375 = arith.constant 0 : i32
        %sign3A_376 = arith.cmpi slt, %jit3A_363, %sign3A_375 : i32
        %sign3A_377 = arith.extui %sign3A_376 : i1 to i32
        %sign3A_378 = arith.subi %sign3A_374, %sign3A_377 : i32
        %ne3A_379 = arith.cmpi ne, %sign3A_371, %sign3A_378 : i32
        %rem3A_380 = arith.remsi %scan3A_361, %jit3A_363 : i32
        %ne3A_381 = arith.constant 0 : i32
        %ne3A_382 = arith.cmpi ne, %rem3A_380, %ne3A_381 : i32
        %and3A_383 = arith.andi %ne3A_379, %ne3A_382 : i1
        %sub3A_384 = arith.constant 1 : i32
        %sub3A_385 = arith.subi %div3A_364, %sub3A_384 : i32
        %select_n3A_386 = arith.select %and3A_383, %sub3A_385, %div3A_364 : i32
        %jit3A_387 = arith.constant 4 : i32
        %eq3A_388 = arith.constant 0 : i32
        %eq3A_389 = arith.cmpi eq, %jit3A_387, %eq3A_388 : i32
        %jit3A_390 = arith.constant 1 : i32
        %select_n3A_391 = arith.select %eq3A_389, %jit3A_390, %jit3A_387 : i32
        %rem3A_392 = arith.remsi %scan3A_361, %select_n3A_391 : i32
        %ne3A_393 = arith.constant 0 : i32
        %ne3A_394 = arith.cmpi ne, %rem3A_392, %ne3A_393 : i32
        %lt3A_395 = arith.constant 0 : i32
        %lt3A_396 = arith.cmpi slt, %rem3A_392, %lt3A_395 : i32
        %lt3A_397 = arith.constant 0 : i32
        %lt3A_398 = arith.cmpi slt, %select_n3A_391, %lt3A_397 : i32
        %ne3A_399 = arith.xori %lt3A_396, %lt3A_398 : i1
        %and3A_400 = arith.andi %ne3A_399, %ne3A_394 : i1
        %add3A_401 = arith.addi %rem3A_392, %select_n3A_391 : i32
        %select_n3A_402 = arith.select %and3A_400, %add3A_401, %rem3A_392 : i32
        %mul3A_403 = arith.constant 2097152 : i32
        %mul3A_404 = arith.muli %select_n3A_283, %mul3A_403 : i32
        %mul3A_405 = arith.constant 524288 : i32
        %mul3A_406 = arith.muli %select_n3A_386, %mul3A_405 : i32
        %add3A_407 = arith.addi %mul3A_404, %mul3A_406 : i32
        %add3A_408 = arith.addi %mul3A_301, %select_n3A_402 : i32
        %mul3A_409 = arith.constant 1024 : i32
        %mul3A_410 = arith.muli %add3A_408, %mul3A_409 : i32
        %add3A_411 = arith.addi %add3A_407, %mul3A_410 : i32
        %mul3A_412 = arith.constant 4096 : i32
        %mul3A_413 = arith.muli %select_n3A_386, %mul3A_412 : i32
        %mul3A_414 = arith.constant 1024 : i32
        %mul3A_415 = arith.muli %select_n3A_402, %mul3A_414 : i32
        %add3A_416 = arith.addi %mul3A_413, %mul3A_415 : i32
        %dma_wait3A = tpu.memref_slice %arg12[%add3A_416] : memref<16384xf32, #tpu.memory_space<vmem>> -> memref<1024xf32, #tpu.memory_space<vmem>>
        %dma_wait3A_417 = tpu.memref_slice %arg4[%add3A_411] : memref<16777216xf32, #tpu.memory_space<hbm>> -> memref<1024xf32, #tpu.memory_space<hbm>>
        %dma_wait3A_418 = tpu.memref_slice %arg12[%add3A_416] : memref<16384xf32, #tpu.memory_space<vmem>> -> memref<1024xf32, #tpu.memory_space<vmem>>
        %dma_wait3A_419 = tpu.memref_slice %arg4[%add3A_411] : memref<16777216xf32, #tpu.memory_space<hbm>> -> memref<1024xf32, #tpu.memory_space<hbm>>
        tpu.wait_dma2 semaphore(%arg16 : memref<!tpu.dma_semaphore, #tpu.memory_space<semaphore_mem>>) src(%dma_wait3A_419 : memref<1024xf32, #tpu.memory_space<hbm>>) dst(%dma_wait3A_418 : memref<1024xf32, #tpu.memory_space<vmem>>)
        %scan3A_420 = arith.constant 0 : i32
        scf.yield %scan3A_420 : i32
      }
      %scan3A_338 = arith.constant 16 : i32
      %scan3A_339 = arith.constant 0 : i32
      %scan3A_340 = arith.constant 0 : i32
      %scan3A_341 = arith.constant 64 : i32
      %scan3A_342 = arith.addi %scan3A_340, %scan3A_341 : i32
      %scan3A_343 = arith.constant 1 : i32
      %scan3A_344 = scf.for %scan3A_361 = %scan3A_340 to %scan3A_342 step %scan3A_343 iter_args(%scan3A_362 = %scan3A_339) -> (i32)  : i32 {
        %jit3A_363 = arith.constant 16 : i32
        %div3A_364 = arith.divsi %scan3A_361, %jit3A_363 : i32
        %sign3A_365 = arith.constant 0 : i32
        %sign3A_366 = arith.cmpi sgt, %scan3A_361, %sign3A_365 : i32
        %sign3A_367 = arith.extui %sign3A_366 : i1 to i32
        %sign3A_368 = arith.constant 0 : i32
        %sign3A_369 = arith.cmpi slt, %scan3A_361, %sign3A_368 : i32
        %sign3A_370 = arith.extui %sign3A_369 : i1 to i32
        %sign3A_371 = arith.subi %sign3A_367, %sign3A_370 : i32
        %sign3A_372 = arith.constant 0 : i32
        %sign3A_373 = arith.cmpi sgt, %jit3A_363, %sign3A_372 : i32
        %sign3A_374 = arith.extui %sign3A_373 : i1 to i32
        %sign3A_375 = arith.constant 0 : i32
        %sign3A_376 = arith.cmpi slt, %jit3A_363, %sign3A_375 : i32
        %sign3A_377 = arith.extui %sign3A_376 : i1 to i32
        %sign3A_378 = arith.subi %sign3A_374, %sign3A_377 : i32
        %ne3A_379 = arith.cmpi ne, %sign3A_371, %sign3A_378 : i32
        %rem3A_380 = arith.remsi %scan3A_361, %jit3A_363 : i32
        %ne3A_381 = arith.constant 0 : i32
        %ne3A_382 = arith.cmpi ne, %rem3A_380, %ne3A_381 : i32
        %and3A_383 = arith.andi %ne3A_379, %ne3A_382 : i1
        %sub3A_384 = arith.constant 1 : i32
        %sub3A_385 = arith.subi %div3A_364, %sub3A_384 : i32
        %select_n3A_386 = arith.select %and3A_383, %sub3A_385, %div3A_364 : i32
        %mul3A_387 = arith.constant 1024 : i32
        %mul3A_388 = arith.muli %select_n3A_386, %mul3A_387 : i32
        %jit3A_389 = arith.constant 16 : i32
        %eq3A_390 = arith.constant 0 : i32
        %eq3A_391 = arith.cmpi eq, %jit3A_389, %eq3A_390 : i32
        %jit3A_392 = arith.constant 1 : i32
        %select_n3A_393 = arith.select %eq3A_391, %jit3A_392, %jit3A_389 : i32
        %rem3A_394 = arith.remsi %scan3A_361, %select_n3A_393 : i32
        %ne3A_395 = arith.constant 0 : i32
        %ne3A_396 = arith.cmpi ne, %rem3A_394, %ne3A_395 : i32
        %lt3A_397 = arith.constant 0 : i32
        %lt3A_398 = arith.cmpi slt, %rem3A_394, %lt3A_397 : i32
        %lt3A_399 = arith.constant 0 : i32
        %lt3A_400 = arith.cmpi slt, %select_n3A_393, %lt3A_399 : i32
        %ne3A_401 = arith.xori %lt3A_398, %lt3A_400 : i1
        %and3A_402 = arith.andi %ne3A_401, %ne3A_396 : i1
        %add3A_403 = arith.addi %rem3A_394, %select_n3A_393 : i32
        %select_n3A_404 = arith.select %and3A_402, %add3A_403, %rem3A_394 : i32
        %mul3A_405 = arith.constant 8 : i32
        %mul3A_406 = arith.muli %select_n3A_404, %mul3A_405 : i32
        %add3A_407 = arith.addi %mul3A_388, %mul3A_406 : i32
        %mul3A_408 = arith.constant 8 : i32
        %mul3A_409 = arith.muli %scan3A_361, %mul3A_408 : i32
        %add3A_410 = arith.constant 0 : i32
        %add3A_411 = arith.addi %add3A_410, %mul3A_409 : i32
        %add3A_412 = vector.broadcast %add3A_411 : i32 to vector<16xi32>
        %add3A_413 = arith.addi %add3A_412, %select_n3A : vector<16xi32>
        %gather3A_414 = tpu.vector_load_idx %arg11[%add3A_413, %select_n3A_43] : memref<8192x8xf32, #tpu.memory_space<vmem>>[vector<16xi32>, vector<16xi32>], vector<16xf32>,
        %add3A_415 = arith.constant 0 : i32
        %add3A_416 = arith.addi %add3A_407, %add3A_415 : i32
        %add3A_417 = vector.broadcast %add3A_416 : i32 to vector<16xi32>
        %add3A_418 = arith.addi %add3A_417, %add3A_47 : vector<16xi32>
        tpu.vector_store_idx %arg12[%add3A_418], %gather3A_414 {add = true} : memref<16384xf32, #tpu.memory_space<vmem>>[vector<16xi32>], vector<16xf32>,
        %mul3A_419 = arith.constant 8 : i32
        %mul3A_420 = arith.muli %scan3A_361, %mul3A_419 : i32
        %add3A_421 = arith.constant 512 : i32
        %add3A_422 = arith.addi %add3A_421, %mul3A_420 : i32
        %add3A_423 = vector.broadcast %add3A_422 : i32 to vector<16xi32>
        %add3A_424 = arith.addi %add3A_423, %select_n3A : vector<16xi32>
        %gather3A_425 = tpu.vector_load_idx %arg11[%add3A_424, %select_n3A_43] : memref<8192x8xf32, #tpu.memory_space<vmem>>[vector<16xi32>, vector<16xi32>], vector<16xf32>,
        %add3A_426 = arith.constant 256 : i32
        %add3A_427 = arith.addi %add3A_407, %add3A_426 : i32
        %add3A_428 = vector.broadcast %add3A_427 : i32 to vector<16xi32>
        %add3A_429 = arith.addi %add3A_428, %add3A_47 : vector<16xi32>
        tpu.vector_store_idx %arg12[%add3A_429], %gather3A_425 {add = true} : memref<16384xf32, #tpu.memory_space<vmem>>[vector<16xi32>], vector<16xf32>,
        %mul3A_430 = arith.constant 8 : i32
        %mul3A_431 = arith.muli %scan3A_361, %mul3A_430 : i32
        %add3A_432 = arith.constant 1024 : i32
        %add3A_433 = arith.addi %add3A_432, %mul3A_431 : i32
        %add3A_434 = vector.broadcast %add3A_433 : i32 to vector<16xi32>
        %add3A_435 = arith.addi %add3A_434, %select_n3A : vector<16xi32>
        %gather3A_436 = tpu.vector_load_idx %arg11[%add3A_435, %select_n3A_43] : memref<8192x8xf32, #tpu.memory_space<vmem>>[vector<16xi32>, vector<16xi32>], vector<16xf32>,
        %add3A_437 = arith.constant 512 : i32
        %add3A_438 = arith.addi %add3A_407, %add3A_437 : i32
        %add3A_439 = vector.broadcast %add3A_438 : i32 to vector<16xi32>
        %add3A_440 = arith.addi %add3A_439, %add3A_47 : vector<16xi32>
        tpu.vector_store_idx %arg12[%add3A_440], %gather3A_436 {add = true} : memref<16384xf32, #tpu.memory_space<vmem>>[vector<16xi32>], vector<16xf32>,
        %mul3A_441 = arith.constant 8 : i32
        %mul3A_442 = arith.muli %scan3A_361, %mul3A_441 : i32
        %add3A_443 = arith.constant 1536 : i32
        %add3A_444 = arith.addi %add3A_443, %mul3A_442 : i32
        %add3A_445 = vector.broadcast %add3A_444 : i32 to vector<16xi32>
        %add3A_446 = arith.addi %add3A_445, %select_n3A : vector<16xi32>
        %gather3A_447 = tpu.vector_load_idx %arg11[%add3A_446, %select_n3A_43] : memref<8192x8xf32, #tpu.memory_space<vmem>>[vector<16xi32>, vector<16xi32>], vector<16xf32>,
        %add3A_448 = arith.constant 768 : i32
        %add3A_449 = arith.addi %add3A_407, %add3A_448 : i32
        %add3A_450 = vector.broadcast %add3A_449 : i32 to vector<16xi32>
        %add3A_451 = arith.addi %add3A_450, %add3A_47 : vector<16xi32>
        tpu.vector_store_idx %arg12[%add3A_451], %gather3A_447 {add = true} : memref<16384xf32, #tpu.memory_space<vmem>>[vector<16xi32>], vector<16xf32>,
        %mul3A_452 = arith.constant 8 : i32
        %mul3A_453 = arith.muli %scan3A_361, %mul3A_452 : i32
        %add3A_454 = arith.constant 2048 : i32
        %add3A_455 = arith.addi %add3A_454, %mul3A_453 : i32
        %add3A_456 = vector.broadcast %add3A_455 : i32 to vector<16xi32>
        %add3A_457 = arith.addi %add3A_456, %select_n3A : vector<16xi32>
        %gather3A_458 = tpu.vector_load_idx %arg11[%add3A_457, %select_n3A_43] : memref<8192x8xf32, #tpu.memory_space<vmem>>[vector<16xi32>, vector<16xi32>], vector<16xf32>,
        %add3A_459 = arith.constant 4096 : i32
        %add3A_460 = arith.addi %add3A_407, %add3A_459 : i32
        %add3A_461 = vector.broadcast %add3A_460 : i32 to vector<16xi32>
        %add3A_462 = arith.addi %add3A_461, %add3A_47 : vector<16xi32>
        tpu.vector_store_idx %arg12[%add3A_462], %gather3A_458 {add = true} : memref<16384xf32, #tpu.memory_space<vmem>>[vector<16xi32>], vector<16xf32>,
        %mul3A_463 = arith.constant 8 : i32
        %mul3A_464 = arith.muli %scan3A_361, %mul3A_463 : i32
        %add3A_465 = arith.constant 2560 : i32
        %add3A_466 = arith.addi %add3A_465, %mul3A_464 : i32
        %add3A_467 = vector.broadcast %add3A_466 : i32 to vector<16xi32>
        %add3A_468 = arith.addi %add3A_467, %select_n3A : vector<16xi32>
        %gather3A_469 = tpu.vector_load_idx %arg11[%add3A_468, %select_n3A_43] : memref<8192x8xf32, #tpu.memory_space<vmem>>[vector<16xi32>, vector<16xi32>], vector<16xf32>,
        %add3A_470 = arith.constant 4352 : i32
        %add3A_471 = arith.addi %add3A_407, %add3A_470 : i32
        %add3A_472 = vector.broadcast %add3A_471 : i32 to vector<16xi32>
        %add3A_473 = arith.addi %add3A_472, %add3A_47 : vector<16xi32>
        tpu.vector_store_idx %arg12[%add3A_473], %gather3A_469 {add = true} : memref<16384xf32, #tpu.memory_space<vmem>>[vector<16xi32>], vector<16xf32>,
        %mul3A_474 = arith.constant 8 : i32
        %mul3A_475 = arith.muli %scan3A_361, %mul3A_474 : i32
        %add3A_476 = arith.constant 3072 : i32
        %add3A_477 = arith.addi %add3A_476, %mul3A_475 : i32
        %add3A_478 = vector.broadcast %add3A_477 : i32 to vector<16xi32>
        %add3A_479 = arith.addi %add3A_478, %select_n3A : vector<16xi32>
        %gather3A_480 = tpu.vector_load_idx %arg11[%add3A_479, %select_n3A_43] : memref<8192x8xf32, #tpu.memory_space<vmem>>[vector<16xi32>, vector<16xi32>], vector<16xf32>,
        %add3A_481 = arith.constant 4608 : i32
        %add3A_482 = arith.addi %add3A_407, %add3A_481 : i32
        %add3A_483 = vector.broadcast %add3A_482 : i32 to vector<16xi32>
        %add3A_484 = arith.addi %add3A_483, %add3A_47 : vector<16xi32>
        tpu.vector_store_idx %arg12[%add3A_484], %gather3A_480 {add = true} : memref<16384xf32, #tpu.memory_space<vmem>>[vector<16xi32>], vector<16xf32>,
        %mul3A_485 = arith.constant 8 : i32
        %mul3A_486 = arith.muli %scan3A_361, %mul3A_485 : i32
        %add3A_487 = arith.constant 3584 : i32
        %add3A_488 = arith.addi %add3A_487, %mul3A_486 : i32
        %add3A_489 = vector.broadcast %add3A_488 : i32 to vector<16xi32>
        %add3A_490 = arith.addi %add3A_489, %select_n3A : vector<16xi32>
        %gather3A_491 = tpu.vector_load_idx %arg11[%add3A_490, %select_n3A_43] : memref<8192x8xf32, #tpu.memory_space<vmem>>[vector<16xi32>, vector<16xi32>], vector<16xf32>,
        %add3A_492 = arith.constant 4864 : i32
        %add3A_493 = arith.addi %add3A_407, %add3A_492 : i32
        %add3A_494 = vector.broadcast %add3A_493 : i32 to vector<16xi32>
        %add3A_495 = arith.addi %add3A_494, %add3A_47 : vector<16xi32>
        tpu.vector_store_idx %arg12[%add3A_495], %gather3A_491 {add = true} : memref<16384xf32, #tpu.memory_space<vmem>>[vector<16xi32>], vector<16xf32>,
        %mul3A_496 = arith.constant 8 : i32
        %mul3A_497 = arith.muli %scan3A_361, %mul3A_496 : i32
        %add3A_498 = arith.constant 4096 : i32
        %add3A_499 = arith.addi %add3A_498, %mul3A_497 : i32
        %add3A_500 = vector.broadcast %add3A_499 : i32 to vector<16xi32>
        %add3A_501 = arith.addi %add3A_500, %select_n3A : vector<16xi32>
        %gather3A_502 = tpu.vector_load_idx %arg11[%add3A_501, %select_n3A_43] : memref<8192x8xf32, #tpu.memory_space<vmem>>[vector<16xi32>, vector<16xi32>], vector<16xf32>,
        %add3A_503 = arith.constant 8192 : i32
        %add3A_504 = arith.addi %add3A_407, %add3A_503 : i32
        %add3A_505 = vector.broadcast %add3A_504 : i32 to vector<16xi32>
        %add3A_506 = arith.addi %add3A_505, %add3A_47 : vector<16xi32>
        tpu.vector_store_idx %arg12[%add3A_506], %gather3A_502 {add = true} : memref<16384xf32, #tpu.memory_space<vmem>>[vector<16xi32>], vector<16xf32>,
        %mul3A_507 = arith.constant 8 : i32
        %mul3A_508 = arith.muli %scan3A_361, %mul3A_507 : i32
        %add3A_509 = arith.constant 4608 : i32
        %add3A_510 = arith.addi %add3A_509, %mul3A_508 : i32
        %add3A_511 = vector.broadcast %add3A_510 : i32 to vector<16xi32>
        %add3A_512 = arith.addi %add3A_511, %select_n3A : vector<16xi32>
        %gather3A_513 = tpu.vector_load_idx %arg11[%add3A_512, %select_n3A_43] : memref<8192x8xf32, #tpu.memory_space<vmem>>[vector<16xi32>, vector<16xi32>], vector<16xf32>,
        %add3A_514 = arith.constant 8448 : i32
        %add3A_515 = arith.addi %add3A_407, %add3A_514 : i32
        %add3A_516 = vector.broadcast %add3A_515 : i32 to vector<16xi32>
        %add3A_517 = arith.addi %add3A_516, %add3A_47 : vector<16xi32>
        tpu.vector_store_idx %arg12[%add3A_517], %gather3A_513 {add = true} : memref<16384xf32, #tpu.memory_space<vmem>>[vector<16xi32>], vector<16xf32>,
        %mul3A_518 = arith.constant 8 : i32
        %mul3A_519 = arith.muli %scan3A_361, %mul3A_518 : i32
        %add3A_520 = arith.constant 5120 : i32
        %add3A_521 = arith.addi %add3A_520, %mul3A_519 : i32
        %add3A_522 = vector.broadcast %add3A_521 : i32 to vector<16xi32>
        %add3A_523 = arith.addi %add3A_522, %select_n3A : vector<16xi32>
        %gather3A_524 = tpu.vector_load_idx %arg11[%add3A_523, %select_n3A_43] : memref<8192x8xf32, #tpu.memory_space<vmem>>[vector<16xi32>, vector<16xi32>], vector<16xf32>,
        %add3A_525 = arith.constant 8704 : i32
        %add3A_526 = arith.addi %add3A_407, %add3A_525 : i32
        %add3A_527 = vector.broadcast %add3A_526 : i32 to vector<16xi32>
        %add3A_528 = arith.addi %add3A_527, %add3A_47 : vector<16xi32>
        tpu.vector_store_idx %arg12[%add3A_528], %gather3A_524 {add = true} : memref<16384xf32, #tpu.memory_space<vmem>>[vector<16xi32>], vector<16xf32>,
        %mul3A_529 = arith.constant 8 : i32
        %mul3A_530 = arith.muli %scan3A_361, %mul3A_529 : i32
        %add3A_531 = arith.constant 5632 : i32
        %add3A_532 = arith.addi %add3A_531, %mul3A_530 : i32
        %add3A_533 = vector.broadcast %add3A_532 : i32 to vector<16xi32>
        %add3A_534 = arith.addi %add3A_533, %select_n3A : vector<16xi32>
        %gather3A_535 = tpu.vector_load_idx %arg11[%add3A_534, %select_n3A_43] : memref<8192x8xf32, #tpu.memory_space<vmem>>[vector<16xi32>, vector<16xi32>], vector<16xf32>,
        %add3A_536 = arith.constant 8960 : i32
        %add3A_537 = arith.addi %add3A_407, %add3A_536 : i32
        %add3A_538 = vector.broadcast %add3A_537 : i32 to vector<16xi32>
        %add3A_539 = arith.addi %add3A_538, %add3A_47 : vector<16xi32>
        tpu.vector_store_idx %arg12[%add3A_539], %gather3A_535 {add = true} : memref<16384xf32, #tpu.memory_space<vmem>>[vector<16xi32>], vector<16xf32>,
        %mul3A_540 = arith.constant 8 : i32
        %mul3A_541 = arith.muli %scan3A_361, %mul3A_540 : i32
        %add3A_542 = arith.constant 6144 : i32
        %add3A_543 = arith.addi %add3A_542, %mul3A_541 : i32
        %add3A_544 = vector.broadcast %add3A_543 : i32 to vector<16xi32>
        %add3A_545 = arith.addi %add3A_544, %select_n3A : vector<16xi32>
        %gather3A_546 = tpu.vector_load_idx %arg11[%add3A_545, %select_n3A_43] : memref<8192x8xf32, #tpu.memory_space<vmem>>[vector<16xi32>, vector<16xi32>], vector<16xf32>,
        %add3A_547 = arith.constant 12288 : i32
        %add3A_548 = arith.addi %add3A_407, %add3A_547 : i32
        %add3A_549 = vector.broadcast %add3A_548 : i32 to vector<16xi32>
        %add3A_550 = arith.addi %add3A_549, %add3A_47 : vector<16xi32>
        tpu.vector_store_idx %arg12[%add3A_550], %gather3A_546 {add = true} : memref<16384xf32, #tpu.memory_space<vmem>>[vector<16xi32>], vector<16xf32>,
        %mul3A_551 = arith.constant 8 : i32
        %mul3A_552 = arith.muli %scan3A_361, %mul3A_551 : i32
        %add3A_553 = arith.constant 6656 : i32
        %add3A_554 = arith.addi %add3A_553, %mul3A_552 : i32
        %add3A_555 = vector.broadcast %add3A_554 : i32 to vector<16xi32>
        %add3A_556 = arith.addi %add3A_555, %select_n3A : vector<16xi32>
        %gather3A_557 = tpu.vector_load_idx %arg11[%add3A_556, %select_n3A_43] : memref<8192x8xf32, #tpu.memory_space<vmem>>[vector<16xi32>, vector<16xi32>], vector<16xf32>,
        %add3A_558 = arith.constant 12544 : i32
        %add3A_559 = arith.addi %add3A_407, %add3A_558 : i32
        %add3A_560 = vector.broadcast %add3A_559 : i32 to vector<16xi32>
        %add3A_561 = arith.addi %add3A_560, %add3A_47 : vector<16xi32>
        tpu.vector_store_idx %arg12[%add3A_561], %gather3A_557 {add = true} : memref<16384xf32, #tpu.memory_space<vmem>>[vector<16xi32>], vector<16xf32>,
        %mul3A_562 = arith.constant 8 : i32
        %mul3A_563 = arith.muli %scan3A_361, %mul3A_562 : i32
        %add3A_564 = arith.constant 7168 : i32
        %add3A_565 = arith.addi %add3A_564, %mul3A_563 : i32
        %add3A_566 = vector.broadcast %add3A_565 : i32 to vector<16xi32>
        %add3A_567 = arith.addi %add3A_566, %select_n3A : vector<16xi32>
        %gather3A_568 = tpu.vector_load_idx %arg11[%add3A_567, %select_n3A_43] : memref<8192x8xf32, #tpu.memory_space<vmem>>[vector<16xi32>, vector<16xi32>], vector<16xf32>,
        %add3A_569 = arith.constant 12800 : i32
        %add3A_570 = arith.addi %add3A_407, %add3A_569 : i32
        %add3A_571 = vector.broadcast %add3A_570 : i32 to vector<16xi32>
        %add3A_572 = arith.addi %add3A_571, %add3A_47 : vector<16xi32>
        tpu.vector_store_idx %arg12[%add3A_572], %gather3A_568 {add = true} : memref<16384xf32, #tpu.memory_space<vmem>>[vector<16xi32>], vector<16xf32>,
        %mul3A_573 = arith.constant 8 : i32
        %mul3A_574 = arith.muli %scan3A_361, %mul3A_573 : i32
        %add3A_575 = arith.constant 7680 : i32
        %add3A_576 = arith.addi %add3A_575, %mul3A_574 : i32
        %add3A_577 = vector.broadcast %add3A_576 : i32 to vector<16xi32>
        %add3A_578 = arith.addi %add3A_577, %select_n3A : vector<16xi32>
        %gather3A_579 = tpu.vector_load_idx %arg11[%add3A_578, %select_n3A_43] : memref<8192x8xf32, #tpu.memory_space<vmem>>[vector<16xi32>, vector<16xi32>], vector<16xf32>,
        %add3A_580 = arith.constant 13056 : i32
        %add3A_581 = arith.addi %add3A_407, %add3A_580 : i32
        %add3A_582 = vector.broadcast %add3A_581 : i32 to vector<16xi32>
        %add3A_583 = arith.addi %add3A_582, %add3A_47 : vector<16xi32>
        tpu.vector_store_idx %arg12[%add3A_583], %gather3A_579 {add = true} : memref<16384xf32, #tpu.memory_space<vmem>>[vector<16xi32>], vector<16xf32>,
        %scan3A_584 = arith.constant 0 : i32
        scf.yield %scan3A_584 : i32
      }
      %scan3A_345 = arith.constant 64 : i32
      %scan3A_346 = arith.constant 0 : i32
      %scan3A_347 = arith.constant 0 : i32
      %scan3A_348 = arith.constant 16 : i32
      %scan3A_349 = arith.addi %scan3A_347, %scan3A_348 : i32
      %scan3A_350 = arith.constant 1 : i32
      %scan3A_351 = scf.for %scan3A_361 = %scan3A_347 to %scan3A_349 step %scan3A_350 iter_args(%scan3A_362 = %scan3A_346) -> (i32)  : i32 {
        %jit3A_363 = arith.constant 4 : i32
        %div3A_364 = arith.divsi %scan3A_361, %jit3A_363 : i32
        %sign3A_365 = arith.constant 0 : i32
        %sign3A_366 = arith.cmpi sgt, %scan3A_361, %sign3A_365 : i32
        %sign3A_367 = arith.extui %sign3A_366 : i1 to i32
        %sign3A_368 = arith.constant 0 : i32
        %sign3A_369 = arith.cmpi slt, %scan3A_361, %sign3A_368 : i32
        %sign3A_370 = arith.extui %sign3A_369 : i1 to i32
        %sign3A_371 = arith.subi %sign3A_367, %sign3A_370 : i32
        %sign3A_372 = arith.constant 0 : i32
        %sign3A_373 = arith.cmpi sgt, %jit3A_363, %sign3A_372 : i32
        %sign3A_374 = arith.extui %sign3A_373 : i1 to i32
        %sign3A_375 = arith.constant 0 : i32
        %sign3A_376 = arith.cmpi slt, %jit3A_363, %sign3A_375 : i32
        %sign3A_377 = arith.extui %sign3A_376 : i1 to i32
        %sign3A_378 = arith.subi %sign3A_374, %sign3A_377 : i32
        %ne3A_379 = arith.cmpi ne, %sign3A_371, %sign3A_378 : i32
        %rem3A_380 = arith.remsi %scan3A_361, %jit3A_363 : i32
        %ne3A_381 = arith.constant 0 : i32
        %ne3A_382 = arith.cmpi ne, %rem3A_380, %ne3A_381 : i32
        %and3A_383 = arith.andi %ne3A_379, %ne3A_382 : i1
        %sub3A_384 = arith.constant 1 : i32
        %sub3A_385 = arith.subi %div3A_364, %sub3A_384 : i32
        %select_n3A_386 = arith.select %and3A_383, %sub3A_385, %div3A_364 : i32
        %jit3A_387 = arith.constant 4 : i32
        %eq3A_388 = arith.constant 0 : i32
        %eq3A_389 = arith.cmpi eq, %jit3A_387, %eq3A_388 : i32
        %jit3A_390 = arith.constant 1 : i32
        %select_n3A_391 = arith.select %eq3A_389, %jit3A_390, %jit3A_387 : i32
        %rem3A_392 = arith.remsi %scan3A_361, %select_n3A_391 : i32
        %ne3A_393 = arith.constant 0 : i32
        %ne3A_394 = arith.cmpi ne, %rem3A_392, %ne3A_393 : i32
        %lt3A_395 = arith.constant 0 : i32
        %lt3A_396 = arith.cmpi slt, %rem3A_392, %lt3A_395 : i32
        %lt3A_397 = arith.constant 0 : i32
        %lt3A_398 = arith.cmpi slt, %select_n3A_391, %lt3A_397 : i32
        %ne3A_399 = arith.xori %lt3A_396, %lt3A_398 : i1
        %and3A_400 = arith.andi %ne3A_399, %ne3A_394 : i1
        %add3A_401 = arith.addi %rem3A_392, %select_n3A_391 : i32
        %select_n3A_402 = arith.select %and3A_400, %add3A_401, %rem3A_392 : i32
        %mul3A_403 = arith.constant 2097152 : i32
        %mul3A_404 = arith.muli %select_n3A_283, %mul3A_403 : i32
        %mul3A_405 = arith.constant 524288 : i32
        %mul3A_406 = arith.muli %select_n3A_386, %mul3A_405 : i32
        %add3A_407 = arith.addi %mul3A_404, %mul3A_406 : i32
        %add3A_408 = arith.addi %mul3A_301, %select_n3A_402 : i32
        %mul3A_409 = arith.constant 1024 : i32
        %mul3A_410 = arith.muli %add3A_408, %mul3A_409 : i32
        %add3A_411 = arith.addi %add3A_407, %mul3A_410 : i32
        %mul3A_412 = arith.constant 4096 : i32
        %mul3A_413 = arith.muli %select_n3A_386, %mul3A_412 : i32
        %mul3A_414 = arith.constant 1024 : i32
        %mul3A_415 = arith.muli %select_n3A_402, %mul3A_414 : i32
        %add3A_416 = arith.addi %mul3A_413, %mul3A_415 : i32
        %dma_start3A = tpu.memref_slice %arg12[%add3A_416] : memref<16384xf32, #tpu.memory_space<vmem>> -> memref<1024xf32, #tpu.memory_space<vmem>>
        %dma_start3A_417 = tpu.memref_slice %arg6[%add3A_411] : memref<16777216xf32, #tpu.memory_space<hbm>> -> memref<1024xf32, #tpu.memory_space<hbm>>
        %dma_start3A_418 = tpu.memref_slice %arg6[%add3A_411] : memref<16777216xf32, #tpu.memory_space<hbm>> -> memref<1024xf32, #tpu.memory_space<hbm>>
        %dma_start3A_419 = tpu.memref_slice %arg12[%add3A_416] : memref<16384xf32, #tpu.memory_space<vmem>> -> memref<1024xf32, #tpu.memory_space<vmem>>
        tpu.enqueue_dma source(%dma_start3A_419 : memref<1024xf32, #tpu.memory_space<vmem>>) target(%dma_start3A_418 : memref<1024xf32, #tpu.memory_space<hbm>>) target_semaphore(%arg16 : memref<!tpu.dma_semaphore, #tpu.memory_space<semaphore_mem>>)
        %scan3A_420 = arith.constant 0 : i32
        scf.yield %scan3A_420 : i32
      }
      %scan3A_352 = arith.constant 16 : i32
      %scan3A_353 = arith.constant 0 : i32
      %scan3A_354 = arith.constant 0 : i32
      %scan3A_355 = arith.constant 16 : i32
      %scan3A_356 = arith.addi %scan3A_354, %scan3A_355 : i32
      %scan3A_357 = arith.constant 1 : i32
      %scan3A_358 = scf.for %scan3A_361 = %scan3A_354 to %scan3A_356 step %scan3A_357 iter_args(%scan3A_362 = %scan3A_353) -> (i32)  : i32 {
        %jit3A_363 = arith.constant 4 : i32
        %div3A_364 = arith.divsi %scan3A_361, %jit3A_363 : i32
        %sign3A_365 = arith.constant 0 : i32
        %sign3A_366 = arith.cmpi sgt, %scan3A_361, %sign3A_365 : i32
        %sign3A_367 = arith.extui %sign3A_366 : i1 to i32
        %sign3A_368 = arith.constant 0 : i32
        %sign3A_369 = arith.cmpi slt, %scan3A_361, %sign3A_368 : i32
        %sign3A_370 = arith.extui %sign3A_369 : i1 to i32
        %sign3A_371 = arith.subi %sign3A_367, %sign3A_370 : i32
        %sign3A_372 = arith.constant 0 : i32
        %sign3A_373 = arith.cmpi sgt, %jit3A_363, %sign3A_372 : i32
        %sign3A_374 = arith.extui %sign3A_373 : i1 to i32
        %sign3A_375 = arith.constant 0 : i32
        %sign3A_376 = arith.cmpi slt, %jit3A_363, %sign3A_375 : i32
        %sign3A_377 = arith.extui %sign3A_376 : i1 to i32
        %sign3A_378 = arith.subi %sign3A_374, %sign3A_377 : i32
        %ne3A_379 = arith.cmpi ne, %sign3A_371, %sign3A_378 : i32
        %rem3A_380 = arith.remsi %scan3A_361, %jit3A_363 : i32
        %ne3A_381 = arith.constant 0 : i32
        %ne3A_382 = arith.cmpi ne, %rem3A_380, %ne3A_381 : i32
        %and3A_383 = arith.andi %ne3A_379, %ne3A_382 : i1
        %sub3A_384 = arith.constant 1 : i32
        %sub3A_385 = arith.subi %div3A_364, %sub3A_384 : i32
        %select_n3A_386 = arith.select %and3A_383, %sub3A_385, %div3A_364 : i32
        %jit3A_387 = arith.constant 4 : i32
        %eq3A_388 = arith.constant 0 : i32
        %eq3A_389 = arith.cmpi eq, %jit3A_387, %eq3A_388 : i32
        %jit3A_390 = arith.constant 1 : i32
        %select_n3A_391 = arith.select %eq3A_389, %jit3A_390, %jit3A_387 : i32
        %rem3A_392 = arith.remsi %scan3A_361, %select_n3A_391 : i32
        %ne3A_393 = arith.constant 0 : i32
        %ne3A_394 = arith.cmpi ne, %rem3A_392, %ne3A_393 : i32
        %lt3A_395 = arith.constant 0 : i32
        %lt3A_396 = arith.cmpi slt, %rem3A_392, %lt3A_395 : i32
        %lt3A_397 = arith.constant 0 : i32
        %lt3A_398 = arith.cmpi slt, %select_n3A_391, %lt3A_397 : i32
        %ne3A_399 = arith.xori %lt3A_396, %lt3A_398 : i1
        %and3A_400 = arith.andi %ne3A_399, %ne3A_394 : i1
        %add3A_401 = arith.addi %rem3A_392, %select_n3A_391 : i32
        %select_n3A_402 = arith.select %and3A_400, %add3A_401, %rem3A_392 : i32
        %mul3A_403 = arith.constant 2097152 : i32
        %mul3A_404 = arith.muli %select_n3A_283, %mul3A_403 : i32
        %mul3A_405 = arith.constant 524288 : i32
        %mul3A_406 = arith.muli %select_n3A_386, %mul3A_405 : i32
        %add3A_407 = arith.addi %mul3A_404, %mul3A_406 : i32
        %add3A_408 = arith.addi %mul3A_301, %select_n3A_402 : i32
        %mul3A_409 = arith.constant 1024 : i32
        %mul3A_410 = arith.muli %add3A_408, %mul3A_409 : i32
        %add3A_411 = arith.addi %add3A_407, %mul3A_410 : i32
        %mul3A_412 = arith.constant 4096 : i32
        %mul3A_413 = arith.muli %select_n3A_386, %mul3A_412 : i32
        %mul3A_414 = arith.constant 1024 : i32
        %mul3A_415 = arith.muli %select_n3A_402, %mul3A_414 : i32
        %add3A_416 = arith.addi %mul3A_413, %mul3A_415 : i32
        %dma_wait3A = tpu.memref_slice %arg12[%add3A_416] : memref<16384xf32, #tpu.memory_space<vmem>> -> memref<1024xf32, #tpu.memory_space<vmem>>
        %dma_wait3A_417 = tpu.memref_slice %arg6[%add3A_411] : memref<16777216xf32, #tpu.memory_space<hbm>> -> memref<1024xf32, #tpu.memory_space<hbm>>
        %dma_wait3A_418 = tpu.memref_slice %arg6[%add3A_411] : memref<16777216xf32, #tpu.memory_space<hbm>> -> memref<1024xf32, #tpu.memory_space<hbm>>
        %dma_wait3A_419 = tpu.memref_slice %arg12[%add3A_416] : memref<16384xf32, #tpu.memory_space<vmem>> -> memref<1024xf32, #tpu.memory_space<vmem>>
        tpu.wait_dma2 semaphore(%arg16 : memref<!tpu.dma_semaphore, #tpu.memory_space<semaphore_mem>>) src(%dma_wait3A_419 : memref<1024xf32, #tpu.memory_space<vmem>>) dst(%dma_wait3A_418 : memref<1024xf32, #tpu.memory_space<hbm>>)
        %scan3A_420 = arith.constant 0 : i32
        scf.yield %scan3A_420 : i32
      }
      %scan3A_359 = arith.constant 16 : i32
      %scan3A_360 = arith.constant 0 : i32
      scf.yield %scan3A_360 : i32
    }
    %scan3A_254 = arith.constant 32 : i32
    return
  }
}

</mosaic_0001>

<sc_bundles>
// kernel: kernel.3.cloned.1.call-start
scs
__scs_entry_jumppad:
0x0: {  	(pc) =	sbr.rel $0x88, $3  }
0x1: {  	(tag) =	ssettag $0x0;
	lr =	simm.s32 $0x1  }
0x2: {  	[smem:$0x3F9D] =	sst lr;
	_ =	strace $0xD0000000  }
0x3: {  	_ = 	snop  }
0x4: {  	_ = 	snop  }
0x5: {  	_ = 	snop  }
0x6: {  	_ = 	snop  }
0x7: {  	_ = 	snop  }
__scs_overlays_trampoline_lowered:
0x8: {  	[smem:$0x3FAC] =	sst s0  }
0x9: {  	[smem:$0x3FAD] =	sst s1  }
0xa: {  	[smem:$0x3FAE] =	sst s2  }
0xb: {  	[smem:$0x3FAF] =	sst s3  }
0xc: {  	[smem:$0x3FB0] =	sst s4  }
0xd: {  	[smem:$0x3FB1] =	sst s5  }
0xe: {  	[smem:$0x3FB2] =	sst s6  }
0xf: {  	[smem:$0x3FB3] =	sst s7  }
0x10: {  	[smem:$0x3FB4] =	sst s8  }
0x11: {  	[smem:$0x3FB5] =	sst s9;
	s0 =	simm.s32 @!p0 $0x0  }
0x12: {  	s1 =	sld [smem:$0x3F9B];
	s0 =	simm.s32 @p0 $0x1  }
0x13: {  	[smem:$0x3FB6] =	sst s0;
	s0 =	simm.s32 @!p1 $0x0  }
0x14: {  	s2 =	sld [smem:$0x3F9A];
	s0 =	simm.s32 @p1 $0x1  }
0x15: {  	[smem:$0x3FB7] =	sst s0;
	s0 =	simm.s32 @!p2 $0x0  }
0x16: {  	s3 =	sld [smem:$0x3FDB];
	s0 =	simm.s32 @p2 $0x1  }
0x17: {  	s4 =	simm.s32 $0x1BF5;
	[smem:$0x3FB9] =	sst s0  }
0x18: {  	s0 =	sld [smem:$0x3F9C];
	_ =	swait.ge [sflag:s4], $0x0  }
0x19: {  	s7 =	sld [smem:$0x3F9D]  }
0x1a: {  	s8 =	sadd.s32 $0xFFFFE003, lr  }
0x1b: {  	s9 =	sadd.s32 $0xFFFFFEF7, lr;
	s5 =	simm.s32 $0xFFFFFFFF;
	p2 =	slt.u32 s8, $0xFFFFF086  }
0x1c: {  	p1 =	slt.u32 s9, $0xF7A;
	s5 =	simm.s32 @!p2 $0x0  }
0x1d: {  	s5 =	simm.s32 @p1 $0x1;
	p0 =	seq.s32 s7, s2  }
0x1e: {  	s7 =	smul.u32 @!p0 $0xF7A, s2;
	p2 =	seq.s32 @!p0 s5, $0x0  }
0x1f: {  	s9 =	smul.u32 $0xF7A, s1;
	s8 =	simm.s32 @!p0 $0x1BF5;
	p2 =	por !p2, p0  }
0x20: {  	[sflag:s8] =	ssyncset.s32 @!p0 $0xFFFFF086;
	s6 =	sadd.s32 @!p0 s3, s7;
	s7 =	simm.s32 @!p0 $0x108  }
0x21: {  	s3 =	sadd.s32 s3, s9;
	s6 =	sadd.s32 @!p0 $0x88, s6;
	s7 =	simm.s32 @p2 $0x1082  }
0x22: {  	[simem:s7], [sflag:s8] =	dma.local @!p0 [hbm:s6], $0xF7A  }
0x23: {  	s9 =	sor.u32 $0xD0000000, s2;
	s6 =	simm.s32 $0x108;
	_ =	swait.ge @!p0 [sflag:s8], $0x0  }
0x24: {  	s3 =	sadd.s32 $0x88, s3;
	s6 =	simm.s32 @!p1 $0x1082;
	[sflag:s4] =	ssyncset.s32 $0xFFFFF086  }
0x25: {  	[simem:s6], [sflag:s4] =	dma.local [hbm:s3], $0xF7A  }
0x26: {  	[smem:$0x3F9D] =	sst s1;
	(tag) =	ssettag s2;
	_ =	strace s9  }
0x27: {  	s1 =	sld [smem:$0x3FAD]  }
0x28: {  	s2 =	sld [smem:$0x3FAE]  }
0x29: {  	s4 =	sld [smem:$0x3FB0]  }
0x2a: {  	p0 =	seq.s32 s5, $0x0;
	s5 =	sld [smem:$0x3FB1]  }
0x2b: {  	s6 =	sld [smem:$0x3FB2]  }
0x2c: {  	s7 =	sld [smem:$0x3FB3]  }
0x2d: {  	s3 =	simm.s32 $0x108;
	s8 =	sld [smem:$0x3FB4]  }
0x2e: {  	s3 =	simm.s32 @!p0 $0x1082;
	s9 =	sld [smem:$0x3FB5]  }
0x2f: {  	lr =	sadd.s32 s0, s3;
	s0 =	sld [smem:$0x3FAC]  }
0x30: {  	s3 =	sld [smem:$0x3FAF]  }
0x31: {  	[smem:$0x3FB8] =	sst s10  }
0x32: {  	s10 =	sld [smem:$0x3FB6];
	_ =	sdelay $0x3  }
0x33: {  	p0 =	seq.s32 s10, $0x1;
	s10 =	sld [smem:$0x3FB8];
	_ =	sdelay $0x3  }
0x34: {  	[smem:$0x3FB8] =	sst s10  }
0x35: {  	s10 =	sld [smem:$0x3FB7];
	_ =	sdelay $0x3  }
0x36: {  	p1 =	seq.s32 s10, $0x1;
	s10 =	sld [smem:$0x3FB8];
	_ =	sdelay $0x3  }
0x37: {  	[smem:$0x3FB8] =	sst s10  }
0x38: {  	s10 =	sld [smem:$0x3FB9]  }
0x39: {  	_ = 	snop;
	(pc) =	sbr.ind lr, $3  }
0x3a: {  	_ = 	snop  }
0x3b: {  	_ = 	snop  }
0x3c: {  	p2 =	seq.s32 s10, $0x1;
	s10 =	sld [smem:$0x3FB8]  }
0x3d: {  	_ =	shalt  }
0x3e: {  	_ =	shalt  }
0x3f: {  	_ =	shalt  }
0x40: {  	_ =	shalt  }
0x41: {  	_ =	shalt  }
0x42: {  	_ =	shalt  }
0x43: {  	_ =	shalt  }
0x44: {  	_ =	shalt  }
0x45: {  	_ =	shalt  }
0x46: {  	_ =	shalt  }
0x47: {  	_ =	shalt  }
0x48: {  	_ =	shalt  }
0x49: {  	_ =	shalt  }
0x4a: {  	_ =	shalt  }
0x4b: {  	_ =	shalt  }
0x4c: {  	_ =	shalt  }
0x4d: {  	_ =	shalt  }
0x4e: {  	_ =	shalt  }
0x4f: {  	_ =	shalt  }
0x50: {  	_ =	shalt  }
0x51: {  	_ =	shalt  }
0x52: {  	_ =	shalt  }
0x53: {  	_ =	shalt  }
0x54: {  	_ =	shalt  }
0x55: {  	_ =	shalt  }
0x56: {  	_ =	shalt  }
0x57: {  	_ =	shalt  }
0x58: {  	_ =	shalt  }
0x59: {  	_ =	shalt  }
0x5a: {  	_ =	shalt  }
0x5b: {  	_ =	shalt  }
0x5c: {  	_ =	shalt  }
0x5d: {  	_ =	shalt  }
0x5e: {  	_ =	shalt  }
0x5f: {  	_ =	shalt  }
0x60: {  	_ =	shalt  }
0x61: {  	_ =	shalt  }
0x62: {  	_ =	shalt  }
0x63: {  	_ =	shalt  }
0x64: {  	_ =	shalt  }
0x65: {  	_ =	shalt  }
0x66: {  	_ =	shalt  }
0x67: {  	_ =	shalt  }
0x68: {  	_ =	shalt  }
0x69: {  	_ =	shalt  }
0x6a: {  	_ =	shalt  }
0x6b: {  	_ =	shalt  }
0x6c: {  	_ =	shalt  }
0x6d: {  	_ =	shalt  }
0x6e: {  	_ =	shalt  }
0x6f: {  	_ =	shalt  }
0x70: {  	_ =	shalt  }
0x71: {  	_ =	shalt  }
0x72: {  	_ =	shalt  }
0x73: {  	_ =	shalt  }
0x74: {  	_ =	shalt  }
0x75: {  	_ =	shalt  }
0x76: {  	_ =	shalt  }
0x77: {  	_ =	shalt  }
0x78: {  	_ =	shalt  }
0x79: {  	_ =	shalt  }
0x7a: {  	_ =	shalt  }
0x7b: {  	_ =	shalt  }
0x7c: {  	_ =	shalt  }
0x7d: {  	_ =	shalt  }
0x7e: {  	_ =	shalt  }
0x7f: {  	_ =	shalt  }
0x80: {  	_ =	shalt  }
0x81: {  	_ =	shalt  }
0x82: {  	_ =	shalt  }
0x83: {  	_ =	shalt  }
0x84: {  	_ =	shalt  }
0x85: {  	_ =	shalt  }
0x86: {  	_ =	shalt  }
0x87: {  	_ =	shalt  }
.Lfunc_end0:
.L_simem_size_0:
called_computation_lowered:
.L_overlay_start_0:
0x88: {  	s2 =	sld [smem:$0x3FD9]  }
0x89: {  	s3 =	sld [smem:$0x3FFE];
	_ =	sdelay $0x1  }
0x8a: {  	s1 =	srdreg.scid  }
0x8b: {  	s0 =	sand.u32 $0x1, s1  }
0x8c: {  	s17 =	sshll.u32 s0, $0xA;
	s2 =	sadd.s32 s3, s2  }
0x8d: {  	s2 =	sadd.s32 s2, s17  }
0x8e: {  	[smem:$0x3FC4] =	sst s2  }
0x8f: {  	_ = 	snop  }
0x90: {  	s2 =	sld [smem:$0x3FC9]  }
0x91: {  	s18 =	sld [smem:$0x3FC8]  }
0x92: {  	s4 =	sld [smem:$0x3FC7]  }
0x93: {  	s5 =	sld [smem:$0x3FC6]  }
0x94: {  	s6 =	sld [smem:$0x3FD0];
	(tm) =	ssettm $0x1  }
0x95: {  	s7 =	sld [smem:$0x3FFB];
	_ =	sdelay $0x3  }
0x96: {  	_ =	strace s7  }
0x97: {  	s7 =	sld [smem:$0x3FFC];
	_ =	sdelay $0x3  }
0x98: {  	_ =	strace s7  }
0x99: {  	s7 =	sld [smem:$0x3FFD];
	_ =	sdelay $0x3  }
0x9a: {  	_ =	strace s7  }
0x9b: {  	_ =	strace $0x8FFFFFFF  }
0x9c: {  	s19 =	sld [smem:$0x3FDB];
	_ =	sdelay $0x1  }
0x9d: {  	s8 =	simm.s32 $_scs_section_size  }
0x9e: {  	s9 =	simm.s32 $_size__tile_overlayer_lowered;
	s10 =	simm.s32 $_tile_overlayer_lowered  }
0x9f: {  	s22 =	simm.s32 $0x1BFF;
	s21 =	sshll.u32 s10, $0x1;
	s7 =	sadd.s32 s8, s19  }
0xa0: {  	s11 =	simm.s32 $0x0;
	s20 =	sshll.u32 s9, $0x1;
	s9 =	sadd.s32 s21, s7  }
0xa1: {  	[timem:s11], [sflag:s22] =	dma.local [hbm:s9], s20  }
0xa2: {  	_ =	swait.ge [sflag:s22], s20  }
0xa3: {  	s8 =	ssub.s32 $0x0, s20;
	[sflag:s22] =	ssyncset.done $0x0  }
0xa4: {  	[sflag:s22] =	ssyncadd.s32 s8;
	_ =	sdelay $0x1  }
0xa5: {  	s23 =	simm.s32 $0x1B8B  }
0xa6: {  	_ =	swait.ge [sflag:s23], $0x1  }
0xa7: {  	[sflag:s23] =	ssyncset.done $0x0  }
0xa8: {  	s25 =	simm.s32 $0x1B8E;
	s24 =	sld [smem:$0x3FFE];
	[sflag:s23] =	ssyncadd.s32 $0xFFFFFFFF  }
0xa9: {  	s26 =	simm.s32 $execute0_lowered;
	[smem:$0x3FD2] =	sst s25  }
0xaa: {  	s9 =	sshll.u32 s26, $0x1;
	_ =	strace $0x80000046;
	[dreg:$0x1] =	wrdreg $0xFFFFFFFF  }
0xab: {  	s28 =	simm.s32 $_size_execute0_lowered;
	s7 =	sadd.s32 s7, s9;
	[dreg:$0x0] =	wrdreg $0x0  }
0xac: {  	s9 =	sshll.u32 s28, $0x1;
	[dreg:$0x2] =	wrdreg s7  }
0xad: {  	[dreg:$0x3] =	wrdreg s9  }
0xae: {  	[dreg:$0x4] =	wrdreg $0xC0  }
0xaf: {  	_ =	task [dreg:s11], $0x5FFFF  }
0xb0: {  	[dreg:$0x1] =	wrdreg $0xFFFFFFFF  }
0xb1: {  	[dreg:$0x0] =	wrdreg $0x60  }
0xb2: {  	[dreg:$0x2] =	wrdreg s18  }
0xb3: {  	[dreg:$0x3] =	wrdreg s4  }
0xb4: {  	[dreg:$0x4] =	wrdreg s2  }
0xb5: {  	[dreg:$0x5] =	wrdreg s5  }
0xb6: {  	[dreg:$0x6] =	wrdreg s6  }
0xb7: {  	[dreg:$0x7] =	wrdreg s24  }
0xb8: {  	[dreg:$0x8] =	wrdreg $0x9  }
0xb9: {  	_ =	task.clear_ibuf [dreg:s11], $0x9FFFF;
	_ =	strace $0x90000046  }
0xba: {  	s29 =	simm.s32 $0x9;
	_ =	strace $0x80000048  }
0xbb: {  	_ =	swait.ge [sflag:s29], $0x1  }
0xbc: {  	[sflag:s29] =	ssyncadd.s32 $0xFFFFFFFF  }
0xbd: {  	_ =	strace $0x90000048  }
0xbe: {  	_ =	sfence  }
0xbf: {  	s30 =	sld [smem:$0x0];
	_ =	sdelay $0x2  }
0xc0: {  	s31 =	sshll.u32 s1, $0xD;
	s1 =	sshrl.u32 s1, $0x2  }
0xc1: {  	s3 =	sand.u32 $0x4000, s31;
	s1 =	sadd.s32 s1, s30  }
0xc2: {  	s0 =	sor.u32 s3, s0;
	s1 =	sshll.u32 s1, $0x11  }
0xc3: {  	s0 =	sor.u32 s1, s0  }
0xc4: {  	s0 =	sadd.s32 $0x8F2B, s0  }
0xc5: {  	[sflag:s0] =	ssyncadd.remote.s32 $0x1  }
0xc6: {  	_ =	sfence.sel $0xFFFF  }
0xc7: {  	[dreg:$0x0] =	wrdreg $0xFFFFFFFF;
	(pc) =	sbr.abs _section_cstart, $3  }
0xc8: {  	[dreg:$0x1] =	wrdreg $0xFFFFFFFF  }
0xc9: {  	_ =	task.clear_ibuf [dreg:s11], $0x2FFFF;
	_ =	strace $0x9FFFFFFF  }
0xca: {  	(tm) =	ssettm $0x7FFFFFFF  }
0xcb: {  	_ =	shalt  }
tec
execute0_lowered:
.L_overlay_start_1:
0x0: {  	(tag) =	ssettag $0x1  }
0x1: {  	s11 =	rddreg [dreg:$0x1]  }
0x2: {  	s7 =	rddreg [dreg:$0x2]  }
0x3: {  	s1 =	rddreg [dreg:$0x3]  }
0x4: {  	s0 =	srdreg.scid;
	v0 =	vlaneseq.u32;
	s8 =	rddreg [dreg:$0x4]  }
0x5: {  	s4 =	rddreg [dreg:$0x5];
	s3 =	simm.s32 $0x0;
	s6 =	sand.u32 $0x1, s0;
	v4 =	vmul.u32 $0x8, v0  }
0x6: {  	[smem:$0x7FF] =	sst s3;
	s10 =	sshll.u32 s6, $0x14  }
0x7: {  	s0 =	rddreg [dreg:$0x0];
	_ =	strace $0x80000047;
	v18 =	vmov s10;
	[tilespmem:$0x1FCD0] =	vst v4  }
0x8: {  	v15 =	vor.u32 $0x1, v4;
	[tilespmem:$0x1FCE0] =	vst v18  }
0x9: {  	v17 =	vor.u32 $0x80, v4;
	[tilespmem:$0x1FD30] =	vst v15  }
0xa: {  	v23 =	vor.u32 $0x81, v4;
	[tilespmem:$0x1FD40] =	vst v17  }
0xb: {  	v24 =	vor.u32 $0x100, v4;
	[tilespmem:$0x1FD50] =	vst v23  }
0xc: {  	v25 =	vor.u32 $0x101, v4;
	[tilespmem:$0x1FD60] =	vst v24  }
0xd: {  	v26 =	vor.u32 $0x180, v4;
	[tilespmem:$0x1FD70] =	vst v25  }
0xe: {  	v27 =	vor.u32 $0x181, v4;
	[tilespmem:$0x1FD80] =	vst v26  }
0xf: {  	v28 =	vor.u32 $0x200, v4;
	[tilespmem:$0x1FD90] =	vst v27  }
0x10: {  	v29 =	vor.u32 $0x201, v4;
	[tilespmem:$0x1FDA0] =	vst v28  }
0x11: {  	v30 =	vor.u32 $0x280, v4;
	[tilespmem:$0x1FDB0] =	vst v29  }
0x12: {  	v31 =	vor.u32 $0x281, v4;
	[tilespmem:$0x1FDC0] =	vst v30  }
0x13: {  	v32 =	vor.u32 $0x300, v4;
	[tilespmem:$0x1FDD0] =	vst v31  }
0x14: {  	v33 =	vor.u32 $0x301, v4;
	[tilespmem:$0x1FDE0] =	vst v32  }
0x15: {  	v34 =	vor.u32 $0x380, v4;
	[tilespmem:$0x1FDF0] =	vst v33  }
0x16: {  	v35 =	vor.u32 $0x381, v4;
	[tilespmem:$0x1FE00] =	vst v34  }
0x17: {  	v36 =	vor.u32 $0x400, v4;
	[tilespmem:$0x1FE10] =	vst v35  }
0x18: {  	v37 =	vor.u32 $0x401, v4;
	[tilespmem:$0x1FE20] =	vst v36  }
0x19: {  	v38 =	vor.u32 $0x480, v4;
	[tilespmem:$0x1FE30] =	vst v37  }
0x1a: {  	v39 =	vor.u32 $0x481, v4;
	[tilespmem:$0x1FE40] =	vst v38  }
0x1b: {  	v40 =	vor.u32 $0x500, v4;
	[tilespmem:$0x1FE50] =	vst v39  }
0x1c: {  	v41 =	vor.u32 $0x501, v4;
	[tilespmem:$0x1FE60] =	vst v40  }
0x1d: {  	v42 =	vor.u32 $0x580, v4;
	[tilespmem:$0x1FE70] =	vst v41  }
0x1e: {  	v43 =	vor.u32 $0x581, v4;
	[tilespmem:$0x1FE80] =	vst v42  }
0x1f: {  	v44 =	vor.u32 $0x600, v4;
	[tilespmem:$0x1FE90] =	vst v43  }
0x20: {  	v45 =	vor.u32 $0x601, v4;
	[tilespmem:$0x1FEA0] =	vst v44  }
0x21: {  	v46 =	vor.u32 $0x680, v4;
	[tilespmem:$0x1FEB0] =	vst v45  }
0x22: {  	v47 =	vor.u32 $0x681, v4;
	[tilespmem:$0x1FEC0] =	vst v46  }
0x23: {  	v48 =	vor.u32 $0x700, v4;
	[tilespmem:$0x1FED0] =	vst v47  }
0x24: {  	v49 =	vor.u32 $0x701, v4;
	[tilespmem:$0x1FEE0] =	vst v48  }
0x25: {  	v50 =	vor.u32 $0x780, v4;
	[tilespmem:$0x1FEF0] =	vst v49  }
0x26: {  	v51 =	vor.u32 $0x781, v4;
	[tilespmem:$0x1FF00] =	vst v50  }
0x27: {  	v52 =	vor.u32 $0x800, v4;
	[tilespmem:$0x1FF10] =	vst v51  }
0x28: {  	v53 =	vor.u32 $0x801, v4;
	[tilespmem:$0x1FF20] =	vst v52  }
0x29: {  	v54 =	vor.u32 $0x880, v4;
	[tilespmem:$0x1FF30] =	vst v53  }
0x2a: {  	v55 =	vor.u32 $0x881, v4;
	[tilespmem:$0x1FF40] =	vst v54  }
0x2b: {  	v56 =	vor.u32 $0x900, v4;
	[tilespmem:$0x1FF50] =	vst v55  }
0x2c: {  	v57 =	vor.u32 $0x901, v4;
	[tilespmem:$0x1FF60] =	vst v56  }
0x2d: {  	v58 =	vor.u32 $0x980, v4;
	[tilespmem:$0x1FF70] =	vst v57  }
0x2e: {  	v59 =	vor.u32 $0x981, v4;
	[tilespmem:$0x1FF80] =	vst v58  }
0x2f: {  	v60 =	vor.u32 $0xA00, v4;
	[tilespmem:$0x1FF90] =	vst v59  }
0x30: {  	v61 =	vor.u32 $0xA01, v4;
	[tilespmem:$0x1FFA0] =	vst v60  }
0x31: {  	v62 =	vor.u32 $0xA80, v4;
	[tilespmem:$0x1FFB0] =	vst v61  }
0x32: {  	v9 =	vor.u32 $0x70000, v18;
	[tilespmem:$0x1FFC0] =	vst v62  }
0x33: {  	v8 =	vor.u32 $0x90000, v18;
	[tilespmem:$0x1FCA0] =	vst v9  }
0x34: {  	v1 =	vimm.s32 $0x87078606;
	v2 =	vimm.s32 $0x81018000;
	v10 =	vor.u32 $0xA0000, v18;
	[tilespmem:$0x1FCB0] =	vst v8  }
0x35: {  	v3 =	vimm.s32 $0x83038202;
	v0 =	vimm.s32 $0x85058404;
	v6 =	vor.u32 $0xC0000, v18;
	[tilespmem:$0x1FCC0] =	vst v10  }
0x36: {  	s15 =	simm.s32 $0x10;
	v1 =	vunpack.c.0.s8.s32 v1;
	v2 =	vunpack.c.0.s8.s32 v2;
	v13 =	vor.u32 $0xD0000, v18;
	[tilespmem:$0x1FCF0] =	vst v6  }
0x37: {  	s16 =	simm.s32 $0x80;
	s17 =	simm.s32 $0x1;
	s18 =	simm.s32 $0x2;
	v3 =	vunpack.c.0.s8.s32 v3;
	v0 =	vunpack.c.0.s8.s32 v0;
	v5 =	vor.u32 $0xE0000, v18;
	[tilespmem:$0x1FD00] =	vst v13  }
0x38: {  	vm0 =	vcmask $0x1F10;
	s19 =	simm.s32 $0x2810;
	s20 =	simm.s32 $0x12810;
	s21 =	simm.s32 $0x0;
	v7 =	vor.u32 $0xF0000, v18;
	[tilespmem:$0x1FD10] =	vst v5  }
0x39: {  	s5 =	sadd.s32 $0x800, s4;
	s4 =	stileid.u32;
	s9 =	ssub.s32 $0x2, s6;
	v0 =	vsel vm0, v1, v0;
	v1 =	vsel vm0, v3, v2;
	v2 =	vor.u32 $0xA81, v4;
	[tilespmem:$0x1FD20] =	vst v7  }
0x3a: {  	s13 =	sshll.u32 s4, $0x6;
	s6 =	sshll.u32 s6, $0x5;
	s14 =	sshll.u32 s4, $0x11;
	v3 =	vor.u32 $0xB00, v4;
	[tilespmem:$0x1FFD0] =	vst v2  }
0x3b: {  	s29 =	sshll.u32 s4, $0xE;
	s31 =	sshll.u32 s4, $0x10;
	s12 =	sshrl.u32 s9, $0x1;
	v12 =	vor.u32 $0x60000, v18;
	v0 =	vcombine.low v1, v0;
	[tilespmem:$0x1FFE0] =	vst v3  }
0x3c: {  	s6 =	sor.u32 s6, s13;
	s28 =	sand.u32 $0x1C0000, s14;
	s30 =	sadd.s32 s10, s5;
	v19 =	vor.u32 $0x10000, v18;
	v1 =	vor.u32 $0xB01, v4;
	[tilespmem:$0x1FFF0] =	vst v12  }
0x3d: {  	s10 =	sadd.s32 s29, s11;
	s13 =	simm.s32 $0x16810;
	s14 =	simm.s32 $0x17010;
	v20 =	vor.u32 $0x20000, v18;
	[tilespmem:$0x1FC70] =	vst v1;
	v63 =	vand.u32 $0xFF, v0;
	v0 =	vor.u32 $0xB80, v4  }
0x3e: {  	v21 =	vor.u32 $0x30000, v18;
	v22 =	vor.u32 $0x40000, v18;
	s9 =	ssub.s32 s9, s12;
	s7 =	sadd.s32 s7, s28;
	s8 =	sadd.s32 s8, s28;
	[tilespmem:$0x1FC80] =	vst v0;
	v0 =	vor.u32 $0xB81, v4  }
0x3f: {  	v16 =	vor.u32 $0x50000, v18;
	v14 =	vor.u32 $0x80000, v18;
	v11 =	vor.u32 $0xB0000, v18;
	s11 =	sadd.s32 s31, s30;
	s12 =	simm.s32 $0x3;
	s9 =	smax.u32 s9, $0x1;
	[tilespmem:$0x1FC90] =	vst v0  }
.LBB2_1:
0x40: {  	[tilespmem:s3], [sflag:$0x3] =	stream.linear.gather [hbm4b:s1+s3], $0x10, $0x38;
	[tilespmem:$0x19010] =	vst v63  }
0x41: {  	_ =	swait.ge [sflag:s12], $0x10  }
0x42: {  	[sflag:s12] =	ssyncset.done $0x0  }
0x43: {  	s22 =	smov.u32 s11;
	s23 =	simm.s32 $0x0;
	[sflag:s12] =	ssyncadd.s32 $0xFFFFFFF0  }
.LBB2_2:
0x44: {  	s24 =	sadd.s32 s23, s10  }
0x45: {  	[tilespmem:s13], [sflag:$0x3] =	stream.linear.gather [hbm4b:s24+s3], $0x800, $0x38;
	[tilespmem:$0x19010] =	vst v63  }
0x46: {  	_ =	swait.ge [sflag:s12], $0x800  }
0x47: {  	[sflag:s12] =	ssyncset.done $0x0  }
0x48: {  	[sflag:s12] =	ssyncadd.s32 $0xFFFFF800  }
0x49: {  	v0 =	vld [tilespmem:$0x16810]  }
0x4a: {  	v1 =	vld [tilespmem:$0x16890];
	_ =	sdelay $0x3  }
0x4b: {  	[tilespmem:v4+s14+$0x0] =	vst.idx.msk $0xffff, v0  }
0x4c: {  	[tilespmem:v15+s14+$0x0] =	vst.idx.msk $0xffff, v1  }
0x4d: {  	v0 =	vld [tilespmem:$0x16820]  }
0x4e: {  	v1 =	vld [tilespmem:$0x168A0];
	_ =	sdelay $0x3  }
0x4f: {  	[tilespmem:v17+s14+$0x0] =	vst.idx.msk $0xffff, v0  }
0x50: {  	[tilespmem:v23+s14+$0x0] =	vst.idx.msk $0xffff, v1  }
0x51: {  	v0 =	vld [tilespmem:$0x16830]  }
0x52: {  	v1 =	vld [tilespmem:$0x168B0];
	_ =	sdelay $0x3  }
0x53: {  	[tilespmem:v24+s14+$0x0] =	vst.idx.msk $0xffff, v0  }
0x54: {  	[tilespmem:v25+s14+$0x0] =	vst.idx.msk $0xffff, v1  }
0x55: {  	v0 =	vld [tilespmem:$0x16840]  }
0x56: {  	v1 =	vld [tilespmem:$0x168C0];
	_ =	sdelay $0x3  }
0x57: {  	[tilespmem:v26+s14+$0x0] =	vst.idx.msk $0xffff, v0  }
0x58: {  	[tilespmem:v27+s14+$0x0] =	vst.idx.msk $0xffff, v1  }
0x59: {  	v0 =	vld [tilespmem:$0x16850]  }
0x5a: {  	v1 =	vld [tilespmem:$0x168D0];
	_ =	sdelay $0x3  }
0x5b: {  	[tilespmem:v28+s14+$0x0] =	vst.idx.msk $0xffff, v0  }
0x5c: {  	[tilespmem:v29+s14+$0x0] =	vst.idx.msk $0xffff, v1  }
0x5d: {  	v0 =	vld [tilespmem:$0x16860]  }
0x5e: {  	v1 =	vld [tilespmem:$0x168E0];
	_ =	sdelay $0x3  }
0x5f: {  	[tilespmem:v30+s14+$0x0] =	vst.idx.msk $0xffff, v0  }
0x60: {  	[tilespmem:v31+s14+$0x0] =	vst.idx.msk $0xffff, v1  }
0x61: {  	v0 =	vld [tilespmem:$0x16870]  }
0x62: {  	v1 =	vld [tilespmem:$0x168F0];
	_ =	sdelay $0x3  }
0x63: {  	[tilespmem:v32+s14+$0x0] =	vst.idx.msk $0xffff, v0  }
0x64: {  	[tilespmem:v33+s14+$0x0] =	vst.idx.msk $0xffff, v1  }
0x65: {  	v0 =	vld [tilespmem:$0x16880]  }
0x66: {  	v1 =	vld [tilespmem:$0x16900];
	_ =	sdelay $0x3  }
0x67: {  	[tilespmem:v34+s14+$0x0] =	vst.idx.msk $0xffff, v0  }
0x68: {  	[tilespmem:v35+s14+$0x0] =	vst.idx.msk $0xffff, v1  }
0x69: {  	v0 =	vld [tilespmem:$0x16910]  }
0x6a: {  	v1 =	vld [tilespmem:$0x16990];
	_ =	sdelay $0x3  }
0x6b: {  	[tilespmem:v36+s14+$0x0] =	vst.idx.msk $0xffff, v0  }
0x6c: {  	[tilespmem:v37+s14+$0x0] =	vst.idx.msk $0xffff, v1  }
0x6d: {  	v0 =	vld [tilespmem:$0x16920]  }
0x6e: {  	v1 =	vld [tilespmem:$0x169A0];
	_ =	sdelay $0x3  }
0x6f: {  	[tilespmem:v38+s14+$0x0] =	vst.idx.msk $0xffff, v0  }
0x70: {  	[tilespmem:v39+s14+$0x0] =	vst.idx.msk $0xffff, v1  }
0x71: {  	v0 =	vld [tilespmem:$0x16930]  }
0x72: {  	v1 =	vld [tilespmem:$0x169B0];
	_ =	sdelay $0x3  }
0x73: {  	[tilespmem:v40+s14+$0x0] =	vst.idx.msk $0xffff, v0  }
0x74: {  	[tilespmem:v41+s14+$0x0] =	vst.idx.msk $0xffff, v1  }
0x75: {  	v0 =	vld [tilespmem:$0x16940]  }
0x76: {  	v1 =	vld [tilespmem:$0x169C0];
	_ =	sdelay $0x3  }
0x77: {  	[tilespmem:v42+s14+$0x0] =	vst.idx.msk $0xffff, v0  }
0x78: {  	[tilespmem:v43+s14+$0x0] =	vst.idx.msk $0xffff, v1  }
0x79: {  	v0 =	vld [tilespmem:$0x16950]  }
0x7a: {  	v1 =	vld [tilespmem:$0x169D0];
	_ =	sdelay $0x3  }
0x7b: {  	[tilespmem:v44+s14+$0x0] =	vst.idx.msk $0xffff, v0  }
0x7c: {  	[tilespmem:v45+s14+$0x0] =	vst.idx.msk $0xffff, v1  }
0x7d: {  	v0 =	vld [tilespmem:$0x16960]  }
0x7e: {  	v1 =	vld [tilespmem:$0x169E0];
	_ =	sdelay $0x3  }
0x7f: {  	[tilespmem:v46+s14+$0x0] =	vst.idx.msk $0xffff, v0  }
0x80: {  	[tilespmem:v47+s14+$0x0] =	vst.idx.msk $0xffff, v1  }
0x81: {  	v0 =	vld [tilespmem:$0x16970]  }
0x82: {  	v1 =	vld [tilespmem:$0x169F0];
	_ =	sdelay $0x3  }
0x83: {  	[tilespmem:v48+s14+$0x0] =	vst.idx.msk $0xffff, v0  }
0x84: {  	[tilespmem:v49+s14+$0x0] =	vst.idx.msk $0xffff, v1  }
0x85: {  	v0 =	vld [tilespmem:$0x16980]  }
0x86: {  	v1 =	vld [tilespmem:$0x16A00];
	_ =	sdelay $0x3  }
0x87: {  	[tilespmem:v50+s14+$0x0] =	vst.idx.msk $0xffff, v0  }
0x88: {  	[tilespmem:v51+s14+$0x0] =	vst.idx.msk $0xffff, v1  }
0x89: {  	v0 =	vld [tilespmem:$0x16A10]  }
0x8a: {  	v1 =	vld [tilespmem:$0x16A90];
	_ =	sdelay $0x3  }
0x8b: {  	[tilespmem:v52+s14+$0x0] =	vst.idx.msk $0xffff, v0  }
0x8c: {  	[tilespmem:v53+s14+$0x0] =	vst.idx.msk $0xffff, v1  }
0x8d: {  	v0 =	vld [tilespmem:$0x16A20]  }
0x8e: {  	v1 =	vld [tilespmem:$0x16AA0];
	_ =	sdelay $0x3  }
0x8f: {  	[tilespmem:v54+s14+$0x0] =	vst.idx.msk $0xffff, v0  }
0x90: {  	[tilespmem:v55+s14+$0x0] =	vst.idx.msk $0xffff, v1  }
0x91: {  	v0 =	vld [tilespmem:$0x16A30]  }
0x92: {  	v1 =	vld [tilespmem:$0x16AB0];
	_ =	sdelay $0x3  }
0x93: {  	[tilespmem:v56+s14+$0x0] =	vst.idx.msk $0xffff, v0  }
0x94: {  	[tilespmem:v57+s14+$0x0] =	vst.idx.msk $0xffff, v1  }
0x95: {  	v0 =	vld [tilespmem:$0x16A40]  }
0x96: {  	v1 =	vld [tilespmem:$0x16AC0];
	_ =	sdelay $0x3  }
0x97: {  	[tilespmem:v58+s14+$0x0] =	vst.idx.msk $0xffff, v0  }
0x98: {  	[tilespmem:v59+s14+$0x0] =	vst.idx.msk $0xffff, v1  }
0x99: {  	v0 =	vld [tilespmem:$0x16A50]  }
0x9a: {  	v1 =	vld [tilespmem:$0x16AD0];
	_ =	sdelay $0x3  }
0x9b: {  	[tilespmem:v60+s14+$0x0] =	vst.idx.msk $0xffff, v0  }
0x9c: {  	[tilespmem:v61+s14+$0x0] =	vst.idx.msk $0xffff, v1  }
0x9d: {  	v0 =	vld [tilespmem:$0x16A60]  }
0x9e: {  	v1 =	vld [tilespmem:$0x16AE0];
	_ =	sdelay $0x3  }
0x9f: {  	[tilespmem:v62+s14+$0x0] =	vst.idx.msk $0xffff, v0  }
0xa0: {  	[tilespmem:v2+s14+$0x0] =	vst.idx.msk $0xffff, v1  }
0xa1: {  	v0 =	vld [tilespmem:$0x16A70];
	_ =	sdelay $0x3  }
0xa2: {  	v1 =	vld [tilespmem:$0x16AF0]  }
0xa3: {  	[tilespmem:v3+s14+$0x0] =	vst.idx.msk $0xffff, v0;
	v0 =	vld [tilespmem:$0x1FC70];
	_ =	sdelay $0x5  }
0xa4: {  	v2 =	vld [tilespmem:$0x1FC80];
	_ =	sdelay $0x1  }
0xa5: {  	[tilespmem:v0+s14+$0x0] =	vst.idx.msk $0xffff, v1  }
0xa6: {  	v0 =	vld [tilespmem:$0x16A80];
	_ =	sdelay $0x3  }
0xa7: {  	v1 =	vld [tilespmem:$0x16B00]  }
0xa8: {  	[tilespmem:v2+s14+$0x0] =	vst.idx.msk $0xffff, v0;
	v0 =	vld [tilespmem:$0x1FC90];
	_ =	sdelay $0x7  }
0xa9: {  	[tilespmem:v0+s14+$0x0] =	vst.idx.msk $0xffff, v1  }
0xaa: {  	v1 =	vor.u32 $0xC00, v4;
	v0 =	vld [tilespmem:$0x16B10]  }
0xab: {  	v3 =	vor.u32 $0xC01, v4;
	v2 =	vld [tilespmem:$0x16B90];
	_ =	sdelay $0x3  }
0xac: {  	[tilespmem:v1+s14+$0x0] =	vst.idx.msk $0xffff, v0  }
0xad: {  	[tilespmem:v3+s14+$0x0] =	vst.idx.msk $0xffff, v2  }
0xae: {  	v1 =	vor.u32 $0xC80, v4;
	v0 =	vld [tilespmem:$0x16B20]  }
0xaf: {  	v3 =	vor.u32 $0xC81, v4;
	v2 =	vld [tilespmem:$0x16BA0];
	_ =	sdelay $0x3  }
0xb0: {  	[tilespmem:v1+s14+$0x0] =	vst.idx.msk $0xffff, v0  }
0xb1: {  	[tilespmem:v3+s14+$0x0] =	vst.idx.msk $0xffff, v2  }
0xb2: {  	v1 =	vor.u32 $0xD00, v4;
	v0 =	vld [tilespmem:$0x16B30]  }
0xb3: {  	v3 =	vor.u32 $0xD01, v4;
	v2 =	vld [tilespmem:$0x16BB0];
	_ =	sdelay $0x3  }
0xb4: {  	[tilespmem:v1+s14+$0x0] =	vst.idx.msk $0xffff, v0  }
0xb5: {  	[tilespmem:v3+s14+$0x0] =	vst.idx.msk $0xffff, v2  }
0xb6: {  	v1 =	vor.u32 $0xD80, v4;
	v0 =	vld [tilespmem:$0x16B40]  }
0xb7: {  	v3 =	vor.u32 $0xD81, v4;
	v2 =	vld [tilespmem:$0x16BC0];
	_ =	sdelay $0x3  }
0xb8: {  	[tilespmem:v1+s14+$0x0] =	vst.idx.msk $0xffff, v0  }
0xb9: {  	[tilespmem:v3+s14+$0x0] =	vst.idx.msk $0xffff, v2  }
0xba: {  	v1 =	vor.u32 $0xE00, v4;
	v0 =	vld [tilespmem:$0x16B50]  }
0xbb: {  	v3 =	vor.u32 $0xE01, v4;
	v2 =	vld [tilespmem:$0x16BD0];
	_ =	sdelay $0x3  }
0xbc: {  	[tilespmem:v1+s14+$0x0] =	vst.idx.msk $0xffff, v0  }
0xbd: {  	[tilespmem:v3+s14+$0x0] =	vst.idx.msk $0xffff, v2  }
0xbe: {  	v1 =	vor.u32 $0xE80, v4;
	v0 =	vld [tilespmem:$0x16B60]  }
0xbf: {  	v3 =	vor.u32 $0xE81, v4;
	v2 =	vld [tilespmem:$0x16BE0];
	_ =	sdelay $0x3  }
0xc0: {  	[tilespmem:v1+s14+$0x0] =	vst.idx.msk $0xffff, v0  }
0xc1: {  	[tilespmem:v3+s14+$0x0] =	vst.idx.msk $0xffff, v2  }
0xc2: {  	v1 =	vor.u32 $0xF00, v4;
	v0 =	vld [tilespmem:$0x16B70]  }
0xc3: {  	v3 =	vor.u32 $0xF01, v4;
	v2 =	vld [tilespmem:$0x16BF0];
	_ =	sdelay $0x3  }
0xc4: {  	[tilespmem:v1+s14+$0x0] =	vst.idx.msk $0xffff, v0  }
0xc5: {  	[tilespmem:v3+s14+$0x0] =	vst.idx.msk $0xffff, v2  }
0xc6: {  	v1 =	vor.u32 $0xF80, v4;
	v0 =	vld [tilespmem:$0x16B80]  }
0xc7: {  	v3 =	vor.u32 $0xF81, v4;
	v2 =	vld [tilespmem:$0x16C00];
	_ =	sdelay $0x3  }
0xc8: {  	[tilespmem:v1+s14+$0x0] =	vst.idx.msk $0xffff, v0  }
0xc9: {  	[tilespmem:v3+s14+$0x0] =	vst.idx.msk $0xffff, v2  }
0xca: {  	v1 =	vor.u32 $0x1000, v4;
	v0 =	vld [tilespmem:$0x16C10]  }
0xcb: {  	v3 =	vor.u32 $0x1001, v4;
	v2 =	vld [tilespmem:$0x16C90];
	_ =	sdelay $0x3  }
0xcc: {  	[tilespmem:v1+s14+$0x0] =	vst.idx.msk $0xffff, v0  }
0xcd: {  	[tilespmem:v3+s14+$0x0] =	vst.idx.msk $0xffff, v2  }
0xce: {  	v1 =	vor.u32 $0x1080, v4;
	v0 =	vld [tilespmem:$0x16C20]  }
0xcf: {  	v3 =	vor.u32 $0x1081, v4;
	v2 =	vld [tilespmem:$0x16CA0];
	_ =	sdelay $0x3  }
0xd0: {  	[tilespmem:v1+s14+$0x0] =	vst.idx.msk $0xffff, v0  }
0xd1: {  	[tilespmem:v3+s14+$0x0] =	vst.idx.msk $0xffff, v2  }
0xd2: {  	v1 =	vor.u32 $0x1100, v4;
	v0 =	vld [tilespmem:$0x16C30]  }
0xd3: {  	v3 =	vor.u32 $0x1101, v4;
	v2 =	vld [tilespmem:$0x16CB0];
	_ =	sdelay $0x3  }
0xd4: {  	[tilespmem:v1+s14+$0x0] =	vst.idx.msk $0xffff, v0  }
0xd5: {  	[tilespmem:v3+s14+$0x0] =	vst.idx.msk $0xffff, v2  }
0xd6: {  	v1 =	vor.u32 $0x1180, v4;
	v0 =	vld [tilespmem:$0x16C40]  }
0xd7: {  	v3 =	vor.u32 $0x1181, v4;
	v2 =	vld [tilespmem:$0x16CC0];
	_ =	sdelay $0x3  }
0xd8: {  	[tilespmem:v1+s14+$0x0] =	vst.idx.msk $0xffff, v0  }
0xd9: {  	[tilespmem:v3+s14+$0x0] =	vst.idx.msk $0xffff, v2  }
0xda: {  	v1 =	vor.u32 $0x1200, v4;
	v0 =	vld [tilespmem:$0x16C50]  }
0xdb: {  	v3 =	vor.u32 $0x1201, v4;
	v2 =	vld [tilespmem:$0x16CD0];
	_ =	sdelay $0x3  }
0xdc: {  	[tilespmem:v1+s14+$0x0] =	vst.idx.msk $0xffff, v0  }
0xdd: {  	[tilespmem:v3+s14+$0x0] =	vst.idx.msk $0xffff, v2  }
0xde: {  	v1 =	vor.u32 $0x1280, v4;
	v0 =	vld [tilespmem:$0x16C60]  }
0xdf: {  	v3 =	vor.u32 $0x1281, v4;
	v2 =	vld [tilespmem:$0x16CE0];
	_ =	sdelay $0x3  }
0xe0: {  	[tilespmem:v1+s14+$0x0] =	vst.idx.msk $0xffff, v0  }
0xe1: {  	[tilespmem:v3+s14+$0x0] =	vst.idx.msk $0xffff, v2  }
0xe2: {  	v1 =	vor.u32 $0x1300, v4;
	v0 =	vld [tilespmem:$0x16C70]  }
0xe3: {  	v3 =	vor.u32 $0x1301, v4;
	v2 =	vld [tilespmem:$0x16CF0];
	_ =	sdelay $0x3  }
0xe4: {  	[tilespmem:v1+s14+$0x0] =	vst.idx.msk $0xffff, v0  }
0xe5: {  	[tilespmem:v3+s14+$0x0] =	vst.idx.msk $0xffff, v2  }
0xe6: {  	v1 =	vor.u32 $0x1380, v4;
	v0 =	vld [tilespmem:$0x16C80]  }
0xe7: {  	v3 =	vor.u32 $0x1381, v4;
	v2 =	vld [tilespmem:$0x16D00];
	_ =	sdelay $0x3  }
0xe8: {  	[tilespmem:v1+s14+$0x0] =	vst.idx.msk $0xffff, v0  }
0xe9: {  	[tilespmem:v3+s14+$0x0] =	vst.idx.msk $0xffff, v2  }
0xea: {  	v1 =	vor.u32 $0x1400, v4;
	v0 =	vld [tilespmem:$0x16D10]  }
0xeb: {  	v3 =	vor.u32 $0x1401, v4;
	v2 =	vld [tilespmem:$0x16D90];
	_ =	sdelay $0x3  }
0xec: {  	[tilespmem:v1+s14+$0x0] =	vst.idx.msk $0xffff, v0  }
0xed: {  	[tilespmem:v3+s14+$0x0] =	vst.idx.msk $0xffff, v2  }
0xee: {  	v1 =	vor.u32 $0x1480, v4;
	v0 =	vld [tilespmem:$0x16D20]  }
0xef: {  	v3 =	vor.u32 $0x1481, v4;
	v2 =	vld [tilespmem:$0x16DA0];
	_ =	sdelay $0x3  }
0xf0: {  	[tilespmem:v1+s14+$0x0] =	vst.idx.msk $0xffff, v0  }
0xf1: {  	[tilespmem:v3+s14+$0x0] =	vst.idx.msk $0xffff, v2  }
0xf2: {  	v1 =	vor.u32 $0x1500, v4;
	v0 =	vld [tilespmem:$0x16D30]  }
0xf3: {  	v3 =	vor.u32 $0x1501, v4;
	v2 =	vld [tilespmem:$0x16DB0];
	_ =	sdelay $0x3  }
0xf4: {  	[tilespmem:v1+s14+$0x0] =	vst.idx.msk $0xffff, v0  }
0xf5: {  	[tilespmem:v3+s14+$0x0] =	vst.idx.msk $0xffff, v2  }
0xf6: {  	v1 =	vor.u32 $0x1580, v4;
	v0 =	vld [tilespmem:$0x16D40]  }
0xf7: {  	v3 =	vor.u32 $0x1581, v4;
	v2 =	vld [tilespmem:$0x16DC0];
	_ =	sdelay $0x3  }
0xf8: {  	[tilespmem:v1+s14+$0x0] =	vst.idx.msk $0xffff, v0  }
0xf9: {  	[tilespmem:v3+s14+$0x0] =	vst.idx.msk $0xffff, v2  }
0xfa: {  	v1 =	vor.u32 $0x1600, v4;
	v0 =	vld [tilespmem:$0x16D50]  }
0xfb: {  	v3 =	vor.u32 $0x1601, v4;
	v2 =	vld [tilespmem:$0x16DD0];
	_ =	sdelay $0x3  }
0xfc: {  	[tilespmem:v1+s14+$0x0] =	vst.idx.msk $0xffff, v0  }
0xfd: {  	[tilespmem:v3+s14+$0x0] =	vst.idx.msk $0xffff, v2  }
0xfe: {  	v1 =	vor.u32 $0x1680, v4;
	v0 =	vld [tilespmem:$0x16D60]  }
0xff: {  	v3 =	vor.u32 $0x1681, v4;
	v2 =	vld [tilespmem:$0x16DE0];
	_ =	sdelay $0x3  }
0x100: {  	[tilespmem:v1+s14+$0x0] =	vst.idx.msk $0xffff, v0  }
0x101: {  	[tilespmem:v3+s14+$0x0] =	vst.idx.msk $0xffff, v2  }
0x102: {  	v1 =	vor.u32 $0x1700, v4;
	v0 =	vld [tilespmem:$0x16D70]  }
0x103: {  	v3 =	vor.u32 $0x1701, v4;
	v2 =	vld [tilespmem:$0x16DF0];
	_ =	sdelay $0x3  }
0x104: {  	[tilespmem:v1+s14+$0x0] =	vst.idx.msk $0xffff, v0  }
0x105: {  	[tilespmem:v3+s14+$0x0] =	vst.idx.msk $0xffff, v2  }
0x106: {  	v1 =	vor.u32 $0x1780, v4;
	v0 =	vld [tilespmem:$0x16D80]  }
0x107: {  	v3 =	vor.u32 $0x1781, v4;
	v2 =	vld [tilespmem:$0x16E00];
	_ =	sdelay $0x3  }
0x108: {  	[tilespmem:v1+s14+$0x0] =	vst.idx.msk $0xffff, v0  }
0x109: {  	[tilespmem:v3+s14+$0x0] =	vst.idx.msk $0xffff, v2  }
0x10a: {  	v1 =	vor.u32 $0x1800, v4;
	v0 =	vld [tilespmem:$0x16E10]  }
0x10b: {  	v3 =	vor.u32 $0x1801, v4;
	v2 =	vld [tilespmem:$0x16E90];
	_ =	sdelay $0x3  }
0x10c: {  	[tilespmem:v1+s14+$0x0] =	vst.idx.msk $0xffff, v0  }
0x10d: {  	[tilespmem:v3+s14+$0x0] =	vst.idx.msk $0xffff, v2  }
0x10e: {  	v1 =	vor.u32 $0x1880, v4;
	v0 =	vld [tilespmem:$0x16E20]  }
0x10f: {  	v3 =	vor.u32 $0x1881, v4;
	v2 =	vld [tilespmem:$0x16EA0];
	_ =	sdelay $0x3  }
0x110: {  	[tilespmem:v1+s14+$0x0] =	vst.idx.msk $0xffff, v0  }
0x111: {  	[tilespmem:v3+s14+$0x0] =	vst.idx.msk $0xffff, v2  }
0x112: {  	v1 =	vor.u32 $0x1900, v4;
	v0 =	vld [tilespmem:$0x16E30]  }
0x113: {  	v3 =	vor.u32 $0x1901, v4;
	v2 =	vld [tilespmem:$0x16EB0];
	_ =	sdelay $0x3  }
0x114: {  	[tilespmem:v1+s14+$0x0] =	vst.idx.msk $0xffff, v0  }
0x115: {  	[tilespmem:v3+s14+$0x0] =	vst.idx.msk $0xffff, v2  }
0x116: {  	v1 =	vor.u32 $0x1980, v4;
	v0 =	vld [tilespmem:$0x16E40]  }
0x117: {  	v3 =	vor.u32 $0x1981, v4;
	v2 =	vld [tilespmem:$0x16EC0];
	_ =	sdelay $0x3  }
0x118: {  	[tilespmem:v1+s14+$0x0] =	vst.idx.msk $0xffff, v0  }
0x119: {  	[tilespmem:v3+s14+$0x0] =	vst.idx.msk $0xffff, v2  }
0x11a: {  	v1 =	vor.u32 $0x1A00, v4;
	v0 =	vld [tilespmem:$0x16E50]  }
0x11b: {  	v3 =	vor.u32 $0x1A01, v4;
	v2 =	vld [tilespmem:$0x16ED0];
	_ =	sdelay $0x3  }
0x11c: {  	[tilespmem:v1+s14+$0x0] =	vst.idx.msk $0xffff, v0  }
0x11d: {  	[tilespmem:v3+s14+$0x0] =	vst.idx.msk $0xffff, v2  }
0x11e: {  	v1 =	vor.u32 $0x1A80, v4;
	v0 =	vld [tilespmem:$0x16E60]  }
0x11f: {  	v3 =	vor.u32 $0x1A81, v4;
	v2 =	vld [tilespmem:$0x16EE0];
	_ =	sdelay $0x3  }
0x120: {  	[tilespmem:v1+s14+$0x0] =	vst.idx.msk $0xffff, v0  }
0x121: {  	[tilespmem:v3+s14+$0x0] =	vst.idx.msk $0xffff, v2  }
0x122: {  	v1 =	vor.u32 $0x1B00, v4;
	v0 =	vld [tilespmem:$0x16E70]  }
0x123: {  	v3 =	vor.u32 $0x1B01, v4;
	v2 =	vld [tilespmem:$0x16EF0];
	_ =	sdelay $0x3  }
0x124: {  	[tilespmem:v1+s14+$0x0] =	vst.idx.msk $0xffff, v0  }
0x125: {  	[tilespmem:v3+s14+$0x0] =	vst.idx.msk $0xffff, v2  }
0x126: {  	v1 =	vor.u32 $0x1B80, v4;
	v0 =	vld [tilespmem:$0x16E80]  }
0x127: {  	v3 =	vor.u32 $0x1B81, v4;
	v2 =	vld [tilespmem:$0x16F00];
	_ =	sdelay $0x3  }
0x128: {  	[tilespmem:v1+s14+$0x0] =	vst.idx.msk $0xffff, v0  }
0x129: {  	[tilespmem:v3+s14+$0x0] =	vst.idx.msk $0xffff, v2  }
0x12a: {  	v1 =	vor.u32 $0x1C00, v4;
	v0 =	vld [tilespmem:$0x16F10]  }
0x12b: {  	v3 =	vor.u32 $0x1C01, v4;
	v2 =	vld [tilespmem:$0x16F90];
	_ =	sdelay $0x3  }
0x12c: {  	[tilespmem:v1+s14+$0x0] =	vst.idx.msk $0xffff, v0  }
0x12d: {  	[tilespmem:v3+s14+$0x0] =	vst.idx.msk $0xffff, v2  }
0x12e: {  	v1 =	vor.u32 $0x1C80, v4;
	v0 =	vld [tilespmem:$0x16F20]  }
0x12f: {  	v3 =	vor.u32 $0x1C81, v4;
	v2 =	vld [tilespmem:$0x16FA0];
	_ =	sdelay $0x3  }
0x130: {  	[tilespmem:v1+s14+$0x0] =	vst.idx.msk $0xffff, v0  }
0x131: {  	[tilespmem:v3+s14+$0x0] =	vst.idx.msk $0xffff, v2  }
0x132: {  	v1 =	vor.u32 $0x1D00, v4;
	v0 =	vld [tilespmem:$0x16F30]  }
0x133: {  	v3 =	vor.u32 $0x1D01, v4;
	v2 =	vld [tilespmem:$0x16FB0];
	_ =	sdelay $0x3  }
0x134: {  	[tilespmem:v1+s14+$0x0] =	vst.idx.msk $0xffff, v0  }
0x135: {  	[tilespmem:v3+s14+$0x0] =	vst.idx.msk $0xffff, v2  }
0x136: {  	v1 =	vor.u32 $0x1D80, v4;
	v0 =	vld [tilespmem:$0x16F40]  }
0x137: {  	v3 =	vor.u32 $0x1D81, v4;
	v2 =	vld [tilespmem:$0x16FC0];
	_ =	sdelay $0x3  }
0x138: {  	[tilespmem:v1+s14+$0x0] =	vst.idx.msk $0xffff, v0  }
0x139: {  	[tilespmem:v3+s14+$0x0] =	vst.idx.msk $0xffff, v2  }
0x13a: {  	v1 =	vor.u32 $0x1E00, v4;
	v0 =	vld [tilespmem:$0x16F50]  }
0x13b: {  	v3 =	vor.u32 $0x1E01, v4;
	v2 =	vld [tilespmem:$0x16FD0];
	_ =	sdelay $0x3  }
0x13c: {  	[tilespmem:v1+s14+$0x0] =	vst.idx.msk $0xffff, v0  }
0x13d: {  	[tilespmem:v3+s14+$0x0] =	vst.idx.msk $0xffff, v2  }
0x13e: {  	v1 =	vor.u32 $0x1E80, v4;
	v0 =	vld [tilespmem:$0x16F60]  }
0x13f: {  	v3 =	vor.u32 $0x1E81, v4;
	v2 =	vld [tilespmem:$0x16FE0];
	_ =	sdelay $0x3  }
0x140: {  	[tilespmem:v1+s14+$0x0] =	vst.idx.msk $0xffff, v0  }
0x141: {  	[tilespmem:v3+s14+$0x0] =	vst.idx.msk $0xffff, v2  }
0x142: {  	v1 =	vor.u32 $0x1F00, v4;
	v0 =	vld [tilespmem:$0x16F70]  }
0x143: {  	v3 =	vor.u32 $0x1F01, v4;
	v2 =	vld [tilespmem:$0x16FF0];
	_ =	sdelay $0x3  }
0x144: {  	[tilespmem:v1+s14+$0x0] =	vst.idx.msk $0xffff, v0  }
0x145: {  	[tilespmem:v3+s14+$0x0] =	vst.idx.msk $0xffff, v2  }
0x146: {  	v1 =	vor.u32 $0x1F80, v4;
	v0 =	vld [tilespmem:$0x16F80]  }
0x147: {  	v3 =	vor.u32 $0x1F81, v4;
	v2 =	vld [tilespmem:$0x17000];
	_ =	sdelay $0x3  }
0x148: {  	p0 =	sne.s32 s23, $0x3F00;
	[tilespmem:v1+s14+$0x0] =	vst.idx.msk $0xffff, v0  }
.Ltmp0:
0x149: {  	[tilespmem:v3+s14+$0x0] =	vst.idx.msk $0xffff, v2;
	(pc) =	sbr.rel @p0 .LBB2_2-.Ltmp0, $4  }
0x14a: {  	v3 =	vld [tilespmem:$0x1FFE0];
	[hbm4b:s22+s3] =	stream.linear.scatter [tilespmem:s14], [sflag:$0x3], $0x2000, $0x38  }
0x14b: {  	v2 =	vld [tilespmem:$0x1FFD0];
	_ =	swait.ge [sflag:s12], $0x2000  }
0x14c: {  	[sflag:s12] =	ssyncset.done $0x0  }
0x14d: {  	s23 =	sadd.s32 $0x100, s23;
	s22 =	sadd.s32 $0x400, s22;
	[sflag:s12] =	ssyncadd.s32 $0xFFFFE000  }
0x14e: {  	[bflag:$0x0] =	sbarrier.arrive $0xFFFF  }
0x14f: {  	v0 =	vld [tilespmem:$0x0];
	_ =	sdelay $0x3  }
0x150: {  	v1 =	vimm.s32 $0x0  }
0x151: {  	v1 =	vperm.xlane v0, v1  }
0x152: {  	v48 =	vimm.s32 $0x1  }
0x153: {  	[tilespmem:$0x1FB70] =	vst v1;
	v1 =	vperm.xlane v0, v48  }
0x154: {  	v49 =	vimm.s32 $0x2  }
0x155: {  	[tilespmem:$0x1FB80] =	vst v1;
	v1 =	vperm.xlane v0, v49  }
0x156: {  	v50 =	vimm.s32 $0x3  }
0x157: {  	[tilespmem:$0x1FB90] =	vst v1;
	v1 =	vperm.xlane v0, v50  }
0x158: {  	v51 =	vimm.s32 $0x4  }
0x159: {  	[tilespmem:$0x1FBA0] =	vst v1;
	v1 =	vperm.xlane v0, v51  }
0x15a: {  	v52 =	vimm.s32 $0x5  }
0x15b: {  	[tilespmem:$0x1FBB0] =	vst v1;
	v1 =	vperm.xlane v0, v52  }
0x15c: {  	v53 =	vimm.s32 $0x6  }
0x15d: {  	[tilespmem:$0x1FBC0] =	vst v1;
	v1 =	vperm.xlane v0, v53  }
0x15e: {  	v54 =	vimm.s32 $0x7  }
0x15f: {  	[tilespmem:$0x1FBD0] =	vst v1;
	v1 =	vperm.xlane v0, v54  }
0x160: {  	v55 =	vimm.s32 $0x8  }
0x161: {  	[tilespmem:$0x1FBE0] =	vst v1;
	v1 =	vperm.xlane v0, v55  }
0x162: {  	v56 =	vimm.s32 $0x9  }
0x163: {  	[tilespmem:$0x1FBF0] =	vst v1;
	v1 =	vperm.xlane v0, v56  }
0x164: {  	v57 =	vimm.s32 $0xA  }
0x165: {  	[tilespmem:$0x1FC00] =	vst v1;
	v1 =	vperm.xlane v0, v57  }
0x166: {  	v58 =	vimm.s32 $0xB  }
0x167: {  	[tilespmem:$0x1FC10] =	vst v1;
	v1 =	vperm.xlane v0, v58  }
0x168: {  	v59 =	vimm.s32 $0xC  }
0x169: {  	[tilespmem:$0x1FC20] =	vst v1;
	v1 =	vperm.xlane v0, v59  }
0x16a: {  	v60 =	vimm.s32 $0xD  }
0x16b: {  	[tilespmem:$0x1FC30] =	vst v1;
	v1 =	vperm.xlane v0, v60  }
0x16c: {  	v61 =	vimm.s32 $0xE  }
0x16d: {  	v62 =	vimm.s32 $0xF;
	[tilespmem:$0x1FC40] =	vst v1;
	v1 =	vperm.xlane v0, v61  }
0x16e: {  	v0 =	vperm.xlane v0, v62  }
0x16f: {  	[tilespmem:$0x1FC50] =	vst v1  }
0x170: {  	s22 =	simm.s32 $0x0;
	s23 =	simm.s32 $0x0;
	[tilespmem:$0x1FC60] =	vst v0  }
.LBB2_4:
0x171: {  	s24 =	sadd.s32 s6, s23  }
0x172: {  	s25 =	sshll.u32 s24, $0x8  }
0x173: {  	s26 =	simm.s32 $0x0;
	s28 =	sand.u32 $0x3, s22;
	s25 =	sadd.s32 s0, s25  }
0x174: {  	[tilespmem:s15], [sflag:$0x3] =	stream.linear.gather [hbm4b:s25+s22], $0x800, $0x38;
	[tilespmem:$0x19010] =	vst v63  }
0x175: {  	s30 =	simm.s32 $0x0;
	s24 =	sshll.u32 s24, $0x2;
	_ =	swait.ge [sflag:s12], $0x800  }
0x176: {  	s29 =	sand.u32 $0x3FFFF000, s26;
	s31 =	sshll.u32 s28, $0xA;
	[sflag:s12] =	ssyncset.done $0x0  }
0x177: {  	s26 =	simm.s32 $0x1;
	s24 =	sand.u32 $0x1FC, s24;
	[sflag:s12] =	ssyncadd.s32 $0xFFFFF800  }
.LBB2_5:
0x178: {  	p0 =	sne.s32 s26, $0xF  }
0x179: {  	s25 =	sand.u32 $0xFFFF0000, s30;
	s28 =	sor.u32 s24, s28;
	s29 =	sor.u32 s31, s29  }
0x17a: {  	s28 =	sshll.u32 s28, $0x7;
	s25 =	sadd.s32 s25, s7;
	s29 =	sadd.s32 $0x12810, s29  }
.Ltmp1:
0x17b: {  	s28 =	sadd.s32 s28, s25;
	s25 =	simm.s32 $0x0;
	(pc) =	sbr.rel @p0 .LBB2_5-.Ltmp1, $4  }
0x17c: {  	[tilespmem:s29], [sflag:$0x2] =	stream.linear.gather [hbm4b:s28+s25], $0x400, $0x38;
	[tilespmem:$0x19010] =	vst v63  }
0x17d: {  	_ = 	snop  }
0x17e: {  	s30 =	sshll.u32 s26, $0xE;
	s29 =	sshll.u32 s26, $0xA;
	s28 =	sand.u32 $0x3, s26  }
0x17f: {  	s26 =	sadd.s32 $0x1, s26;
	s29 =	sand.u32 $0x3FFFF000, s29;
	s31 =	sshll.u32 s28, $0xA  }
0x180: {  	s26 =	sand.u32 $0xFFFF0000, s30;
	s28 =	sor.u32 s24, s28;
	v51 =	vld [tilespmem:$0x1FC20]  }
0x181: {  	s29 =	sor.u32 s31, s29;
	v52 =	vld [tilespmem:$0x1FC30];
	s28 =	sshll.u32 s28, $0x7;
	s26 =	sadd.s32 s26, s7  }
0x182: {  	v34 =	vld [tilespmem:$0x1FC40];
	s29 =	sadd.s32 $0x12810, s29;
	s26 =	sadd.s32 s28, s26  }
0x183: {  	v53 =	vld [tilespmem:$0x1FC50];
	[tilespmem:s29], [sflag:$0x2] =	stream.linear.gather [hbm4b:s26+s25], $0x400, $0x38  }
0x184: {  	v50 =	vld [tilespmem:$0x1FC60];
	s28 =	simm.s32 $0x0;
	s26 =	simm.s32 $0x0  }
.LBB2_7:
0x185: {  	s29 =	sand.u32 $0x600, s26;
	s30 =	sand.u32 $0x70, s28  }
0x186: {  	s29 =	sor.u32 s30, s29  }
0x187: {  	v0 =	vld [tilespmem:s29+$0x90]  }
0x188: {  	v1 =	vld [tilespmem:s29+$0x110]  }
0x189: {  	v2 =	vld [tilespmem:s29+$0x190]  }
0x18a: {  	v4 =	vld [tilespmem:s29+$0x10];
	_ =	sdelay $0x1  }
0x18b: {  	v6 =	vld [tilespmem:$0x1FB70];
	_ =	sdelay $0x1  }
0x18c: {  	v7 =	vld [tilespmem:$0x1FB80];
	v0 =	vmax.f32 v0, $0.0e+00  }
0x18d: {  	v32 =	vld [tilespmem:$0x1FB90];
	v1 =	vmax.f32 v1, $0.0e+00;
	v2 =	vmax.f32 v2, $0.0e+00;
	v4 =	vmax.f32 v4, $0.0e+00  }
0x18e: {  	v12 =	vld [tilespmem:$0x1FBF0];
	v36 =	vmin.f32 v0, $1.000000000e+00;
	v37 =	vmin.f32 v1, $1.000000000e+00;
	v38 =	vmin.f32 v2, $1.000000000e+00  }
0x18f: {  	v17 =	vld [tilespmem:$0x1FC00];
	v35 =	vmin.f32 v4, $1.000000000e+00;
	v0 =	vmul.f32 v36, v6;
	v3 =	vmul.f32 v37, v6  }
0x190: {  	v5 =	vmul.f32 v38, v6;
	v54 =	vmul.f32 v35, v6  }
0x191: {  	v57 =	vmul.f32 v36, v7;
	v61 =	vmul.f32 v37, v7  }
0x192: {  	v26 =	vmul.f32 v38, v7;
	v7 =	vmul.f32 v35, v7  }
0x193: {  	v33 =	vmul.f32 v36, v32;
	v45 =	vmul.f32 v37, v32  }
0x194: {  	v10 =	vmul.f32 v36, v12;
	v15 =	vmul.f32 v38, v17  }
0x195: {  	v8 =	vld [tilespmem:$0x1FBA0];
	v0 =	vmul.f32 $2.654435840e+09, v0;
	v3 =	vmul.f32 $8.054598400e+08, v3  }
0x196: {  	v49 =	vmul.f32 $3.674653440e+09, v5;
	v5 =	vtrunc.f32 v54  }
0x197: {  	v60 =	vmul.f32 $2.654435840e+09, v57;
	v24 =	vmul.f32 $8.054598400e+08, v61  }
0x198: {  	v4 =	vmul.f32 $3.674653440e+09, v26;
	v30 =	vtrunc.f32 v7  }
0x199: {  	v39 =	vmul.f32 $2.654435840e+09, v33;
	v54 =	vmul.f32 v38, v32  }
0x19a: {  	v57 =	vmul.f32 v36, v8;
	v15 =	vmul.f32 $3.674653440e+09, v15  }
0x19b: {  	v5 =	vcvt.f32.s32 v5;
	v41 =	vcvt.f32.s32 v30  }
0x19c: {  	v47 =	vmul.f32 $1.525878910e-05, v0;
	v48 =	vmul.f32 $1.525878910e-05, v3  }
0x19d: {  	v56 =	vmul.f32 $1.525878910e-05, v49;
	v62 =	vmul.f32 $1.525878910e-05, v60  }
0x19e: {  	v27 =	vmul.f32 $1.525878910e-05, v24;
	v28 =	vmul.f32 $1.525878910e-05, v4  }
0x19f: {  	v46 =	vmul.f32 $1.525878910e-05, v39;
	v1 =	vtrunc.f32 v47  }
0x1a0: {  	v2 =	vtrunc.f32 v48;
	v25 =	vtrunc.f32 v62  }
0x1a1: {  	[tilespmem:$0x1FB10] =	vst v5;
	v5 =	vtrunc.f32 v27;
	v6 =	vtrunc.f32 v28  }
0x1a2: {  	v47 =	vmul.f32 $8.054598400e+08, v45;
	v1 =	vcvt.f32.s32 v1  }
0x1a3: {  	v48 =	vtrunc.f32 v46;
	v2 =	vcvt.f32.s32 v2  }
0x1a4: {  	v5 =	vcvt.f32.s32 v5;
	v1 =	vcvt.s32.f32 v1  }
0x1a5: {  	v55 =	vcvt.s32.f32 v2;
	v2 =	vtrunc.f32 v56  }
0x1a6: {  	v5 =	vcvt.s32.f32 v5;
	v1 =	vmul.f32 $6.553600000e+04, v1  }
0x1a7: {  	v28 =	vmul.f32 v38, v8;
	v2 =	vcvt.f32.s32 v2  }
0x1a8: {  	v29 =	vcvt.f32.s32 v6;
	v31 =	vmul.f32 $6.553600000e+04, v5;
	v0 =	vsub.f32 v0, v1  }
0x1a9: {  	v59 =	vcvt.s32.f32 v2;
	v1 =	vmul.f32 $6.553600000e+04, v55  }
0x1aa: {  	v55 =	vmul.f32 v35, v32;
	v0 =	vtrunc.f32 v0  }
0x1ab: {  	v58 =	vsub.f32 v3, v1;
	v1 =	vmul.f32 $6.553600000e+04, v59;
	v3 =	vcvt.f32.s32 v25  }
0x1ac: {  	v5 =	vtrunc.f32 v55;
	v0 =	vcvt.f32.s32 v0  }
0x1ad: {  	v5 =	vcvt.f32.s32 v5;
	v1 =	vsub.f32 v49, v1;
	v3 =	vcvt.s32.f32 v3  }
0x1ae: {  	v49 =	vmul.f32 $1.525878910e-05, v47;
	[tilespmem:$0x1FB20] =	vst v0;
	v0 =	vtrunc.f32 v58  }
0x1af: {  	v1 =	vtrunc.f32 v1;
	v3 =	vmul.f32 $6.553600000e+04, v3  }
0x1b0: {  	v0 =	vcvt.f32.s32 v0;
	v42 =	vcvt.f32.s32 v1  }
0x1b1: {  	v1 =	vcvt.s32.f32 v29;
	v29 =	vmul.f32 v35, v8;
	v2 =	vsub.f32 v60, v3  }
0x1b2: {  	[tilespmem:$0x1FB30] =	vst v0;
	v0 =	vsub.f32 v24, v31;
	v60 =	vmul.f32 $2.654435840e+09, v57;
	v24 =	vmul.f32 v37, v8  }
0x1b3: {  	v1 =	vmul.f32 $6.553600000e+04, v1;
	v2 =	vtrunc.f32 v2  }
0x1b4: {  	v31 =	vld [tilespmem:$0x1FBB0];
	v0 =	vtrunc.f32 v0;
	v62 =	vmul.f32 $1.525878910e-05, v60  }
0x1b5: {  	[tilespmem:$0x1FB50] =	vst v5;
	v5 =	vmul.f32 $8.054598400e+08, v24;
	v44 =	vcvt.f32.s32 v2  }
0x1b6: {  	v1 =	vsub.f32 v4, v1;
	v43 =	vcvt.f32.s32 v0;
	v4 =	vtrunc.f32 v49  }
0x1b7: {  	v2 =	vcvt.f32.s32 v48;
	v4 =	vcvt.f32.s32 v4  }
0x1b8: {  	v27 =	vmul.f32 $1.525878910e-05, v5;
	v1 =	vtrunc.f32 v1  }
0x1b9: {  	v2 =	vcvt.s32.f32 v2;
	v32 =	vmul.f32 v36, v31  }
0x1ba: {  	v1 =	vcvt.f32.s32 v1;
	v4 =	vcvt.s32.f32 v4  }
0x1bb: {  	v41 =	vxor.u32 v41, v44;
	v44 =	vmul.f32 v38, v52;
	v2 =	vmul.f32 $6.553600000e+04, v2  }
0x1bc: {  	[tilespmem:$0x1FB40] =	vst v1;
	v1 =	vmul.f32 $3.674653440e+09, v54;
	v58 =	vmul.f32 $6.553600000e+04, v4  }
0x1bd: {  	v7 =	vmul.f32 v35, v31;
	v40 =	vmul.f32 $2.654435840e+09, v32;
	v2 =	vsub.f32 v39, v2  }
0x1be: {  	v44 =	vmul.f32 $3.674653440e+09, v44;
	v56 =	vmul.f32 $1.525878910e-05, v1;
	v0 =	vsub.f32 v47, v58  }
0x1bf: {  	v57 =	vmul.f32 $1.525878910e-05, v40;
	v2 =	vtrunc.f32 v2  }
0x1c0: {  	v59 =	vtrunc.f32 v56;
	v0 =	vtrunc.f32 v0  }
0x1c1: {  	v45 =	vcvt.f32.s32 v2;
	v2 =	vtrunc.f32 v27  }
0x1c2: {  	v56 =	vmul.f32 v37, v31;
	v4 =	vcvt.f32.s32 v59  }
0x1c3: {  	v0 =	vcvt.f32.s32 v0;
	v2 =	vcvt.f32.s32 v2  }
0x1c4: {  	v8 =	vld [tilespmem:$0x1FBD0];
	v58 =	vmul.f32 $8.054598400e+08, v56;
	v61 =	vcvt.s32.f32 v4  }
0x1c5: {  	v27 =	vld [tilespmem:$0x1FBC0];
	v4 =	vtrunc.f32 v62;
	v2 =	vcvt.s32.f32 v2  }
0x1c6: {  	v4 =	vcvt.f32.s32 v4;
	v3 =	vmul.f32 $6.553600000e+04, v61  }
0x1c7: {  	v2 =	vmul.f32 $6.553600000e+04, v2;
	v61 =	vmul.f32 $1.525878910e-05, v58  }
0x1c8: {  	v59 =	vtrunc.f32 v57;
	v26 =	vcvt.s32.f32 v4;
	v25 =	vsub.f32 v1, v3  }
0x1c9: {  	v3 =	vmul.f32 $3.674653440e+09, v28;
	v33 =	vsub.f32 v5, v2;
	v5 =	vtrunc.f32 v61  }
0x1ca: {  	v28 =	vmul.f32 v36, v27;
	v61 =	vmul.f32 v36, v8  }
0x1cb: {  	v1 =	vmul.f32 $6.553600000e+04, v26;
	v5 =	vcvt.f32.s32 v5  }
0x1cc: {  	[tilespmem:$0x1FB60] =	vst v0;
	v0 =	vtrunc.f32 v25;
	v30 =	vmul.f32 $1.525878910e-05, v3  }
0x1cd: {  	v25 =	vtrunc.f32 v7;
	v49 =	vcvt.f32.s32 v0  }
0x1ce: {  	v1 =	vsub.f32 v60, v1;
	v0 =	vtrunc.f32 v29;
	v60 =	vmul.f32 v38, v31  }
0x1cf: {  	v5 =	vcvt.s32.f32 v5;
	v54 =	vcvt.f32.s32 v25  }
0x1d0: {  	v29 =	vmul.f32 $2.654435840e+09, v28;
	v25 =	vmul.f32 $2.654435840e+09, v61  }
0x1d1: {  	v28 =	vmul.f32 v37, v8;
	v4 =	vtrunc.f32 v30  }
0x1d2: {  	v48 =	vcvt.f32.s32 v0;
	v0 =	vtrunc.f32 v33  }
0x1d3: {  	v30 =	vmul.f32 v37, v27;
	v1 =	vtrunc.f32 v1  }
0x1d4: {  	v4 =	vcvt.f32.s32 v4;
	v46 =	vcvt.f32.s32 v0  }
0x1d5: {  	v26 =	vmul.f32 $6.553600000e+04, v5;
	v31 =	vmul.f32 $1.525878910e-05, v29  }
0x1d6: {  	v39 =	vcvt.s32.f32 v4;
	v4 =	vmul.f32 $3.674653440e+09, v60  }
0x1d7: {  	v47 =	vcvt.f32.s32 v1;
	v32 =	vmul.f32 $8.054598400e+08, v30;
	v0 =	vsub.f32 v58, v26  }
0x1d8: {  	v1 =	vmul.f32 $6.553600000e+04, v39;
	v62 =	vmul.f32 $1.525878910e-05, v4  }
0x1d9: {  	v33 =	vtrunc.f32 v31;
	v0 =	vtrunc.f32 v0  }
0x1da: {  	v1 =	vsub.f32 v3, v1;
	v3 =	vcvt.f32.s32 v59;
	v6 =	vtrunc.f32 v62  }
0x1db: {  	v59 =	vmul.f32 v35, v27;
	v24 =	vcvt.f32.s32 v6  }
0x1dc: {  	v1 =	vtrunc.f32 v1;
	v3 =	vcvt.s32.f32 v3  }
0x1dd: {  	v55 =	vcvt.f32.s32 v1;
	v1 =	vcvt.s32.f32 v24  }
0x1de: {  	v39 =	vmul.f32 $1.525878910e-05, v32;
	v3 =	vmul.f32 $6.553600000e+04, v3  }
0x1df: {  	v5 =	vtrunc.f32 v59;
	v1 =	vmul.f32 $6.553600000e+04, v1  }
0x1e0: {  	v56 =	vcvt.f32.s32 v0;
	v59 =	vcvt.f32.s32 v5;
	v2 =	vsub.f32 v40, v3  }
0x1e1: {  	v40 =	vmul.f32 v38, v27;
	v1 =	vsub.f32 v4, v1;
	v4 =	vtrunc.f32 v39  }
0x1e2: {  	v2 =	vtrunc.f32 v2;
	v4 =	vcvt.f32.s32 v4  }
0x1e3: {  	v57 =	vcvt.f32.s32 v2;
	v1 =	vtrunc.f32 v1  }
0x1e4: {  	v2 =	vcvt.f32.s32 v33;
	v58 =	vcvt.f32.s32 v1  }
0x1e5: {  	v1 =	vmul.f32 $3.674653440e+09, v40;
	v4 =	vcvt.s32.f32 v4  }
0x1e6: {  	v5 =	vmul.f32 $8.054598400e+08, v28;
	v2 =	vcvt.s32.f32 v2  }
0x1e7: {  	v60 =	vmul.f32 $1.525878910e-05, v1;
	v62 =	vmul.f32 $6.553600000e+04, v4  }
0x1e8: {  	v31 =	vmul.f32 $1.525878910e-05, v5;
	v2 =	vmul.f32 $6.553600000e+04, v2  }
0x1e9: {  	v27 =	vmul.f32 $1.525878910e-05, v25;
	v24 =	vtrunc.f32 v60;
	v0 =	vsub.f32 v32, v62  }
0x1ea: {  	v33 =	vmul.f32 v35, v8;
	v2 =	vsub.f32 v29, v2;
	v4 =	vcvt.f32.s32 v24  }
0x1eb: {  	v32 =	vmul.f32 v38, v8;
	v8 =	vld [tilespmem:$0x1FBE0];
	v0 =	vtrunc.f32 v0  }
0x1ec: {  	v2 =	vtrunc.f32 v2;
	v26 =	vcvt.s32.f32 v4  }
0x1ed: {  	v4 =	vtrunc.f32 v27;
	v60 =	vcvt.f32.s32 v0  }
0x1ee: {  	v4 =	vcvt.f32.s32 v4;
	v61 =	vcvt.f32.s32 v2  }
0x1ef: {  	v2 =	vtrunc.f32 v31;
	v3 =	vmul.f32 $6.553600000e+04, v26  }
0x1f0: {  	v2 =	vcvt.f32.s32 v2;
	v40 =	vmul.f32 v36, v8  }
0x1f1: {  	v26 =	vmul.f32 v37, v8;
	v30 =	vcvt.s32.f32 v4;
	v59 =	vxor.u32 v59, v61  }
0x1f2: {  	v61 =	vmul.f32 v35, v34;
	v29 =	vsub.f32 v1, v3;
	v3 =	vmul.f32 $3.674653440e+09, v32  }
0x1f3: {  	v2 =	vcvt.s32.f32 v2;
	v1 =	vmul.f32 $6.553600000e+04, v30  }
0x1f4: {  	v48 =	vxor.u32 v48, v47;
	v47 =	vtrunc.f32 v61;
	v0 =	vtrunc.f32 v29  }
0x1f5: {  	v39 =	vmul.f32 $1.525878910e-05, v3;
	v2 =	vmul.f32 $6.553600000e+04, v2  }
0x1f6: {  	v29 =	vmul.f32 v38, v8;
	v8 =	vmul.f32 v35, v8  }
0x1f7: {  	v62 =	vcvt.f32.s32 v0;
	v4 =	vtrunc.f32 v39  }
0x1f8: {  	v0 =	vtrunc.f32 v33;
	v4 =	vcvt.f32.s32 v4  }
0x1f9: {  	v1 =	vsub.f32 v25, v1;
	v25 =	vmul.f32 $2.654435840e+09, v40;
	v33 =	vmul.f32 $2.654435840e+09, v10  }
0x1fa: {  	v24 =	vcvt.s32.f32 v4;
	v4 =	vmul.f32 $8.054598400e+08, v26  }
0x1fb: {  	v9 =	vcvt.f32.s32 v0;
	v7 =	vsub.f32 v5, v2;
	v5 =	vmul.f32 $3.674653440e+09, v29  }
0x1fc: {  	v8 =	vtrunc.f32 v8;
	v30 =	vmul.f32 $1.525878910e-05, v4  }
0x1fd: {  	v27 =	vmul.f32 $1.525878910e-05, v25;
	v2 =	vcvt.f32.s32 v8  }
0x1fe: {  	v8 =	vmul.f32 v37, v12;
	v6 =	vtrunc.f32 v30  }
0x1ff: {  	v39 =	vmul.f32 $1.525878910e-05, v33;
	v6 =	vcvt.f32.s32 v6  }
0x200: {  	v0 =	vtrunc.f32 v7;
	v31 =	vmul.f32 $1.525878910e-05, v5  }
0x201: {  	v28 =	vtrunc.f32 v27;
	v6 =	vcvt.s32.f32 v6  }
0x202: {  	v8 =	vmul.f32 $8.054598400e+08, v8;
	v7 =	vtrunc.f32 v31  }
0x203: {  	v7 =	vcvt.f32.s32 v7;
	v6 =	vmul.f32 $6.553600000e+04, v6  }
0x204: {  	v10 =	vmul.f32 $1.525878910e-05, v8;
	v27 =	vmov v11;
	v11 =	vmul.f32 v35, v12  }
0x205: {  	v12 =	vmul.f32 v38, v12;
	v4 =	vsub.f32 v4, v6;
	v6 =	vtrunc.f32 v39  }
0x206: {  	v7 =	vcvt.s32.f32 v7;
	v6 =	vcvt.f32.s32 v6  }
0x207: {  	v10 =	vtrunc.f32 v10;
	v11 =	vtrunc.f32 v11  }
0x208: {  	v10 =	vcvt.f32.s32 v10;
	v6 =	vcvt.s32.f32 v6  }
0x209: {  	v12 =	vmul.f32 $3.674653440e+09, v12;
	v32 =	vmul.f32 $6.553600000e+04, v7  }
0x20a: {  	v10 =	vcvt.s32.f32 v10;
	v13 =	vmul.f32 $6.553600000e+04, v6  }
0x20b: {  	v6 =	vcvt.f32.s32 v11;
	v11 =	vmul.f32 v36, v17  }
0x20c: {  	v10 =	vmul.f32 $6.553600000e+04, v10;
	v7 =	vsub.f32 v33, v13;
	v13 =	vmul.f32 $1.525878910e-05, v12  }
0x20d: {  	v61 =	vmul.f32 v36, v53;
	v11 =	vmul.f32 $2.654435840e+09, v11  }
0x20e: {  	v8 =	vsub.f32 v8, v10;
	v33 =	vmovc v14;
	v14 =	vmul.f32 v37, v17;
	v10 =	vtrunc.f32 v13  }
0x20f: {  	v1 =	vtrunc.f32 v1;
	v10 =	vcvt.f32.s32 v10  }
0x210: {  	v13 =	vmul.f32 $1.525878910e-05, v11;
	v14 =	vmul.f32 $8.054598400e+08, v14  }
0x211: {  	v18 =	vcvt.f32.s32 v1;
	v10 =	vcvt.s32.f32 v10  }
0x212: {  	v5 =	vsub.f32 v5, v32;
	v32 =	vmovc v16;
	v13 =	vtrunc.f32 v13;
	v16 =	vmul.f32 $1.525878910e-05, v14  }
0x213: {  	v13 =	vcvt.f32.s32 v13;
	v10 =	vmul.f32 $6.553600000e+04, v10  }
0x214: {  	v23 =	vld [tilespmem:$0x1FC10];
	v0 =	vcvt.f32.s32 v0;
	v1 =	vmul.f32 $6.553600000e+04, v24  }
0x215: {  	v10 =	vsub.f32 v12, v10;
	v12 =	vcvt.s32.f32 v13;
	v13 =	vtrunc.f32 v16  }
0x216: {  	v16 =	vmul.f32 $1.525878910e-05, v15;
	v13 =	vcvt.f32.s32 v13  }
0x217: {  	v1 =	vsub.f32 v3, v1;
	v3 =	vcvt.f32.s32 v28;
	v12 =	vmul.f32 $6.553600000e+04, v12  }
0x218: {  	v16 =	vtrunc.f32 v16;
	v13 =	vcvt.s32.f32 v13  }
0x219: {  	v28 =	vmov v19;
	v19 =	vmul.f32 v36, v23;
	v16 =	vcvt.f32.s32 v16  }
0x21a: {  	v17 =	vmul.f32 v35, v17;
	v11 =	vsub.f32 v11, v12;
	v12 =	vmul.f32 $6.553600000e+04, v13  }
0x21b: {  	v3 =	vcvt.s32.f32 v3;
	v13 =	vcvt.s32.f32 v16  }
0x21c: {  	v16 =	vtrunc.f32 v17;
	v17 =	vtrunc.f32 v11;
	v12 =	vsub.f32 v14, v12  }
0x21d: {  	v11 =	vcvt.f32.s32 v16;
	v14 =	vmul.f32 $6.553600000e+04, v13  }
0x21e: {  	v16 =	vmul.f32 $2.654435840e+09, v19;
	v12 =	vtrunc.f32 v12  }
0x21f: {  	v15 =	vsub.f32 v15, v14;
	v14 =	vcvt.f32.s32 v12;
	v12 =	vmul.f32 v37, v23  }
0x220: {  	v13 =	vcvt.f32.s32 v17;
	v17 =	vmul.f32 $1.525878910e-05, v16  }
0x221: {  	v30 =	vmov v21;
	v21 =	vmul.f32 v35, v23;
	v12 =	vmul.f32 $8.054598400e+08, v12  }
0x222: {  	v19 =	vmul.f32 v38, v23;
	v17 =	vtrunc.f32 v17  }
0x223: {  	v29 =	vmov v20;
	v17 =	vcvt.f32.s32 v17;
	v20 =	vmul.f32 $1.525878910e-05, v12  }
0x224: {  	v31 =	vmov v22;
	v22 =	vmul.f32 $3.674653440e+09, v19;
	v23 =	vmul.f32 v36, v51  }
0x225: {  	v17 =	vcvt.s32.f32 v17;
	v19 =	vtrunc.f32 v20  }
0x226: {  	v20 =	vmul.f32 $1.525878910e-05, v22;
	v19 =	vcvt.f32.s32 v19  }
0x227: {  	v23 =	vmul.f32 $2.654435840e+09, v23;
	v17 =	vmul.f32 $6.553600000e+04, v17  }
0x228: {  	v20 =	vtrunc.f32 v20;
	v19 =	vcvt.s32.f32 v19  }
0x229: {  	v21 =	vtrunc.f32 v21;
	v20 =	vcvt.f32.s32 v20  }
0x22a: {  	v24 =	vmul.f32 $1.525878910e-05, v23;
	v17 =	vsub.f32 v16, v17;
	v19 =	vmul.f32 $6.553600000e+04, v19  }
0x22b: {  	v16 =	vcvt.f32.s32 v21;
	v20 =	vcvt.s32.f32 v20  }
0x22c: {  	v17 =	vtrunc.f32 v17;
	v12 =	vsub.f32 v12, v19;
	v19 =	vtrunc.f32 v24  }
0x22d: {  	v20 =	vmul.f32 $6.553600000e+04, v20;
	v21 =	vcvt.f32.s32 v19  }
0x22e: {  	v19 =	vcvt.f32.s32 v17;
	v12 =	vtrunc.f32 v12  }
0x22f: {  	v17 =	vcvt.f32.s32 v12;
	v12 =	vsub.f32 v22, v20;
	v20 =	vcvt.s32.f32 v21  }
0x230: {  	v26 =	vmul.f32 v36, v52;
	v3 =	vmul.f32 $6.553600000e+04, v3  }
0x231: {  	v22 =	vmul.f32 v35, v51;
	v40 =	vmul.f32 $6.553600000e+04, v20  }
0x232: {  	v39 =	vld [tilespmem:$0x1FB10];
	v21 =	vmul.f32 v37, v51;
	v12 =	vtrunc.f32 v12  }
0x233: {  	v20 =	vcvt.f32.s32 v12;
	v12 =	vtrunc.f32 v22;
	v22 =	vsub.f32 v23, v40;
	v40 =	vld [tilespmem:$0x1FB20]  }
0x234: {  	v26 =	vmul.f32 $2.654435840e+09, v26;
	v3 =	vsub.f32 v25, v3;
	v25 =	vmul.f32 v38, v51  }
0x235: {  	v1 =	vtrunc.f32 v1;
	v21 =	vmul.f32 $8.054598400e+08, v21  }
0x236: {  	v1 =	vcvt.f32.s32 v1;
	v24 =	vmul.f32 $3.674653440e+09, v25  }
0x237: {  	v5 =	vtrunc.f32 v5;
	v23 =	vmul.f32 $1.525878910e-05, v21  }
0x238: {  	v5 =	vcvt.f32.s32 v5;
	v25 =	vmul.f32 $1.525878910e-05, v24;
	v39 =	vxor.u32 v39, v40;
	v40 =	vld [tilespmem:$0x1FB30]  }
0x239: {  	v3 =	vtrunc.f32 v3;
	v23 =	vtrunc.f32 v23  }
0x23a: {  	v25 =	vtrunc.f32 v25;
	v23 =	vcvt.f32.s32 v23  }
0x23b: {  	v3 =	vcvt.f32.s32 v3;
	v25 =	vcvt.f32.s32 v25  }
0x23c: {  	v8 =	vtrunc.f32 v8;
	v23 =	vcvt.s32.f32 v23  }
0x23d: {  	v7 =	vtrunc.f32 v7;
	v25 =	vcvt.s32.f32 v25;
	v39 =	vxor.u32 v40, v39  }
0x23e: {  	v23 =	vmul.f32 $6.553600000e+04, v23;
	v39 =	vxor.u32 v42, v39;
	v42 =	vmul.f32 $1.525878910e-05, v26  }
0x23f: {  	v41 =	vxor.u32 v43, v41;
	v8 =	vcvt.f32.s32 v8;
	v7 =	vcvt.f32.s32 v7  }
0x240: {  	v21 =	vsub.f32 v21, v23;
	v23 =	vmul.f32 $6.553600000e+04, v25;
	v25 =	vtrunc.f32 v42;
	v42 =	vld [tilespmem:$0x1FB50]  }
0x241: {  	v4 =	vtrunc.f32 v4;
	v6 =	vxor.u32 v6, v7;
	v40 =	vmul.f32 v37, v52  }
0x242: {  	v4 =	vcvt.f32.s32 v4;
	v6 =	vxor.u32 v8, v6;
	v8 =	vmul.f32 v37, v53  }
0x243: {  	v2 =	vxor.u32 v2, v3;
	v10 =	vtrunc.f32 v10;
	v43 =	vmul.f32 $8.054598400e+08, v40;
	v40 =	vld [tilespmem:$0x1FB40]  }
0x244: {  	v2 =	vxor.u32 v4, v2;
	v8 =	vmul.f32 $8.054598400e+08, v8;
	v10 =	vcvt.f32.s32 v10  }
0x245: {  	v23 =	vsub.f32 v24, v23;
	v24 =	vcvt.f32.s32 v25;
	v25 =	vxor.u32 v42, v45;
	v45 =	vld [tilespmem:$0x1FB60]  }
0x246: {  	v6 =	vxor.u32 v10, v6;
	v10 =	vxor.u32 v11, v13;
	v11 =	vmul.f32 $1.525878910e-05, v8  }
0x247: {  	v2 =	vxor.u32 v5, v2;
	v5 =	vmul.f32 $2.654435840e+09, v61;
	v15 =	vtrunc.f32 v15  }
0x248: {  	v11 =	vtrunc.f32 v11;
	v40 =	vxor.u32 v40, v41;
	v41 =	vmul.f32 $1.525878910e-05, v43  }
0x249: {  	v10 =	vxor.u32 v14, v10;
	v11 =	vcvt.f32.s32 v11;
	v42 =	vmul.f32 $1.525878910e-05, v44  }
0x24a: {  	v14 =	vmul.f32 v35, v53;
	v41 =	vtrunc.f32 v41;
	v25 =	vxor.u32 v45, v25  }
0x24b: {  	v45 =	vcvt.f32.s32 v41;
	v41 =	vxor.u32 v49, v25;
	v49 =	vtrunc.f32 v42  }
0x24c: {  	v15 =	vcvt.f32.s32 v15;
	v25 =	vcvt.f32.s32 v49  }
0x24d: {  	v11 =	vcvt.s32.f32 v11;
	v14 =	vtrunc.f32 v14  }
0x24e: {  	v13 =	vxor.u32 v16, v19;
	v42 =	vxor.u32 v46, v48;
	v25 =	vcvt.s32.f32 v25  }
0x24f: {  	v16 =	vmul.f32 v36, v50;
	v45 =	vcvt.s32.f32 v45;
	v42 =	vxor.u32 v55, v42  }
0x250: {  	v55 =	vxor.u32 v54, v57;
	v57 =	vmul.f32 v36, v34;
	v25 =	vmul.f32 $6.553600000e+04, v25  }
0x251: {  	v13 =	vxor.u32 v17, v13;
	v24 =	vcvt.s32.f32 v24;
	v45 =	vmul.f32 $6.553600000e+04, v45  }
0x252: {  	v17 =	vmul.f32 v37, v50;
	v25 =	vsub.f32 v44, v25;
	v44 =	vmul.f32 $2.654435840e+09, v57  }
0x253: {  	v24 =	vmul.f32 $6.553600000e+04, v24;
	v54 =	vmul.f32 v37, v34;
	v48 =	vsub.f32 v43, v45  }
0x254: {  	v16 =	vmul.f32 $2.654435840e+09, v16;
	v45 =	vxor.u32 v56, v55;
	v55 =	vmul.f32 $1.525878910e-05, v44  }
0x255: {  	v24 =	vsub.f32 v26, v24;
	v26 =	vtrunc.f32 v48;
	v48 =	vmul.f32 $8.054598400e+08, v54  }
0x256: {  	v9 =	vxor.u32 v9, v18;
	v56 =	vmul.f32 v38, v34;
	v18 =	vtrunc.f32 v55  }
0x257: {  	v0 =	vxor.u32 v0, v9;
	v9 =	vcvt.f32.s32 v18;
	v18 =	vmul.f32 $1.525878910e-05, v48  }
0x258: {  	v12 =	vcvt.f32.s32 v12;
	v45 =	vxor.u32 v58, v45;
	v58 =	vmul.f32 $3.674653440e+09, v56  }
0x259: {  	v46 =	vxor.u32 v60, v59;
	v59 =	vcvt.s32.f32 v9;
	v9 =	vtrunc.f32 v18  }
0x25a: {  	v60 =	vcvt.f32.s32 v9;
	v9 =	vmul.f32 $1.525878910e-05, v58  }
0x25b: {  	v22 =	vtrunc.f32 v22;
	v21 =	vtrunc.f32 v21  }
0x25c: {  	v46 =	vxor.u32 v62, v46;
	v62 =	vtrunc.f32 v9;
	v9 =	vmul.f32 $1.525878910e-05, v5  }
0x25d: {  	v22 =	vcvt.f32.s32 v22;
	v21 =	vcvt.f32.s32 v21  }
0x25e: {  	v23 =	vtrunc.f32 v23;
	v9 =	vtrunc.f32 v9  }
0x25f: {  	v49 =	vmul.f32 v35, v52;
	v9 =	vcvt.f32.s32 v9  }
0x260: {  	v23 =	vcvt.f32.s32 v23;
	v24 =	vtrunc.f32 v24  }
0x261: {  	v49 =	vtrunc.f32 v49;
	v9 =	vcvt.s32.f32 v9  }
0x262: {  	v24 =	vcvt.f32.s32 v24;
	v43 =	vcvt.f32.s32 v49  }
0x263: {  	v10 =	vxor.u32 v15, v10;
	v57 =	vcvt.f32.s32 v47;
	v9 =	vmul.f32 $6.553600000e+04, v9  }
0x264: {  	v15 =	vxor.u32 v43, v24;
	v43 =	vmul.f32 $1.525878910e-05, v16;
	v26 =	vcvt.f32.s32 v26  }
0x265: {  	v5 =	vsub.f32 v5, v9;
	v9 =	vmul.f32 $6.553600000e+04, v11;
	v11 =	vmul.f32 v38, v53  }
0x266: {  	v12 =	vxor.u32 v12, v22;
	v25 =	vtrunc.f32 v25;
	v3 =	vmul.f32 $6.553600000e+04, v59  }
0x267: {  	v18 =	vmul.f32 v38, v50;
	v8 =	vsub.f32 v8, v9;
	v9 =	vmul.f32 $3.674653440e+09, v11  }
0x268: {  	v4 =	vcvt.s32.f32 v60;
	v3 =	vsub.f32 v44, v3;
	v7 =	vcvt.f32.s32 v62  }
0x269: {  	v11 =	vxor.u32 v21, v12;
	v12 =	vcvt.f32.s32 v14;
	v14 =	vmul.f32 $1.525878910e-05, v9  }
0x26a: {  	v4 =	vmul.f32 $6.553600000e+04, v4;
	v7 =	vcvt.s32.f32 v7  }
0x26b: {  	v3 =	vtrunc.f32 v3;
	v14 =	vtrunc.f32 v14  }
0x26c: {  	v7 =	vmul.f32 $6.553600000e+04, v7;
	v38 =	vcvt.f32.s32 v14  }
0x26d: {  	v0 =	vxor.u32 v1, v0;
	v14 =	vmul.f32 $8.054598400e+08, v17;
	v17 =	vmul.f32 $3.674653440e+09, v18;
	v18 =	vld [tilespmem:$0x1FCE0]  }
0x26e: {  	v4 =	vsub.f32 v48, v4;
	v3 =	vcvt.f32.s32 v3;
	v5 =	vtrunc.f32 v5  }
0x26f: {  	v7 =	vsub.f32 v58, v7;
	v5 =	vcvt.f32.s32 v5;
	v8 =	vtrunc.f32 v8  }
0x270: {  	v4 =	vtrunc.f32 v4;
	v1 =	vxor.u32 v57, v3;
	v8 =	vcvt.f32.s32 v8  }
0x271: {  	v4 =	vcvt.f32.s32 v4;
	v7 =	vtrunc.f32 v7;
	v5 =	vxor.u32 v12, v5  }
0x272: {  	s31 =	sshra.s32 s26, $0x2;
	v7 =	vcvt.f32.s32 v7;
	v5 =	vxor.u32 v8, v5;
	v8 =	vadd.s32 v18, v39  }
0x273: {  	v1 =	vxor.u32 v4, v1;
	v4 =	vtrunc.f32 v43;
	[tilespmem:s31+$0x810] =	vst v8;
	v8 =	vadd.s32 v40, v28  }
0x274: {  	v4 =	vcvt.f32.s32 v4;
	v1 =	vxor.u32 v7, v1;
	[tilespmem:s31+$0xA10] =	vst v8;
	v8 =	vadd.s32 v41, v29  }
0x275: {  	v44 =	vmul.f32 $1.525878910e-05, v14;
	v12 =	vmul.f32 $1.525878910e-05, v17;
	[tilespmem:s31+$0xC10] =	vst v8;
	v8 =	vadd.s32 v42, v30  }
0x276: {  	v4 =	vcvt.s32.f32 v4;
	v3 =	vcvt.s32.f32 v38;
	[tilespmem:s31+$0xE10] =	vst v8;
	v8 =	vadd.s32 v45, v31  }
0x277: {  	v7 =	vtrunc.f32 v44;
	v12 =	vtrunc.f32 v12;
	[tilespmem:s31+$0x1010] =	vst v8;
	v8 =	vadd.s32 v46, v32  }
0x278: {  	v12 =	vcvt.f32.s32 v12;
	[tilespmem:s31+$0x1210] =	vst v8;
	v8 =	vmul.f32 v35, v50  }
0x279: {  	v3 =	vmul.f32 $6.553600000e+04, v3;
	v7 =	vcvt.f32.s32 v7  }
0x27a: {  	v13 =	vxor.u32 v20, v13;
	v12 =	vcvt.s32.f32 v12;
	v49 =	vtrunc.f32 v8;
	v8 =	vld [tilespmem:$0x1FCB0]  }
0x27b: {  	v25 =	vcvt.f32.s32 v25;
	v15 =	vxor.u32 v26, v15;
	v58 =	vld [tilespmem:$0x1FCF0];
	v4 =	vmul.f32 $6.553600000e+04, v4  }
0x27c: {  	v3 =	vsub.f32 v9, v3;
	v7 =	vcvt.s32.f32 v7;
	v9 =	vmul.f32 $6.553600000e+04, v12  }
0x27d: {  	v15 =	vxor.u32 v25, v15;
	v48 =	vadd.s32 v6, v33;
	v4 =	vsub.f32 v16, v4;
	v12 =	vld [tilespmem:$0x1FFF0]  }
0x27e: {  	v3 =	vtrunc.f32 v3;
	v7 =	vmul.f32 $6.553600000e+04, v7;
	v47 =	vsub.f32 v17, v9;
	v9 =	vld [tilespmem:$0x1FCA0]  }
0x27f: {  	v11 =	vxor.u32 v23, v11;
	v3 =	vcvt.f32.s32 v3;
	v54 =	vadd.s32 v10, v8;
	v10 =	vld [tilespmem:$0x1FCC0]  }
0x280: {  	v60 =	vld [tilespmem:$0x1FD10];
	v59 =	vadd.s32 v15, v58;
	v4 =	vtrunc.f32 v4;
	v7 =	vsub.f32 v14, v7  }
0x281: {  	[tilespmem:s31+$0x1810] =	vst v48;
	v56 =	vadd.s32 v11, v27;
	v4 =	vcvt.f32.s32 v4;
	v3 =	vxor.u32 v3, v5  }
0x282: {  	v61 =	vld [tilespmem:$0x1FD20];
	[tilespmem:s31+$0x2010] =	vst v59;
	v7 =	vtrunc.f32 v7;
	v0 =	vadd.s32 v0, v12;
	v6 =	vcvt.f32.s32 v49  }
0x283: {  	v7 =	vcvt.f32.s32 v7;
	[tilespmem:s31+$0x1410] =	vst v0;
	v0 =	vtrunc.f32 v47;
	v2 =	vadd.s32 v2, v9  }
0x284: {  	[tilespmem:s31+$0x1E10] =	vst v56;
	v57 =	vxor.u32 v6, v4;
	v0 =	vcvt.f32.s32 v0;
	v55 =	vadd.s32 v13, v10;
	v13 =	vld [tilespmem:$0x1FD00]  }
0x285: {  	p0 =	sne.s32 s28, $0x1F0;
	v62 =	vadd.s32 v3, v60;
	[tilespmem:s31+$0x1610] =	vst v2;
	v2 =	vxor.u32 v7, v57  }
.Ltmp2:
0x286: {  	[tilespmem:s31+$0x2410] =	vst v62;
	v0 =	vxor.u32 v0, v2;
	(pc) =	sbr.rel @p0 .LBB2_7-.Ltmp2, $4  }
0x287: {  	[tilespmem:s31+$0x1A10] =	vst v54;
	v0 =	vadd.s32 v0, v61  }
0x288: {  	[tilespmem:s31+$0x2610] =	vst v0  }
0x289: {  	v19 =	vmov v28;
	v20 =	vmov v29;
	[tilespmem:s31+$0x1C10] =	vst v55;
	v1 =	vadd.s32 v1, v13  }
0x28a: {  	s26 =	sadd.s32 $0x40, s26;
	s28 =	sadd.s32 $0x10, s28;
	v22 =	vmovc v31;
	v21 =	vmovc v30;
	v11 =	vmov v27;
	v16 =	vmov v32;
	v14 =	vmov v33;
	[tilespmem:s31+$0x2210] =	vst v1  }
0x28b: {  	s26 =	simm.s32 $0x2810  }
.LBB2_9:
0x28c: {  	p0 =	sne.s32 s25, $0x7E00  }
.Ltmp3:
0x28d: {  	_ = 	snop;
	(pc) =	sbr.rel @p0 .LBB2_9-.Ltmp3, $4  }
0x28e: {  	s28 =	sshra.s32 s25, $0x2  }
0x28f: {  	s28 =	sadd.s32 $0x810, s28  }
0x290: {  	[tilespmem:s26], [sflag:$0x1] =	stream.indirect.gather [hbm4b:s5+s16], $0x8, s28, s16, $0xb8;
	[tilespmem:$0x19010] =	vst v63  }
0x291: {  	s25 =	sadd.s32 $0x200, s25;
	s26 =	sadd.s32 $0x400, s26  }
0x292: {  	_ =	swait.ge [sflag:s17], $0x400  }
0x293: {  	s25 =	simm.s32 $0x3F;
	[sflag:s17] =	ssyncset.done $0x0  }
.LBB2_11:
0x294: {  	p0 =	sne.s32 s25, $0x1;
	s25 =	sadd.s32 $0xFFFFFFFF, s25;
	[sflag:s17] =	ssyncadd.s32 $0xFFFFFC00  }
.Ltmp4:
0x295: {  	(pc) =	sbr.rel @p0 .LBB2_11-.Ltmp4, $3  }
0x296: {  	_ =	sdelay $0x1  }
0x297: {  	_ =	swait.ge [sflag:s17], $0x400  }
0x298: {  	[sflag:s17] =	ssyncset.done $0x0  }
0x299: {  	[sflag:s17] =	ssyncadd.s32 $0xFFFFFC00  }
0x29a: {  	_ =	swait.ge [sflag:s18], $0x400  }
0x29b: {  	[sflag:s18] =	ssyncset.done $0x0  }
0x29c: {  	[sflag:s18] =	ssyncadd.s32 $0xFFFFFC00  }
0x29d: {  	_ =	swait.ge [sflag:s18], $0x400  }
0x29e: {  	[sflag:s18] =	ssyncset.done $0x0  }
0x29f: {  	[sflag:s18] =	ssyncadd.s32 $0xFFFFFC00  }
0x2a0: {  	_ =	swait.ge [sflag:s18], $0x400  }
0x2a1: {  	[sflag:s18] =	ssyncset.done $0x0  }
0x2a2: {  	[sflag:s18] =	ssyncadd.s32 $0xFFFFFC00  }
0x2a3: {  	_ =	swait.ge [sflag:s18], $0x400  }
0x2a4: {  	[sflag:s18] =	ssyncset.done $0x0  }
0x2a5: {  	[sflag:s18] =	ssyncadd.s32 $0xFFFFFC00  }
0x2a6: {  	_ =	swait.ge [sflag:s18], $0x400  }
0x2a7: {  	[sflag:s18] =	ssyncset.done $0x0  }
0x2a8: {  	[sflag:s18] =	ssyncadd.s32 $0xFFFFFC00  }
0x2a9: {  	_ =	swait.ge [sflag:s18], $0x400  }
0x2aa: {  	[sflag:s18] =	ssyncset.done $0x0  }
0x2ab: {  	[sflag:s18] =	ssyncadd.s32 $0xFFFFFC00  }
0x2ac: {  	_ =	swait.ge [sflag:s18], $0x400  }
0x2ad: {  	[sflag:s18] =	ssyncset.done $0x0  }
0x2ae: {  	[sflag:s18] =	ssyncadd.s32 $0xFFFFFC00  }
0x2af: {  	_ =	swait.ge [sflag:s18], $0x400  }
0x2b0: {  	[sflag:s18] =	ssyncset.done $0x0  }
0x2b1: {  	[sflag:s18] =	ssyncadd.s32 $0xFFFFFC00  }
0x2b2: {  	_ =	swait.ge [sflag:s18], $0x400  }
0x2b3: {  	[sflag:s18] =	ssyncset.done $0x0  }
0x2b4: {  	[sflag:s18] =	ssyncadd.s32 $0xFFFFFC00  }
0x2b5: {  	_ =	swait.ge [sflag:s18], $0x400  }
0x2b6: {  	[sflag:s18] =	ssyncset.done $0x0  }
0x2b7: {  	[sflag:s18] =	ssyncadd.s32 $0xFFFFFC00  }
0x2b8: {  	_ =	swait.ge [sflag:s18], $0x400  }
0x2b9: {  	[sflag:s18] =	ssyncset.done $0x0  }
0x2ba: {  	[sflag:s18] =	ssyncadd.s32 $0xFFFFFC00  }
0x2bb: {  	_ =	swait.ge [sflag:s18], $0x400  }
0x2bc: {  	[sflag:s18] =	ssyncset.done $0x0  }
0x2bd: {  	[sflag:s18] =	ssyncadd.s32 $0xFFFFFC00  }
0x2be: {  	_ =	swait.ge [sflag:s18], $0x400  }
0x2bf: {  	[sflag:s18] =	ssyncset.done $0x0  }
0x2c0: {  	v1 =	vlaneseq.u32;
	[sflag:s18] =	ssyncadd.s32 $0xFFFFFC00  }
0x2c1: {  	s25 =	simm.s32 $0x0;
	v37 =	vshrl.u32 v1, $0x1;
	_ =	swait.ge [sflag:s18], $0x400  }
0x2c2: {  	v0 =	vmov s25;
	v35 =	vmul.u32 $0x8, v37;
	[sflag:s18] =	ssyncset.done $0x0  }
0x2c3: {  	v0 =	vshll.u32 v0, $0x3;
	[sflag:s18] =	ssyncadd.s32 $0xFFFFFC00  }
0x2c4: {  	v36 =	vand.u32 $0x1, v1;
	v0 =	vor.u32 v35, v0;
	_ =	swait.ge [sflag:s18], $0x400  }
0x2c5: {  	v0 =	vor.u32 v36, v0;
	[sflag:s18] =	ssyncset.done $0x0  }
0x2c6: {  	[sflag:s18] =	ssyncadd.s32 $0xFFFFFC00  }
0x2c7: {  	s26 =	simm.s32 $0x200;
	_ =	swait.ge [sflag:s18], $0x400  }
0x2c8: {  	s28 =	sand.u32 $0xC00, s25;
	s29 =	sand.u32 $0x78, s25;
	v1 =	vmov s26;
	[sflag:s18] =	ssyncset.done $0x0  }
0x2c9: {  	s28 =	sor.u32 s29, s28;
	v1 =	vshll.u32 v1, $0x3;
	[sflag:s18] =	ssyncadd.s32 $0xFFFFFC00  }
0x2ca: {  	v2 =	vor.u32 s28, v63;
	v1 =	vor.u32 v35, v1;
	v0 =	vld.idx.msk [tilespmem:v0+s19+$0x0], $0xffff  }
0x2cb: {  	v1 =	vor.u32 v36, v1;
	_ =	sdelay $0x1  }
0x2cc: {  	s31 =	simm.s32 $0x400  }
0x2cd: {  	v3 =	vmov s31  }
0x2ce: {  	s2 =	sor.u32 $0x100, s28;
	[tilespmem:v2+s20+$0x0] =	vst.idx.add.f32.msk $0xffff, v0;
	v0 =	vshll.u32 v3, $0x3  }
0x2cf: {  	v2 =	vor.u32 s2, v63;
	v1 =	vld.idx.msk [tilespmem:v1+s19+$0x0], $0xffff;
	v0 =	vor.u32 v35, v0  }
0x2d0: {  	v0 =	vor.u32 v36, v0;
	_ =	sdelay $0x1  }
0x2d1: {  	s31 =	simm.s32 $0x600  }
0x2d2: {  	v3 =	vmov s31  }
0x2d3: {  	s2 =	sor.u32 $0x200, s28;
	[tilespmem:v2+s20+$0x0] =	vst.idx.add.f32.msk $0xffff, v1;
	v1 =	vshll.u32 v3, $0x3  }
0x2d4: {  	v2 =	vor.u32 s2, v63;
	v0 =	vld.idx.msk [tilespmem:v0+s19+$0x0], $0xffff;
	v1 =	vor.u32 v35, v1  }
0x2d5: {  	v1 =	vor.u32 v36, v1;
	_ =	sdelay $0x1  }
0x2d6: {  	s31 =	simm.s32 $0x800  }
0x2d7: {  	v3 =	vmov s31  }
0x2d8: {  	s2 =	sor.u32 $0x300, s28;
	[tilespmem:v2+s20+$0x0] =	vst.idx.add.f32.msk $0xffff, v0;
	v0 =	vshll.u32 v3, $0x3  }
0x2d9: {  	v2 =	vor.u32 s2, v63;
	v1 =	vld.idx.msk [tilespmem:v1+s19+$0x0], $0xffff;
	v0 =	vor.u32 v35, v0  }
0x2da: {  	v0 =	vor.u32 v36, v0;
	_ =	sdelay $0x1  }
0x2db: {  	s31 =	simm.s32 $0xA00  }
0x2dc: {  	v3 =	vmov s31  }
0x2dd: {  	s2 =	sor.u32 $0x1000, s28;
	[tilespmem:v2+s20+$0x0] =	vst.idx.add.f32.msk $0xffff, v1;
	v1 =	vshll.u32 v3, $0x3  }
0x2de: {  	v2 =	vor.u32 s2, v63;
	v0 =	vld.idx.msk [tilespmem:v0+s19+$0x0], $0xffff;
	v1 =	vor.u32 v35, v1  }
0x2df: {  	v1 =	vor.u32 v36, v1;
	_ =	sdelay $0x1  }
0x2e0: {  	s31 =	simm.s32 $0xC00  }
0x2e1: {  	v3 =	vmov s31  }
0x2e2: {  	s2 =	sor.u32 $0x1100, s28;
	[tilespmem:v2+s20+$0x0] =	vst.idx.add.f32.msk $0xffff, v0;
	v0 =	vshll.u32 v3, $0x3  }
0x2e3: {  	v2 =	vor.u32 s2, v63;
	v1 =	vld.idx.msk [tilespmem:v1+s19+$0x0], $0xffff;
	v0 =	vor.u32 v35, v0  }
0x2e4: {  	v0 =	vor.u32 v36, v0  }
0x2e5: {  	v4 =	vld [tilespmem:$0x1FCD0]  }
0x2e6: {  	v15 =	vld [tilespmem:$0x1FD30];
	s31 =	simm.s32 $0xE00  }
0x2e7: {  	v17 =	vld [tilespmem:$0x1FD40];
	v3 =	vmov s31  }
0x2e8: {  	s2 =	sor.u32 $0x1200, s28;
	[tilespmem:v2+s20+$0x0] =	vst.idx.add.f32.msk $0xffff, v1;
	v1 =	vshll.u32 v3, $0x3  }
0x2e9: {  	v2 =	vor.u32 s2, v63;
	v0 =	vld.idx.msk [tilespmem:v0+s19+$0x0], $0xffff;
	v1 =	vor.u32 v35, v1  }
0x2ea: {  	v23 =	vld [tilespmem:$0x1FD50];
	v1 =	vor.u32 v36, v1  }
0x2eb: {  	v24 =	vld [tilespmem:$0x1FD60]  }
0x2ec: {  	v25 =	vld [tilespmem:$0x1FD70];
	s31 =	simm.s32 $0x1000  }
0x2ed: {  	v26 =	vld [tilespmem:$0x1FD80];
	v3 =	vmov s31  }
0x2ee: {  	s2 =	sor.u32 $0x1300, s28;
	[tilespmem:v2+s20+$0x0] =	vst.idx.add.f32.msk $0xffff, v0;
	v0 =	vshll.u32 v3, $0x3  }
0x2ef: {  	v2 =	vor.u32 s2, v63;
	v1 =	vld.idx.msk [tilespmem:v1+s19+$0x0], $0xffff;
	v0 =	vor.u32 v35, v0  }
0x2f0: {  	v27 =	vld [tilespmem:$0x1FD90];
	v0 =	vor.u32 v36, v0  }
0x2f1: {  	v28 =	vld [tilespmem:$0x1FDA0]  }
0x2f2: {  	v29 =	vld [tilespmem:$0x1FDB0];
	s31 =	simm.s32 $0x1200  }
0x2f3: {  	v30 =	vld [tilespmem:$0x1FDC0];
	v3 =	vmov s31  }
0x2f4: {  	s2 =	sor.u32 $0x2000, s28;
	[tilespmem:v2+s20+$0x0] =	vst.idx.add.f32.msk $0xffff, v1;
	v1 =	vshll.u32 v3, $0x3  }
0x2f5: {  	v2 =	vor.u32 s2, v63;
	v0 =	vld.idx.msk [tilespmem:v0+s19+$0x0], $0xffff;
	v1 =	vor.u32 v35, v1  }
0x2f6: {  	v31 =	vld [tilespmem:$0x1FDD0];
	v1 =	vor.u32 v36, v1  }
0x2f7: {  	v32 =	vld [tilespmem:$0x1FDE0]  }
0x2f8: {  	v33 =	vld [tilespmem:$0x1FDF0];
	s31 =	simm.s32 $0x1400  }
0x2f9: {  	v34 =	vld [tilespmem:$0x1FE00];
	v3 =	vmov s31  }
0x2fa: {  	s2 =	sor.u32 $0x2100, s28;
	[tilespmem:v2+s20+$0x0] =	vst.idx.add.f32.msk $0xffff, v0;
	v0 =	vshll.u32 v3, $0x3  }
0x2fb: {  	v2 =	vor.u32 s2, v63;
	v1 =	vld.idx.msk [tilespmem:v1+s19+$0x0], $0xffff;
	v0 =	vor.u32 v35, v0  }
0x2fc: {  	v39 =	vld [tilespmem:$0x1FE50];
	v0 =	vor.u32 v36, v0  }
0x2fd: {  	v40 =	vld [tilespmem:$0x1FE60]  }
0x2fe: {  	v41 =	vld [tilespmem:$0x1FE70];
	s31 =	simm.s32 $0x1600  }
0x2ff: {  	v42 =	vld [tilespmem:$0x1FE80];
	v3 =	vmov s31  }
0x300: {  	s2 =	sor.u32 $0x2200, s28;
	[tilespmem:v2+s20+$0x0] =	vst.idx.add.f32.msk $0xffff, v1;
	v1 =	vshll.u32 v3, $0x3  }
0x301: {  	v2 =	vor.u32 s2, v63;
	v0 =	vld.idx.msk [tilespmem:v0+s19+$0x0], $0xffff;
	v1 =	vor.u32 v35, v1  }
0x302: {  	v43 =	vld [tilespmem:$0x1FE90];
	v1 =	vor.u32 v36, v1  }
0x303: {  	v44 =	vld [tilespmem:$0x1FEA0]  }
0x304: {  	v45 =	vld [tilespmem:$0x1FEB0];
	s31 =	simm.s32 $0x1800  }
0x305: {  	v46 =	vld [tilespmem:$0x1FEC0];
	v3 =	vmov s31  }
0x306: {  	s2 =	sor.u32 $0x2300, s28;
	[tilespmem:v2+s20+$0x0] =	vst.idx.add.f32.msk $0xffff, v0;
	v0 =	vshll.u32 v3, $0x3  }
0x307: {  	v2 =	vor.u32 s2, v63;
	v1 =	vld.idx.msk [tilespmem:v1+s19+$0x0], $0xffff;
	v0 =	vor.u32 v35, v0  }
0x308: {  	v47 =	vld [tilespmem:$0x1FED0];
	v0 =	vor.u32 v36, v0  }
0x309: {  	v48 =	vld [tilespmem:$0x1FEE0]  }
0x30a: {  	v49 =	vld [tilespmem:$0x1FEF0];
	s31 =	simm.s32 $0x1A00  }
0x30b: {  	v50 =	vld [tilespmem:$0x1FF00];
	v3 =	vmov s31  }
0x30c: {  	s2 =	sor.u32 $0x3000, s28;
	[tilespmem:v2+s20+$0x0] =	vst.idx.add.f32.msk $0xffff, v1;
	v1 =	vshll.u32 v3, $0x3  }
0x30d: {  	v2 =	vor.u32 s2, v63;
	v0 =	vld.idx.msk [tilespmem:v0+s19+$0x0], $0xffff;
	v1 =	vor.u32 v35, v1  }
0x30e: {  	v51 =	vld [tilespmem:$0x1FF10];
	v1 =	vor.u32 v36, v1  }
0x30f: {  	v52 =	vld [tilespmem:$0x1FF20]  }
0x310: {  	v53 =	vld [tilespmem:$0x1FF30];
	s31 =	simm.s32 $0x1C00  }
0x311: {  	v54 =	vld [tilespmem:$0x1FF40];
	v3 =	vmov s31  }
0x312: {  	s2 =	sor.u32 $0x3100, s28;
	[tilespmem:v2+s20+$0x0] =	vst.idx.add.f32.msk $0xffff, v0;
	v0 =	vshll.u32 v3, $0x3  }
0x313: {  	v2 =	vor.u32 s2, v63;
	v1 =	vld.idx.msk [tilespmem:v1+s19+$0x0], $0xffff;
	v0 =	vor.u32 v35, v0  }
0x314: {  	v55 =	vld [tilespmem:$0x1FF50];
	v0 =	vor.u32 v36, v0  }
0x315: {  	v56 =	vld [tilespmem:$0x1FF60]  }
0x316: {  	v57 =	vld [tilespmem:$0x1FF70];
	s31 =	simm.s32 $0x1E00  }
0x317: {  	v58 =	vld [tilespmem:$0x1FF80];
	v3 =	vmov s31  }
0x318: {  	s29 =	sor.u32 $0x3200, s28;
	v3 =	vshll.u32 v3, $0x3;
	[tilespmem:v2+s20+$0x0] =	vst.idx.add.f32.msk $0xffff, v1  }
0x319: {  	v1 =	vor.u32 v35, v3;
	v2 =	vor.u32 s29, v63;
	v0 =	vld.idx.msk [tilespmem:v0+s19+$0x0], $0xffff  }
0x31a: {  	v59 =	vld [tilespmem:$0x1FF90];
	v1 =	vor.u32 v36, v1  }
0x31b: {  	v60 =	vld [tilespmem:$0x1FFA0]  }
0x31c: {  	v61 =	vld [tilespmem:$0x1FFB0]  }
0x31d: {  	s30 =	simm.s32 $0x10;
	s26 =	simm.s32 $0x8;
	v62 =	vld [tilespmem:$0x1FFC0];
	s29 =	simm.s32 $0x0  }
.LBB2_13:
0x31e: {  	p0 =	sne.s32 s30, $0x1F8;
	v3 =	vmov s26;
	v38 =	vmul.u32 $0x8, v37;
	[tilespmem:v2+s20+$0x0] =	vst.idx.add.f32.msk $0xffff, v0  }
0x31f: {  	s28 =	sor.u32 $0x3300, s28;
	v0 =	vshll.u32 v3, $0x3;
	v1 =	vld.idx.msk [tilespmem:v1+s19+$0x0], $0xffff  }
0x320: {  	v2 =	vor.u32 s28, v63;
	v0 =	vor.u32 v38, v0  }
0x321: {  	v0 =	vor.u32 v36, v0;
	_ =	sdelay $0x2  }
0x322: {  	s29 =	sadd.s32 $0x40, s29;
	s28 =	sadd.s32 $0x200, s26  }
0x323: {  	s2 =	sand.u32 $0x78, s26;
	s31 =	sand.u32 $0xC00, s29;
	v3 =	vmov s28;
	[tilespmem:v2+s20+$0x0] =	vst.idx.add.f32.msk $0xffff, v1  }
0x324: {  	s28 =	sor.u32 s2, s31;
	v1 =	vshll.u32 v3, $0x3;
	v0 =	vld.idx.msk [tilespmem:v0+s19+$0x0], $0xffff  }
0x325: {  	v2 =	vor.u32 s28, v63;
	v1 =	vor.u32 v38, v1  }
0x326: {  	v1 =	vor.u32 v36, v1;
	_ =	sdelay $0x2  }
0x327: {  	s2 =	sadd.s32 $0x400, s26  }
0x328: {  	[tilespmem:v2+s20+$0x0] =	vst.idx.add.f32.msk $0xffff, v0;
	v0 =	vmov s2  }
0x329: {  	s2 =	sor.u32 $0x100, s28;
	v1 =	vld.idx.msk [tilespmem:v1+s19+$0x0], $0xffff;
	v0 =	vshll.u32 v0, $0x3  }
0x32a: {  	v2 =	vor.u32 s2, v63;
	v0 =	vor.u32 v38, v0  }
0x32b: {  	v0 =	vor.u32 v36, v0;
	_ =	sdelay $0x2  }
0x32c: {  	s2 =	sadd.s32 $0x600, s26  }
0x32d: {  	[tilespmem:v2+s20+$0x0] =	vst.idx.add.f32.msk $0xffff, v1;
	v1 =	vmov s2  }
0x32e: {  	s2 =	sor.u32 $0x200, s28;
	v0 =	vld.idx.msk [tilespmem:v0+s19+$0x0], $0xffff;
	v1 =	vshll.u32 v1, $0x3  }
0x32f: {  	v2 =	vor.u32 s2, v63;
	v1 =	vor.u32 v38, v1  }
0x330: {  	v1 =	vor.u32 v36, v1;
	_ =	sdelay $0x2  }
0x331: {  	s2 =	sadd.s32 $0x800, s26  }
0x332: {  	[tilespmem:v2+s20+$0x0] =	vst.idx.add.f32.msk $0xffff, v0;
	v0 =	vmov s2  }
0x333: {  	s2 =	sor.u32 $0x300, s28;
	v1 =	vld.idx.msk [tilespmem:v1+s19+$0x0], $0xffff;
	v0 =	vshll.u32 v0, $0x3  }
0x334: {  	v2 =	vor.u32 s2, v63;
	v0 =	vor.u32 v38, v0  }
0x335: {  	v0 =	vor.u32 v36, v0;
	_ =	sdelay $0x2  }
0x336: {  	s2 =	sadd.s32 $0xA00, s26  }
0x337: {  	[tilespmem:v2+s20+$0x0] =	vst.idx.add.f32.msk $0xffff, v1;
	v1 =	vmov s2  }
0x338: {  	s2 =	sor.u32 $0x1000, s28;
	v0 =	vld.idx.msk [tilespmem:v0+s19+$0x0], $0xffff;
	v1 =	vshll.u32 v1, $0x3  }
0x339: {  	v2 =	vor.u32 s2, v63;
	v1 =	vor.u32 v38, v1  }
0x33a: {  	v1 =	vor.u32 v36, v1;
	_ =	sdelay $0x2  }
0x33b: {  	s2 =	sadd.s32 $0xC00, s26  }
0x33c: {  	[tilespmem:v2+s20+$0x0] =	vst.idx.add.f32.msk $0xffff, v0;
	v0 =	vmov s2  }
0x33d: {  	s2 =	sor.u32 $0x1100, s28;
	v1 =	vld.idx.msk [tilespmem:v1+s19+$0x0], $0xffff;
	v0 =	vshll.u32 v0, $0x3  }
0x33e: {  	v2 =	vor.u32 s2, v63;
	v0 =	vor.u32 v38, v0  }
0x33f: {  	v0 =	vor.u32 v36, v0;
	_ =	sdelay $0x2  }
0x340: {  	s2 =	sadd.s32 $0xE00, s26  }
0x341: {  	[tilespmem:v2+s20+$0x0] =	vst.idx.add.f32.msk $0xffff, v1;
	v1 =	vmov s2  }
0x342: {  	s2 =	sor.u32 $0x1200, s28;
	v0 =	vld.idx.msk [tilespmem:v0+s19+$0x0], $0xffff;
	v1 =	vshll.u32 v1, $0x3  }
0x343: {  	v2 =	vor.u32 s2, v63;
	v1 =	vor.u32 v38, v1  }
0x344: {  	v1 =	vor.u32 v36, v1;
	_ =	sdelay $0x2  }
0x345: {  	s2 =	sadd.s32 $0x1000, s26  }
0x346: {  	[tilespmem:v2+s20+$0x0] =	vst.idx.add.f32.msk $0xffff, v0;
	v0 =	vmov s2  }
0x347: {  	s2 =	sor.u32 $0x1300, s28;
	v1 =	vld.idx.msk [tilespmem:v1+s19+$0x0], $0xffff;
	v0 =	vshll.u32 v0, $0x3  }
0x348: {  	v2 =	vor.u32 s2, v63;
	v0 =	vor.u32 v38, v0  }
0x349: {  	v0 =	vor.u32 v36, v0;
	_ =	sdelay $0x2  }
0x34a: {  	s2 =	sadd.s32 $0x1200, s26  }
0x34b: {  	[tilespmem:v2+s20+$0x0] =	vst.idx.add.f32.msk $0xffff, v1;
	v1 =	vmov s2  }
0x34c: {  	s2 =	sor.u32 $0x2000, s28;
	v0 =	vld.idx.msk [tilespmem:v0+s19+$0x0], $0xffff;
	v1 =	vshll.u32 v1, $0x3  }
0x34d: {  	v2 =	vor.u32 s2, v63;
	v1 =	vor.u32 v38, v1  }
0x34e: {  	v1 =	vor.u32 v36, v1;
	_ =	sdelay $0x2  }
0x34f: {  	s2 =	sadd.s32 $0x1400, s26  }
0x350: {  	[tilespmem:v2+s20+$0x0] =	vst.idx.add.f32.msk $0xffff, v0;
	v0 =	vmov s2  }
0x351: {  	s2 =	sor.u32 $0x2100, s28;
	v1 =	vld.idx.msk [tilespmem:v1+s19+$0x0], $0xffff;
	v0 =	vshll.u32 v0, $0x3  }
0x352: {  	v2 =	vor.u32 s2, v63;
	v0 =	vor.u32 v38, v0  }
0x353: {  	v0 =	vor.u32 v36, v0;
	_ =	sdelay $0x2  }
0x354: {  	s2 =	sadd.s32 $0x1600, s26  }
0x355: {  	[tilespmem:v2+s20+$0x0] =	vst.idx.add.f32.msk $0xffff, v1;
	v1 =	vmov s2  }
0x356: {  	s2 =	sor.u32 $0x2200, s28;
	v0 =	vld.idx.msk [tilespmem:v0+s19+$0x0], $0xffff;
	v1 =	vshll.u32 v1, $0x3  }
0x357: {  	v2 =	vor.u32 s2, v63;
	v1 =	vor.u32 v38, v1  }
0x358: {  	v1 =	vor.u32 v36, v1;
	_ =	sdelay $0x2  }
0x359: {  	s2 =	sadd.s32 $0x1800, s26  }
0x35a: {  	[tilespmem:v2+s20+$0x0] =	vst.idx.add.f32.msk $0xffff, v0;
	v0 =	vmov s2  }
0x35b: {  	s2 =	sor.u32 $0x2300, s28;
	v1 =	vld.idx.msk [tilespmem:v1+s19+$0x0], $0xffff;
	v0 =	vshll.u32 v0, $0x3  }
0x35c: {  	v2 =	vor.u32 s2, v63;
	v0 =	vor.u32 v38, v0  }
0x35d: {  	v0 =	vor.u32 v36, v0;
	_ =	sdelay $0x2  }
0x35e: {  	s2 =	sadd.s32 $0x1A00, s26  }
0x35f: {  	[tilespmem:v2+s20+$0x0] =	vst.idx.add.f32.msk $0xffff, v1;
	v1 =	vmov s2  }
0x360: {  	s2 =	sor.u32 $0x3000, s28;
	v0 =	vld.idx.msk [tilespmem:v0+s19+$0x0], $0xffff;
	v1 =	vshll.u32 v1, $0x3  }
0x361: {  	v2 =	vor.u32 s2, v63;
	v1 =	vor.u32 v38, v1  }
0x362: {  	v1 =	vor.u32 v36, v1;
	_ =	sdelay $0x2  }
0x363: {  	s2 =	sadd.s32 $0x1C00, s26  }
0x364: {  	[tilespmem:v2+s20+$0x0] =	vst.idx.add.f32.msk $0xffff, v0;
	v0 =	vmov s2  }
0x365: {  	s2 =	sor.u32 $0x3100, s28;
	v1 =	vld.idx.msk [tilespmem:v1+s19+$0x0], $0xffff;
	v0 =	vshll.u32 v0, $0x3  }
0x366: {  	v2 =	vor.u32 s2, v63;
	v0 =	vor.u32 v38, v0  }
0x367: {  	v0 =	vor.u32 v36, v0;
	_ =	sdelay $0x2  }
0x368: {  	s2 =	sadd.s32 $0x1E00, s26;
	s26 =	smov.u32 s30  }
0x369: {  	[tilespmem:v2+s20+$0x0] =	vst.idx.add.f32.msk $0xffff, v1;
	v1 =	vmov s2  }
0x36a: {  	s2 =	sor.u32 $0x3200, s28;
	v0 =	vld.idx.msk [tilespmem:v0+s19+$0x0], $0xffff;
	v1 =	vshll.u32 v1, $0x3  }
.Ltmp5:
0x36b: {  	v2 =	vor.u32 s2, v63;
	v1 =	vor.u32 v38, v1;
	(pc) =	sbr.rel @p0 .LBB2_13-.Ltmp5, $2  }
0x36c: {  	v1 =	vor.u32 v36, v1;
	_ =	sdelay $0x2  }
0x36d: {  	s30 =	sadd.s32 $0x8, s30  }
0x36e: {  	_ =	sdelay $0x2  }
0x36f: {  	v3 =	vmov s26  }
0x370: {  	[tilespmem:v2+s20+$0x0] =	vst.idx.add.f32.msk $0xffff, v0;
	s2 =	sor.u32 $0x3300, s28;
	v38 =	vshll.u32 v3, $0x3  }
0x371: {  	v1 =	vld.idx.msk [tilespmem:v1+s19+$0x0], $0xffff;
	v37 =	vor.u32 s2, v63;
	v0 =	vor.u32 v35, v38  }
0x372: {  	v0 =	vor.u32 v36, v0;
	_ =	sdelay $0x1  }
0x373: {  	s31 =	sadd.s32 $0x200, s26;
	s28 =	sadd.s32 $0x40, s29  }
0x374: {  	s29 =	sand.u32 $0x78, s26;
	s28 =	sand.u32 $0xC00, s28;
	v3 =	vmov s31  }
0x375: {  	s28 =	sor.u32 s29, s28;
	v38 =	vshll.u32 v3, $0x3;
	[tilespmem:v37+s20+$0x0] =	vst.idx.add.f32.msk $0xffff, v1  }
0x376: {  	v37 =	vor.u32 s28, v63;
	v1 =	vor.u32 v35, v38;
	v0 =	vld.idx.msk [tilespmem:v0+s19+$0x0], $0xffff  }
0x377: {  	v1 =	vor.u32 v36, v1;
	_ =	sdelay $0x1  }
0x378: {  	s30 =	sadd.s32 $0x400, s26  }
0x379: {  	v3 =	vmov s30  }
0x37a: {  	s31 =	sor.u32 $0x100, s28;
	v38 =	vshll.u32 v3, $0x3;
	[tilespmem:v37+s20+$0x0] =	vst.idx.add.f32.msk $0xffff, v0  }
0x37b: {  	v37 =	vor.u32 s31, v63;
	v0 =	vor.u32 v35, v38;
	v1 =	vld.idx.msk [tilespmem:v1+s19+$0x0], $0xffff  }
0x37c: {  	v0 =	vor.u32 v36, v0;
	_ =	sdelay $0x1  }
0x37d: {  	s30 =	sadd.s32 $0x600, s26  }
0x37e: {  	v3 =	vmov s30  }
0x37f: {  	s31 =	sor.u32 $0x200, s28;
	v38 =	vshll.u32 v3, $0x3;
	[tilespmem:v37+s20+$0x0] =	vst.idx.add.f32.msk $0xffff, v1  }
0x380: {  	v37 =	vor.u32 s31, v63;
	v1 =	vor.u32 v35, v38;
	v0 =	vld.idx.msk [tilespmem:v0+s19+$0x0], $0xffff  }
0x381: {  	v1 =	vor.u32 v36, v1;
	_ =	sdelay $0x1  }
0x382: {  	s30 =	sadd.s32 $0x800, s26  }
0x383: {  	v3 =	vmov s30  }
0x384: {  	s31 =	sor.u32 $0x300, s28;
	v38 =	vshll.u32 v3, $0x3;
	[tilespmem:v37+s20+$0x0] =	vst.idx.add.f32.msk $0xffff, v0  }
0x385: {  	v37 =	vor.u32 s31, v63;
	v0 =	vor.u32 v35, v38;
	v1 =	vld.idx.msk [tilespmem:v1+s19+$0x0], $0xffff  }
0x386: {  	v0 =	vor.u32 v36, v0;
	_ =	sdelay $0x1  }
0x387: {  	s30 =	sadd.s32 $0xA00, s26  }
0x388: {  	v3 =	vmov s30  }
0x389: {  	s31 =	sor.u32 $0x1000, s28;
	v38 =	vshll.u32 v3, $0x3;
	[tilespmem:v37+s20+$0x0] =	vst.idx.add.f32.msk $0xffff, v1  }
0x38a: {  	v37 =	vor.u32 s31, v63;
	v1 =	vor.u32 v35, v38;
	v0 =	vld.idx.msk [tilespmem:v0+s19+$0x0], $0xffff  }
0x38b: {  	v1 =	vor.u32 v36, v1;
	_ =	sdelay $0x1  }
0x38c: {  	s30 =	sadd.s32 $0xC00, s26  }
0x38d: {  	v3 =	vmov s30  }
0x38e: {  	s31 =	sor.u32 $0x1100, s28;
	v38 =	vshll.u32 v3, $0x3;
	[tilespmem:v37+s20+$0x0] =	vst.idx.add.f32.msk $0xffff, v0  }
0x38f: {  	v37 =	vor.u32 s31, v63;
	v0 =	vor.u32 v35, v38;
	v1 =	vld.idx.msk [tilespmem:v1+s19+$0x0], $0xffff  }
0x390: {  	v0 =	vor.u32 v36, v0;
	_ =	sdelay $0x1  }
0x391: {  	s30 =	sadd.s32 $0xE00, s26  }
0x392: {  	v3 =	vmov s30  }
0x393: {  	s31 =	sor.u32 $0x1200, s28;
	v38 =	vshll.u32 v3, $0x3;
	[tilespmem:v37+s20+$0x0] =	vst.idx.add.f32.msk $0xffff, v1  }
0x394: {  	v37 =	vor.u32 s31, v63;
	v1 =	vor.u32 v35, v38;
	v0 =	vld.idx.msk [tilespmem:v0+s19+$0x0], $0xffff  }
0x395: {  	v1 =	vor.u32 v36, v1;
	_ =	sdelay $0x1  }
0x396: {  	s30 =	sadd.s32 $0x1000, s26  }
0x397: {  	v3 =	vmov s30  }
0x398: {  	s31 =	sor.u32 $0x1300, s28;
	v38 =	vshll.u32 v3, $0x3;
	[tilespmem:v37+s20+$0x0] =	vst.idx.add.f32.msk $0xffff, v0  }
0x399: {  	v37 =	vor.u32 s31, v63;
	v0 =	vor.u32 v35, v38;
	v1 =	vld.idx.msk [tilespmem:v1+s19+$0x0], $0xffff  }
0x39a: {  	v0 =	vor.u32 v36, v0;
	_ =	sdelay $0x1  }
0x39b: {  	s30 =	sadd.s32 $0x1200, s26  }
0x39c: {  	v3 =	vmov s30  }
0x39d: {  	s31 =	sor.u32 $0x2000, s28;
	v38 =	vshll.u32 v3, $0x3;
	[tilespmem:v37+s20+$0x0] =	vst.idx.add.f32.msk $0xffff, v1  }
0x39e: {  	v37 =	vor.u32 s31, v63;
	v1 =	vor.u32 v35, v38;
	v0 =	vld.idx.msk [tilespmem:v0+s19+$0x0], $0xffff  }
0x39f: {  	v1 =	vor.u32 v36, v1;
	_ =	sdelay $0x1  }
0x3a0: {  	s30 =	sadd.s32 $0x1400, s26  }
0x3a1: {  	v3 =	vmov s30  }
0x3a2: {  	s31 =	sor.u32 $0x2100, s28;
	v38 =	vshll.u32 v3, $0x3;
	[tilespmem:v37+s20+$0x0] =	vst.idx.add.f32.msk $0xffff, v0  }
0x3a3: {  	v37 =	vor.u32 s31, v63;
	v0 =	vor.u32 v35, v38;
	v1 =	vld.idx.msk [tilespmem:v1+s19+$0x0], $0xffff  }
0x3a4: {  	v0 =	vor.u32 v36, v0;
	_ =	sdelay $0x1  }
0x3a5: {  	s30 =	sadd.s32 $0x1600, s26  }
0x3a6: {  	v3 =	vmov s30  }
0x3a7: {  	s31 =	sor.u32 $0x2200, s28;
	v38 =	vshll.u32 v3, $0x3;
	[tilespmem:v37+s20+$0x0] =	vst.idx.add.f32.msk $0xffff, v1  }
0x3a8: {  	v37 =	vor.u32 s31, v63;
	v1 =	vor.u32 v35, v38;
	v0 =	vld.idx.msk [tilespmem:v0+s19+$0x0], $0xffff  }
0x3a9: {  	v1 =	vor.u32 v36, v1;
	_ =	sdelay $0x1  }
0x3aa: {  	s30 =	sadd.s32 $0x1800, s26  }
0x3ab: {  	v3 =	vmov s30  }
0x3ac: {  	s31 =	sor.u32 $0x2300, s28;
	v38 =	vshll.u32 v3, $0x3;
	[tilespmem:v37+s20+$0x0] =	vst.idx.add.f32.msk $0xffff, v0  }
0x3ad: {  	v37 =	vor.u32 s31, v63;
	v0 =	vor.u32 v35, v38;
	v1 =	vld.idx.msk [tilespmem:v1+s19+$0x0], $0xffff  }
0x3ae: {  	v0 =	vor.u32 v36, v0;
	_ =	sdelay $0x1  }
0x3af: {  	s30 =	sadd.s32 $0x1A00, s26  }
0x3b0: {  	v3 =	vmov s30  }
0x3b1: {  	s31 =	sor.u32 $0x3000, s28;
	v38 =	vshll.u32 v3, $0x3;
	[tilespmem:v37+s20+$0x0] =	vst.idx.add.f32.msk $0xffff, v1  }
0x3b2: {  	v37 =	vor.u32 s31, v63;
	v1 =	vor.u32 v35, v38;
	v0 =	vld.idx.msk [tilespmem:v0+s19+$0x0], $0xffff  }
0x3b3: {  	v1 =	vor.u32 v36, v1;
	_ =	sdelay $0x1  }
0x3b4: {  	s30 =	sadd.s32 $0x1C00, s26  }
0x3b5: {  	v3 =	vmov s30  }
0x3b6: {  	s31 =	sor.u32 $0x3100, s28;
	v38 =	vshll.u32 v3, $0x3;
	[tilespmem:v37+s20+$0x0] =	vst.idx.add.f32.msk $0xffff, v0  }
0x3b7: {  	v37 =	vor.u32 s31, v63;
	v0 =	vor.u32 v35, v38;
	v1 =	vld.idx.msk [tilespmem:v1+s19+$0x0], $0xffff  }
0x3b8: {  	v0 =	vor.u32 v36, v0;
	_ =	sdelay $0x1  }
0x3b9: {  	s30 =	sadd.s32 $0x1E00, s26  }
0x3ba: {  	v3 =	vmov s30  }
0x3bb: {  	s31 =	sor.u32 $0x3200, s28;
	v38 =	vshll.u32 v3, $0x3;
	[tilespmem:v37+s20+$0x0] =	vst.idx.add.f32.msk $0xffff, v1  }
0x3bc: {  	v37 =	vor.u32 s31, v63;
	v1 =	vor.u32 v35, v38;
	v0 =	vld.idx.msk [tilespmem:v0+s19+$0x0], $0xffff  }
0x3bd: {  	v1 =	vor.u32 v36, v1;
	_ =	sdelay $0x3  }
0x3be: {  	s26 =	sor.u32 $0x3300, s28;
	[tilespmem:v37+s20+$0x0] =	vst.idx.add.f32.msk $0xffff, v0  }
0x3bf: {  	v38 =	vor.u32 s26, v63;
	v0 =	vld.idx.msk [tilespmem:v1+s19+$0x0], $0xffff  }
0x3c0: {  	s30 =	sand.u32 $0x3, s25  }
0x3c1: {  	s29 =	sshll.u32 s30, $0xA;
	s31 =	simm.s32 $0x0  }
0x3c2: {  	s2 =	sor.u32 s24, s30;
	s28 =	simm.s32 $0x0;
	s25 =	sand.u32 $0x3FFFF000, s31  }
0x3c3: {  	s28 =	sand.u32 $0xFFFF0000, s28;
	s26 =	simm.s32 $0x1;
	s30 =	sor.u32 s29, s25  }
0x3c4: {  	s25 =	sadd.s32 s28, s8;
	s29 =	sshll.u32 s2, $0x7;
	s28 =	sadd.s32 $0x12810, s30;
	[tilespmem:v38+s20+$0x0] =	vst.idx.add.f32.msk $0xffff, v0  }
.LBB2_15:
0x3c5: {  	p0 =	sne.s32 s26, $0xF  }
0x3c6: {  	s2 =	sadd.s32 s29, s25;
	s25 =	smov.u32 s26;
	s26 =	sadd.s32 $0x1, s26  }
0x3c7: {  	[hbm4b:s2+s3] =	stream.linear.scatter [tilespmem:s28], [sflag:$0x2], $0x400, $0x38;
	[tilespmem:$0x19010] =	vst v63  }
.Ltmp6:
0x3c8: {  	(pc) =	sbr.rel @p0 .LBB2_15-.Ltmp6, $4  }
0x3c9: {  	s2 =	sshll.u32 s25, $0xE;
	s28 =	sand.u32 $0x3, s25;
	s25 =	sshll.u32 s25, $0xA  }
0x3ca: {  	s2 =	sand.u32 $0xFFFF0000, s2;
	s29 =	sand.u32 $0x3FFFF000, s25;
	s30 =	sshll.u32 s28, $0xA  }
0x3cb: {  	s28 =	sor.u32 s24, s28;
	s25 =	sadd.s32 s2, s8;
	s2 =	sor.u32 s30, s29  }
0x3cc: {  	s29 =	sshll.u32 s28, $0x7;
	s28 =	sadd.s32 $0x12810, s2  }
0x3cd: {  	s2 =	sadd.s32 s29, s25  }
0x3ce: {  	[hbm4b:s2+s3] =	stream.linear.scatter [tilespmem:s28], [sflag:$0x2], $0x400, $0x38;
	[tilespmem:$0x19010] =	vst v63  }
0x3cf: {  	_ =	swait.ge [sflag:s18], $0x400  }
0x3d0: {  	[sflag:s18] =	ssyncset.done $0x0  }
0x3d1: {  	[sflag:s18] =	ssyncadd.s32 $0xFFFFFC00  }
0x3d2: {  	_ =	swait.ge [sflag:s18], $0x400  }
0x3d3: {  	[sflag:s18] =	ssyncset.done $0x0  }
0x3d4: {  	[sflag:s18] =	ssyncadd.s32 $0xFFFFFC00  }
0x3d5: {  	_ =	swait.ge [sflag:s18], $0x400  }
0x3d6: {  	[sflag:s18] =	ssyncset.done $0x0  }
0x3d7: {  	[sflag:s18] =	ssyncadd.s32 $0xFFFFFC00  }
0x3d8: {  	_ =	swait.ge [sflag:s18], $0x400  }
0x3d9: {  	[sflag:s18] =	ssyncset.done $0x0  }
0x3da: {  	[sflag:s18] =	ssyncadd.s32 $0xFFFFFC00  }
0x3db: {  	_ =	swait.ge [sflag:s18], $0x400  }
0x3dc: {  	[sflag:s18] =	ssyncset.done $0x0  }
0x3dd: {  	[sflag:s18] =	ssyncadd.s32 $0xFFFFFC00  }
0x3de: {  	_ =	swait.ge [sflag:s18], $0x400  }
0x3df: {  	[sflag:s18] =	ssyncset.done $0x0  }
0x3e0: {  	[sflag:s18] =	ssyncadd.s32 $0xFFFFFC00  }
0x3e1: {  	_ =	swait.ge [sflag:s18], $0x400  }
0x3e2: {  	[sflag:s18] =	ssyncset.done $0x0  }
0x3e3: {  	[sflag:s18] =	ssyncadd.s32 $0xFFFFFC00  }
0x3e4: {  	_ =	swait.ge [sflag:s18], $0x400  }
0x3e5: {  	[sflag:s18] =	ssyncset.done $0x0  }
0x3e6: {  	[sflag:s18] =	ssyncadd.s32 $0xFFFFFC00  }
0x3e7: {  	_ =	swait.ge [sflag:s18], $0x400  }
0x3e8: {  	[sflag:s18] =	ssyncset.done $0x0  }
0x3e9: {  	[sflag:s18] =	ssyncadd.s32 $0xFFFFFC00  }
0x3ea: {  	_ =	swait.ge [sflag:s18], $0x400  }
0x3eb: {  	[sflag:s18] =	ssyncset.done $0x0  }
0x3ec: {  	[sflag:s18] =	ssyncadd.s32 $0xFFFFFC00  }
0x3ed: {  	_ =	swait.ge [sflag:s18], $0x400  }
0x3ee: {  	[sflag:s18] =	ssyncset.done $0x0  }
0x3ef: {  	[sflag:s18] =	ssyncadd.s32 $0xFFFFFC00  }
0x3f0: {  	_ =	swait.ge [sflag:s18], $0x400  }
0x3f1: {  	[sflag:s18] =	ssyncset.done $0x0  }
0x3f2: {  	[sflag:s18] =	ssyncadd.s32 $0xFFFFFC00  }
0x3f3: {  	_ =	swait.ge [sflag:s18], $0x400  }
0x3f4: {  	[sflag:s18] =	ssyncset.done $0x0  }
0x3f5: {  	[sflag:s18] =	ssyncadd.s32 $0xFFFFFC00  }
0x3f6: {  	_ =	swait.ge [sflag:s18], $0x400  }
0x3f7: {  	[sflag:s18] =	ssyncset.done $0x0  }
0x3f8: {  	[sflag:s18] =	ssyncadd.s32 $0xFFFFFC00  }
0x3f9: {  	_ =	swait.ge [sflag:s18], $0x400  }
0x3fa: {  	[sflag:s18] =	ssyncset.done $0x0  }
0x3fb: {  	[sflag:s18] =	ssyncadd.s32 $0xFFFFFC00  }
0x3fc: {  	s23 =	sadd.s32 $0x1, s23;
	_ =	swait.ge [sflag:s18], $0x400  }
0x3fd: {  	p0 =	sne.s32 s23, $0x20;
	v35 =	vld [tilespmem:$0x1FE10]  }
.Ltmp7:
0x3fe: {  	v36 =	vld [tilespmem:$0x1FE20];
	(pc) =	sbr.rel @p0 .LBB2_4-.Ltmp7, $4  }
0x3ff: {  	v37 =	vld [tilespmem:$0x1FE30]  }
0x400: {  	v38 =	vld [tilespmem:$0x1FE40]  }
0x401: {  	[sflag:s18] =	ssyncset.done $0x0;
	v2 =	vld [tilespmem:$0x1FFD0]  }
0x402: {  	v3 =	vld [tilespmem:$0x1FFE0];
	[sflag:s18] =	ssyncadd.s32 $0xFFFFFC00  }
0x403: {  	s21 =	sadd.s32 $0x1, s21  }
0x404: {  	p0 =	sne.s32 s21, s9  }
.Ltmp8:
0x405: {  	_ = 	snop;
	(pc) =	sbr.rel @p0 .LBB2_1-.Ltmp8, $1  }
0x406: {  	_ =	sdelay $0x3  }
0x407: {  	_ =	sfence.sel $0x180000  }
0x408: {  	[bflag:$0x0] =	sbarrier.arrive $0xFFFF  }
0x409: {  	_ =	strace $0x90000047  }
0x40a: {  	[bflag:$0x2] =	sbarrier.arrive $0xFFFF  }
0x40b: {  	p0 =	sne.s32 s4, $0x0;
	s0 =	rddreg [dreg:$0x6]  }
0x40c: {  	s0 =	sadd.s32 @!p0 $0x100000, s0  }
0x40d: {  	[sflag:s0] =	ssyncadd.tile.s32 @!p0 $0x1;
	_ =	shalt  }
.Lfunc_end2:
_tile_overlayer_lowered:
.L_overlay_start_2:
0x40e: {  	(tag) =	ssettag $0x2  }
0x40f: {  	s0 =	rddreg [dreg:$0x0];
	s2 =	stileid.u32  }
0x410: {  	s1 =	rddreg [dreg:$0x1];
	p0 =	sne.s32 s2, $0x0  }
0x411: {  	s3 =	rddreg [dreg:$0x2];
	[bflag:$0x3] =	sbarrier.arrive $0xFFFF;
	s2 =	simm.s32 @!p0 $0x1C03  }
0x412: {  	[timem:s3], [sflag:s2] =	dma.local @!p0 [hbm:s0], s1  }
0x413: {  	s0 =	simm.s32 @!p0 $0x3  }
0x414: {  	_ =	swait.ge @!p0 [sflag:s0], s1  }
0x415: {  	s1 =	ssub.s32 @!p0 $0x0, s1;
	[sflag:s0] =	ssyncset.done @!p0 $0x0  }
0x416: {  	[sflag:s0] =	ssyncadd.s32 @!p0 s1  }
0x417: {  	[bflag:$0x3] =	sbarrier.arrive $0xFFFF  }
0x418: {  	_ =	shalt  }

</sc_bundles>
